<compile_context>
chip_gen: v7x
topology: tpu7x:2x2x1
jax: 0.10.2.dev20260603
libtpu: 0.0.44.dev20260713+nightly
codegen_flags: <defaults>
</compile_context>

<pallas_src>
import jax
import jax.numpy as jnp
from jax import lax
from jax.experimental import pallas as pl
from jax.experimental.pallas import tpu as pltpu
from jax.experimental.pallas import tpu_sc as plsc

NC, NS, L = 2, 16, 16
NW = NC * NS
B = 16384
BPW = B // NW
NCHUNK = 4
CHUNK = BPW // NCHUNK
D = 16
RPS = 8
SUP = 128
GPC = CHUNK // L
N = 1000000
NSUP = N // RPS

WCOL = 896
NWIN_FULL = N // WCOL
TAIL = N - NWIN_FULL * WCOL
TPW = (NWIN_FULL + 1 + NW - 1) // NW
NPAIR = (TPW + 2) // 2
GRPS = WCOL // L
OROWS = WCOL // RPS
TAIL_WID = NWIN_FULL % NW


def _tpose_body(ut_hbm, it_hbm, utab_hbm, itab_hbm,
                in0, in1, tail_v, out0, out1,
                si0, si1, so0, so1):
    c = lax.axis_index("c")
    s = lax.axis_index("s")
    wid = s * NC + c

    lanes = lax.iota(jnp.int32, L)
    lanes16 = lanes * D
    colv = [(lanes16 + f) & (SUP - 1) for f in range(D)]
    rowof = [lax.shift_right_logical(lanes16 + f, 7) for f in range(D)]
    ins, outs = (in0, in1), (out0, out1)
    sis, sos = (si0, si1), (so0, so1)

    def shuffle(src_v, dst_v, ngrp):
        def grp(g, carry2):
            for f in range(D):
                val = src_v[f, pl.ds(g * L, L)]
                row = rowof[f] + g * 2
                plsc.store_scatter(dst_v, [row, colv[f]], val)
            return carry2

        lax.fori_loop(0, ngrp, grp, 0)

    for src, dst in ((ut_hbm, utab_hbm), (it_hbm, itab_hbm)):
        for b in range(2):
            pltpu.async_copy(
                src.at[:, pl.ds((wid + NW * b) * WCOL, WCOL)], ins[b], sis[b])

        def pair(tt, carry):
            for b in range(2):
                t = tt * 2 + b
                w_id = wid + NW * t

                @pl.when(w_id < NWIN_FULL)
                def _slot():
                    pltpu.make_async_copy(
                        src.at[:, pl.ds(w_id * WCOL, WCOL)],
                        ins[b], sis[b]).wait()

                    @pl.when(t >= 2)
                    def _wout():
                        pltpu.make_async_copy(
                            outs[b],
                            dst.at[pl.ds((w_id - 2 * NW) * OROWS, OROWS)],
                            sos[b]).wait()

                    shuffle(ins[b], outs[b], GRPS)
                    pltpu.async_copy(
                        outs[b], dst.at[pl.ds(w_id * OROWS, OROWS)], sos[b])

                    w2 = wid + NW * (t + 2)

                    @pl.when(w2 < NWIN_FULL)
                    def _pref():
                        pltpu.async_copy(
                            src.at[:, pl.ds(w2 * WCOL, WCOL)], ins[b], sis[b])

            return carry

        lax.fori_loop(0, NPAIR, pair, 0)

        for b in range(2):
            pltpu.make_async_copy(
                outs[b], dst.at[pl.ds(0, OROWS)], sos[b]).wait()

        @pl.when(wid == TAIL_WID)
        def _tail():
            pltpu.sync_copy(
                src.at[:, pl.ds(NWIN_FULL * WCOL, TAIL)], tail_v)
            shuffle(tail_v, outs[0], TAIL // L)
            pltpu.sync_copy(
                outs[0].at[pl.ds(0, TAIL // RPS)],
                dst.at[pl.ds(NWIN_FULL * OROWS, TAIL // RPS)])


def _gather_body(uidx_hbm, iidx_hbm, utab_hbm, itab_hbm, out_hbm,
                 uidx_v, iidx_v, usid_v, isid_v, usup_v, isup_v, out_v,
                 usem, isem):
    c = lax.axis_index("c")
    s = lax.axis_index("s")
    wid = s * NC + c

    pltpu.sync_copy(uidx_hbm.at[wid], uidx_v)
    pltpu.sync_copy(iidx_hbm.at[wid], iidx_v)

    def sid(t, carry):
        sl = pl.ds(t * L, L)
        usid_v[sl] = lax.shift_right_logical(uidx_v[sl], 3)
        isid_v[sl] = lax.shift_right_logical(iidx_v[sl], 3)
        return carry

    lax.fori_loop(0, BPW // L, sid, 0)

    lanes = lax.iota(jnp.int32, L)

    for k in range(NCHUNK):
        ucp = pltpu.async_copy(
            utab_hbm.at[usid_v.at[pl.ds(k * CHUNK, CHUNK)]], usup_v, usem)
        icp = pltpu.async_copy(
            itab_hbm.at[isid_v.at[pl.ds(k * CHUNK, CHUNK)]], isup_v, isem)
        ucp.wait()
        icp.wait()

        def group(g, carry):
            j0 = k * CHUNK + g * L
            uix = uidx_v[pl.ds(j0, L)]
            iix = iidx_v[pl.ds(j0, L)]
            ucol = (uix & 7) * D
            icol = (iix & 7) * D
            rows = lanes + g * L
            acc = jnp.zeros((L,), jnp.float32)
            for d in range(D):
                uv = plsc.load_gather(usup_v, [rows, ucol + d])
                iv = plsc.load_gather(isup_v, [rows, icol + d])
                acc = acc + uv * iv
            out_v[pl.ds(j0, L)] = 1.0 / (1.0 + jnp.exp(-acc))
            return carry

        lax.fori_loop(0, GPC, group, 0)

    pltpu.sync_copy(out_v, out_hbm.at[wid])


@jax.jit
def kernel(userIdx, itemIdx, uEmbed, iEmbed):
    uidx = userIdx.astype(jnp.int32).reshape(NW, BPW)
    iidx = itemIdx.astype(jnp.int32).reshape(NW, BPW)
    mesh = plsc.VectorSubcoreMesh(
        core_axis_name="c", subcore_axis_name="s",
        num_cores=NC, num_subcores=NS)
    utab, itab = pl.kernel(
        _tpose_body,
        out_type=(
            jax.ShapeDtypeStruct((NSUP, SUP), jnp.float32),
            jax.ShapeDtypeStruct((NSUP, SUP), jnp.float32),
        ),
        mesh=mesh,
        compiler_params=pltpu.CompilerParams(
            needs_layout_passes=False, use_tc_tiling_on_sc=True),
        scratch_types=[
            pltpu.VMEM((D, WCOL), jnp.float32),
            pltpu.VMEM((D, WCOL), jnp.float32),
            pltpu.VMEM((D, TAIL), jnp.float32),
            pltpu.VMEM((OROWS, SUP), jnp.float32),
            pltpu.VMEM((OROWS, SUP), jnp.float32),
            pltpu.SemaphoreType.DMA,
            pltpu.SemaphoreType.DMA,
            pltpu.SemaphoreType.DMA,
            pltpu.SemaphoreType.DMA,
        ],
    )(uEmbed.T, iEmbed.T)
    out = pl.kernel(
        _gather_body,
        out_type=jax.ShapeDtypeStruct((NW, BPW), jnp.float32),
        mesh=mesh,
        compiler_params=pltpu.CompilerParams(
            needs_layout_passes=False, use_tc_tiling_on_sc=True),
        scratch_types=[
            pltpu.VMEM((BPW,), jnp.int32),
            pltpu.VMEM((BPW,), jnp.int32),
            pltpu.VMEM((BPW,), jnp.int32),
            pltpu.VMEM((BPW,), jnp.int32),
            pltpu.VMEM((CHUNK, SUP), jnp.float32),
            pltpu.VMEM((CHUNK, SUP), jnp.float32),
            pltpu.VMEM((BPW,), jnp.float32),
            pltpu.SemaphoreType.DMA,
            pltpu.SemaphoreType.DMA,
        ],
    )(uidx, iidx, utab, itab)
    return out.reshape(-1)

# --- scband reference (transcript-rebuilt; emitter-appended) ---
"""Pipeline reference for scband-ad-fair-88201448391406 (READ-ONLY COPY).

The authoritative reference and input builder live on the scoring server;
editing this copy changes nothing except your own understanding.
"""

import jax, jax.numpy as jnp
import numpy as np

USER_NUM = 1000000
ITEM_NUM = 1000000
DIM = 16
BATCH = 16384

def setup_inputs(seed: int = 0) -> dict:
    key = jax.random.key(seed)
    k1, k2, k3, k4 = jax.random.split(key, 4)
    userIdx = jax.random.randint(k1, (BATCH,), 0, USER_NUM, dtype=jnp.int64) if jax.config.jax_enable_x64 else jax.random.randint(k1, (BATCH,), 0, USER_NUM, dtype=jnp.int32)
    itemIdx = jax.random.randint(k2, (BATCH,), 0, ITEM_NUM, dtype=jnp.int64) if jax.config.jax_enable_x64 else jax.random.randint(k2, (BATCH,), 0, ITEM_NUM, dtype=jnp.int32)
    uEmbed = jax.random.normal(k3, (USER_NUM, DIM), dtype=jnp.float32) * 0.01
    iEmbed = jax.random.normal(k4, (ITEM_NUM, DIM), dtype=jnp.float32) * 0.01
    return {"userIdx": userIdx, "itemIdx": itemIdx, "uEmbed": uEmbed, "iEmbed": iEmbed}

def reference(userIdx, itemIdx, uEmbed, iEmbed):
    # task == 'ctr' path of AdFair.forward:
    # uembed = self.uEmbed(userIdx); iembed = self.iEmbed(itemIdx)
    # res = sigmoid(sum(uembed * iembed, dim=1)); return res.flatten()
    uembed = jnp.take(uEmbed, userIdx, axis=0)
    iembed = jnp.take(iEmbed, itemIdx, axis=0)
    res = jax.nn.sigmoid(jnp.sum(uembed * iembed, axis=1))
    return res.reshape(-1)

if __name__ == "__main__":
    import jax
    _d = setup_inputs()
    print(jax.jit(kernel)(*tuple(_d.values())))

</pallas_src>

<mosaic_0001>
#map = affine_map<(d0, d1) -> (0, 0)>
module attributes {stable_mosaic.version = 14 : i64} {
  func.func @_tpose_body(%arg0: i32, %arg1: i32, %arg2: memref<16x1000000xf32, #tpu.memory_space<hbm>>, %arg3: memref<16x1000000xf32, #tpu.memory_space<hbm>>, %arg4: memref<125000x128xf32, #tpu.memory_space<hbm>>, %arg5: memref<125000x128xf32, #tpu.memory_space<hbm>>, %arg6: memref<16x896xf32, #tpu.memory_space<vmem>>, %arg7: memref<16x896xf32, #tpu.memory_space<vmem>>, %arg8: memref<16x64xf32, #tpu.memory_space<vmem>>, %arg9: memref<112x128xf32, #tpu.memory_space<vmem>>, %arg10: memref<112x128xf32, #tpu.memory_space<vmem>>, %arg11: memref<!tpu.dma_semaphore, #tpu.memory_space<semaphore_mem>>, %arg12: memref<!tpu.dma_semaphore, #tpu.memory_space<semaphore_mem>>, %arg13: memref<!tpu.dma_semaphore, #tpu.memory_space<semaphore_mem>>, %arg14: memref<!tpu.dma_semaphore, #tpu.memory_space<semaphore_mem>>) attributes {dimension_semantics = [#tpu.dimension_semantics<core_parallel>, #tpu.dimension_semantics<subcore_parallel>], iteration_bounds = array<i64: 2, 16>, scalar_prefetch = 0 : i64, scratch_operands = 9 : i64, tpu.core_type = #tpu.core_type<sc_vector_subcore>, window_params = [{transform_indices = #map}, {transform_indices = #map}, {transform_indices = #map}, {transform_indices = #map}]} {
    %mul3A = arith.constant 2 : i32
    %mul3A_0 = arith.muli %arg1, %mul3A : i32
    %add3A = arith.addi %mul3A_0, %arg0 : i32
    %iota3A = tpu.iota {dimensions = array<i32: 0>} : vector<16xi32>
    %mul3A_1 = arith.constant 16 : i32
    %mul3A_2 = vector.broadcast %mul3A_1 : i32 to vector<16xi32>
    %mul3A_3 = arith.muli %iota3A, %mul3A_2 : vector<16xi32>
    %add3A_4 = arith.constant 0 : i32
    %add3A_5 = vector.broadcast %add3A_4 : i32 to vector<16xi32>
    %add3A_6 = arith.addi %mul3A_3, %add3A_5 : vector<16xi32>
    %and3A = arith.constant 127 : i32
    %and3A_7 = vector.broadcast %and3A : i32 to vector<16xi32>
    %and3A_8 = arith.andi %add3A_6, %and3A_7 : vector<16xi32>
    %add3A_9 = arith.constant 1 : i32
    %add3A_10 = vector.broadcast %add3A_9 : i32 to vector<16xi32>
    %add3A_11 = arith.addi %mul3A_3, %add3A_10 : vector<16xi32>
    %and3A_12 = arith.constant 127 : i32
    %and3A_13 = vector.broadcast %and3A_12 : i32 to vector<16xi32>
    %and3A_14 = arith.andi %add3A_11, %and3A_13 : vector<16xi32>
    %add3A_15 = arith.constant 2 : i32
    %add3A_16 = vector.broadcast %add3A_15 : i32 to vector<16xi32>
    %add3A_17 = arith.addi %mul3A_3, %add3A_16 : vector<16xi32>
    %and3A_18 = arith.constant 127 : i32
    %and3A_19 = vector.broadcast %and3A_18 : i32 to vector<16xi32>
    %and3A_20 = arith.andi %add3A_17, %and3A_19 : vector<16xi32>
    %add3A_21 = arith.constant 3 : i32
    %add3A_22 = vector.broadcast %add3A_21 : i32 to vector<16xi32>
    %add3A_23 = arith.addi %mul3A_3, %add3A_22 : vector<16xi32>
    %and3A_24 = arith.constant 127 : i32
    %and3A_25 = vector.broadcast %and3A_24 : i32 to vector<16xi32>
    %and3A_26 = arith.andi %add3A_23, %and3A_25 : vector<16xi32>
    %add3A_27 = arith.constant 4 : i32
    %add3A_28 = vector.broadcast %add3A_27 : i32 to vector<16xi32>
    %add3A_29 = arith.addi %mul3A_3, %add3A_28 : vector<16xi32>
    %and3A_30 = arith.constant 127 : i32
    %and3A_31 = vector.broadcast %and3A_30 : i32 to vector<16xi32>
    %and3A_32 = arith.andi %add3A_29, %and3A_31 : vector<16xi32>
    %add3A_33 = arith.constant 5 : i32
    %add3A_34 = vector.broadcast %add3A_33 : i32 to vector<16xi32>
    %add3A_35 = arith.addi %mul3A_3, %add3A_34 : vector<16xi32>
    %and3A_36 = arith.constant 127 : i32
    %and3A_37 = vector.broadcast %and3A_36 : i32 to vector<16xi32>
    %and3A_38 = arith.andi %add3A_35, %and3A_37 : vector<16xi32>
    %add3A_39 = arith.constant 6 : i32
    %add3A_40 = vector.broadcast %add3A_39 : i32 to vector<16xi32>
    %add3A_41 = arith.addi %mul3A_3, %add3A_40 : vector<16xi32>
    %and3A_42 = arith.constant 127 : i32
    %and3A_43 = vector.broadcast %and3A_42 : i32 to vector<16xi32>
    %and3A_44 = arith.andi %add3A_41, %and3A_43 : vector<16xi32>
    %add3A_45 = arith.constant 7 : i32
    %add3A_46 = vector.broadcast %add3A_45 : i32 to vector<16xi32>
    %add3A_47 = arith.addi %mul3A_3, %add3A_46 : vector<16xi32>
    %and3A_48 = arith.constant 127 : i32
    %and3A_49 = vector.broadcast %and3A_48 : i32 to vector<16xi32>
    %and3A_50 = arith.andi %add3A_47, %and3A_49 : vector<16xi32>
    %add3A_51 = arith.constant 8 : i32
    %add3A_52 = vector.broadcast %add3A_51 : i32 to vector<16xi32>
    %add3A_53 = arith.addi %mul3A_3, %add3A_52 : vector<16xi32>
    %and3A_54 = arith.constant 127 : i32
    %and3A_55 = vector.broadcast %and3A_54 : i32 to vector<16xi32>
    %and3A_56 = arith.andi %add3A_53, %and3A_55 : vector<16xi32>
    %add3A_57 = arith.constant 9 : i32
    %add3A_58 = vector.broadcast %add3A_57 : i32 to vector<16xi32>
    %add3A_59 = arith.addi %mul3A_3, %add3A_58 : vector<16xi32>
    %and3A_60 = arith.constant 127 : i32
    %and3A_61 = vector.broadcast %and3A_60 : i32 to vector<16xi32>
    %and3A_62 = arith.andi %add3A_59, %and3A_61 : vector<16xi32>
    %add3A_63 = arith.constant 10 : i32
    %add3A_64 = vector.broadcast %add3A_63 : i32 to vector<16xi32>
    %add3A_65 = arith.addi %mul3A_3, %add3A_64 : vector<16xi32>
    %and3A_66 = arith.constant 127 : i32
    %and3A_67 = vector.broadcast %and3A_66 : i32 to vector<16xi32>
    %and3A_68 = arith.andi %add3A_65, %and3A_67 : vector<16xi32>
    %add3A_69 = arith.constant 11 : i32
    %add3A_70 = vector.broadcast %add3A_69 : i32 to vector<16xi32>
    %add3A_71 = arith.addi %mul3A_3, %add3A_70 : vector<16xi32>
    %and3A_72 = arith.constant 127 : i32
    %and3A_73 = vector.broadcast %and3A_72 : i32 to vector<16xi32>
    %and3A_74 = arith.andi %add3A_71, %and3A_73 : vector<16xi32>
    %add3A_75 = arith.constant 12 : i32
    %add3A_76 = vector.broadcast %add3A_75 : i32 to vector<16xi32>
    %add3A_77 = arith.addi %mul3A_3, %add3A_76 : vector<16xi32>
    %and3A_78 = arith.constant 127 : i32
    %and3A_79 = vector.broadcast %and3A_78 : i32 to vector<16xi32>
    %and3A_80 = arith.andi %add3A_77, %and3A_79 : vector<16xi32>
    %add3A_81 = arith.constant 13 : i32
    %add3A_82 = vector.broadcast %add3A_81 : i32 to vector<16xi32>
    %add3A_83 = arith.addi %mul3A_3, %add3A_82 : vector<16xi32>
    %and3A_84 = arith.constant 127 : i32
    %and3A_85 = vector.broadcast %and3A_84 : i32 to vector<16xi32>
    %and3A_86 = arith.andi %add3A_83, %and3A_85 : vector<16xi32>
    %add3A_87 = arith.constant 14 : i32
    %add3A_88 = vector.broadcast %add3A_87 : i32 to vector<16xi32>
    %add3A_89 = arith.addi %mul3A_3, %add3A_88 : vector<16xi32>
    %and3A_90 = arith.constant 127 : i32
    %and3A_91 = vector.broadcast %and3A_90 : i32 to vector<16xi32>
    %and3A_92 = arith.andi %add3A_89, %and3A_91 : vector<16xi32>
    %add3A_93 = arith.constant 15 : i32
    %add3A_94 = vector.broadcast %add3A_93 : i32 to vector<16xi32>
    %add3A_95 = arith.addi %mul3A_3, %add3A_94 : vector<16xi32>
    %and3A_96 = arith.constant 127 : i32
    %and3A_97 = vector.broadcast %and3A_96 : i32 to vector<16xi32>
    %and3A_98 = arith.andi %add3A_95, %and3A_97 : vector<16xi32>
    %add3A_99 = arith.constant 0 : i32
    %add3A_100 = vector.broadcast %add3A_99 : i32 to vector<16xi32>
    %add3A_101 = arith.addi %mul3A_3, %add3A_100 : vector<16xi32>
    %shift_right_logical3A = arith.constant 7 : i32
    %shift_right_logical3A_102 = vector.broadcast %shift_right_logical3A : i32 to vector<16xi32>
    %shift_right_logical3A_103 = arith.shrui %add3A_101, %shift_right_logical3A_102 : vector<16xi32>
    %add3A_104 = arith.constant 1 : i32
    %add3A_105 = vector.broadcast %add3A_104 : i32 to vector<16xi32>
    %add3A_106 = arith.addi %mul3A_3, %add3A_105 : vector<16xi32>
    %shift_right_logical3A_107 = arith.constant 7 : i32
    %shift_right_logical3A_108 = vector.broadcast %shift_right_logical3A_107 : i32 to vector<16xi32>
    %shift_right_logical3A_109 = arith.shrui %add3A_106, %shift_right_logical3A_108 : vector<16xi32>
    %add3A_110 = arith.constant 2 : i32
    %add3A_111 = vector.broadcast %add3A_110 : i32 to vector<16xi32>
    %add3A_112 = arith.addi %mul3A_3, %add3A_111 : vector<16xi32>
    %shift_right_logical3A_113 = arith.constant 7 : i32
    %shift_right_logical3A_114 = vector.broadcast %shift_right_logical3A_113 : i32 to vector<16xi32>
    %shift_right_logical3A_115 = arith.shrui %add3A_112, %shift_right_logical3A_114 : vector<16xi32>
    %add3A_116 = arith.constant 3 : i32
    %add3A_117 = vector.broadcast %add3A_116 : i32 to vector<16xi32>
    %add3A_118 = arith.addi %mul3A_3, %add3A_117 : vector<16xi32>
    %shift_right_logical3A_119 = arith.constant 7 : i32
    %shift_right_logical3A_120 = vector.broadcast %shift_right_logical3A_119 : i32 to vector<16xi32>
    %shift_right_logical3A_121 = arith.shrui %add3A_118, %shift_right_logical3A_120 : vector<16xi32>
    %add3A_122 = arith.constant 4 : i32
    %add3A_123 = vector.broadcast %add3A_122 : i32 to vector<16xi32>
    %add3A_124 = arith.addi %mul3A_3, %add3A_123 : vector<16xi32>
    %shift_right_logical3A_125 = arith.constant 7 : i32
    %shift_right_logical3A_126 = vector.broadcast %shift_right_logical3A_125 : i32 to vector<16xi32>
    %shift_right_logical3A_127 = arith.shrui %add3A_124, %shift_right_logical3A_126 : vector<16xi32>
    %add3A_128 = arith.constant 5 : i32
    %add3A_129 = vector.broadcast %add3A_128 : i32 to vector<16xi32>
    %add3A_130 = arith.addi %mul3A_3, %add3A_129 : vector<16xi32>
    %shift_right_logical3A_131 = arith.constant 7 : i32
    %shift_right_logical3A_132 = vector.broadcast %shift_right_logical3A_131 : i32 to vector<16xi32>
    %shift_right_logical3A_133 = arith.shrui %add3A_130, %shift_right_logical3A_132 : vector<16xi32>
    %add3A_134 = arith.constant 6 : i32
    %add3A_135 = vector.broadcast %add3A_134 : i32 to vector<16xi32>
    %add3A_136 = arith.addi %mul3A_3, %add3A_135 : vector<16xi32>
    %shift_right_logical3A_137 = arith.constant 7 : i32
    %shift_right_logical3A_138 = vector.broadcast %shift_right_logical3A_137 : i32 to vector<16xi32>
    %shift_right_logical3A_139 = arith.shrui %add3A_136, %shift_right_logical3A_138 : vector<16xi32>
    %add3A_140 = arith.constant 7 : i32
    %add3A_141 = vector.broadcast %add3A_140 : i32 to vector<16xi32>
    %add3A_142 = arith.addi %mul3A_3, %add3A_141 : vector<16xi32>
    %shift_right_logical3A_143 = arith.constant 7 : i32
    %shift_right_logical3A_144 = vector.broadcast %shift_right_logical3A_143 : i32 to vector<16xi32>
    %shift_right_logical3A_145 = arith.shrui %add3A_142, %shift_right_logical3A_144 : vector<16xi32>
    %add3A_146 = arith.constant 8 : i32
    %add3A_147 = vector.broadcast %add3A_146 : i32 to vector<16xi32>
    %add3A_148 = arith.addi %mul3A_3, %add3A_147 : vector<16xi32>
    %shift_right_logical3A_149 = arith.constant 7 : i32
    %shift_right_logical3A_150 = vector.broadcast %shift_right_logical3A_149 : i32 to vector<16xi32>
    %shift_right_logical3A_151 = arith.shrui %add3A_148, %shift_right_logical3A_150 : vector<16xi32>
    %add3A_152 = arith.constant 9 : i32
    %add3A_153 = vector.broadcast %add3A_152 : i32 to vector<16xi32>
    %add3A_154 = arith.addi %mul3A_3, %add3A_153 : vector<16xi32>
    %shift_right_logical3A_155 = arith.constant 7 : i32
    %shift_right_logical3A_156 = vector.broadcast %shift_right_logical3A_155 : i32 to vector<16xi32>
    %shift_right_logical3A_157 = arith.shrui %add3A_154, %shift_right_logical3A_156 : vector<16xi32>
    %add3A_158 = arith.constant 10 : i32
    %add3A_159 = vector.broadcast %add3A_158 : i32 to vector<16xi32>
    %add3A_160 = arith.addi %mul3A_3, %add3A_159 : vector<16xi32>
    %shift_right_logical3A_161 = arith.constant 7 : i32
    %shift_right_logical3A_162 = vector.broadcast %shift_right_logical3A_161 : i32 to vector<16xi32>
    %shift_right_logical3A_163 = arith.shrui %add3A_160, %shift_right_logical3A_162 : vector<16xi32>
    %add3A_164 = arith.constant 11 : i32
    %add3A_165 = vector.broadcast %add3A_164 : i32 to vector<16xi32>
    %add3A_166 = arith.addi %mul3A_3, %add3A_165 : vector<16xi32>
    %shift_right_logical3A_167 = arith.constant 7 : i32
    %shift_right_logical3A_168 = vector.broadcast %shift_right_logical3A_167 : i32 to vector<16xi32>
    %shift_right_logical3A_169 = arith.shrui %add3A_166, %shift_right_logical3A_168 : vector<16xi32>
    %add3A_170 = arith.constant 12 : i32
    %add3A_171 = vector.broadcast %add3A_170 : i32 to vector<16xi32>
    %add3A_172 = arith.addi %mul3A_3, %add3A_171 : vector<16xi32>
    %shift_right_logical3A_173 = arith.constant 7 : i32
    %shift_right_logical3A_174 = vector.broadcast %shift_right_logical3A_173 : i32 to vector<16xi32>
    %shift_right_logical3A_175 = arith.shrui %add3A_172, %shift_right_logical3A_174 : vector<16xi32>
    %add3A_176 = arith.constant 13 : i32
    %add3A_177 = vector.broadcast %add3A_176 : i32 to vector<16xi32>
    %add3A_178 = arith.addi %mul3A_3, %add3A_177 : vector<16xi32>
    %shift_right_logical3A_179 = arith.constant 7 : i32
    %shift_right_logical3A_180 = vector.broadcast %shift_right_logical3A_179 : i32 to vector<16xi32>
    %shift_right_logical3A_181 = arith.shrui %add3A_178, %shift_right_logical3A_180 : vector<16xi32>
    %add3A_182 = arith.constant 14 : i32
    %add3A_183 = vector.broadcast %add3A_182 : i32 to vector<16xi32>
    %add3A_184 = arith.addi %mul3A_3, %add3A_183 : vector<16xi32>
    %shift_right_logical3A_185 = arith.constant 7 : i32
    %shift_right_logical3A_186 = vector.broadcast %shift_right_logical3A_185 : i32 to vector<16xi32>
    %shift_right_logical3A_187 = arith.shrui %add3A_184, %shift_right_logical3A_186 : vector<16xi32>
    %add3A_188 = arith.constant 15 : i32
    %add3A_189 = vector.broadcast %add3A_188 : i32 to vector<16xi32>
    %add3A_190 = arith.addi %mul3A_3, %add3A_189 : vector<16xi32>
    %shift_right_logical3A_191 = arith.constant 7 : i32
    %shift_right_logical3A_192 = vector.broadcast %shift_right_logical3A_191 : i32 to vector<16xi32>
    %shift_right_logical3A_193 = arith.shrui %add3A_190, %shift_right_logical3A_192 : vector<16xi32>
    %add3A_194 = arith.constant 0 : i32
    %add3A_195 = arith.addi %add3A, %add3A_194 : i32
    %mul3A_196 = arith.constant 896 : i32
    %mul3A_197 = arith.muli %add3A_195, %mul3A_196 : i32
    %dma_start3A = arith.constant 0 : i32
    %dma_start3A_198 = tpu.memref_slice %arg2[%dma_start3A, %mul3A_197] : memref<16x1000000xf32, #tpu.memory_space<hbm>> -> memref<16x896xf32, #tpu.memory_space<hbm>>
    %dma_start3A_199 = arith.constant 0 : i32
    %dma_start3A_200 = tpu.memref_slice %arg2[%dma_start3A_199, %mul3A_197] : memref<16x1000000xf32, #tpu.memory_space<hbm>> -> memref<16x896xf32, #tpu.memory_space<hbm>>
    tpu.enqueue_dma source(%dma_start3A_200 : memref<16x896xf32, #tpu.memory_space<hbm>>) target(%arg6 : memref<16x896xf32, #tpu.memory_space<vmem>>) target_semaphore(%arg11 : memref<!tpu.dma_semaphore, #tpu.memory_space<semaphore_mem>>)
    %add3A_201 = arith.constant 32 : i32
    %add3A_202 = arith.addi %add3A, %add3A_201 : i32
    %mul3A_203 = arith.constant 896 : i32
    %mul3A_204 = arith.muli %add3A_202, %mul3A_203 : i32
    %dma_start3A_205 = arith.constant 0 : i32
    %dma_start3A_206 = tpu.memref_slice %arg2[%dma_start3A_205, %mul3A_204] : memref<16x1000000xf32, #tpu.memory_space<hbm>> -> memref<16x896xf32, #tpu.memory_space<hbm>>
    %dma_start3A_207 = arith.constant 0 : i32
    %dma_start3A_208 = tpu.memref_slice %arg2[%dma_start3A_207, %mul3A_204] : memref<16x1000000xf32, #tpu.memory_space<hbm>> -> memref<16x896xf32, #tpu.memory_space<hbm>>
    tpu.enqueue_dma source(%dma_start3A_208 : memref<16x896xf32, #tpu.memory_space<hbm>>) target(%arg7 : memref<16x896xf32, #tpu.memory_space<vmem>>) target_semaphore(%arg12 : memref<!tpu.dma_semaphore, #tpu.memory_space<semaphore_mem>>)
    %scan3A = arith.constant 0 : i32
    %scan3A_209 = arith.constant 0 : i32
    %scan3A_210 = arith.constant 18 : i32
    %scan3A_211 = arith.addi %scan3A_209, %scan3A_210 : i32
    %scan3A_212 = arith.constant 1 : i32
    scf.for %scan3A_266 = %scan3A_209 to %scan3A_211 step %scan3A_212  : i32 {
      %mul3A_267 = arith.constant 2 : i32
      %mul3A_268 = arith.muli %scan3A_266, %mul3A_267 : i32
      %add3A_269 = arith.constant 0 : i32
      %add3A_270 = arith.addi %mul3A_268, %add3A_269 : i32
      %mul3A_271 = arith.constant 32 : i32
      %mul3A_272 = arith.muli %mul3A_271, %add3A_270 : i32
      %add3A_273 = arith.addi %add3A, %mul3A_272 : i32
      %lt3A = arith.constant 1116 : i32
      %lt3A_274 = arith.cmpi slt, %add3A_273, %lt3A : i32
      %convert_element_type3A_275 = arith.extui %lt3A_274 : i1 to i32
      %cond3A_276 = arith.constant 0 : i32
      %cond3A_277 = arith.cmpi ne, %convert_element_type3A_275, %cond3A_276 : i32
      scf.if %cond3A_277 {
        %mul3A_290 = arith.constant 896 : i32
        %mul3A_291 = arith.muli %add3A_273, %mul3A_290 : i32
        %dma_wait3A_292 = arith.constant 0 : i32
        %dma_wait3A_293 = tpu.memref_slice %arg2[%dma_wait3A_292, %mul3A_291] : memref<16x1000000xf32, #tpu.memory_space<hbm>> -> memref<16x896xf32, #tpu.memory_space<hbm>>
        %dma_wait3A_294 = arith.constant 0 : i32
        %dma_wait3A_295 = tpu.memref_slice %arg2[%dma_wait3A_294, %mul3A_291] : memref<16x1000000xf32, #tpu.memory_space<hbm>> -> memref<16x896xf32, #tpu.memory_space<hbm>>
        tpu.wait_dma2 semaphore(%arg11 : memref<!tpu.dma_semaphore, #tpu.memory_space<semaphore_mem>>) src(%dma_wait3A_295 : memref<16x896xf32, #tpu.memory_space<hbm>>) dst(%arg6 : memref<16x896xf32, #tpu.memory_space<vmem>>)
        %ge3A = arith.constant 2 : i32
        %ge3A_296 = arith.cmpi sge, %add3A_270, %ge3A : i32
        %convert_element_type3A_297 = arith.extui %ge3A_296 : i1 to i32
        %cond3A_298 = arith.constant 0 : i32
        %cond3A_299 = arith.cmpi ne, %convert_element_type3A_297, %cond3A_298 : i32
        scf.if %cond3A_299 {
          %sub3A = arith.constant 64 : i32
          %sub3A_322 = arith.subi %add3A_273, %sub3A : i32
          %mul3A_323 = arith.constant 112 : i32
          %mul3A_324 = arith.muli %sub3A_322, %mul3A_323 : i32
          %dma_wait3A_325 = arith.constant 0 : i32
          %dma_wait3A_326 = tpu.memref_slice %arg4[%mul3A_324, %dma_wait3A_325] : memref<125000x128xf32, #tpu.memory_space<hbm>> -> memref<112x128xf32, #tpu.memory_space<hbm>>
          %dma_wait3A_327 = arith.constant 0 : i32
          %dma_wait3A_328 = tpu.memref_slice %arg4[%mul3A_324, %dma_wait3A_327] : memref<125000x128xf32, #tpu.memory_space<hbm>> -> memref<112x128xf32, #tpu.memory_space<hbm>>
          tpu.wait_dma2 semaphore(%arg13 : memref<!tpu.dma_semaphore, #tpu.memory_space<semaphore_mem>>) src(%arg9 : memref<112x128xf32, #tpu.memory_space<vmem>>) dst(%dma_wait3A_328 : memref<112x128xf32, #tpu.memory_space<hbm>>)
        } else {
        }
        %scan3A_300 = arith.constant 0 : i32
        %scan3A_301 = arith.constant 0 : i32
        %scan3A_302 = arith.constant 56 : i32
        %scan3A_303 = arith.addi %scan3A_301, %scan3A_302 : i32
        %scan3A_304 = arith.constant 1 : i32
        scf.for %scan3A_322 = %scan3A_301 to %scan3A_303 step %scan3A_304  : i32 {
          %mul3A_323 = arith.constant 16 : i32
          %mul3A_324 = arith.muli %scan3A_322, %mul3A_323 : i32
          %get3A = arith.constant 0 : i32
          %get3A_325 = arith.index_cast %get3A : i32 to index
          %get3A_326 = arith.index_cast %mul3A_324 : i32 to index
          %get3A_327 = tpu.vector_load %arg6[%get3A_325, %get3A_326] {strides = array<i32>} : memref<16x896xf32, #tpu.memory_space<vmem>>, vector<16xf32>,
          %mul3A_328 = arith.constant 2 : i32
          %mul3A_329 = arith.muli %scan3A_322, %mul3A_328 : i32
          %add3A_330 = vector.broadcast %mul3A_329 : i32 to vector<16xi32>
          %add3A_331 = arith.addi %shift_right_logical3A_103, %add3A_330 : vector<16xi32>
          tpu.vector_store_idx %arg9[%add3A_331, %and3A_8], %get3A_327 : memref<112x128xf32, #tpu.memory_space<vmem>>[vector<16xi32>, vector<16xi32>], vector<16xf32>,
          %mul3A_332 = arith.constant 16 : i32
          %mul3A_333 = arith.muli %scan3A_322, %mul3A_332 : i32
          %get3A_334 = arith.constant 1 : i32
          %get3A_335 = arith.index_cast %get3A_334 : i32 to index
          %get3A_336 = arith.index_cast %mul3A_333 : i32 to index
          %get3A_337 = tpu.vector_load %arg6[%get3A_335, %get3A_336] {strides = array<i32>} : memref<16x896xf32, #tpu.memory_space<vmem>>, vector<16xf32>,
          %mul3A_338 = arith.constant 2 : i32
          %mul3A_339 = arith.muli %scan3A_322, %mul3A_338 : i32
          %add3A_340 = vector.broadcast %mul3A_339 : i32 to vector<16xi32>
          %add3A_341 = arith.addi %shift_right_logical3A_109, %add3A_340 : vector<16xi32>
          tpu.vector_store_idx %arg9[%add3A_341, %and3A_14], %get3A_337 : memref<112x128xf32, #tpu.memory_space<vmem>>[vector<16xi32>, vector<16xi32>], vector<16xf32>,
          %mul3A_342 = arith.constant 16 : i32
          %mul3A_343 = arith.muli %scan3A_322, %mul3A_342 : i32
          %get3A_344 = arith.constant 2 : i32
          %get3A_345 = arith.index_cast %get3A_344 : i32 to index
          %get3A_346 = arith.index_cast %mul3A_343 : i32 to index
          %get3A_347 = tpu.vector_load %arg6[%get3A_345, %get3A_346] {strides = array<i32>} : memref<16x896xf32, #tpu.memory_space<vmem>>, vector<16xf32>,
          %mul3A_348 = arith.constant 2 : i32
          %mul3A_349 = arith.muli %scan3A_322, %mul3A_348 : i32
          %add3A_350 = vector.broadcast %mul3A_349 : i32 to vector<16xi32>
          %add3A_351 = arith.addi %shift_right_logical3A_115, %add3A_350 : vector<16xi32>
          tpu.vector_store_idx %arg9[%add3A_351, %and3A_20], %get3A_347 : memref<112x128xf32, #tpu.memory_space<vmem>>[vector<16xi32>, vector<16xi32>], vector<16xf32>,
          %mul3A_352 = arith.constant 16 : i32
          %mul3A_353 = arith.muli %scan3A_322, %mul3A_352 : i32
          %get3A_354 = arith.constant 3 : i32
          %get3A_355 = arith.index_cast %get3A_354 : i32 to index
          %get3A_356 = arith.index_cast %mul3A_353 : i32 to index
          %get3A_357 = tpu.vector_load %arg6[%get3A_355, %get3A_356] {strides = array<i32>} : memref<16x896xf32, #tpu.memory_space<vmem>>, vector<16xf32>,
          %mul3A_358 = arith.constant 2 : i32
          %mul3A_359 = arith.muli %scan3A_322, %mul3A_358 : i32
          %add3A_360 = vector.broadcast %mul3A_359 : i32 to vector<16xi32>
          %add3A_361 = arith.addi %shift_right_logical3A_121, %add3A_360 : vector<16xi32>
          tpu.vector_store_idx %arg9[%add3A_361, %and3A_26], %get3A_357 : memref<112x128xf32, #tpu.memory_space<vmem>>[vector<16xi32>, vector<16xi32>], vector<16xf32>,
          %mul3A_362 = arith.constant 16 : i32
          %mul3A_363 = arith.muli %scan3A_322, %mul3A_362 : i32
          %get3A_364 = arith.constant 4 : i32
          %get3A_365 = arith.index_cast %get3A_364 : i32 to index
          %get3A_366 = arith.index_cast %mul3A_363 : i32 to index
          %get3A_367 = tpu.vector_load %arg6[%get3A_365, %get3A_366] {strides = array<i32>} : memref<16x896xf32, #tpu.memory_space<vmem>>, vector<16xf32>,
          %mul3A_368 = arith.constant 2 : i32
          %mul3A_369 = arith.muli %scan3A_322, %mul3A_368 : i32
          %add3A_370 = vector.broadcast %mul3A_369 : i32 to vector<16xi32>
          %add3A_371 = arith.addi %shift_right_logical3A_127, %add3A_370 : vector<16xi32>
          tpu.vector_store_idx %arg9[%add3A_371, %and3A_32], %get3A_367 : memref<112x128xf32, #tpu.memory_space<vmem>>[vector<16xi32>, vector<16xi32>], vector<16xf32>,
          %mul3A_372 = arith.constant 16 : i32
          %mul3A_373 = arith.muli %scan3A_322, %mul3A_372 : i32
          %get3A_374 = arith.constant 5 : i32
          %get3A_375 = arith.index_cast %get3A_374 : i32 to index
          %get3A_376 = arith.index_cast %mul3A_373 : i32 to index
          %get3A_377 = tpu.vector_load %arg6[%get3A_375, %get3A_376] {strides = array<i32>} : memref<16x896xf32, #tpu.memory_space<vmem>>, vector<16xf32>,
          %mul3A_378 = arith.constant 2 : i32
          %mul3A_379 = arith.muli %scan3A_322, %mul3A_378 : i32
          %add3A_380 = vector.broadcast %mul3A_379 : i32 to vector<16xi32>
          %add3A_381 = arith.addi %shift_right_logical3A_133, %add3A_380 : vector<16xi32>
          tpu.vector_store_idx %arg9[%add3A_381, %and3A_38], %get3A_377 : memref<112x128xf32, #tpu.memory_space<vmem>>[vector<16xi32>, vector<16xi32>], vector<16xf32>,
          %mul3A_382 = arith.constant 16 : i32
          %mul3A_383 = arith.muli %scan3A_322, %mul3A_382 : i32
          %get3A_384 = arith.constant 6 : i32
          %get3A_385 = arith.index_cast %get3A_384 : i32 to index
          %get3A_386 = arith.index_cast %mul3A_383 : i32 to index
          %get3A_387 = tpu.vector_load %arg6[%get3A_385, %get3A_386] {strides = array<i32>} : memref<16x896xf32, #tpu.memory_space<vmem>>, vector<16xf32>,
          %mul3A_388 = arith.constant 2 : i32
          %mul3A_389 = arith.muli %scan3A_322, %mul3A_388 : i32
          %add3A_390 = vector.broadcast %mul3A_389 : i32 to vector<16xi32>
          %add3A_391 = arith.addi %shift_right_logical3A_139, %add3A_390 : vector<16xi32>
          tpu.vector_store_idx %arg9[%add3A_391, %and3A_44], %get3A_387 : memref<112x128xf32, #tpu.memory_space<vmem>>[vector<16xi32>, vector<16xi32>], vector<16xf32>,
          %mul3A_392 = arith.constant 16 : i32
          %mul3A_393 = arith.muli %scan3A_322, %mul3A_392 : i32
          %get3A_394 = arith.constant 7 : i32
          %get3A_395 = arith.index_cast %get3A_394 : i32 to index
          %get3A_396 = arith.index_cast %mul3A_393 : i32 to index
          %get3A_397 = tpu.vector_load %arg6[%get3A_395, %get3A_396] {strides = array<i32>} : memref<16x896xf32, #tpu.memory_space<vmem>>, vector<16xf32>,
          %mul3A_398 = arith.constant 2 : i32
          %mul3A_399 = arith.muli %scan3A_322, %mul3A_398 : i32
          %add3A_400 = vector.broadcast %mul3A_399 : i32 to vector<16xi32>
          %add3A_401 = arith.addi %shift_right_logical3A_145, %add3A_400 : vector<16xi32>
          tpu.vector_store_idx %arg9[%add3A_401, %and3A_50], %get3A_397 : memref<112x128xf32, #tpu.memory_space<vmem>>[vector<16xi32>, vector<16xi32>], vector<16xf32>,
          %mul3A_402 = arith.constant 16 : i32
          %mul3A_403 = arith.muli %scan3A_322, %mul3A_402 : i32
          %get3A_404 = arith.constant 8 : i32
          %get3A_405 = arith.index_cast %get3A_404 : i32 to index
          %get3A_406 = arith.index_cast %mul3A_403 : i32 to index
          %get3A_407 = tpu.vector_load %arg6[%get3A_405, %get3A_406] {strides = array<i32>} : memref<16x896xf32, #tpu.memory_space<vmem>>, vector<16xf32>,
          %mul3A_408 = arith.constant 2 : i32
          %mul3A_409 = arith.muli %scan3A_322, %mul3A_408 : i32
          %add3A_410 = vector.broadcast %mul3A_409 : i32 to vector<16xi32>
          %add3A_411 = arith.addi %shift_right_logical3A_151, %add3A_410 : vector<16xi32>
          tpu.vector_store_idx %arg9[%add3A_411, %and3A_56], %get3A_407 : memref<112x128xf32, #tpu.memory_space<vmem>>[vector<16xi32>, vector<16xi32>], vector<16xf32>,
          %mul3A_412 = arith.constant 16 : i32
          %mul3A_413 = arith.muli %scan3A_322, %mul3A_412 : i32
          %get3A_414 = arith.constant 9 : i32
          %get3A_415 = arith.index_cast %get3A_414 : i32 to index
          %get3A_416 = arith.index_cast %mul3A_413 : i32 to index
          %get3A_417 = tpu.vector_load %arg6[%get3A_415, %get3A_416] {strides = array<i32>} : memref<16x896xf32, #tpu.memory_space<vmem>>, vector<16xf32>,
          %mul3A_418 = arith.constant 2 : i32
          %mul3A_419 = arith.muli %scan3A_322, %mul3A_418 : i32
          %add3A_420 = vector.broadcast %mul3A_419 : i32 to vector<16xi32>
          %add3A_421 = arith.addi %shift_right_logical3A_157, %add3A_420 : vector<16xi32>
          tpu.vector_store_idx %arg9[%add3A_421, %and3A_62], %get3A_417 : memref<112x128xf32, #tpu.memory_space<vmem>>[vector<16xi32>, vector<16xi32>], vector<16xf32>,
          %mul3A_422 = arith.constant 16 : i32
          %mul3A_423 = arith.muli %scan3A_322, %mul3A_422 : i32
          %get3A_424 = arith.constant 10 : i32
          %get3A_425 = arith.index_cast %get3A_424 : i32 to index
          %get3A_426 = arith.index_cast %mul3A_423 : i32 to index
          %get3A_427 = tpu.vector_load %arg6[%get3A_425, %get3A_426] {strides = array<i32>} : memref<16x896xf32, #tpu.memory_space<vmem>>, vector<16xf32>,
          %mul3A_428 = arith.constant 2 : i32
          %mul3A_429 = arith.muli %scan3A_322, %mul3A_428 : i32
          %add3A_430 = vector.broadcast %mul3A_429 : i32 to vector<16xi32>
          %add3A_431 = arith.addi %shift_right_logical3A_163, %add3A_430 : vector<16xi32>
          tpu.vector_store_idx %arg9[%add3A_431, %and3A_68], %get3A_427 : memref<112x128xf32, #tpu.memory_space<vmem>>[vector<16xi32>, vector<16xi32>], vector<16xf32>,
          %mul3A_432 = arith.constant 16 : i32
          %mul3A_433 = arith.muli %scan3A_322, %mul3A_432 : i32
          %get3A_434 = arith.constant 11 : i32
          %get3A_435 = arith.index_cast %get3A_434 : i32 to index
          %get3A_436 = arith.index_cast %mul3A_433 : i32 to index
          %get3A_437 = tpu.vector_load %arg6[%get3A_435, %get3A_436] {strides = array<i32>} : memref<16x896xf32, #tpu.memory_space<vmem>>, vector<16xf32>,
          %mul3A_438 = arith.constant 2 : i32
          %mul3A_439 = arith.muli %scan3A_322, %mul3A_438 : i32
          %add3A_440 = vector.broadcast %mul3A_439 : i32 to vector<16xi32>
          %add3A_441 = arith.addi %shift_right_logical3A_169, %add3A_440 : vector<16xi32>
          tpu.vector_store_idx %arg9[%add3A_441, %and3A_74], %get3A_437 : memref<112x128xf32, #tpu.memory_space<vmem>>[vector<16xi32>, vector<16xi32>], vector<16xf32>,
          %mul3A_442 = arith.constant 16 : i32
          %mul3A_443 = arith.muli %scan3A_322, %mul3A_442 : i32
          %get3A_444 = arith.constant 12 : i32
          %get3A_445 = arith.index_cast %get3A_444 : i32 to index
          %get3A_446 = arith.index_cast %mul3A_443 : i32 to index
          %get3A_447 = tpu.vector_load %arg6[%get3A_445, %get3A_446] {strides = array<i32>} : memref<16x896xf32, #tpu.memory_space<vmem>>, vector<16xf32>,
          %mul3A_448 = arith.constant 2 : i32
          %mul3A_449 = arith.muli %scan3A_322, %mul3A_448 : i32
          %add3A_450 = vector.broadcast %mul3A_449 : i32 to vector<16xi32>
          %add3A_451 = arith.addi %shift_right_logical3A_175, %add3A_450 : vector<16xi32>
          tpu.vector_store_idx %arg9[%add3A_451, %and3A_80], %get3A_447 : memref<112x128xf32, #tpu.memory_space<vmem>>[vector<16xi32>, vector<16xi32>], vector<16xf32>,
          %mul3A_452 = arith.constant 16 : i32
          %mul3A_453 = arith.muli %scan3A_322, %mul3A_452 : i32
          %get3A_454 = arith.constant 13 : i32
          %get3A_455 = arith.index_cast %get3A_454 : i32 to index
          %get3A_456 = arith.index_cast %mul3A_453 : i32 to index
          %get3A_457 = tpu.vector_load %arg6[%get3A_455, %get3A_456] {strides = array<i32>} : memref<16x896xf32, #tpu.memory_space<vmem>>, vector<16xf32>,
          %mul3A_458 = arith.constant 2 : i32
          %mul3A_459 = arith.muli %scan3A_322, %mul3A_458 : i32
          %add3A_460 = vector.broadcast %mul3A_459 : i32 to vector<16xi32>
          %add3A_461 = arith.addi %shift_right_logical3A_181, %add3A_460 : vector<16xi32>
          tpu.vector_store_idx %arg9[%add3A_461, %and3A_86], %get3A_457 : memref<112x128xf32, #tpu.memory_space<vmem>>[vector<16xi32>, vector<16xi32>], vector<16xf32>,
          %mul3A_462 = arith.constant 16 : i32
          %mul3A_463 = arith.muli %scan3A_322, %mul3A_462 : i32
          %get3A_464 = arith.constant 14 : i32
          %get3A_465 = arith.index_cast %get3A_464 : i32 to index
          %get3A_466 = arith.index_cast %mul3A_463 : i32 to index
          %get3A_467 = tpu.vector_load %arg6[%get3A_465, %get3A_466] {strides = array<i32>} : memref<16x896xf32, #tpu.memory_space<vmem>>, vector<16xf32>,
          %mul3A_468 = arith.constant 2 : i32
          %mul3A_469 = arith.muli %scan3A_322, %mul3A_468 : i32
          %add3A_470 = vector.broadcast %mul3A_469 : i32 to vector<16xi32>
          %add3A_471 = arith.addi %shift_right_logical3A_187, %add3A_470 : vector<16xi32>
          tpu.vector_store_idx %arg9[%add3A_471, %and3A_92], %get3A_467 : memref<112x128xf32, #tpu.memory_space<vmem>>[vector<16xi32>, vector<16xi32>], vector<16xf32>,
          %mul3A_472 = arith.constant 16 : i32
          %mul3A_473 = arith.muli %scan3A_322, %mul3A_472 : i32
          %get3A_474 = arith.constant 15 : i32
          %get3A_475 = arith.index_cast %get3A_474 : i32 to index
          %get3A_476 = arith.index_cast %mul3A_473 : i32 to index
          %get3A_477 = tpu.vector_load %arg6[%get3A_475, %get3A_476] {strides = array<i32>} : memref<16x896xf32, #tpu.memory_space<vmem>>, vector<16xf32>,
          %mul3A_478 = arith.constant 2 : i32
          %mul3A_479 = arith.muli %scan3A_322, %mul3A_478 : i32
          %add3A_480 = vector.broadcast %mul3A_479 : i32 to vector<16xi32>
          %add3A_481 = arith.addi %shift_right_logical3A_193, %add3A_480 : vector<16xi32>
          tpu.vector_store_idx %arg9[%add3A_481, %and3A_98], %get3A_477 : memref<112x128xf32, #tpu.memory_space<vmem>>[vector<16xi32>, vector<16xi32>], vector<16xf32>,
        }
        %scan3A_305 = arith.constant 56 : i32
        %mul3A_306 = arith.constant 112 : i32
        %mul3A_307 = arith.muli %add3A_273, %mul3A_306 : i32
        %dma_start3A_308 = arith.constant 0 : i32
        %dma_start3A_309 = tpu.memref_slice %arg4[%mul3A_307, %dma_start3A_308] : memref<125000x128xf32, #tpu.memory_space<hbm>> -> memref<112x128xf32, #tpu.memory_space<hbm>>
        %dma_start3A_310 = arith.constant 0 : i32
        %dma_start3A_311 = tpu.memref_slice %arg4[%mul3A_307, %dma_start3A_310] : memref<125000x128xf32, #tpu.memory_space<hbm>> -> memref<112x128xf32, #tpu.memory_space<hbm>>
        tpu.enqueue_dma source(%arg9 : memref<112x128xf32, #tpu.memory_space<vmem>>) target(%dma_start3A_311 : memref<112x128xf32, #tpu.memory_space<hbm>>) target_semaphore(%arg13 : memref<!tpu.dma_semaphore, #tpu.memory_space<semaphore_mem>>)
        %add3A_312 = arith.constant 2 : i32
        %add3A_313 = arith.addi %add3A_270, %add3A_312 : i32
        %mul3A_314 = arith.constant 32 : i32
        %mul3A_315 = arith.muli %mul3A_314, %add3A_313 : i32
        %add3A_316 = arith.addi %add3A, %mul3A_315 : i32
        %lt3A_317 = arith.constant 1116 : i32
        %lt3A_318 = arith.cmpi slt, %add3A_316, %lt3A_317 : i32
        %convert_element_type3A_319 = arith.extui %lt3A_318 : i1 to i32
        %cond3A_320 = arith.constant 0 : i32
        %cond3A_321 = arith.cmpi ne, %convert_element_type3A_319, %cond3A_320 : i32
        scf.if %cond3A_321 {
          %mul3A_322 = arith.constant 896 : i32
          %mul3A_323 = arith.muli %add3A_316, %mul3A_322 : i32
          %dma_start3A_324 = arith.constant 0 : i32
          %dma_start3A_325 = tpu.memref_slice %arg2[%dma_start3A_324, %mul3A_323] : memref<16x1000000xf32, #tpu.memory_space<hbm>> -> memref<16x896xf32, #tpu.memory_space<hbm>>
          %dma_start3A_326 = arith.constant 0 : i32
          %dma_start3A_327 = tpu.memref_slice %arg2[%dma_start3A_326, %mul3A_323] : memref<16x1000000xf32, #tpu.memory_space<hbm>> -> memref<16x896xf32, #tpu.memory_space<hbm>>
          tpu.enqueue_dma source(%dma_start3A_327 : memref<16x896xf32, #tpu.memory_space<hbm>>) target(%arg6 : memref<16x896xf32, #tpu.memory_space<vmem>>) target_semaphore(%arg11 : memref<!tpu.dma_semaphore, #tpu.memory_space<semaphore_mem>>)
        } else {
        }
      } else {
      }
      %mul3A_278 = arith.constant 2 : i32
      %mul3A_279 = arith.muli %scan3A_266, %mul3A_278 : i32
      %add3A_280 = arith.constant 1 : i32
      %add3A_281 = arith.addi %mul3A_279, %add3A_280 : i32
      %mul3A_282 = arith.constant 32 : i32
      %mul3A_283 = arith.muli %mul3A_282, %add3A_281 : i32
      %add3A_284 = arith.addi %add3A, %mul3A_283 : i32
      %lt3A_285 = arith.constant 1116 : i32
      %lt3A_286 = arith.cmpi slt, %add3A_284, %lt3A_285 : i32
      %convert_element_type3A_287 = arith.extui %lt3A_286 : i1 to i32
      %cond3A_288 = arith.constant 0 : i32
      %cond3A_289 = arith.cmpi ne, %convert_element_type3A_287, %cond3A_288 : i32
      scf.if %cond3A_289 {
        %mul3A_290 = arith.constant 896 : i32
        %mul3A_291 = arith.muli %add3A_284, %mul3A_290 : i32
        %dma_wait3A_292 = arith.constant 0 : i32
        %dma_wait3A_293 = tpu.memref_slice %arg2[%dma_wait3A_292, %mul3A_291] : memref<16x1000000xf32, #tpu.memory_space<hbm>> -> memref<16x896xf32, #tpu.memory_space<hbm>>
        %dma_wait3A_294 = arith.constant 0 : i32
        %dma_wait3A_295 = tpu.memref_slice %arg2[%dma_wait3A_294, %mul3A_291] : memref<16x1000000xf32, #tpu.memory_space<hbm>> -> memref<16x896xf32, #tpu.memory_space<hbm>>
        tpu.wait_dma2 semaphore(%arg12 : memref<!tpu.dma_semaphore, #tpu.memory_space<semaphore_mem>>) src(%dma_wait3A_295 : memref<16x896xf32, #tpu.memory_space<hbm>>) dst(%arg7 : memref<16x896xf32, #tpu.memory_space<vmem>>)
        %ge3A = arith.constant 2 : i32
        %ge3A_296 = arith.cmpi sge, %add3A_281, %ge3A : i32
        %convert_element_type3A_297 = arith.extui %ge3A_296 : i1 to i32
        %cond3A_298 = arith.constant 0 : i32
        %cond3A_299 = arith.cmpi ne, %convert_element_type3A_297, %cond3A_298 : i32
        scf.if %cond3A_299 {
          %sub3A = arith.constant 64 : i32
          %sub3A_322 = arith.subi %add3A_284, %sub3A : i32
          %mul3A_323 = arith.constant 112 : i32
          %mul3A_324 = arith.muli %sub3A_322, %mul3A_323 : i32
          %dma_wait3A_325 = arith.constant 0 : i32
          %dma_wait3A_326 = tpu.memref_slice %arg4[%mul3A_324, %dma_wait3A_325] : memref<125000x128xf32, #tpu.memory_space<hbm>> -> memref<112x128xf32, #tpu.memory_space<hbm>>
          %dma_wait3A_327 = arith.constant 0 : i32
          %dma_wait3A_328 = tpu.memref_slice %arg4[%mul3A_324, %dma_wait3A_327] : memref<125000x128xf32, #tpu.memory_space<hbm>> -> memref<112x128xf32, #tpu.memory_space<hbm>>
          tpu.wait_dma2 semaphore(%arg14 : memref<!tpu.dma_semaphore, #tpu.memory_space<semaphore_mem>>) src(%arg10 : memref<112x128xf32, #tpu.memory_space<vmem>>) dst(%dma_wait3A_328 : memref<112x128xf32, #tpu.memory_space<hbm>>)
        } else {
        }
        %scan3A_300 = arith.constant 0 : i32
        %scan3A_301 = arith.constant 0 : i32
        %scan3A_302 = arith.constant 56 : i32
        %scan3A_303 = arith.addi %scan3A_301, %scan3A_302 : i32
        %scan3A_304 = arith.constant 1 : i32
        scf.for %scan3A_322 = %scan3A_301 to %scan3A_303 step %scan3A_304  : i32 {
          %mul3A_323 = arith.constant 16 : i32
          %mul3A_324 = arith.muli %scan3A_322, %mul3A_323 : i32
          %get3A = arith.constant 0 : i32
          %get3A_325 = arith.index_cast %get3A : i32 to index
          %get3A_326 = arith.index_cast %mul3A_324 : i32 to index
          %get3A_327 = tpu.vector_load %arg7[%get3A_325, %get3A_326] {strides = array<i32>} : memref<16x896xf32, #tpu.memory_space<vmem>>, vector<16xf32>,
          %mul3A_328 = arith.constant 2 : i32
          %mul3A_329 = arith.muli %scan3A_322, %mul3A_328 : i32
          %add3A_330 = vector.broadcast %mul3A_329 : i32 to vector<16xi32>
          %add3A_331 = arith.addi %shift_right_logical3A_103, %add3A_330 : vector<16xi32>
          tpu.vector_store_idx %arg10[%add3A_331, %and3A_8], %get3A_327 : memref<112x128xf32, #tpu.memory_space<vmem>>[vector<16xi32>, vector<16xi32>], vector<16xf32>,
          %mul3A_332 = arith.constant 16 : i32
          %mul3A_333 = arith.muli %scan3A_322, %mul3A_332 : i32
          %get3A_334 = arith.constant 1 : i32
          %get3A_335 = arith.index_cast %get3A_334 : i32 to index
          %get3A_336 = arith.index_cast %mul3A_333 : i32 to index
          %get3A_337 = tpu.vector_load %arg7[%get3A_335, %get3A_336] {strides = array<i32>} : memref<16x896xf32, #tpu.memory_space<vmem>>, vector<16xf32>,
          %mul3A_338 = arith.constant 2 : i32
          %mul3A_339 = arith.muli %scan3A_322, %mul3A_338 : i32
          %add3A_340 = vector.broadcast %mul3A_339 : i32 to vector<16xi32>
          %add3A_341 = arith.addi %shift_right_logical3A_109, %add3A_340 : vector<16xi32>
          tpu.vector_store_idx %arg10[%add3A_341, %and3A_14], %get3A_337 : memref<112x128xf32, #tpu.memory_space<vmem>>[vector<16xi32>, vector<16xi32>], vector<16xf32>,
          %mul3A_342 = arith.constant 16 : i32
          %mul3A_343 = arith.muli %scan3A_322, %mul3A_342 : i32
          %get3A_344 = arith.constant 2 : i32
          %get3A_345 = arith.index_cast %get3A_344 : i32 to index
          %get3A_346 = arith.index_cast %mul3A_343 : i32 to index
          %get3A_347 = tpu.vector_load %arg7[%get3A_345, %get3A_346] {strides = array<i32>} : memref<16x896xf32, #tpu.memory_space<vmem>>, vector<16xf32>,
          %mul3A_348 = arith.constant 2 : i32
          %mul3A_349 = arith.muli %scan3A_322, %mul3A_348 : i32
          %add3A_350 = vector.broadcast %mul3A_349 : i32 to vector<16xi32>
          %add3A_351 = arith.addi %shift_right_logical3A_115, %add3A_350 : vector<16xi32>
          tpu.vector_store_idx %arg10[%add3A_351, %and3A_20], %get3A_347 : memref<112x128xf32, #tpu.memory_space<vmem>>[vector<16xi32>, vector<16xi32>], vector<16xf32>,
          %mul3A_352 = arith.constant 16 : i32
          %mul3A_353 = arith.muli %scan3A_322, %mul3A_352 : i32
          %get3A_354 = arith.constant 3 : i32
          %get3A_355 = arith.index_cast %get3A_354 : i32 to index
          %get3A_356 = arith.index_cast %mul3A_353 : i32 to index
          %get3A_357 = tpu.vector_load %arg7[%get3A_355, %get3A_356] {strides = array<i32>} : memref<16x896xf32, #tpu.memory_space<vmem>>, vector<16xf32>,
          %mul3A_358 = arith.constant 2 : i32
          %mul3A_359 = arith.muli %scan3A_322, %mul3A_358 : i32
          %add3A_360 = vector.broadcast %mul3A_359 : i32 to vector<16xi32>
          %add3A_361 = arith.addi %shift_right_logical3A_121, %add3A_360 : vector<16xi32>
          tpu.vector_store_idx %arg10[%add3A_361, %and3A_26], %get3A_357 : memref<112x128xf32, #tpu.memory_space<vmem>>[vector<16xi32>, vector<16xi32>], vector<16xf32>,
          %mul3A_362 = arith.constant 16 : i32
          %mul3A_363 = arith.muli %scan3A_322, %mul3A_362 : i32
          %get3A_364 = arith.constant 4 : i32
          %get3A_365 = arith.index_cast %get3A_364 : i32 to index
          %get3A_366 = arith.index_cast %mul3A_363 : i32 to index
          %get3A_367 = tpu.vector_load %arg7[%get3A_365, %get3A_366] {strides = array<i32>} : memref<16x896xf32, #tpu.memory_space<vmem>>, vector<16xf32>,
          %mul3A_368 = arith.constant 2 : i32
          %mul3A_369 = arith.muli %scan3A_322, %mul3A_368 : i32
          %add3A_370 = vector.broadcast %mul3A_369 : i32 to vector<16xi32>
          %add3A_371 = arith.addi %shift_right_logical3A_127, %add3A_370 : vector<16xi32>
          tpu.vector_store_idx %arg10[%add3A_371, %and3A_32], %get3A_367 : memref<112x128xf32, #tpu.memory_space<vmem>>[vector<16xi32>, vector<16xi32>], vector<16xf32>,
          %mul3A_372 = arith.constant 16 : i32
          %mul3A_373 = arith.muli %scan3A_322, %mul3A_372 : i32
          %get3A_374 = arith.constant 5 : i32
          %get3A_375 = arith.index_cast %get3A_374 : i32 to index
          %get3A_376 = arith.index_cast %mul3A_373 : i32 to index
          %get3A_377 = tpu.vector_load %arg7[%get3A_375, %get3A_376] {strides = array<i32>} : memref<16x896xf32, #tpu.memory_space<vmem>>, vector<16xf32>,
          %mul3A_378 = arith.constant 2 : i32
          %mul3A_379 = arith.muli %scan3A_322, %mul3A_378 : i32
          %add3A_380 = vector.broadcast %mul3A_379 : i32 to vector<16xi32>
          %add3A_381 = arith.addi %shift_right_logical3A_133, %add3A_380 : vector<16xi32>
          tpu.vector_store_idx %arg10[%add3A_381, %and3A_38], %get3A_377 : memref<112x128xf32, #tpu.memory_space<vmem>>[vector<16xi32>, vector<16xi32>], vector<16xf32>,
          %mul3A_382 = arith.constant 16 : i32
          %mul3A_383 = arith.muli %scan3A_322, %mul3A_382 : i32
          %get3A_384 = arith.constant 6 : i32
          %get3A_385 = arith.index_cast %get3A_384 : i32 to index
          %get3A_386 = arith.index_cast %mul3A_383 : i32 to index
          %get3A_387 = tpu.vector_load %arg7[%get3A_385, %get3A_386] {strides = array<i32>} : memref<16x896xf32, #tpu.memory_space<vmem>>, vector<16xf32>,
          %mul3A_388 = arith.constant 2 : i32
          %mul3A_389 = arith.muli %scan3A_322, %mul3A_388 : i32
          %add3A_390 = vector.broadcast %mul3A_389 : i32 to vector<16xi32>
          %add3A_391 = arith.addi %shift_right_logical3A_139, %add3A_390 : vector<16xi32>
          tpu.vector_store_idx %arg10[%add3A_391, %and3A_44], %get3A_387 : memref<112x128xf32, #tpu.memory_space<vmem>>[vector<16xi32>, vector<16xi32>], vector<16xf32>,
          %mul3A_392 = arith.constant 16 : i32
          %mul3A_393 = arith.muli %scan3A_322, %mul3A_392 : i32
          %get3A_394 = arith.constant 7 : i32
          %get3A_395 = arith.index_cast %get3A_394 : i32 to index
          %get3A_396 = arith.index_cast %mul3A_393 : i32 to index
          %get3A_397 = tpu.vector_load %arg7[%get3A_395, %get3A_396] {strides = array<i32>} : memref<16x896xf32, #tpu.memory_space<vmem>>, vector<16xf32>,
          %mul3A_398 = arith.constant 2 : i32
          %mul3A_399 = arith.muli %scan3A_322, %mul3A_398 : i32
          %add3A_400 = vector.broadcast %mul3A_399 : i32 to vector<16xi32>
          %add3A_401 = arith.addi %shift_right_logical3A_145, %add3A_400 : vector<16xi32>
          tpu.vector_store_idx %arg10[%add3A_401, %and3A_50], %get3A_397 : memref<112x128xf32, #tpu.memory_space<vmem>>[vector<16xi32>, vector<16xi32>], vector<16xf32>,
          %mul3A_402 = arith.constant 16 : i32
          %mul3A_403 = arith.muli %scan3A_322, %mul3A_402 : i32
          %get3A_404 = arith.constant 8 : i32
          %get3A_405 = arith.index_cast %get3A_404 : i32 to index
          %get3A_406 = arith.index_cast %mul3A_403 : i32 to index
          %get3A_407 = tpu.vector_load %arg7[%get3A_405, %get3A_406] {strides = array<i32>} : memref<16x896xf32, #tpu.memory_space<vmem>>, vector<16xf32>,
          %mul3A_408 = arith.constant 2 : i32
          %mul3A_409 = arith.muli %scan3A_322, %mul3A_408 : i32
          %add3A_410 = vector.broadcast %mul3A_409 : i32 to vector<16xi32>
          %add3A_411 = arith.addi %shift_right_logical3A_151, %add3A_410 : vector<16xi32>
          tpu.vector_store_idx %arg10[%add3A_411, %and3A_56], %get3A_407 : memref<112x128xf32, #tpu.memory_space<vmem>>[vector<16xi32>, vector<16xi32>], vector<16xf32>,
          %mul3A_412 = arith.constant 16 : i32
          %mul3A_413 = arith.muli %scan3A_322, %mul3A_412 : i32
          %get3A_414 = arith.constant 9 : i32
          %get3A_415 = arith.index_cast %get3A_414 : i32 to index
          %get3A_416 = arith.index_cast %mul3A_413 : i32 to index
          %get3A_417 = tpu.vector_load %arg7[%get3A_415, %get3A_416] {strides = array<i32>} : memref<16x896xf32, #tpu.memory_space<vmem>>, vector<16xf32>,
          %mul3A_418 = arith.constant 2 : i32
          %mul3A_419 = arith.muli %scan3A_322, %mul3A_418 : i32
          %add3A_420 = vector.broadcast %mul3A_419 : i32 to vector<16xi32>
          %add3A_421 = arith.addi %shift_right_logical3A_157, %add3A_420 : vector<16xi32>
          tpu.vector_store_idx %arg10[%add3A_421, %and3A_62], %get3A_417 : memref<112x128xf32, #tpu.memory_space<vmem>>[vector<16xi32>, vector<16xi32>], vector<16xf32>,
          %mul3A_422 = arith.constant 16 : i32
          %mul3A_423 = arith.muli %scan3A_322, %mul3A_422 : i32
          %get3A_424 = arith.constant 10 : i32
          %get3A_425 = arith.index_cast %get3A_424 : i32 to index
          %get3A_426 = arith.index_cast %mul3A_423 : i32 to index
          %get3A_427 = tpu.vector_load %arg7[%get3A_425, %get3A_426] {strides = array<i32>} : memref<16x896xf32, #tpu.memory_space<vmem>>, vector<16xf32>,
          %mul3A_428 = arith.constant 2 : i32
          %mul3A_429 = arith.muli %scan3A_322, %mul3A_428 : i32
          %add3A_430 = vector.broadcast %mul3A_429 : i32 to vector<16xi32>
          %add3A_431 = arith.addi %shift_right_logical3A_163, %add3A_430 : vector<16xi32>
          tpu.vector_store_idx %arg10[%add3A_431, %and3A_68], %get3A_427 : memref<112x128xf32, #tpu.memory_space<vmem>>[vector<16xi32>, vector<16xi32>], vector<16xf32>,
          %mul3A_432 = arith.constant 16 : i32
          %mul3A_433 = arith.muli %scan3A_322, %mul3A_432 : i32
          %get3A_434 = arith.constant 11 : i32
          %get3A_435 = arith.index_cast %get3A_434 : i32 to index
          %get3A_436 = arith.index_cast %mul3A_433 : i32 to index
          %get3A_437 = tpu.vector_load %arg7[%get3A_435, %get3A_436] {strides = array<i32>} : memref<16x896xf32, #tpu.memory_space<vmem>>, vector<16xf32>,
          %mul3A_438 = arith.constant 2 : i32
          %mul3A_439 = arith.muli %scan3A_322, %mul3A_438 : i32
          %add3A_440 = vector.broadcast %mul3A_439 : i32 to vector<16xi32>
          %add3A_441 = arith.addi %shift_right_logical3A_169, %add3A_440 : vector<16xi32>
          tpu.vector_store_idx %arg10[%add3A_441, %and3A_74], %get3A_437 : memref<112x128xf32, #tpu.memory_space<vmem>>[vector<16xi32>, vector<16xi32>], vector<16xf32>,
          %mul3A_442 = arith.constant 16 : i32
          %mul3A_443 = arith.muli %scan3A_322, %mul3A_442 : i32
          %get3A_444 = arith.constant 12 : i32
          %get3A_445 = arith.index_cast %get3A_444 : i32 to index
          %get3A_446 = arith.index_cast %mul3A_443 : i32 to index
          %get3A_447 = tpu.vector_load %arg7[%get3A_445, %get3A_446] {strides = array<i32>} : memref<16x896xf32, #tpu.memory_space<vmem>>, vector<16xf32>,
          %mul3A_448 = arith.constant 2 : i32
          %mul3A_449 = arith.muli %scan3A_322, %mul3A_448 : i32
          %add3A_450 = vector.broadcast %mul3A_449 : i32 to vector<16xi32>
          %add3A_451 = arith.addi %shift_right_logical3A_175, %add3A_450 : vector<16xi32>
          tpu.vector_store_idx %arg10[%add3A_451, %and3A_80], %get3A_447 : memref<112x128xf32, #tpu.memory_space<vmem>>[vector<16xi32>, vector<16xi32>], vector<16xf32>,
          %mul3A_452 = arith.constant 16 : i32
          %mul3A_453 = arith.muli %scan3A_322, %mul3A_452 : i32
          %get3A_454 = arith.constant 13 : i32
          %get3A_455 = arith.index_cast %get3A_454 : i32 to index
          %get3A_456 = arith.index_cast %mul3A_453 : i32 to index
          %get3A_457 = tpu.vector_load %arg7[%get3A_455, %get3A_456] {strides = array<i32>} : memref<16x896xf32, #tpu.memory_space<vmem>>, vector<16xf32>,
          %mul3A_458 = arith.constant 2 : i32
          %mul3A_459 = arith.muli %scan3A_322, %mul3A_458 : i32
          %add3A_460 = vector.broadcast %mul3A_459 : i32 to vector<16xi32>
          %add3A_461 = arith.addi %shift_right_logical3A_181, %add3A_460 : vector<16xi32>
          tpu.vector_store_idx %arg10[%add3A_461, %and3A_86], %get3A_457 : memref<112x128xf32, #tpu.memory_space<vmem>>[vector<16xi32>, vector<16xi32>], vector<16xf32>,
          %mul3A_462 = arith.constant 16 : i32
          %mul3A_463 = arith.muli %scan3A_322, %mul3A_462 : i32
          %get3A_464 = arith.constant 14 : i32
          %get3A_465 = arith.index_cast %get3A_464 : i32 to index
          %get3A_466 = arith.index_cast %mul3A_463 : i32 to index
          %get3A_467 = tpu.vector_load %arg7[%get3A_465, %get3A_466] {strides = array<i32>} : memref<16x896xf32, #tpu.memory_space<vmem>>, vector<16xf32>,
          %mul3A_468 = arith.constant 2 : i32
          %mul3A_469 = arith.muli %scan3A_322, %mul3A_468 : i32
          %add3A_470 = vector.broadcast %mul3A_469 : i32 to vector<16xi32>
          %add3A_471 = arith.addi %shift_right_logical3A_187, %add3A_470 : vector<16xi32>
          tpu.vector_store_idx %arg10[%add3A_471, %and3A_92], %get3A_467 : memref<112x128xf32, #tpu.memory_space<vmem>>[vector<16xi32>, vector<16xi32>], vector<16xf32>,
          %mul3A_472 = arith.constant 16 : i32
          %mul3A_473 = arith.muli %scan3A_322, %mul3A_472 : i32
          %get3A_474 = arith.constant 15 : i32
          %get3A_475 = arith.index_cast %get3A_474 : i32 to index
          %get3A_476 = arith.index_cast %mul3A_473 : i32 to index
          %get3A_477 = tpu.vector_load %arg7[%get3A_475, %get3A_476] {strides = array<i32>} : memref<16x896xf32, #tpu.memory_space<vmem>>, vector<16xf32>,
          %mul3A_478 = arith.constant 2 : i32
          %mul3A_479 = arith.muli %scan3A_322, %mul3A_478 : i32
          %add3A_480 = vector.broadcast %mul3A_479 : i32 to vector<16xi32>
          %add3A_481 = arith.addi %shift_right_logical3A_193, %add3A_480 : vector<16xi32>
          tpu.vector_store_idx %arg10[%add3A_481, %and3A_98], %get3A_477 : memref<112x128xf32, #tpu.memory_space<vmem>>[vector<16xi32>, vector<16xi32>], vector<16xf32>,
        }
        %scan3A_305 = arith.constant 56 : i32
        %mul3A_306 = arith.constant 112 : i32
        %mul3A_307 = arith.muli %add3A_284, %mul3A_306 : i32
        %dma_start3A_308 = arith.constant 0 : i32
        %dma_start3A_309 = tpu.memref_slice %arg4[%mul3A_307, %dma_start3A_308] : memref<125000x128xf32, #tpu.memory_space<hbm>> -> memref<112x128xf32, #tpu.memory_space<hbm>>
        %dma_start3A_310 = arith.constant 0 : i32
        %dma_start3A_311 = tpu.memref_slice %arg4[%mul3A_307, %dma_start3A_310] : memref<125000x128xf32, #tpu.memory_space<hbm>> -> memref<112x128xf32, #tpu.memory_space<hbm>>
        tpu.enqueue_dma source(%arg10 : memref<112x128xf32, #tpu.memory_space<vmem>>) target(%dma_start3A_311 : memref<112x128xf32, #tpu.memory_space<hbm>>) target_semaphore(%arg14 : memref<!tpu.dma_semaphore, #tpu.memory_space<semaphore_mem>>)
        %add3A_312 = arith.constant 2 : i32
        %add3A_313 = arith.addi %add3A_281, %add3A_312 : i32
        %mul3A_314 = arith.constant 32 : i32
        %mul3A_315 = arith.muli %mul3A_314, %add3A_313 : i32
        %add3A_316 = arith.addi %add3A, %mul3A_315 : i32
        %lt3A_317 = arith.constant 1116 : i32
        %lt3A_318 = arith.cmpi slt, %add3A_316, %lt3A_317 : i32
        %convert_element_type3A_319 = arith.extui %lt3A_318 : i1 to i32
        %cond3A_320 = arith.constant 0 : i32
        %cond3A_321 = arith.cmpi ne, %convert_element_type3A_319, %cond3A_320 : i32
        scf.if %cond3A_321 {
          %mul3A_322 = arith.constant 896 : i32
          %mul3A_323 = arith.muli %add3A_316, %mul3A_322 : i32
          %dma_start3A_324 = arith.constant 0 : i32
          %dma_start3A_325 = tpu.memref_slice %arg2[%dma_start3A_324, %mul3A_323] : memref<16x1000000xf32, #tpu.memory_space<hbm>> -> memref<16x896xf32, #tpu.memory_space<hbm>>
          %dma_start3A_326 = arith.constant 0 : i32
          %dma_start3A_327 = tpu.memref_slice %arg2[%dma_start3A_326, %mul3A_323] : memref<16x1000000xf32, #tpu.memory_space<hbm>> -> memref<16x896xf32, #tpu.memory_space<hbm>>
          tpu.enqueue_dma source(%dma_start3A_327 : memref<16x896xf32, #tpu.memory_space<hbm>>) target(%arg7 : memref<16x896xf32, #tpu.memory_space<vmem>>) target_semaphore(%arg12 : memref<!tpu.dma_semaphore, #tpu.memory_space<semaphore_mem>>)
        } else {
        }
      } else {
      }
    }
    %scan3A_213 = arith.constant 18 : i32
    %dma_wait3A = arith.constant 0 : i32
    %dma_wait3A_214 = arith.constant 0 : i32
    %dma_wait3A_215 = tpu.memref_slice %arg4[%dma_wait3A, %dma_wait3A_214] : memref<125000x128xf32, #tpu.memory_space<hbm>> -> memref<112x128xf32, #tpu.memory_space<hbm>>
    %dma_wait3A_216 = arith.constant 0 : i32
    %dma_wait3A_217 = arith.constant 0 : i32
    %dma_wait3A_218 = tpu.memref_slice %arg4[%dma_wait3A_216, %dma_wait3A_217] : memref<125000x128xf32, #tpu.memory_space<hbm>> -> memref<112x128xf32, #tpu.memory_space<hbm>>
    tpu.wait_dma2 semaphore(%arg13 : memref<!tpu.dma_semaphore, #tpu.memory_space<semaphore_mem>>) src(%arg9 : memref<112x128xf32, #tpu.memory_space<vmem>>) dst(%dma_wait3A_218 : memref<112x128xf32, #tpu.memory_space<hbm>>)
    %dma_wait3A_219 = arith.constant 0 : i32
    %dma_wait3A_220 = arith.constant 0 : i32
    %dma_wait3A_221 = tpu.memref_slice %arg4[%dma_wait3A_219, %dma_wait3A_220] : memref<125000x128xf32, #tpu.memory_space<hbm>> -> memref<112x128xf32, #tpu.memory_space<hbm>>
    %dma_wait3A_222 = arith.constant 0 : i32
    %dma_wait3A_223 = arith.constant 0 : i32
    %dma_wait3A_224 = tpu.memref_slice %arg4[%dma_wait3A_222, %dma_wait3A_223] : memref<125000x128xf32, #tpu.memory_space<hbm>> -> memref<112x128xf32, #tpu.memory_space<hbm>>
    tpu.wait_dma2 semaphore(%arg14 : memref<!tpu.dma_semaphore, #tpu.memory_space<semaphore_mem>>) src(%arg10 : memref<112x128xf32, #tpu.memory_space<vmem>>) dst(%dma_wait3A_224 : memref<112x128xf32, #tpu.memory_space<hbm>>)
    %eq3A = arith.constant 28 : i32
    %eq3A_225 = arith.cmpi eq, %add3A, %eq3A : i32
    %convert_element_type3A = arith.extui %eq3A_225 : i1 to i32
    %cond3A = arith.constant 0 : i32
    %cond3A_226 = arith.cmpi ne, %convert_element_type3A, %cond3A : i32
    scf.if %cond3A_226 {
      "tpu.region"() ({
        %run_scoped3A = tpu.sem_alloc : memref<!tpu.dma_semaphore, #tpu.memory_space<semaphore_mem>>
        %dma_start3A_272 = arith.constant 0 : i32
        %dma_start3A_273 = arith.constant 999936 : i32
        %dma_start3A_274 = tpu.memref_slice %arg2[%dma_start3A_272, %dma_start3A_273] : memref<16x1000000xf32, #tpu.memory_space<hbm>> -> memref<16x64xf32, #tpu.memory_space<hbm>>
        %dma_start3A_275 = arith.constant 0 : i32
        %dma_start3A_276 = arith.constant 999936 : i32
        %dma_start3A_277 = tpu.memref_slice %arg2[%dma_start3A_275, %dma_start3A_276] : memref<16x1000000xf32, #tpu.memory_space<hbm>> -> memref<16x64xf32, #tpu.memory_space<hbm>>
        tpu.enqueue_dma source(%dma_start3A_277 : memref<16x64xf32, #tpu.memory_space<hbm>>) target(%arg8 : memref<16x64xf32, #tpu.memory_space<vmem>>) target_semaphore(%run_scoped3A : memref<!tpu.dma_semaphore, #tpu.memory_space<semaphore_mem>>)
        %dma_wait3A_278 = arith.constant 0 : i32
        %dma_wait3A_279 = arith.constant 999936 : i32
        %dma_wait3A_280 = tpu.memref_slice %arg2[%dma_wait3A_278, %dma_wait3A_279] : memref<16x1000000xf32, #tpu.memory_space<hbm>> -> memref<16x64xf32, #tpu.memory_space<hbm>>
        %dma_wait3A_281 = arith.constant 0 : i32
        %dma_wait3A_282 = arith.constant 999936 : i32
        %dma_wait3A_283 = tpu.memref_slice %arg2[%dma_wait3A_281, %dma_wait3A_282] : memref<16x1000000xf32, #tpu.memory_space<hbm>> -> memref<16x64xf32, #tpu.memory_space<hbm>>
        tpu.wait_dma2 semaphore(%run_scoped3A : memref<!tpu.dma_semaphore, #tpu.memory_space<semaphore_mem>>) src(%dma_wait3A_283 : memref<16x64xf32, #tpu.memory_space<hbm>>) dst(%arg8 : memref<16x64xf32, #tpu.memory_space<vmem>>)
        tpu.yield
      }) : () -> ()
      %scan3A_266 = arith.constant 0 : i32
      %scan3A_267 = arith.constant 0 : i32
      %scan3A_268 = arith.constant 4 : i32
      %scan3A_269 = arith.addi %scan3A_267, %scan3A_268 : i32
      %scan3A_270 = arith.constant 1 : i32
      scf.for %scan3A_272 = %scan3A_267 to %scan3A_269 step %scan3A_270  : i32 {
        %mul3A_273 = arith.constant 16 : i32
        %mul3A_274 = arith.muli %scan3A_272, %mul3A_273 : i32
        %get3A = arith.constant 0 : i32
        %get3A_275 = arith.index_cast %get3A : i32 to index
        %get3A_276 = arith.index_cast %mul3A_274 : i32 to index
        %get3A_277 = tpu.vector_load %arg8[%get3A_275, %get3A_276] {strides = array<i32>} : memref<16x64xf32, #tpu.memory_space<vmem>>, vector<16xf32>,
        %mul3A_278 = arith.constant 2 : i32
        %mul3A_279 = arith.muli %scan3A_272, %mul3A_278 : i32
        %add3A_280 = vector.broadcast %mul3A_279 : i32 to vector<16xi32>
        %add3A_281 = arith.addi %shift_right_logical3A_103, %add3A_280 : vector<16xi32>
        tpu.vector_store_idx %arg9[%add3A_281, %and3A_8], %get3A_277 : memref<112x128xf32, #tpu.memory_space<vmem>>[vector<16xi32>, vector<16xi32>], vector<16xf32>,
        %mul3A_282 = arith.constant 16 : i32
        %mul3A_283 = arith.muli %scan3A_272, %mul3A_282 : i32
        %get3A_284 = arith.constant 1 : i32
        %get3A_285 = arith.index_cast %get3A_284 : i32 to index
        %get3A_286 = arith.index_cast %mul3A_283 : i32 to index
        %get3A_287 = tpu.vector_load %arg8[%get3A_285, %get3A_286] {strides = array<i32>} : memref<16x64xf32, #tpu.memory_space<vmem>>, vector<16xf32>,
        %mul3A_288 = arith.constant 2 : i32
        %mul3A_289 = arith.muli %scan3A_272, %mul3A_288 : i32
        %add3A_290 = vector.broadcast %mul3A_289 : i32 to vector<16xi32>
        %add3A_291 = arith.addi %shift_right_logical3A_109, %add3A_290 : vector<16xi32>
        tpu.vector_store_idx %arg9[%add3A_291, %and3A_14], %get3A_287 : memref<112x128xf32, #tpu.memory_space<vmem>>[vector<16xi32>, vector<16xi32>], vector<16xf32>,
        %mul3A_292 = arith.constant 16 : i32
        %mul3A_293 = arith.muli %scan3A_272, %mul3A_292 : i32
        %get3A_294 = arith.constant 2 : i32
        %get3A_295 = arith.index_cast %get3A_294 : i32 to index
        %get3A_296 = arith.index_cast %mul3A_293 : i32 to index
        %get3A_297 = tpu.vector_load %arg8[%get3A_295, %get3A_296] {strides = array<i32>} : memref<16x64xf32, #tpu.memory_space<vmem>>, vector<16xf32>,
        %mul3A_298 = arith.constant 2 : i32
        %mul3A_299 = arith.muli %scan3A_272, %mul3A_298 : i32
        %add3A_300 = vector.broadcast %mul3A_299 : i32 to vector<16xi32>
        %add3A_301 = arith.addi %shift_right_logical3A_115, %add3A_300 : vector<16xi32>
        tpu.vector_store_idx %arg9[%add3A_301, %and3A_20], %get3A_297 : memref<112x128xf32, #tpu.memory_space<vmem>>[vector<16xi32>, vector<16xi32>], vector<16xf32>,
        %mul3A_302 = arith.constant 16 : i32
        %mul3A_303 = arith.muli %scan3A_272, %mul3A_302 : i32
        %get3A_304 = arith.constant 3 : i32
        %get3A_305 = arith.index_cast %get3A_304 : i32 to index
        %get3A_306 = arith.index_cast %mul3A_303 : i32 to index
        %get3A_307 = tpu.vector_load %arg8[%get3A_305, %get3A_306] {strides = array<i32>} : memref<16x64xf32, #tpu.memory_space<vmem>>, vector<16xf32>,
        %mul3A_308 = arith.constant 2 : i32
        %mul3A_309 = arith.muli %scan3A_272, %mul3A_308 : i32
        %add3A_310 = vector.broadcast %mul3A_309 : i32 to vector<16xi32>
        %add3A_311 = arith.addi %shift_right_logical3A_121, %add3A_310 : vector<16xi32>
        tpu.vector_store_idx %arg9[%add3A_311, %and3A_26], %get3A_307 : memref<112x128xf32, #tpu.memory_space<vmem>>[vector<16xi32>, vector<16xi32>], vector<16xf32>,
        %mul3A_312 = arith.constant 16 : i32
        %mul3A_313 = arith.muli %scan3A_272, %mul3A_312 : i32
        %get3A_314 = arith.constant 4 : i32
        %get3A_315 = arith.index_cast %get3A_314 : i32 to index
        %get3A_316 = arith.index_cast %mul3A_313 : i32 to index
        %get3A_317 = tpu.vector_load %arg8[%get3A_315, %get3A_316] {strides = array<i32>} : memref<16x64xf32, #tpu.memory_space<vmem>>, vector<16xf32>,
        %mul3A_318 = arith.constant 2 : i32
        %mul3A_319 = arith.muli %scan3A_272, %mul3A_318 : i32
        %add3A_320 = vector.broadcast %mul3A_319 : i32 to vector<16xi32>
        %add3A_321 = arith.addi %shift_right_logical3A_127, %add3A_320 : vector<16xi32>
        tpu.vector_store_idx %arg9[%add3A_321, %and3A_32], %get3A_317 : memref<112x128xf32, #tpu.memory_space<vmem>>[vector<16xi32>, vector<16xi32>], vector<16xf32>,
        %mul3A_322 = arith.constant 16 : i32
        %mul3A_323 = arith.muli %scan3A_272, %mul3A_322 : i32
        %get3A_324 = arith.constant 5 : i32
        %get3A_325 = arith.index_cast %get3A_324 : i32 to index
        %get3A_326 = arith.index_cast %mul3A_323 : i32 to index
        %get3A_327 = tpu.vector_load %arg8[%get3A_325, %get3A_326] {strides = array<i32>} : memref<16x64xf32, #tpu.memory_space<vmem>>, vector<16xf32>,
        %mul3A_328 = arith.constant 2 : i32
        %mul3A_329 = arith.muli %scan3A_272, %mul3A_328 : i32
        %add3A_330 = vector.broadcast %mul3A_329 : i32 to vector<16xi32>
        %add3A_331 = arith.addi %shift_right_logical3A_133, %add3A_330 : vector<16xi32>
        tpu.vector_store_idx %arg9[%add3A_331, %and3A_38], %get3A_327 : memref<112x128xf32, #tpu.memory_space<vmem>>[vector<16xi32>, vector<16xi32>], vector<16xf32>,
        %mul3A_332 = arith.constant 16 : i32
        %mul3A_333 = arith.muli %scan3A_272, %mul3A_332 : i32
        %get3A_334 = arith.constant 6 : i32
        %get3A_335 = arith.index_cast %get3A_334 : i32 to index
        %get3A_336 = arith.index_cast %mul3A_333 : i32 to index
        %get3A_337 = tpu.vector_load %arg8[%get3A_335, %get3A_336] {strides = array<i32>} : memref<16x64xf32, #tpu.memory_space<vmem>>, vector<16xf32>,
        %mul3A_338 = arith.constant 2 : i32
        %mul3A_339 = arith.muli %scan3A_272, %mul3A_338 : i32
        %add3A_340 = vector.broadcast %mul3A_339 : i32 to vector<16xi32>
        %add3A_341 = arith.addi %shift_right_logical3A_139, %add3A_340 : vector<16xi32>
        tpu.vector_store_idx %arg9[%add3A_341, %and3A_44], %get3A_337 : memref<112x128xf32, #tpu.memory_space<vmem>>[vector<16xi32>, vector<16xi32>], vector<16xf32>,
        %mul3A_342 = arith.constant 16 : i32
        %mul3A_343 = arith.muli %scan3A_272, %mul3A_342 : i32
        %get3A_344 = arith.constant 7 : i32
        %get3A_345 = arith.index_cast %get3A_344 : i32 to index
        %get3A_346 = arith.index_cast %mul3A_343 : i32 to index
        %get3A_347 = tpu.vector_load %arg8[%get3A_345, %get3A_346] {strides = array<i32>} : memref<16x64xf32, #tpu.memory_space<vmem>>, vector<16xf32>,
        %mul3A_348 = arith.constant 2 : i32
        %mul3A_349 = arith.muli %scan3A_272, %mul3A_348 : i32
        %add3A_350 = vector.broadcast %mul3A_349 : i32 to vector<16xi32>
        %add3A_351 = arith.addi %shift_right_logical3A_145, %add3A_350 : vector<16xi32>
        tpu.vector_store_idx %arg9[%add3A_351, %and3A_50], %get3A_347 : memref<112x128xf32, #tpu.memory_space<vmem>>[vector<16xi32>, vector<16xi32>], vector<16xf32>,
        %mul3A_352 = arith.constant 16 : i32
        %mul3A_353 = arith.muli %scan3A_272, %mul3A_352 : i32
        %get3A_354 = arith.constant 8 : i32
        %get3A_355 = arith.index_cast %get3A_354 : i32 to index
        %get3A_356 = arith.index_cast %mul3A_353 : i32 to index
        %get3A_357 = tpu.vector_load %arg8[%get3A_355, %get3A_356] {strides = array<i32>} : memref<16x64xf32, #tpu.memory_space<vmem>>, vector<16xf32>,
        %mul3A_358 = arith.constant 2 : i32
        %mul3A_359 = arith.muli %scan3A_272, %mul3A_358 : i32
        %add3A_360 = vector.broadcast %mul3A_359 : i32 to vector<16xi32>
        %add3A_361 = arith.addi %shift_right_logical3A_151, %add3A_360 : vector<16xi32>
        tpu.vector_store_idx %arg9[%add3A_361, %and3A_56], %get3A_357 : memref<112x128xf32, #tpu.memory_space<vmem>>[vector<16xi32>, vector<16xi32>], vector<16xf32>,
        %mul3A_362 = arith.constant 16 : i32
        %mul3A_363 = arith.muli %scan3A_272, %mul3A_362 : i32
        %get3A_364 = arith.constant 9 : i32
        %get3A_365 = arith.index_cast %get3A_364 : i32 to index
        %get3A_366 = arith.index_cast %mul3A_363 : i32 to index
        %get3A_367 = tpu.vector_load %arg8[%get3A_365, %get3A_366] {strides = array<i32>} : memref<16x64xf32, #tpu.memory_space<vmem>>, vector<16xf32>,
        %mul3A_368 = arith.constant 2 : i32
        %mul3A_369 = arith.muli %scan3A_272, %mul3A_368 : i32
        %add3A_370 = vector.broadcast %mul3A_369 : i32 to vector<16xi32>
        %add3A_371 = arith.addi %shift_right_logical3A_157, %add3A_370 : vector<16xi32>
        tpu.vector_store_idx %arg9[%add3A_371, %and3A_62], %get3A_367 : memref<112x128xf32, #tpu.memory_space<vmem>>[vector<16xi32>, vector<16xi32>], vector<16xf32>,
        %mul3A_372 = arith.constant 16 : i32
        %mul3A_373 = arith.muli %scan3A_272, %mul3A_372 : i32
        %get3A_374 = arith.constant 10 : i32
        %get3A_375 = arith.index_cast %get3A_374 : i32 to index
        %get3A_376 = arith.index_cast %mul3A_373 : i32 to index
        %get3A_377 = tpu.vector_load %arg8[%get3A_375, %get3A_376] {strides = array<i32>} : memref<16x64xf32, #tpu.memory_space<vmem>>, vector<16xf32>,
        %mul3A_378 = arith.constant 2 : i32
        %mul3A_379 = arith.muli %scan3A_272, %mul3A_378 : i32
        %add3A_380 = vector.broadcast %mul3A_379 : i32 to vector<16xi32>
        %add3A_381 = arith.addi %shift_right_logical3A_163, %add3A_380 : vector<16xi32>
        tpu.vector_store_idx %arg9[%add3A_381, %and3A_68], %get3A_377 : memref<112x128xf32, #tpu.memory_space<vmem>>[vector<16xi32>, vector<16xi32>], vector<16xf32>,
        %mul3A_382 = arith.constant 16 : i32
        %mul3A_383 = arith.muli %scan3A_272, %mul3A_382 : i32
        %get3A_384 = arith.constant 11 : i32
        %get3A_385 = arith.index_cast %get3A_384 : i32 to index
        %get3A_386 = arith.index_cast %mul3A_383 : i32 to index
        %get3A_387 = tpu.vector_load %arg8[%get3A_385, %get3A_386] {strides = array<i32>} : memref<16x64xf32, #tpu.memory_space<vmem>>, vector<16xf32>,
        %mul3A_388 = arith.constant 2 : i32
        %mul3A_389 = arith.muli %scan3A_272, %mul3A_388 : i32
        %add3A_390 = vector.broadcast %mul3A_389 : i32 to vector<16xi32>
        %add3A_391 = arith.addi %shift_right_logical3A_169, %add3A_390 : vector<16xi32>
        tpu.vector_store_idx %arg9[%add3A_391, %and3A_74], %get3A_387 : memref<112x128xf32, #tpu.memory_space<vmem>>[vector<16xi32>, vector<16xi32>], vector<16xf32>,
        %mul3A_392 = arith.constant 16 : i32
        %mul3A_393 = arith.muli %scan3A_272, %mul3A_392 : i32
        %get3A_394 = arith.constant 12 : i32
        %get3A_395 = arith.index_cast %get3A_394 : i32 to index
        %get3A_396 = arith.index_cast %mul3A_393 : i32 to index
        %get3A_397 = tpu.vector_load %arg8[%get3A_395, %get3A_396] {strides = array<i32>} : memref<16x64xf32, #tpu.memory_space<vmem>>, vector<16xf32>,
        %mul3A_398 = arith.constant 2 : i32
        %mul3A_399 = arith.muli %scan3A_272, %mul3A_398 : i32
        %add3A_400 = vector.broadcast %mul3A_399 : i32 to vector<16xi32>
        %add3A_401 = arith.addi %shift_right_logical3A_175, %add3A_400 : vector<16xi32>
        tpu.vector_store_idx %arg9[%add3A_401, %and3A_80], %get3A_397 : memref<112x128xf32, #tpu.memory_space<vmem>>[vector<16xi32>, vector<16xi32>], vector<16xf32>,
        %mul3A_402 = arith.constant 16 : i32
        %mul3A_403 = arith.muli %scan3A_272, %mul3A_402 : i32
        %get3A_404 = arith.constant 13 : i32
        %get3A_405 = arith.index_cast %get3A_404 : i32 to index
        %get3A_406 = arith.index_cast %mul3A_403 : i32 to index
        %get3A_407 = tpu.vector_load %arg8[%get3A_405, %get3A_406] {strides = array<i32>} : memref<16x64xf32, #tpu.memory_space<vmem>>, vector<16xf32>,
        %mul3A_408 = arith.constant 2 : i32
        %mul3A_409 = arith.muli %scan3A_272, %mul3A_408 : i32
        %add3A_410 = vector.broadcast %mul3A_409 : i32 to vector<16xi32>
        %add3A_411 = arith.addi %shift_right_logical3A_181, %add3A_410 : vector<16xi32>
        tpu.vector_store_idx %arg9[%add3A_411, %and3A_86], %get3A_407 : memref<112x128xf32, #tpu.memory_space<vmem>>[vector<16xi32>, vector<16xi32>], vector<16xf32>,
        %mul3A_412 = arith.constant 16 : i32
        %mul3A_413 = arith.muli %scan3A_272, %mul3A_412 : i32
        %get3A_414 = arith.constant 14 : i32
        %get3A_415 = arith.index_cast %get3A_414 : i32 to index
        %get3A_416 = arith.index_cast %mul3A_413 : i32 to index
        %get3A_417 = tpu.vector_load %arg8[%get3A_415, %get3A_416] {strides = array<i32>} : memref<16x64xf32, #tpu.memory_space<vmem>>, vector<16xf32>,
        %mul3A_418 = arith.constant 2 : i32
        %mul3A_419 = arith.muli %scan3A_272, %mul3A_418 : i32
        %add3A_420 = vector.broadcast %mul3A_419 : i32 to vector<16xi32>
        %add3A_421 = arith.addi %shift_right_logical3A_187, %add3A_420 : vector<16xi32>
        tpu.vector_store_idx %arg9[%add3A_421, %and3A_92], %get3A_417 : memref<112x128xf32, #tpu.memory_space<vmem>>[vector<16xi32>, vector<16xi32>], vector<16xf32>,
        %mul3A_422 = arith.constant 16 : i32
        %mul3A_423 = arith.muli %scan3A_272, %mul3A_422 : i32
        %get3A_424 = arith.constant 15 : i32
        %get3A_425 = arith.index_cast %get3A_424 : i32 to index
        %get3A_426 = arith.index_cast %mul3A_423 : i32 to index
        %get3A_427 = tpu.vector_load %arg8[%get3A_425, %get3A_426] {strides = array<i32>} : memref<16x64xf32, #tpu.memory_space<vmem>>, vector<16xf32>,
        %mul3A_428 = arith.constant 2 : i32
        %mul3A_429 = arith.muli %scan3A_272, %mul3A_428 : i32
        %add3A_430 = vector.broadcast %mul3A_429 : i32 to vector<16xi32>
        %add3A_431 = arith.addi %shift_right_logical3A_193, %add3A_430 : vector<16xi32>
        tpu.vector_store_idx %arg9[%add3A_431, %and3A_98], %get3A_427 : memref<112x128xf32, #tpu.memory_space<vmem>>[vector<16xi32>, vector<16xi32>], vector<16xf32>,
      }
      %scan3A_271 = arith.constant 4 : i32
      "tpu.region"() ({
        %run_scoped3A = tpu.sem_alloc : memref<!tpu.dma_semaphore, #tpu.memory_space<semaphore_mem>>
        %dma_start3A_272 = arith.constant 0 : i32
        %dma_start3A_273 = arith.constant 0 : i32
        %dma_start3A_274 = tpu.memref_slice %arg9[%dma_start3A_272, %dma_start3A_273] : memref<112x128xf32, #tpu.memory_space<vmem>> -> memref<8x128xf32, #tpu.memory_space<vmem>>
        %dma_start3A_275 = arith.constant 124992 : i32
        %dma_start3A_276 = arith.constant 0 : i32
        %dma_start3A_277 = tpu.memref_slice %arg4[%dma_start3A_275, %dma_start3A_276] : memref<125000x128xf32, #tpu.memory_space<hbm>> -> memref<8x128xf32, #tpu.memory_space<hbm>>
        %dma_start3A_278 = arith.constant 124992 : i32
        %dma_start3A_279 = arith.constant 0 : i32
        %dma_start3A_280 = tpu.memref_slice %arg4[%dma_start3A_278, %dma_start3A_279] : memref<125000x128xf32, #tpu.memory_space<hbm>> -> memref<8x128xf32, #tpu.memory_space<hbm>>
        %dma_start3A_281 = arith.constant 0 : i32
        %dma_start3A_282 = arith.constant 0 : i32
        %dma_start3A_283 = tpu.memref_slice %arg9[%dma_start3A_281, %dma_start3A_282] : memref<112x128xf32, #tpu.memory_space<vmem>> -> memref<8x128xf32, #tpu.memory_space<vmem>>
        tpu.enqueue_dma source(%dma_start3A_283 : memref<8x128xf32, #tpu.memory_space<vmem>>) target(%dma_start3A_280 : memref<8x128xf32, #tpu.memory_space<hbm>>) target_semaphore(%run_scoped3A : memref<!tpu.dma_semaphore, #tpu.memory_space<semaphore_mem>>)
        %dma_wait3A_284 = arith.constant 0 : i32
        %dma_wait3A_285 = arith.constant 0 : i32
        %dma_wait3A_286 = tpu.memref_slice %arg9[%dma_wait3A_284, %dma_wait3A_285] : memref<112x128xf32, #tpu.memory_space<vmem>> -> memref<8x128xf32, #tpu.memory_space<vmem>>
        %dma_wait3A_287 = arith.constant 124992 : i32
        %dma_wait3A_288 = arith.constant 0 : i32
        %dma_wait3A_289 = tpu.memref_slice %arg4[%dma_wait3A_287, %dma_wait3A_288] : memref<125000x128xf32, #tpu.memory_space<hbm>> -> memref<8x128xf32, #tpu.memory_space<hbm>>
        %dma_wait3A_290 = arith.constant 124992 : i32
        %dma_wait3A_291 = arith.constant 0 : i32
        %dma_wait3A_292 = tpu.memref_slice %arg4[%dma_wait3A_290, %dma_wait3A_291] : memref<125000x128xf32, #tpu.memory_space<hbm>> -> memref<8x128xf32, #tpu.memory_space<hbm>>
        %dma_wait3A_293 = arith.constant 0 : i32
        %dma_wait3A_294 = arith.constant 0 : i32
        %dma_wait3A_295 = tpu.memref_slice %arg9[%dma_wait3A_293, %dma_wait3A_294] : memref<112x128xf32, #tpu.memory_space<vmem>> -> memref<8x128xf32, #tpu.memory_space<vmem>>
        tpu.wait_dma2 semaphore(%run_scoped3A : memref<!tpu.dma_semaphore, #tpu.memory_space<semaphore_mem>>) src(%dma_wait3A_295 : memref<8x128xf32, #tpu.memory_space<vmem>>) dst(%dma_wait3A_292 : memref<8x128xf32, #tpu.memory_space<hbm>>)
        tpu.yield
      }) : () -> ()
    } else {
    }
    %add3A_227 = arith.constant 0 : i32
    %add3A_228 = arith.addi %add3A, %add3A_227 : i32
    %mul3A_229 = arith.constant 896 : i32
    %mul3A_230 = arith.muli %add3A_228, %mul3A_229 : i32
    %dma_start3A_231 = arith.constant 0 : i32
    %dma_start3A_232 = tpu.memref_slice %arg3[%dma_start3A_231, %mul3A_230] : memref<16x1000000xf32, #tpu.memory_space<hbm>> -> memref<16x896xf32, #tpu.memory_space<hbm>>
    %dma_start3A_233 = arith.constant 0 : i32
    %dma_start3A_234 = tpu.memref_slice %arg3[%dma_start3A_233, %mul3A_230] : memref<16x1000000xf32, #tpu.memory_space<hbm>> -> memref<16x896xf32, #tpu.memory_space<hbm>>
    tpu.enqueue_dma source(%dma_start3A_234 : memref<16x896xf32, #tpu.memory_space<hbm>>) target(%arg6 : memref<16x896xf32, #tpu.memory_space<vmem>>) target_semaphore(%arg11 : memref<!tpu.dma_semaphore, #tpu.memory_space<semaphore_mem>>)
    %add3A_235 = arith.constant 32 : i32
    %add3A_236 = arith.addi %add3A, %add3A_235 : i32
    %mul3A_237 = arith.constant 896 : i32
    %mul3A_238 = arith.muli %add3A_236, %mul3A_237 : i32
    %dma_start3A_239 = arith.constant 0 : i32
    %dma_start3A_240 = tpu.memref_slice %arg3[%dma_start3A_239, %mul3A_238] : memref<16x1000000xf32, #tpu.memory_space<hbm>> -> memref<16x896xf32, #tpu.memory_space<hbm>>
    %dma_start3A_241 = arith.constant 0 : i32
    %dma_start3A_242 = tpu.memref_slice %arg3[%dma_start3A_241, %mul3A_238] : memref<16x1000000xf32, #tpu.memory_space<hbm>> -> memref<16x896xf32, #tpu.memory_space<hbm>>
    tpu.enqueue_dma source(%dma_start3A_242 : memref<16x896xf32, #tpu.memory_space<hbm>>) target(%arg7 : memref<16x896xf32, #tpu.memory_space<vmem>>) target_semaphore(%arg12 : memref<!tpu.dma_semaphore, #tpu.memory_space<semaphore_mem>>)
    %scan3A_243 = arith.constant 0 : i32
    %scan3A_244 = arith.constant 0 : i32
    %scan3A_245 = arith.constant 18 : i32
    %scan3A_246 = arith.addi %scan3A_244, %scan3A_245 : i32
    %scan3A_247 = arith.constant 1 : i32
    scf.for %scan3A_266 = %scan3A_244 to %scan3A_246 step %scan3A_247  : i32 {
      %mul3A_267 = arith.constant 2 : i32
      %mul3A_268 = arith.muli %scan3A_266, %mul3A_267 : i32
      %add3A_269 = arith.constant 0 : i32
      %add3A_270 = arith.addi %mul3A_268, %add3A_269 : i32
      %mul3A_271 = arith.constant 32 : i32
      %mul3A_272 = arith.muli %mul3A_271, %add3A_270 : i32
      %add3A_273 = arith.addi %add3A, %mul3A_272 : i32
      %lt3A = arith.constant 1116 : i32
      %lt3A_274 = arith.cmpi slt, %add3A_273, %lt3A : i32
      %convert_element_type3A_275 = arith.extui %lt3A_274 : i1 to i32
      %cond3A_276 = arith.constant 0 : i32
      %cond3A_277 = arith.cmpi ne, %convert_element_type3A_275, %cond3A_276 : i32
      scf.if %cond3A_277 {
        %mul3A_290 = arith.constant 896 : i32
        %mul3A_291 = arith.muli %add3A_273, %mul3A_290 : i32
        %dma_wait3A_292 = arith.constant 0 : i32
        %dma_wait3A_293 = tpu.memref_slice %arg3[%dma_wait3A_292, %mul3A_291] : memref<16x1000000xf32, #tpu.memory_space<hbm>> -> memref<16x896xf32, #tpu.memory_space<hbm>>
        %dma_wait3A_294 = arith.constant 0 : i32
        %dma_wait3A_295 = tpu.memref_slice %arg3[%dma_wait3A_294, %mul3A_291] : memref<16x1000000xf32, #tpu.memory_space<hbm>> -> memref<16x896xf32, #tpu.memory_space<hbm>>
        tpu.wait_dma2 semaphore(%arg11 : memref<!tpu.dma_semaphore, #tpu.memory_space<semaphore_mem>>) src(%dma_wait3A_295 : memref<16x896xf32, #tpu.memory_space<hbm>>) dst(%arg6 : memref<16x896xf32, #tpu.memory_space<vmem>>)
        %ge3A = arith.constant 2 : i32
        %ge3A_296 = arith.cmpi sge, %add3A_270, %ge3A : i32
        %convert_element_type3A_297 = arith.extui %ge3A_296 : i1 to i32
        %cond3A_298 = arith.constant 0 : i32
        %cond3A_299 = arith.cmpi ne, %convert_element_type3A_297, %cond3A_298 : i32
        scf.if %cond3A_299 {
          %sub3A = arith.constant 64 : i32
          %sub3A_322 = arith.subi %add3A_273, %sub3A : i32
          %mul3A_323 = arith.constant 112 : i32
          %mul3A_324 = arith.muli %sub3A_322, %mul3A_323 : i32
          %dma_wait3A_325 = arith.constant 0 : i32
          %dma_wait3A_326 = tpu.memref_slice %arg5[%mul3A_324, %dma_wait3A_325] : memref<125000x128xf32, #tpu.memory_space<hbm>> -> memref<112x128xf32, #tpu.memory_space<hbm>>
          %dma_wait3A_327 = arith.constant 0 : i32
          %dma_wait3A_328 = tpu.memref_slice %arg5[%mul3A_324, %dma_wait3A_327] : memref<125000x128xf32, #tpu.memory_space<hbm>> -> memref<112x128xf32, #tpu.memory_space<hbm>>
          tpu.wait_dma2 semaphore(%arg13 : memref<!tpu.dma_semaphore, #tpu.memory_space<semaphore_mem>>) src(%arg9 : memref<112x128xf32, #tpu.memory_space<vmem>>) dst(%dma_wait3A_328 : memref<112x128xf32, #tpu.memory_space<hbm>>)
        } else {
        }
        %scan3A_300 = arith.constant 0 : i32
        %scan3A_301 = arith.constant 0 : i32
        %scan3A_302 = arith.constant 56 : i32
        %scan3A_303 = arith.addi %scan3A_301, %scan3A_302 : i32
        %scan3A_304 = arith.constant 1 : i32
        scf.for %scan3A_322 = %scan3A_301 to %scan3A_303 step %scan3A_304  : i32 {
          %mul3A_323 = arith.constant 16 : i32
          %mul3A_324 = arith.muli %scan3A_322, %mul3A_323 : i32
          %get3A = arith.constant 0 : i32
          %get3A_325 = arith.index_cast %get3A : i32 to index
          %get3A_326 = arith.index_cast %mul3A_324 : i32 to index
          %get3A_327 = tpu.vector_load %arg6[%get3A_325, %get3A_326] {strides = array<i32>} : memref<16x896xf32, #tpu.memory_space<vmem>>, vector<16xf32>,
          %mul3A_328 = arith.constant 2 : i32
          %mul3A_329 = arith.muli %scan3A_322, %mul3A_328 : i32
          %add3A_330 = vector.broadcast %mul3A_329 : i32 to vector<16xi32>
          %add3A_331 = arith.addi %shift_right_logical3A_103, %add3A_330 : vector<16xi32>
          tpu.vector_store_idx %arg9[%add3A_331, %and3A_8], %get3A_327 : memref<112x128xf32, #tpu.memory_space<vmem>>[vector<16xi32>, vector<16xi32>], vector<16xf32>,
          %mul3A_332 = arith.constant 16 : i32
          %mul3A_333 = arith.muli %scan3A_322, %mul3A_332 : i32
          %get3A_334 = arith.constant 1 : i32
          %get3A_335 = arith.index_cast %get3A_334 : i32 to index
          %get3A_336 = arith.index_cast %mul3A_333 : i32 to index
          %get3A_337 = tpu.vector_load %arg6[%get3A_335, %get3A_336] {strides = array<i32>} : memref<16x896xf32, #tpu.memory_space<vmem>>, vector<16xf32>,
          %mul3A_338 = arith.constant 2 : i32
          %mul3A_339 = arith.muli %scan3A_322, %mul3A_338 : i32
          %add3A_340 = vector.broadcast %mul3A_339 : i32 to vector<16xi32>
          %add3A_341 = arith.addi %shift_right_logical3A_109, %add3A_340 : vector<16xi32>
          tpu.vector_store_idx %arg9[%add3A_341, %and3A_14], %get3A_337 : memref<112x128xf32, #tpu.memory_space<vmem>>[vector<16xi32>, vector<16xi32>], vector<16xf32>,
          %mul3A_342 = arith.constant 16 : i32
          %mul3A_343 = arith.muli %scan3A_322, %mul3A_342 : i32
          %get3A_344 = arith.constant 2 : i32
          %get3A_345 = arith.index_cast %get3A_344 : i32 to index
          %get3A_346 = arith.index_cast %mul3A_343 : i32 to index
          %get3A_347 = tpu.vector_load %arg6[%get3A_345, %get3A_346] {strides = array<i32>} : memref<16x896xf32, #tpu.memory_space<vmem>>, vector<16xf32>,
          %mul3A_348 = arith.constant 2 : i32
          %mul3A_349 = arith.muli %scan3A_322, %mul3A_348 : i32
          %add3A_350 = vector.broadcast %mul3A_349 : i32 to vector<16xi32>
          %add3A_351 = arith.addi %shift_right_logical3A_115, %add3A_350 : vector<16xi32>
          tpu.vector_store_idx %arg9[%add3A_351, %and3A_20], %get3A_347 : memref<112x128xf32, #tpu.memory_space<vmem>>[vector<16xi32>, vector<16xi32>], vector<16xf32>,
          %mul3A_352 = arith.constant 16 : i32
          %mul3A_353 = arith.muli %scan3A_322, %mul3A_352 : i32
          %get3A_354 = arith.constant 3 : i32
          %get3A_355 = arith.index_cast %get3A_354 : i32 to index
          %get3A_356 = arith.index_cast %mul3A_353 : i32 to index
          %get3A_357 = tpu.vector_load %arg6[%get3A_355, %get3A_356] {strides = array<i32>} : memref<16x896xf32, #tpu.memory_space<vmem>>, vector<16xf32>,
          %mul3A_358 = arith.constant 2 : i32
          %mul3A_359 = arith.muli %scan3A_322, %mul3A_358 : i32
          %add3A_360 = vector.broadcast %mul3A_359 : i32 to vector<16xi32>
          %add3A_361 = arith.addi %shift_right_logical3A_121, %add3A_360 : vector<16xi32>
          tpu.vector_store_idx %arg9[%add3A_361, %and3A_26], %get3A_357 : memref<112x128xf32, #tpu.memory_space<vmem>>[vector<16xi32>, vector<16xi32>], vector<16xf32>,
          %mul3A_362 = arith.constant 16 : i32
          %mul3A_363 = arith.muli %scan3A_322, %mul3A_362 : i32
          %get3A_364 = arith.constant 4 : i32
          %get3A_365 = arith.index_cast %get3A_364 : i32 to index
          %get3A_366 = arith.index_cast %mul3A_363 : i32 to index
          %get3A_367 = tpu.vector_load %arg6[%get3A_365, %get3A_366] {strides = array<i32>} : memref<16x896xf32, #tpu.memory_space<vmem>>, vector<16xf32>,
          %mul3A_368 = arith.constant 2 : i32
          %mul3A_369 = arith.muli %scan3A_322, %mul3A_368 : i32
          %add3A_370 = vector.broadcast %mul3A_369 : i32 to vector<16xi32>
          %add3A_371 = arith.addi %shift_right_logical3A_127, %add3A_370 : vector<16xi32>
          tpu.vector_store_idx %arg9[%add3A_371, %and3A_32], %get3A_367 : memref<112x128xf32, #tpu.memory_space<vmem>>[vector<16xi32>, vector<16xi32>], vector<16xf32>,
          %mul3A_372 = arith.constant 16 : i32
          %mul3A_373 = arith.muli %scan3A_322, %mul3A_372 : i32
          %get3A_374 = arith.constant 5 : i32
          %get3A_375 = arith.index_cast %get3A_374 : i32 to index
          %get3A_376 = arith.index_cast %mul3A_373 : i32 to index
          %get3A_377 = tpu.vector_load %arg6[%get3A_375, %get3A_376] {strides = array<i32>} : memref<16x896xf32, #tpu.memory_space<vmem>>, vector<16xf32>,
          %mul3A_378 = arith.constant 2 : i32
          %mul3A_379 = arith.muli %scan3A_322, %mul3A_378 : i32
          %add3A_380 = vector.broadcast %mul3A_379 : i32 to vector<16xi32>
          %add3A_381 = arith.addi %shift_right_logical3A_133, %add3A_380 : vector<16xi32>
          tpu.vector_store_idx %arg9[%add3A_381, %and3A_38], %get3A_377 : memref<112x128xf32, #tpu.memory_space<vmem>>[vector<16xi32>, vector<16xi32>], vector<16xf32>,
          %mul3A_382 = arith.constant 16 : i32
          %mul3A_383 = arith.muli %scan3A_322, %mul3A_382 : i32
          %get3A_384 = arith.constant 6 : i32
          %get3A_385 = arith.index_cast %get3A_384 : i32 to index
          %get3A_386 = arith.index_cast %mul3A_383 : i32 to index
          %get3A_387 = tpu.vector_load %arg6[%get3A_385, %get3A_386] {strides = array<i32>} : memref<16x896xf32, #tpu.memory_space<vmem>>, vector<16xf32>,
          %mul3A_388 = arith.constant 2 : i32
          %mul3A_389 = arith.muli %scan3A_322, %mul3A_388 : i32
          %add3A_390 = vector.broadcast %mul3A_389 : i32 to vector<16xi32>
          %add3A_391 = arith.addi %shift_right_logical3A_139, %add3A_390 : vector<16xi32>
          tpu.vector_store_idx %arg9[%add3A_391, %and3A_44], %get3A_387 : memref<112x128xf32, #tpu.memory_space<vmem>>[vector<16xi32>, vector<16xi32>], vector<16xf32>,
          %mul3A_392 = arith.constant 16 : i32
          %mul3A_393 = arith.muli %scan3A_322, %mul3A_392 : i32
          %get3A_394 = arith.constant 7 : i32
          %get3A_395 = arith.index_cast %get3A_394 : i32 to index
          %get3A_396 = arith.index_cast %mul3A_393 : i32 to index
          %get3A_397 = tpu.vector_load %arg6[%get3A_395, %get3A_396] {strides = array<i32>} : memref<16x896xf32, #tpu.memory_space<vmem>>, vector<16xf32>,
          %mul3A_398 = arith.constant 2 : i32
          %mul3A_399 = arith.muli %scan3A_322, %mul3A_398 : i32
          %add3A_400 = vector.broadcast %mul3A_399 : i32 to vector<16xi32>
          %add3A_401 = arith.addi %shift_right_logical3A_145, %add3A_400 : vector<16xi32>
          tpu.vector_store_idx %arg9[%add3A_401, %and3A_50], %get3A_397 : memref<112x128xf32, #tpu.memory_space<vmem>>[vector<16xi32>, vector<16xi32>], vector<16xf32>,
          %mul3A_402 = arith.constant 16 : i32
          %mul3A_403 = arith.muli %scan3A_322, %mul3A_402 : i32
          %get3A_404 = arith.constant 8 : i32
          %get3A_405 = arith.index_cast %get3A_404 : i32 to index
          %get3A_406 = arith.index_cast %mul3A_403 : i32 to index
          %get3A_407 = tpu.vector_load %arg6[%get3A_405, %get3A_406] {strides = array<i32>} : memref<16x896xf32, #tpu.memory_space<vmem>>, vector<16xf32>,
          %mul3A_408 = arith.constant 2 : i32
          %mul3A_409 = arith.muli %scan3A_322, %mul3A_408 : i32
          %add3A_410 = vector.broadcast %mul3A_409 : i32 to vector<16xi32>
          %add3A_411 = arith.addi %shift_right_logical3A_151, %add3A_410 : vector<16xi32>
          tpu.vector_store_idx %arg9[%add3A_411, %and3A_56], %get3A_407 : memref<112x128xf32, #tpu.memory_space<vmem>>[vector<16xi32>, vector<16xi32>], vector<16xf32>,
          %mul3A_412 = arith.constant 16 : i32
          %mul3A_413 = arith.muli %scan3A_322, %mul3A_412 : i32
          %get3A_414 = arith.constant 9 : i32
          %get3A_415 = arith.index_cast %get3A_414 : i32 to index
          %get3A_416 = arith.index_cast %mul3A_413 : i32 to index
          %get3A_417 = tpu.vector_load %arg6[%get3A_415, %get3A_416] {strides = array<i32>} : memref<16x896xf32, #tpu.memory_space<vmem>>, vector<16xf32>,
          %mul3A_418 = arith.constant 2 : i32
          %mul3A_419 = arith.muli %scan3A_322, %mul3A_418 : i32
          %add3A_420 = vector.broadcast %mul3A_419 : i32 to vector<16xi32>
          %add3A_421 = arith.addi %shift_right_logical3A_157, %add3A_420 : vector<16xi32>
          tpu.vector_store_idx %arg9[%add3A_421, %and3A_62], %get3A_417 : memref<112x128xf32, #tpu.memory_space<vmem>>[vector<16xi32>, vector<16xi32>], vector<16xf32>,
          %mul3A_422 = arith.constant 16 : i32
          %mul3A_423 = arith.muli %scan3A_322, %mul3A_422 : i32
          %get3A_424 = arith.constant 10 : i32
          %get3A_425 = arith.index_cast %get3A_424 : i32 to index
          %get3A_426 = arith.index_cast %mul3A_423 : i32 to index
          %get3A_427 = tpu.vector_load %arg6[%get3A_425, %get3A_426] {strides = array<i32>} : memref<16x896xf32, #tpu.memory_space<vmem>>, vector<16xf32>,
          %mul3A_428 = arith.constant 2 : i32
          %mul3A_429 = arith.muli %scan3A_322, %mul3A_428 : i32
          %add3A_430 = vector.broadcast %mul3A_429 : i32 to vector<16xi32>
          %add3A_431 = arith.addi %shift_right_logical3A_163, %add3A_430 : vector<16xi32>
          tpu.vector_store_idx %arg9[%add3A_431, %and3A_68], %get3A_427 : memref<112x128xf32, #tpu.memory_space<vmem>>[vector<16xi32>, vector<16xi32>], vector<16xf32>,
          %mul3A_432 = arith.constant 16 : i32
          %mul3A_433 = arith.muli %scan3A_322, %mul3A_432 : i32
          %get3A_434 = arith.constant 11 : i32
          %get3A_435 = arith.index_cast %get3A_434 : i32 to index
          %get3A_436 = arith.index_cast %mul3A_433 : i32 to index
          %get3A_437 = tpu.vector_load %arg6[%get3A_435, %get3A_436] {strides = array<i32>} : memref<16x896xf32, #tpu.memory_space<vmem>>, vector<16xf32>,
          %mul3A_438 = arith.constant 2 : i32
          %mul3A_439 = arith.muli %scan3A_322, %mul3A_438 : i32
          %add3A_440 = vector.broadcast %mul3A_439 : i32 to vector<16xi32>
          %add3A_441 = arith.addi %shift_right_logical3A_169, %add3A_440 : vector<16xi32>
          tpu.vector_store_idx %arg9[%add3A_441, %and3A_74], %get3A_437 : memref<112x128xf32, #tpu.memory_space<vmem>>[vector<16xi32>, vector<16xi32>], vector<16xf32>,
          %mul3A_442 = arith.constant 16 : i32
          %mul3A_443 = arith.muli %scan3A_322, %mul3A_442 : i32
          %get3A_444 = arith.constant 12 : i32
          %get3A_445 = arith.index_cast %get3A_444 : i32 to index
          %get3A_446 = arith.index_cast %mul3A_443 : i32 to index
          %get3A_447 = tpu.vector_load %arg6[%get3A_445, %get3A_446] {strides = array<i32>} : memref<16x896xf32, #tpu.memory_space<vmem>>, vector<16xf32>,
          %mul3A_448 = arith.constant 2 : i32
          %mul3A_449 = arith.muli %scan3A_322, %mul3A_448 : i32
          %add3A_450 = vector.broadcast %mul3A_449 : i32 to vector<16xi32>
          %add3A_451 = arith.addi %shift_right_logical3A_175, %add3A_450 : vector<16xi32>
          tpu.vector_store_idx %arg9[%add3A_451, %and3A_80], %get3A_447 : memref<112x128xf32, #tpu.memory_space<vmem>>[vector<16xi32>, vector<16xi32>], vector<16xf32>,
          %mul3A_452 = arith.constant 16 : i32
          %mul3A_453 = arith.muli %scan3A_322, %mul3A_452 : i32
          %get3A_454 = arith.constant 13 : i32
          %get3A_455 = arith.index_cast %get3A_454 : i32 to index
          %get3A_456 = arith.index_cast %mul3A_453 : i32 to index
          %get3A_457 = tpu.vector_load %arg6[%get3A_455, %get3A_456] {strides = array<i32>} : memref<16x896xf32, #tpu.memory_space<vmem>>, vector<16xf32>,
          %mul3A_458 = arith.constant 2 : i32
          %mul3A_459 = arith.muli %scan3A_322, %mul3A_458 : i32
          %add3A_460 = vector.broadcast %mul3A_459 : i32 to vector<16xi32>
          %add3A_461 = arith.addi %shift_right_logical3A_181, %add3A_460 : vector<16xi32>
          tpu.vector_store_idx %arg9[%add3A_461, %and3A_86], %get3A_457 : memref<112x128xf32, #tpu.memory_space<vmem>>[vector<16xi32>, vector<16xi32>], vector<16xf32>,
          %mul3A_462 = arith.constant 16 : i32
          %mul3A_463 = arith.muli %scan3A_322, %mul3A_462 : i32
          %get3A_464 = arith.constant 14 : i32
          %get3A_465 = arith.index_cast %get3A_464 : i32 to index
          %get3A_466 = arith.index_cast %mul3A_463 : i32 to index
          %get3A_467 = tpu.vector_load %arg6[%get3A_465, %get3A_466] {strides = array<i32>} : memref<16x896xf32, #tpu.memory_space<vmem>>, vector<16xf32>,
          %mul3A_468 = arith.constant 2 : i32
          %mul3A_469 = arith.muli %scan3A_322, %mul3A_468 : i32
          %add3A_470 = vector.broadcast %mul3A_469 : i32 to vector<16xi32>
          %add3A_471 = arith.addi %shift_right_logical3A_187, %add3A_470 : vector<16xi32>
          tpu.vector_store_idx %arg9[%add3A_471, %and3A_92], %get3A_467 : memref<112x128xf32, #tpu.memory_space<vmem>>[vector<16xi32>, vector<16xi32>], vector<16xf32>,
          %mul3A_472 = arith.constant 16 : i32
          %mul3A_473 = arith.muli %scan3A_322, %mul3A_472 : i32
          %get3A_474 = arith.constant 15 : i32
          %get3A_475 = arith.index_cast %get3A_474 : i32 to index
          %get3A_476 = arith.index_cast %mul3A_473 : i32 to index
          %get3A_477 = tpu.vector_load %arg6[%get3A_475, %get3A_476] {strides = array<i32>} : memref<16x896xf32, #tpu.memory_space<vmem>>, vector<16xf32>,
          %mul3A_478 = arith.constant 2 : i32
          %mul3A_479 = arith.muli %scan3A_322, %mul3A_478 : i32
          %add3A_480 = vector.broadcast %mul3A_479 : i32 to vector<16xi32>
          %add3A_481 = arith.addi %shift_right_logical3A_193, %add3A_480 : vector<16xi32>
          tpu.vector_store_idx %arg9[%add3A_481, %and3A_98], %get3A_477 : memref<112x128xf32, #tpu.memory_space<vmem>>[vector<16xi32>, vector<16xi32>], vector<16xf32>,
        }
        %scan3A_305 = arith.constant 56 : i32
        %mul3A_306 = arith.constant 112 : i32
        %mul3A_307 = arith.muli %add3A_273, %mul3A_306 : i32
        %dma_start3A_308 = arith.constant 0 : i32
        %dma_start3A_309 = tpu.memref_slice %arg5[%mul3A_307, %dma_start3A_308] : memref<125000x128xf32, #tpu.memory_space<hbm>> -> memref<112x128xf32, #tpu.memory_space<hbm>>
        %dma_start3A_310 = arith.constant 0 : i32
        %dma_start3A_311 = tpu.memref_slice %arg5[%mul3A_307, %dma_start3A_310] : memref<125000x128xf32, #tpu.memory_space<hbm>> -> memref<112x128xf32, #tpu.memory_space<hbm>>
        tpu.enqueue_dma source(%arg9 : memref<112x128xf32, #tpu.memory_space<vmem>>) target(%dma_start3A_311 : memref<112x128xf32, #tpu.memory_space<hbm>>) target_semaphore(%arg13 : memref<!tpu.dma_semaphore, #tpu.memory_space<semaphore_mem>>)
        %add3A_312 = arith.constant 2 : i32
        %add3A_313 = arith.addi %add3A_270, %add3A_312 : i32
        %mul3A_314 = arith.constant 32 : i32
        %mul3A_315 = arith.muli %mul3A_314, %add3A_313 : i32
        %add3A_316 = arith.addi %add3A, %mul3A_315 : i32
        %lt3A_317 = arith.constant 1116 : i32
        %lt3A_318 = arith.cmpi slt, %add3A_316, %lt3A_317 : i32
        %convert_element_type3A_319 = arith.extui %lt3A_318 : i1 to i32
        %cond3A_320 = arith.constant 0 : i32
        %cond3A_321 = arith.cmpi ne, %convert_element_type3A_319, %cond3A_320 : i32
        scf.if %cond3A_321 {
          %mul3A_322 = arith.constant 896 : i32
          %mul3A_323 = arith.muli %add3A_316, %mul3A_322 : i32
          %dma_start3A_324 = arith.constant 0 : i32
          %dma_start3A_325 = tpu.memref_slice %arg3[%dma_start3A_324, %mul3A_323] : memref<16x1000000xf32, #tpu.memory_space<hbm>> -> memref<16x896xf32, #tpu.memory_space<hbm>>
          %dma_start3A_326 = arith.constant 0 : i32
          %dma_start3A_327 = tpu.memref_slice %arg3[%dma_start3A_326, %mul3A_323] : memref<16x1000000xf32, #tpu.memory_space<hbm>> -> memref<16x896xf32, #tpu.memory_space<hbm>>
          tpu.enqueue_dma source(%dma_start3A_327 : memref<16x896xf32, #tpu.memory_space<hbm>>) target(%arg6 : memref<16x896xf32, #tpu.memory_space<vmem>>) target_semaphore(%arg11 : memref<!tpu.dma_semaphore, #tpu.memory_space<semaphore_mem>>)
        } else {
        }
      } else {
      }
      %mul3A_278 = arith.constant 2 : i32
      %mul3A_279 = arith.muli %scan3A_266, %mul3A_278 : i32
      %add3A_280 = arith.constant 1 : i32
      %add3A_281 = arith.addi %mul3A_279, %add3A_280 : i32
      %mul3A_282 = arith.constant 32 : i32
      %mul3A_283 = arith.muli %mul3A_282, %add3A_281 : i32
      %add3A_284 = arith.addi %add3A, %mul3A_283 : i32
      %lt3A_285 = arith.constant 1116 : i32
      %lt3A_286 = arith.cmpi slt, %add3A_284, %lt3A_285 : i32
      %convert_element_type3A_287 = arith.extui %lt3A_286 : i1 to i32
      %cond3A_288 = arith.constant 0 : i32
      %cond3A_289 = arith.cmpi ne, %convert_element_type3A_287, %cond3A_288 : i32
      scf.if %cond3A_289 {
        %mul3A_290 = arith.constant 896 : i32
        %mul3A_291 = arith.muli %add3A_284, %mul3A_290 : i32
        %dma_wait3A_292 = arith.constant 0 : i32
        %dma_wait3A_293 = tpu.memref_slice %arg3[%dma_wait3A_292, %mul3A_291] : memref<16x1000000xf32, #tpu.memory_space<hbm>> -> memref<16x896xf32, #tpu.memory_space<hbm>>
        %dma_wait3A_294 = arith.constant 0 : i32
        %dma_wait3A_295 = tpu.memref_slice %arg3[%dma_wait3A_294, %mul3A_291] : memref<16x1000000xf32, #tpu.memory_space<hbm>> -> memref<16x896xf32, #tpu.memory_space<hbm>>
        tpu.wait_dma2 semaphore(%arg12 : memref<!tpu.dma_semaphore, #tpu.memory_space<semaphore_mem>>) src(%dma_wait3A_295 : memref<16x896xf32, #tpu.memory_space<hbm>>) dst(%arg7 : memref<16x896xf32, #tpu.memory_space<vmem>>)
        %ge3A = arith.constant 2 : i32
        %ge3A_296 = arith.cmpi sge, %add3A_281, %ge3A : i32
        %convert_element_type3A_297 = arith.extui %ge3A_296 : i1 to i32
        %cond3A_298 = arith.constant 0 : i32
        %cond3A_299 = arith.cmpi ne, %convert_element_type3A_297, %cond3A_298 : i32
        scf.if %cond3A_299 {
          %sub3A = arith.constant 64 : i32
          %sub3A_322 = arith.subi %add3A_284, %sub3A : i32
          %mul3A_323 = arith.constant 112 : i32
          %mul3A_324 = arith.muli %sub3A_322, %mul3A_323 : i32
          %dma_wait3A_325 = arith.constant 0 : i32
          %dma_wait3A_326 = tpu.memref_slice %arg5[%mul3A_324, %dma_wait3A_325] : memref<125000x128xf32, #tpu.memory_space<hbm>> -> memref<112x128xf32, #tpu.memory_space<hbm>>
          %dma_wait3A_327 = arith.constant 0 : i32
          %dma_wait3A_328 = tpu.memref_slice %arg5[%mul3A_324, %dma_wait3A_327] : memref<125000x128xf32, #tpu.memory_space<hbm>> -> memref<112x128xf32, #tpu.memory_space<hbm>>
          tpu.wait_dma2 semaphore(%arg14 : memref<!tpu.dma_semaphore, #tpu.memory_space<semaphore_mem>>) src(%arg10 : memref<112x128xf32, #tpu.memory_space<vmem>>) dst(%dma_wait3A_328 : memref<112x128xf32, #tpu.memory_space<hbm>>)
        } else {
        }
        %scan3A_300 = arith.constant 0 : i32
        %scan3A_301 = arith.constant 0 : i32
        %scan3A_302 = arith.constant 56 : i32
        %scan3A_303 = arith.addi %scan3A_301, %scan3A_302 : i32
        %scan3A_304 = arith.constant 1 : i32
        scf.for %scan3A_322 = %scan3A_301 to %scan3A_303 step %scan3A_304  : i32 {
          %mul3A_323 = arith.constant 16 : i32
          %mul3A_324 = arith.muli %scan3A_322, %mul3A_323 : i32
          %get3A = arith.constant 0 : i32
          %get3A_325 = arith.index_cast %get3A : i32 to index
          %get3A_326 = arith.index_cast %mul3A_324 : i32 to index
          %get3A_327 = tpu.vector_load %arg7[%get3A_325, %get3A_326] {strides = array<i32>} : memref<16x896xf32, #tpu.memory_space<vmem>>, vector<16xf32>,
          %mul3A_328 = arith.constant 2 : i32
          %mul3A_329 = arith.muli %scan3A_322, %mul3A_328 : i32
          %add3A_330 = vector.broadcast %mul3A_329 : i32 to vector<16xi32>
          %add3A_331 = arith.addi %shift_right_logical3A_103, %add3A_330 : vector<16xi32>
          tpu.vector_store_idx %arg10[%add3A_331, %and3A_8], %get3A_327 : memref<112x128xf32, #tpu.memory_space<vmem>>[vector<16xi32>, vector<16xi32>], vector<16xf32>,
          %mul3A_332 = arith.constant 16 : i32
          %mul3A_333 = arith.muli %scan3A_322, %mul3A_332 : i32
          %get3A_334 = arith.constant 1 : i32
          %get3A_335 = arith.index_cast %get3A_334 : i32 to index
          %get3A_336 = arith.index_cast %mul3A_333 : i32 to index
          %get3A_337 = tpu.vector_load %arg7[%get3A_335, %get3A_336] {strides = array<i32>} : memref<16x896xf32, #tpu.memory_space<vmem>>, vector<16xf32>,
          %mul3A_338 = arith.constant 2 : i32
          %mul3A_339 = arith.muli %scan3A_322, %mul3A_338 : i32
          %add3A_340 = vector.broadcast %mul3A_339 : i32 to vector<16xi32>
          %add3A_341 = arith.addi %shift_right_logical3A_109, %add3A_340 : vector<16xi32>
          tpu.vector_store_idx %arg10[%add3A_341, %and3A_14], %get3A_337 : memref<112x128xf32, #tpu.memory_space<vmem>>[vector<16xi32>, vector<16xi32>], vector<16xf32>,
          %mul3A_342 = arith.constant 16 : i32
          %mul3A_343 = arith.muli %scan3A_322, %mul3A_342 : i32
          %get3A_344 = arith.constant 2 : i32
          %get3A_345 = arith.index_cast %get3A_344 : i32 to index
          %get3A_346 = arith.index_cast %mul3A_343 : i32 to index
          %get3A_347 = tpu.vector_load %arg7[%get3A_345, %get3A_346] {strides = array<i32>} : memref<16x896xf32, #tpu.memory_space<vmem>>, vector<16xf32>,
          %mul3A_348 = arith.constant 2 : i32
          %mul3A_349 = arith.muli %scan3A_322, %mul3A_348 : i32
          %add3A_350 = vector.broadcast %mul3A_349 : i32 to vector<16xi32>
          %add3A_351 = arith.addi %shift_right_logical3A_115, %add3A_350 : vector<16xi32>
          tpu.vector_store_idx %arg10[%add3A_351, %and3A_20], %get3A_347 : memref<112x128xf32, #tpu.memory_space<vmem>>[vector<16xi32>, vector<16xi32>], vector<16xf32>,
          %mul3A_352 = arith.constant 16 : i32
          %mul3A_353 = arith.muli %scan3A_322, %mul3A_352 : i32
          %get3A_354 = arith.constant 3 : i32
          %get3A_355 = arith.index_cast %get3A_354 : i32 to index
          %get3A_356 = arith.index_cast %mul3A_353 : i32 to index
          %get3A_357 = tpu.vector_load %arg7[%get3A_355, %get3A_356] {strides = array<i32>} : memref<16x896xf32, #tpu.memory_space<vmem>>, vector<16xf32>,
          %mul3A_358 = arith.constant 2 : i32
          %mul3A_359 = arith.muli %scan3A_322, %mul3A_358 : i32
          %add3A_360 = vector.broadcast %mul3A_359 : i32 to vector<16xi32>
          %add3A_361 = arith.addi %shift_right_logical3A_121, %add3A_360 : vector<16xi32>
          tpu.vector_store_idx %arg10[%add3A_361, %and3A_26], %get3A_357 : memref<112x128xf32, #tpu.memory_space<vmem>>[vector<16xi32>, vector<16xi32>], vector<16xf32>,
          %mul3A_362 = arith.constant 16 : i32
          %mul3A_363 = arith.muli %scan3A_322, %mul3A_362 : i32
          %get3A_364 = arith.constant 4 : i32
          %get3A_365 = arith.index_cast %get3A_364 : i32 to index
          %get3A_366 = arith.index_cast %mul3A_363 : i32 to index
          %get3A_367 = tpu.vector_load %arg7[%get3A_365, %get3A_366] {strides = array<i32>} : memref<16x896xf32, #tpu.memory_space<vmem>>, vector<16xf32>,
          %mul3A_368 = arith.constant 2 : i32
          %mul3A_369 = arith.muli %scan3A_322, %mul3A_368 : i32
          %add3A_370 = vector.broadcast %mul3A_369 : i32 to vector<16xi32>
          %add3A_371 = arith.addi %shift_right_logical3A_127, %add3A_370 : vector<16xi32>
          tpu.vector_store_idx %arg10[%add3A_371, %and3A_32], %get3A_367 : memref<112x128xf32, #tpu.memory_space<vmem>>[vector<16xi32>, vector<16xi32>], vector<16xf32>,
          %mul3A_372 = arith.constant 16 : i32
          %mul3A_373 = arith.muli %scan3A_322, %mul3A_372 : i32
          %get3A_374 = arith.constant 5 : i32
          %get3A_375 = arith.index_cast %get3A_374 : i32 to index
          %get3A_376 = arith.index_cast %mul3A_373 : i32 to index
          %get3A_377 = tpu.vector_load %arg7[%get3A_375, %get3A_376] {strides = array<i32>} : memref<16x896xf32, #tpu.memory_space<vmem>>, vector<16xf32>,
          %mul3A_378 = arith.constant 2 : i32
          %mul3A_379 = arith.muli %scan3A_322, %mul3A_378 : i32
          %add3A_380 = vector.broadcast %mul3A_379 : i32 to vector<16xi32>
          %add3A_381 = arith.addi %shift_right_logical3A_133, %add3A_380 : vector<16xi32>
          tpu.vector_store_idx %arg10[%add3A_381, %and3A_38], %get3A_377 : memref<112x128xf32, #tpu.memory_space<vmem>>[vector<16xi32>, vector<16xi32>], vector<16xf32>,
          %mul3A_382 = arith.constant 16 : i32
          %mul3A_383 = arith.muli %scan3A_322, %mul3A_382 : i32
          %get3A_384 = arith.constant 6 : i32
          %get3A_385 = arith.index_cast %get3A_384 : i32 to index
          %get3A_386 = arith.index_cast %mul3A_383 : i32 to index
          %get3A_387 = tpu.vector_load %arg7[%get3A_385, %get3A_386] {strides = array<i32>} : memref<16x896xf32, #tpu.memory_space<vmem>>, vector<16xf32>,
          %mul3A_388 = arith.constant 2 : i32
          %mul3A_389 = arith.muli %scan3A_322, %mul3A_388 : i32
          %add3A_390 = vector.broadcast %mul3A_389 : i32 to vector<16xi32>
          %add3A_391 = arith.addi %shift_right_logical3A_139, %add3A_390 : vector<16xi32>
          tpu.vector_store_idx %arg10[%add3A_391, %and3A_44], %get3A_387 : memref<112x128xf32, #tpu.memory_space<vmem>>[vector<16xi32>, vector<16xi32>], vector<16xf32>,
          %mul3A_392 = arith.constant 16 : i32
          %mul3A_393 = arith.muli %scan3A_322, %mul3A_392 : i32
          %get3A_394 = arith.constant 7 : i32
          %get3A_395 = arith.index_cast %get3A_394 : i32 to index
          %get3A_396 = arith.index_cast %mul3A_393 : i32 to index
          %get3A_397 = tpu.vector_load %arg7[%get3A_395, %get3A_396] {strides = array<i32>} : memref<16x896xf32, #tpu.memory_space<vmem>>, vector<16xf32>,
          %mul3A_398 = arith.constant 2 : i32
          %mul3A_399 = arith.muli %scan3A_322, %mul3A_398 : i32
          %add3A_400 = vector.broadcast %mul3A_399 : i32 to vector<16xi32>
          %add3A_401 = arith.addi %shift_right_logical3A_145, %add3A_400 : vector<16xi32>
          tpu.vector_store_idx %arg10[%add3A_401, %and3A_50], %get3A_397 : memref<112x128xf32, #tpu.memory_space<vmem>>[vector<16xi32>, vector<16xi32>], vector<16xf32>,
          %mul3A_402 = arith.constant 16 : i32
          %mul3A_403 = arith.muli %scan3A_322, %mul3A_402 : i32
          %get3A_404 = arith.constant 8 : i32
          %get3A_405 = arith.index_cast %get3A_404 : i32 to index
          %get3A_406 = arith.index_cast %mul3A_403 : i32 to index
          %get3A_407 = tpu.vector_load %arg7[%get3A_405, %get3A_406] {strides = array<i32>} : memref<16x896xf32, #tpu.memory_space<vmem>>, vector<16xf32>,
          %mul3A_408 = arith.constant 2 : i32
          %mul3A_409 = arith.muli %scan3A_322, %mul3A_408 : i32
          %add3A_410 = vector.broadcast %mul3A_409 : i32 to vector<16xi32>
          %add3A_411 = arith.addi %shift_right_logical3A_151, %add3A_410 : vector<16xi32>
          tpu.vector_store_idx %arg10[%add3A_411, %and3A_56], %get3A_407 : memref<112x128xf32, #tpu.memory_space<vmem>>[vector<16xi32>, vector<16xi32>], vector<16xf32>,
          %mul3A_412 = arith.constant 16 : i32
          %mul3A_413 = arith.muli %scan3A_322, %mul3A_412 : i32
          %get3A_414 = arith.constant 9 : i32
          %get3A_415 = arith.index_cast %get3A_414 : i32 to index
          %get3A_416 = arith.index_cast %mul3A_413 : i32 to index
          %get3A_417 = tpu.vector_load %arg7[%get3A_415, %get3A_416] {strides = array<i32>} : memref<16x896xf32, #tpu.memory_space<vmem>>, vector<16xf32>,
          %mul3A_418 = arith.constant 2 : i32
          %mul3A_419 = arith.muli %scan3A_322, %mul3A_418 : i32
          %add3A_420 = vector.broadcast %mul3A_419 : i32 to vector<16xi32>
          %add3A_421 = arith.addi %shift_right_logical3A_157, %add3A_420 : vector<16xi32>
          tpu.vector_store_idx %arg10[%add3A_421, %and3A_62], %get3A_417 : memref<112x128xf32, #tpu.memory_space<vmem>>[vector<16xi32>, vector<16xi32>], vector<16xf32>,
          %mul3A_422 = arith.constant 16 : i32
          %mul3A_423 = arith.muli %scan3A_322, %mul3A_422 : i32
          %get3A_424 = arith.constant 10 : i32
          %get3A_425 = arith.index_cast %get3A_424 : i32 to index
          %get3A_426 = arith.index_cast %mul3A_423 : i32 to index
          %get3A_427 = tpu.vector_load %arg7[%get3A_425, %get3A_426] {strides = array<i32>} : memref<16x896xf32, #tpu.memory_space<vmem>>, vector<16xf32>,
          %mul3A_428 = arith.constant 2 : i32
          %mul3A_429 = arith.muli %scan3A_322, %mul3A_428 : i32
          %add3A_430 = vector.broadcast %mul3A_429 : i32 to vector<16xi32>
          %add3A_431 = arith.addi %shift_right_logical3A_163, %add3A_430 : vector<16xi32>
          tpu.vector_store_idx %arg10[%add3A_431, %and3A_68], %get3A_427 : memref<112x128xf32, #tpu.memory_space<vmem>>[vector<16xi32>, vector<16xi32>], vector<16xf32>,
          %mul3A_432 = arith.constant 16 : i32
          %mul3A_433 = arith.muli %scan3A_322, %mul3A_432 : i32
          %get3A_434 = arith.constant 11 : i32
          %get3A_435 = arith.index_cast %get3A_434 : i32 to index
          %get3A_436 = arith.index_cast %mul3A_433 : i32 to index
          %get3A_437 = tpu.vector_load %arg7[%get3A_435, %get3A_436] {strides = array<i32>} : memref<16x896xf32, #tpu.memory_space<vmem>>, vector<16xf32>,
          %mul3A_438 = arith.constant 2 : i32
          %mul3A_439 = arith.muli %scan3A_322, %mul3A_438 : i32
          %add3A_440 = vector.broadcast %mul3A_439 : i32 to vector<16xi32>
          %add3A_441 = arith.addi %shift_right_logical3A_169, %add3A_440 : vector<16xi32>
          tpu.vector_store_idx %arg10[%add3A_441, %and3A_74], %get3A_437 : memref<112x128xf32, #tpu.memory_space<vmem>>[vector<16xi32>, vector<16xi32>], vector<16xf32>,
          %mul3A_442 = arith.constant 16 : i32
          %mul3A_443 = arith.muli %scan3A_322, %mul3A_442 : i32
          %get3A_444 = arith.constant 12 : i32
          %get3A_445 = arith.index_cast %get3A_444 : i32 to index
          %get3A_446 = arith.index_cast %mul3A_443 : i32 to index
          %get3A_447 = tpu.vector_load %arg7[%get3A_445, %get3A_446] {strides = array<i32>} : memref<16x896xf32, #tpu.memory_space<vmem>>, vector<16xf32>,
          %mul3A_448 = arith.constant 2 : i32
          %mul3A_449 = arith.muli %scan3A_322, %mul3A_448 : i32
          %add3A_450 = vector.broadcast %mul3A_449 : i32 to vector<16xi32>
          %add3A_451 = arith.addi %shift_right_logical3A_175, %add3A_450 : vector<16xi32>
          tpu.vector_store_idx %arg10[%add3A_451, %and3A_80], %get3A_447 : memref<112x128xf32, #tpu.memory_space<vmem>>[vector<16xi32>, vector<16xi32>], vector<16xf32>,
          %mul3A_452 = arith.constant 16 : i32
          %mul3A_453 = arith.muli %scan3A_322, %mul3A_452 : i32
          %get3A_454 = arith.constant 13 : i32
          %get3A_455 = arith.index_cast %get3A_454 : i32 to index
          %get3A_456 = arith.index_cast %mul3A_453 : i32 to index
          %get3A_457 = tpu.vector_load %arg7[%get3A_455, %get3A_456] {strides = array<i32>} : memref<16x896xf32, #tpu.memory_space<vmem>>, vector<16xf32>,
          %mul3A_458 = arith.constant 2 : i32
          %mul3A_459 = arith.muli %scan3A_322, %mul3A_458 : i32
          %add3A_460 = vector.broadcast %mul3A_459 : i32 to vector<16xi32>
          %add3A_461 = arith.addi %shift_right_logical3A_181, %add3A_460 : vector<16xi32>
          tpu.vector_store_idx %arg10[%add3A_461, %and3A_86], %get3A_457 : memref<112x128xf32, #tpu.memory_space<vmem>>[vector<16xi32>, vector<16xi32>], vector<16xf32>,
          %mul3A_462 = arith.constant 16 : i32
          %mul3A_463 = arith.muli %scan3A_322, %mul3A_462 : i32
          %get3A_464 = arith.constant 14 : i32
          %get3A_465 = arith.index_cast %get3A_464 : i32 to index
          %get3A_466 = arith.index_cast %mul3A_463 : i32 to index
          %get3A_467 = tpu.vector_load %arg7[%get3A_465, %get3A_466] {strides = array<i32>} : memref<16x896xf32, #tpu.memory_space<vmem>>, vector<16xf32>,
          %mul3A_468 = arith.constant 2 : i32
          %mul3A_469 = arith.muli %scan3A_322, %mul3A_468 : i32
          %add3A_470 = vector.broadcast %mul3A_469 : i32 to vector<16xi32>
          %add3A_471 = arith.addi %shift_right_logical3A_187, %add3A_470 : vector<16xi32>
          tpu.vector_store_idx %arg10[%add3A_471, %and3A_92], %get3A_467 : memref<112x128xf32, #tpu.memory_space<vmem>>[vector<16xi32>, vector<16xi32>], vector<16xf32>,
          %mul3A_472 = arith.constant 16 : i32
          %mul3A_473 = arith.muli %scan3A_322, %mul3A_472 : i32
          %get3A_474 = arith.constant 15 : i32
          %get3A_475 = arith.index_cast %get3A_474 : i32 to index
          %get3A_476 = arith.index_cast %mul3A_473 : i32 to index
          %get3A_477 = tpu.vector_load %arg7[%get3A_475, %get3A_476] {strides = array<i32>} : memref<16x896xf32, #tpu.memory_space<vmem>>, vector<16xf32>,
          %mul3A_478 = arith.constant 2 : i32
          %mul3A_479 = arith.muli %scan3A_322, %mul3A_478 : i32
          %add3A_480 = vector.broadcast %mul3A_479 : i32 to vector<16xi32>
          %add3A_481 = arith.addi %shift_right_logical3A_193, %add3A_480 : vector<16xi32>
          tpu.vector_store_idx %arg10[%add3A_481, %and3A_98], %get3A_477 : memref<112x128xf32, #tpu.memory_space<vmem>>[vector<16xi32>, vector<16xi32>], vector<16xf32>,
        }
        %scan3A_305 = arith.constant 56 : i32
        %mul3A_306 = arith.constant 112 : i32
        %mul3A_307 = arith.muli %add3A_284, %mul3A_306 : i32
        %dma_start3A_308 = arith.constant 0 : i32
        %dma_start3A_309 = tpu.memref_slice %arg5[%mul3A_307, %dma_start3A_308] : memref<125000x128xf32, #tpu.memory_space<hbm>> -> memref<112x128xf32, #tpu.memory_space<hbm>>
        %dma_start3A_310 = arith.constant 0 : i32
        %dma_start3A_311 = tpu.memref_slice %arg5[%mul3A_307, %dma_start3A_310] : memref<125000x128xf32, #tpu.memory_space<hbm>> -> memref<112x128xf32, #tpu.memory_space<hbm>>
        tpu.enqueue_dma source(%arg10 : memref<112x128xf32, #tpu.memory_space<vmem>>) target(%dma_start3A_311 : memref<112x128xf32, #tpu.memory_space<hbm>>) target_semaphore(%arg14 : memref<!tpu.dma_semaphore, #tpu.memory_space<semaphore_mem>>)
        %add3A_312 = arith.constant 2 : i32
        %add3A_313 = arith.addi %add3A_281, %add3A_312 : i32
        %mul3A_314 = arith.constant 32 : i32
        %mul3A_315 = arith.muli %mul3A_314, %add3A_313 : i32
        %add3A_316 = arith.addi %add3A, %mul3A_315 : i32
        %lt3A_317 = arith.constant 1116 : i32
        %lt3A_318 = arith.cmpi slt, %add3A_316, %lt3A_317 : i32
        %convert_element_type3A_319 = arith.extui %lt3A_318 : i1 to i32
        %cond3A_320 = arith.constant 0 : i32
        %cond3A_321 = arith.cmpi ne, %convert_element_type3A_319, %cond3A_320 : i32
        scf.if %cond3A_321 {
          %mul3A_322 = arith.constant 896 : i32
          %mul3A_323 = arith.muli %add3A_316, %mul3A_322 : i32
          %dma_start3A_324 = arith.constant 0 : i32
          %dma_start3A_325 = tpu.memref_slice %arg3[%dma_start3A_324, %mul3A_323] : memref<16x1000000xf32, #tpu.memory_space<hbm>> -> memref<16x896xf32, #tpu.memory_space<hbm>>
          %dma_start3A_326 = arith.constant 0 : i32
          %dma_start3A_327 = tpu.memref_slice %arg3[%dma_start3A_326, %mul3A_323] : memref<16x1000000xf32, #tpu.memory_space<hbm>> -> memref<16x896xf32, #tpu.memory_space<hbm>>
          tpu.enqueue_dma source(%dma_start3A_327 : memref<16x896xf32, #tpu.memory_space<hbm>>) target(%arg7 : memref<16x896xf32, #tpu.memory_space<vmem>>) target_semaphore(%arg12 : memref<!tpu.dma_semaphore, #tpu.memory_space<semaphore_mem>>)
        } else {
        }
      } else {
      }
    }
    %scan3A_248 = arith.constant 18 : i32
    %dma_wait3A_249 = arith.constant 0 : i32
    %dma_wait3A_250 = arith.constant 0 : i32
    %dma_wait3A_251 = tpu.memref_slice %arg5[%dma_wait3A_249, %dma_wait3A_250] : memref<125000x128xf32, #tpu.memory_space<hbm>> -> memref<112x128xf32, #tpu.memory_space<hbm>>
    %dma_wait3A_252 = arith.constant 0 : i32
    %dma_wait3A_253 = arith.constant 0 : i32
    %dma_wait3A_254 = tpu.memref_slice %arg5[%dma_wait3A_252, %dma_wait3A_253] : memref<125000x128xf32, #tpu.memory_space<hbm>> -> memref<112x128xf32, #tpu.memory_space<hbm>>
    tpu.wait_dma2 semaphore(%arg13 : memref<!tpu.dma_semaphore, #tpu.memory_space<semaphore_mem>>) src(%arg9 : memref<112x128xf32, #tpu.memory_space<vmem>>) dst(%dma_wait3A_254 : memref<112x128xf32, #tpu.memory_space<hbm>>)
    %dma_wait3A_255 = arith.constant 0 : i32
    %dma_wait3A_256 = arith.constant 0 : i32
    %dma_wait3A_257 = tpu.memref_slice %arg5[%dma_wait3A_255, %dma_wait3A_256] : memref<125000x128xf32, #tpu.memory_space<hbm>> -> memref<112x128xf32, #tpu.memory_space<hbm>>
    %dma_wait3A_258 = arith.constant 0 : i32
    %dma_wait3A_259 = arith.constant 0 : i32
    %dma_wait3A_260 = tpu.memref_slice %arg5[%dma_wait3A_258, %dma_wait3A_259] : memref<125000x128xf32, #tpu.memory_space<hbm>> -> memref<112x128xf32, #tpu.memory_space<hbm>>
    tpu.wait_dma2 semaphore(%arg14 : memref<!tpu.dma_semaphore, #tpu.memory_space<semaphore_mem>>) src(%arg10 : memref<112x128xf32, #tpu.memory_space<vmem>>) dst(%dma_wait3A_260 : memref<112x128xf32, #tpu.memory_space<hbm>>)
    %eq3A_261 = arith.constant 28 : i32
    %eq3A_262 = arith.cmpi eq, %add3A, %eq3A_261 : i32
    %convert_element_type3A_263 = arith.extui %eq3A_262 : i1 to i32
    %cond3A_264 = arith.constant 0 : i32
    %cond3A_265 = arith.cmpi ne, %convert_element_type3A_263, %cond3A_264 : i32
    scf.if %cond3A_265 {
      "tpu.region"() ({
        %run_scoped3A = tpu.sem_alloc : memref<!tpu.dma_semaphore, #tpu.memory_space<semaphore_mem>>
        %dma_start3A_272 = arith.constant 0 : i32
        %dma_start3A_273 = arith.constant 999936 : i32
        %dma_start3A_274 = tpu.memref_slice %arg3[%dma_start3A_272, %dma_start3A_273] : memref<16x1000000xf32, #tpu.memory_space<hbm>> -> memref<16x64xf32, #tpu.memory_space<hbm>>
        %dma_start3A_275 = arith.constant 0 : i32
        %dma_start3A_276 = arith.constant 999936 : i32
        %dma_start3A_277 = tpu.memref_slice %arg3[%dma_start3A_275, %dma_start3A_276] : memref<16x1000000xf32, #tpu.memory_space<hbm>> -> memref<16x64xf32, #tpu.memory_space<hbm>>
        tpu.enqueue_dma source(%dma_start3A_277 : memref<16x64xf32, #tpu.memory_space<hbm>>) target(%arg8 : memref<16x64xf32, #tpu.memory_space<vmem>>) target_semaphore(%run_scoped3A : memref<!tpu.dma_semaphore, #tpu.memory_space<semaphore_mem>>)
        %dma_wait3A_278 = arith.constant 0 : i32
        %dma_wait3A_279 = arith.constant 999936 : i32
        %dma_wait3A_280 = tpu.memref_slice %arg3[%dma_wait3A_278, %dma_wait3A_279] : memref<16x1000000xf32, #tpu.memory_space<hbm>> -> memref<16x64xf32, #tpu.memory_space<hbm>>
        %dma_wait3A_281 = arith.constant 0 : i32
        %dma_wait3A_282 = arith.constant 999936 : i32
        %dma_wait3A_283 = tpu.memref_slice %arg3[%dma_wait3A_281, %dma_wait3A_282] : memref<16x1000000xf32, #tpu.memory_space<hbm>> -> memref<16x64xf32, #tpu.memory_space<hbm>>
        tpu.wait_dma2 semaphore(%run_scoped3A : memref<!tpu.dma_semaphore, #tpu.memory_space<semaphore_mem>>) src(%dma_wait3A_283 : memref<16x64xf32, #tpu.memory_space<hbm>>) dst(%arg8 : memref<16x64xf32, #tpu.memory_space<vmem>>)
        tpu.yield
      }) : () -> ()
      %scan3A_266 = arith.constant 0 : i32
      %scan3A_267 = arith.constant 0 : i32
      %scan3A_268 = arith.constant 4 : i32
      %scan3A_269 = arith.addi %scan3A_267, %scan3A_268 : i32
      %scan3A_270 = arith.constant 1 : i32
      scf.for %scan3A_272 = %scan3A_267 to %scan3A_269 step %scan3A_270  : i32 {
        %mul3A_273 = arith.constant 16 : i32
        %mul3A_274 = arith.muli %scan3A_272, %mul3A_273 : i32
        %get3A = arith.constant 0 : i32
        %get3A_275 = arith.index_cast %get3A : i32 to index
        %get3A_276 = arith.index_cast %mul3A_274 : i32 to index
        %get3A_277 = tpu.vector_load %arg8[%get3A_275, %get3A_276] {strides = array<i32>} : memref<16x64xf32, #tpu.memory_space<vmem>>, vector<16xf32>,
        %mul3A_278 = arith.constant 2 : i32
        %mul3A_279 = arith.muli %scan3A_272, %mul3A_278 : i32
        %add3A_280 = vector.broadcast %mul3A_279 : i32 to vector<16xi32>
        %add3A_281 = arith.addi %shift_right_logical3A_103, %add3A_280 : vector<16xi32>
        tpu.vector_store_idx %arg9[%add3A_281, %and3A_8], %get3A_277 : memref<112x128xf32, #tpu.memory_space<vmem>>[vector<16xi32>, vector<16xi32>], vector<16xf32>,
        %mul3A_282 = arith.constant 16 : i32
        %mul3A_283 = arith.muli %scan3A_272, %mul3A_282 : i32
        %get3A_284 = arith.constant 1 : i32
        %get3A_285 = arith.index_cast %get3A_284 : i32 to index
        %get3A_286 = arith.index_cast %mul3A_283 : i32 to index
        %get3A_287 = tpu.vector_load %arg8[%get3A_285, %get3A_286] {strides = array<i32>} : memref<16x64xf32, #tpu.memory_space<vmem>>, vector<16xf32>,
        %mul3A_288 = arith.constant 2 : i32
        %mul3A_289 = arith.muli %scan3A_272, %mul3A_288 : i32
        %add3A_290 = vector.broadcast %mul3A_289 : i32 to vector<16xi32>
        %add3A_291 = arith.addi %shift_right_logical3A_109, %add3A_290 : vector<16xi32>
        tpu.vector_store_idx %arg9[%add3A_291, %and3A_14], %get3A_287 : memref<112x128xf32, #tpu.memory_space<vmem>>[vector<16xi32>, vector<16xi32>], vector<16xf32>,
        %mul3A_292 = arith.constant 16 : i32
        %mul3A_293 = arith.muli %scan3A_272, %mul3A_292 : i32
        %get3A_294 = arith.constant 2 : i32
        %get3A_295 = arith.index_cast %get3A_294 : i32 to index
        %get3A_296 = arith.index_cast %mul3A_293 : i32 to index
        %get3A_297 = tpu.vector_load %arg8[%get3A_295, %get3A_296] {strides = array<i32>} : memref<16x64xf32, #tpu.memory_space<vmem>>, vector<16xf32>,
        %mul3A_298 = arith.constant 2 : i32
        %mul3A_299 = arith.muli %scan3A_272, %mul3A_298 : i32
        %add3A_300 = vector.broadcast %mul3A_299 : i32 to vector<16xi32>
        %add3A_301 = arith.addi %shift_right_logical3A_115, %add3A_300 : vector<16xi32>
        tpu.vector_store_idx %arg9[%add3A_301, %and3A_20], %get3A_297 : memref<112x128xf32, #tpu.memory_space<vmem>>[vector<16xi32>, vector<16xi32>], vector<16xf32>,
        %mul3A_302 = arith.constant 16 : i32
        %mul3A_303 = arith.muli %scan3A_272, %mul3A_302 : i32
        %get3A_304 = arith.constant 3 : i32
        %get3A_305 = arith.index_cast %get3A_304 : i32 to index
        %get3A_306 = arith.index_cast %mul3A_303 : i32 to index
        %get3A_307 = tpu.vector_load %arg8[%get3A_305, %get3A_306] {strides = array<i32>} : memref<16x64xf32, #tpu.memory_space<vmem>>, vector<16xf32>,
        %mul3A_308 = arith.constant 2 : i32
        %mul3A_309 = arith.muli %scan3A_272, %mul3A_308 : i32
        %add3A_310 = vector.broadcast %mul3A_309 : i32 to vector<16xi32>
        %add3A_311 = arith.addi %shift_right_logical3A_121, %add3A_310 : vector<16xi32>
        tpu.vector_store_idx %arg9[%add3A_311, %and3A_26], %get3A_307 : memref<112x128xf32, #tpu.memory_space<vmem>>[vector<16xi32>, vector<16xi32>], vector<16xf32>,
        %mul3A_312 = arith.constant 16 : i32
        %mul3A_313 = arith.muli %scan3A_272, %mul3A_312 : i32
        %get3A_314 = arith.constant 4 : i32
        %get3A_315 = arith.index_cast %get3A_314 : i32 to index
        %get3A_316 = arith.index_cast %mul3A_313 : i32 to index
        %get3A_317 = tpu.vector_load %arg8[%get3A_315, %get3A_316] {strides = array<i32>} : memref<16x64xf32, #tpu.memory_space<vmem>>, vector<16xf32>,
        %mul3A_318 = arith.constant 2 : i32
        %mul3A_319 = arith.muli %scan3A_272, %mul3A_318 : i32
        %add3A_320 = vector.broadcast %mul3A_319 : i32 to vector<16xi32>
        %add3A_321 = arith.addi %shift_right_logical3A_127, %add3A_320 : vector<16xi32>
        tpu.vector_store_idx %arg9[%add3A_321, %and3A_32], %get3A_317 : memref<112x128xf32, #tpu.memory_space<vmem>>[vector<16xi32>, vector<16xi32>], vector<16xf32>,
        %mul3A_322 = arith.constant 16 : i32
        %mul3A_323 = arith.muli %scan3A_272, %mul3A_322 : i32
        %get3A_324 = arith.constant 5 : i32
        %get3A_325 = arith.index_cast %get3A_324 : i32 to index
        %get3A_326 = arith.index_cast %mul3A_323 : i32 to index
        %get3A_327 = tpu.vector_load %arg8[%get3A_325, %get3A_326] {strides = array<i32>} : memref<16x64xf32, #tpu.memory_space<vmem>>, vector<16xf32>,
        %mul3A_328 = arith.constant 2 : i32
        %mul3A_329 = arith.muli %scan3A_272, %mul3A_328 : i32
        %add3A_330 = vector.broadcast %mul3A_329 : i32 to vector<16xi32>
        %add3A_331 = arith.addi %shift_right_logical3A_133, %add3A_330 : vector<16xi32>
        tpu.vector_store_idx %arg9[%add3A_331, %and3A_38], %get3A_327 : memref<112x128xf32, #tpu.memory_space<vmem>>[vector<16xi32>, vector<16xi32>], vector<16xf32>,
        %mul3A_332 = arith.constant 16 : i32
        %mul3A_333 = arith.muli %scan3A_272, %mul3A_332 : i32
        %get3A_334 = arith.constant 6 : i32
        %get3A_335 = arith.index_cast %get3A_334 : i32 to index
        %get3A_336 = arith.index_cast %mul3A_333 : i32 to index
        %get3A_337 = tpu.vector_load %arg8[%get3A_335, %get3A_336] {strides = array<i32>} : memref<16x64xf32, #tpu.memory_space<vmem>>, vector<16xf32>,
        %mul3A_338 = arith.constant 2 : i32
        %mul3A_339 = arith.muli %scan3A_272, %mul3A_338 : i32
        %add3A_340 = vector.broadcast %mul3A_339 : i32 to vector<16xi32>
        %add3A_341 = arith.addi %shift_right_logical3A_139, %add3A_340 : vector<16xi32>
        tpu.vector_store_idx %arg9[%add3A_341, %and3A_44], %get3A_337 : memref<112x128xf32, #tpu.memory_space<vmem>>[vector<16xi32>, vector<16xi32>], vector<16xf32>,
        %mul3A_342 = arith.constant 16 : i32
        %mul3A_343 = arith.muli %scan3A_272, %mul3A_342 : i32
        %get3A_344 = arith.constant 7 : i32
        %get3A_345 = arith.index_cast %get3A_344 : i32 to index
        %get3A_346 = arith.index_cast %mul3A_343 : i32 to index
        %get3A_347 = tpu.vector_load %arg8[%get3A_345, %get3A_346] {strides = array<i32>} : memref<16x64xf32, #tpu.memory_space<vmem>>, vector<16xf32>,
        %mul3A_348 = arith.constant 2 : i32
        %mul3A_349 = arith.muli %scan3A_272, %mul3A_348 : i32
        %add3A_350 = vector.broadcast %mul3A_349 : i32 to vector<16xi32>
        %add3A_351 = arith.addi %shift_right_logical3A_145, %add3A_350 : vector<16xi32>
        tpu.vector_store_idx %arg9[%add3A_351, %and3A_50], %get3A_347 : memref<112x128xf32, #tpu.memory_space<vmem>>[vector<16xi32>, vector<16xi32>], vector<16xf32>,
        %mul3A_352 = arith.constant 16 : i32
        %mul3A_353 = arith.muli %scan3A_272, %mul3A_352 : i32
        %get3A_354 = arith.constant 8 : i32
        %get3A_355 = arith.index_cast %get3A_354 : i32 to index
        %get3A_356 = arith.index_cast %mul3A_353 : i32 to index
        %get3A_357 = tpu.vector_load %arg8[%get3A_355, %get3A_356] {strides = array<i32>} : memref<16x64xf32, #tpu.memory_space<vmem>>, vector<16xf32>,
        %mul3A_358 = arith.constant 2 : i32
        %mul3A_359 = arith.muli %scan3A_272, %mul3A_358 : i32
        %add3A_360 = vector.broadcast %mul3A_359 : i32 to vector<16xi32>
        %add3A_361 = arith.addi %shift_right_logical3A_151, %add3A_360 : vector<16xi32>
        tpu.vector_store_idx %arg9[%add3A_361, %and3A_56], %get3A_357 : memref<112x128xf32, #tpu.memory_space<vmem>>[vector<16xi32>, vector<16xi32>], vector<16xf32>,
        %mul3A_362 = arith.constant 16 : i32
        %mul3A_363 = arith.muli %scan3A_272, %mul3A_362 : i32
        %get3A_364 = arith.constant 9 : i32
        %get3A_365 = arith.index_cast %get3A_364 : i32 to index
        %get3A_366 = arith.index_cast %mul3A_363 : i32 to index
        %get3A_367 = tpu.vector_load %arg8[%get3A_365, %get3A_366] {strides = array<i32>} : memref<16x64xf32, #tpu.memory_space<vmem>>, vector<16xf32>,
        %mul3A_368 = arith.constant 2 : i32
        %mul3A_369 = arith.muli %scan3A_272, %mul3A_368 : i32
        %add3A_370 = vector.broadcast %mul3A_369 : i32 to vector<16xi32>
        %add3A_371 = arith.addi %shift_right_logical3A_157, %add3A_370 : vector<16xi32>
        tpu.vector_store_idx %arg9[%add3A_371, %and3A_62], %get3A_367 : memref<112x128xf32, #tpu.memory_space<vmem>>[vector<16xi32>, vector<16xi32>], vector<16xf32>,
        %mul3A_372 = arith.constant 16 : i32
        %mul3A_373 = arith.muli %scan3A_272, %mul3A_372 : i32
        %get3A_374 = arith.constant 10 : i32
        %get3A_375 = arith.index_cast %get3A_374 : i32 to index
        %get3A_376 = arith.index_cast %mul3A_373 : i32 to index
        %get3A_377 = tpu.vector_load %arg8[%get3A_375, %get3A_376] {strides = array<i32>} : memref<16x64xf32, #tpu.memory_space<vmem>>, vector<16xf32>,
        %mul3A_378 = arith.constant 2 : i32
        %mul3A_379 = arith.muli %scan3A_272, %mul3A_378 : i32
        %add3A_380 = vector.broadcast %mul3A_379 : i32 to vector<16xi32>
        %add3A_381 = arith.addi %shift_right_logical3A_163, %add3A_380 : vector<16xi32>
        tpu.vector_store_idx %arg9[%add3A_381, %and3A_68], %get3A_377 : memref<112x128xf32, #tpu.memory_space<vmem>>[vector<16xi32>, vector<16xi32>], vector<16xf32>,
        %mul3A_382 = arith.constant 16 : i32
        %mul3A_383 = arith.muli %scan3A_272, %mul3A_382 : i32
        %get3A_384 = arith.constant 11 : i32
        %get3A_385 = arith.index_cast %get3A_384 : i32 to index
        %get3A_386 = arith.index_cast %mul3A_383 : i32 to index
        %get3A_387 = tpu.vector_load %arg8[%get3A_385, %get3A_386] {strides = array<i32>} : memref<16x64xf32, #tpu.memory_space<vmem>>, vector<16xf32>,
        %mul3A_388 = arith.constant 2 : i32
        %mul3A_389 = arith.muli %scan3A_272, %mul3A_388 : i32
        %add3A_390 = vector.broadcast %mul3A_389 : i32 to vector<16xi32>
        %add3A_391 = arith.addi %shift_right_logical3A_169, %add3A_390 : vector<16xi32>
        tpu.vector_store_idx %arg9[%add3A_391, %and3A_74], %get3A_387 : memref<112x128xf32, #tpu.memory_space<vmem>>[vector<16xi32>, vector<16xi32>], vector<16xf32>,
        %mul3A_392 = arith.constant 16 : i32
        %mul3A_393 = arith.muli %scan3A_272, %mul3A_392 : i32
        %get3A_394 = arith.constant 12 : i32
        %get3A_395 = arith.index_cast %get3A_394 : i32 to index
        %get3A_396 = arith.index_cast %mul3A_393 : i32 to index
        %get3A_397 = tpu.vector_load %arg8[%get3A_395, %get3A_396] {strides = array<i32>} : memref<16x64xf32, #tpu.memory_space<vmem>>, vector<16xf32>,
        %mul3A_398 = arith.constant 2 : i32
        %mul3A_399 = arith.muli %scan3A_272, %mul3A_398 : i32
        %add3A_400 = vector.broadcast %mul3A_399 : i32 to vector<16xi32>
        %add3A_401 = arith.addi %shift_right_logical3A_175, %add3A_400 : vector<16xi32>
        tpu.vector_store_idx %arg9[%add3A_401, %and3A_80], %get3A_397 : memref<112x128xf32, #tpu.memory_space<vmem>>[vector<16xi32>, vector<16xi32>], vector<16xf32>,
        %mul3A_402 = arith.constant 16 : i32
        %mul3A_403 = arith.muli %scan3A_272, %mul3A_402 : i32
        %get3A_404 = arith.constant 13 : i32
        %get3A_405 = arith.index_cast %get3A_404 : i32 to index
        %get3A_406 = arith.index_cast %mul3A_403 : i32 to index
        %get3A_407 = tpu.vector_load %arg8[%get3A_405, %get3A_406] {strides = array<i32>} : memref<16x64xf32, #tpu.memory_space<vmem>>, vector<16xf32>,
        %mul3A_408 = arith.constant 2 : i32
        %mul3A_409 = arith.muli %scan3A_272, %mul3A_408 : i32
        %add3A_410 = vector.broadcast %mul3A_409 : i32 to vector<16xi32>
        %add3A_411 = arith.addi %shift_right_logical3A_181, %add3A_410 : vector<16xi32>
        tpu.vector_store_idx %arg9[%add3A_411, %and3A_86], %get3A_407 : memref<112x128xf32, #tpu.memory_space<vmem>>[vector<16xi32>, vector<16xi32>], vector<16xf32>,
        %mul3A_412 = arith.constant 16 : i32
        %mul3A_413 = arith.muli %scan3A_272, %mul3A_412 : i32
        %get3A_414 = arith.constant 14 : i32
        %get3A_415 = arith.index_cast %get3A_414 : i32 to index
        %get3A_416 = arith.index_cast %mul3A_413 : i32 to index
        %get3A_417 = tpu.vector_load %arg8[%get3A_415, %get3A_416] {strides = array<i32>} : memref<16x64xf32, #tpu.memory_space<vmem>>, vector<16xf32>,
        %mul3A_418 = arith.constant 2 : i32
        %mul3A_419 = arith.muli %scan3A_272, %mul3A_418 : i32
        %add3A_420 = vector.broadcast %mul3A_419 : i32 to vector<16xi32>
        %add3A_421 = arith.addi %shift_right_logical3A_187, %add3A_420 : vector<16xi32>
        tpu.vector_store_idx %arg9[%add3A_421, %and3A_92], %get3A_417 : memref<112x128xf32, #tpu.memory_space<vmem>>[vector<16xi32>, vector<16xi32>], vector<16xf32>,
        %mul3A_422 = arith.constant 16 : i32
        %mul3A_423 = arith.muli %scan3A_272, %mul3A_422 : i32
        %get3A_424 = arith.constant 15 : i32
        %get3A_425 = arith.index_cast %get3A_424 : i32 to index
        %get3A_426 = arith.index_cast %mul3A_423 : i32 to index
        %get3A_427 = tpu.vector_load %arg8[%get3A_425, %get3A_426] {strides = array<i32>} : memref<16x64xf32, #tpu.memory_space<vmem>>, vector<16xf32>,
        %mul3A_428 = arith.constant 2 : i32
        %mul3A_429 = arith.muli %scan3A_272, %mul3A_428 : i32
        %add3A_430 = vector.broadcast %mul3A_429 : i32 to vector<16xi32>
        %add3A_431 = arith.addi %shift_right_logical3A_193, %add3A_430 : vector<16xi32>
        tpu.vector_store_idx %arg9[%add3A_431, %and3A_98], %get3A_427 : memref<112x128xf32, #tpu.memory_space<vmem>>[vector<16xi32>, vector<16xi32>], vector<16xf32>,
      }
      %scan3A_271 = arith.constant 4 : i32
      "tpu.region"() ({
        %run_scoped3A = tpu.sem_alloc : memref<!tpu.dma_semaphore, #tpu.memory_space<semaphore_mem>>
        %dma_start3A_272 = arith.constant 0 : i32
        %dma_start3A_273 = arith.constant 0 : i32
        %dma_start3A_274 = tpu.memref_slice %arg9[%dma_start3A_272, %dma_start3A_273] : memref<112x128xf32, #tpu.memory_space<vmem>> -> memref<8x128xf32, #tpu.memory_space<vmem>>
        %dma_start3A_275 = arith.constant 124992 : i32
        %dma_start3A_276 = arith.constant 0 : i32
        %dma_start3A_277 = tpu.memref_slice %arg5[%dma_start3A_275, %dma_start3A_276] : memref<125000x128xf32, #tpu.memory_space<hbm>> -> memref<8x128xf32, #tpu.memory_space<hbm>>
        %dma_start3A_278 = arith.constant 124992 : i32
        %dma_start3A_279 = arith.constant 0 : i32
        %dma_start3A_280 = tpu.memref_slice %arg5[%dma_start3A_278, %dma_start3A_279] : memref<125000x128xf32, #tpu.memory_space<hbm>> -> memref<8x128xf32, #tpu.memory_space<hbm>>
        %dma_start3A_281 = arith.constant 0 : i32
        %dma_start3A_282 = arith.constant 0 : i32
        %dma_start3A_283 = tpu.memref_slice %arg9[%dma_start3A_281, %dma_start3A_282] : memref<112x128xf32, #tpu.memory_space<vmem>> -> memref<8x128xf32, #tpu.memory_space<vmem>>
        tpu.enqueue_dma source(%dma_start3A_283 : memref<8x128xf32, #tpu.memory_space<vmem>>) target(%dma_start3A_280 : memref<8x128xf32, #tpu.memory_space<hbm>>) target_semaphore(%run_scoped3A : memref<!tpu.dma_semaphore, #tpu.memory_space<semaphore_mem>>)
        %dma_wait3A_284 = arith.constant 0 : i32
        %dma_wait3A_285 = arith.constant 0 : i32
        %dma_wait3A_286 = tpu.memref_slice %arg9[%dma_wait3A_284, %dma_wait3A_285] : memref<112x128xf32, #tpu.memory_space<vmem>> -> memref<8x128xf32, #tpu.memory_space<vmem>>
        %dma_wait3A_287 = arith.constant 124992 : i32
        %dma_wait3A_288 = arith.constant 0 : i32
        %dma_wait3A_289 = tpu.memref_slice %arg5[%dma_wait3A_287, %dma_wait3A_288] : memref<125000x128xf32, #tpu.memory_space<hbm>> -> memref<8x128xf32, #tpu.memory_space<hbm>>
        %dma_wait3A_290 = arith.constant 124992 : i32
        %dma_wait3A_291 = arith.constant 0 : i32
        %dma_wait3A_292 = tpu.memref_slice %arg5[%dma_wait3A_290, %dma_wait3A_291] : memref<125000x128xf32, #tpu.memory_space<hbm>> -> memref<8x128xf32, #tpu.memory_space<hbm>>
        %dma_wait3A_293 = arith.constant 0 : i32
        %dma_wait3A_294 = arith.constant 0 : i32
        %dma_wait3A_295 = tpu.memref_slice %arg9[%dma_wait3A_293, %dma_wait3A_294] : memref<112x128xf32, #tpu.memory_space<vmem>> -> memref<8x128xf32, #tpu.memory_space<vmem>>
        tpu.wait_dma2 semaphore(%run_scoped3A : memref<!tpu.dma_semaphore, #tpu.memory_space<semaphore_mem>>) src(%dma_wait3A_295 : memref<8x128xf32, #tpu.memory_space<vmem>>) dst(%dma_wait3A_292 : memref<8x128xf32, #tpu.memory_space<hbm>>)
        tpu.yield
      }) : () -> ()
    } else {
    }
    return
  }
}

#map = affine_map<(d0, d1) -> (0, 0)>
module attributes {stable_mosaic.version = 14 : i64} {
  func.func @_gather_body(%arg0: i32, %arg1: i32, %arg2: memref<32x512xi32, #tpu.memory_space<hbm>>, %arg3: memref<32x512xi32, #tpu.memory_space<hbm>>, %arg4: memref<125000x128xf32, #tpu.memory_space<hbm>>, %arg5: memref<125000x128xf32, #tpu.memory_space<hbm>>, %arg6: memref<32x512xf32, #tpu.memory_space<hbm>>, %arg7: memref<512xi32, #tpu.memory_space<vmem>>, %arg8: memref<512xi32, #tpu.memory_space<vmem>>, %arg9: memref<512xi32, #tpu.memory_space<vmem>>, %arg10: memref<512xi32, #tpu.memory_space<vmem>>, %arg11: memref<128x128xf32, #tpu.memory_space<vmem>>, %arg12: memref<128x128xf32, #tpu.memory_space<vmem>>, %arg13: memref<512xf32, #tpu.memory_space<vmem>>, %arg14: memref<!tpu.dma_semaphore, #tpu.memory_space<semaphore_mem>>, %arg15: memref<!tpu.dma_semaphore, #tpu.memory_space<semaphore_mem>>) attributes {dimension_semantics = [#tpu.dimension_semantics<core_parallel>, #tpu.dimension_semantics<subcore_parallel>], iteration_bounds = array<i64: 2, 16>, scalar_prefetch = 0 : i64, scratch_operands = 9 : i64, tpu.core_type = #tpu.core_type<sc_vector_subcore>, window_params = [{transform_indices = #map}, {transform_indices = #map}, {transform_indices = #map}, {transform_indices = #map}, {transform_indices = #map}]} {
    %mul3A = arith.constant 2 : i32
    %mul3A_0 = arith.muli %arg1, %mul3A : i32
    %add3A = arith.addi %mul3A_0, %arg0 : i32
    "tpu.region"() ({
      %run_scoped3A = tpu.sem_alloc : memref<!tpu.dma_semaphore, #tpu.memory_space<semaphore_mem>>
      %dma_start3A_108 = arith.constant 0 : i32
      %dma_start3A_109 = tpu.memref_slice %arg2[%add3A, %dma_start3A_108] : memref<32x512xi32, #tpu.memory_space<hbm>> -> memref<1x512xi32, #tpu.memory_space<hbm>>
      %dma_start3A_110 = tpu.memref_squeeze %dma_start3A_109 : memref<1x512xi32, #tpu.memory_space<hbm>> -> memref<512xi32, #tpu.memory_space<hbm>>
      %dma_start3A_111 = arith.constant 0 : i32
      %dma_start3A_112 = tpu.memref_slice %arg2[%add3A, %dma_start3A_111] : memref<32x512xi32, #tpu.memory_space<hbm>> -> memref<1x512xi32, #tpu.memory_space<hbm>>
      %dma_start3A_113 = tpu.memref_squeeze %dma_start3A_112 : memref<1x512xi32, #tpu.memory_space<hbm>> -> memref<512xi32, #tpu.memory_space<hbm>>
      tpu.enqueue_dma source(%dma_start3A_113 : memref<512xi32, #tpu.memory_space<hbm>>) target(%arg7 : memref<512xi32, #tpu.memory_space<vmem>>) target_semaphore(%run_scoped3A : memref<!tpu.dma_semaphore, #tpu.memory_space<semaphore_mem>>)
      %dma_wait3A_114 = arith.constant 0 : i32
      %dma_wait3A_115 = tpu.memref_slice %arg2[%add3A, %dma_wait3A_114] : memref<32x512xi32, #tpu.memory_space<hbm>> -> memref<1x512xi32, #tpu.memory_space<hbm>>
      %dma_wait3A_116 = tpu.memref_squeeze %dma_wait3A_115 : memref<1x512xi32, #tpu.memory_space<hbm>> -> memref<512xi32, #tpu.memory_space<hbm>>
      %dma_wait3A_117 = arith.constant 0 : i32
      %dma_wait3A_118 = tpu.memref_slice %arg2[%add3A, %dma_wait3A_117] : memref<32x512xi32, #tpu.memory_space<hbm>> -> memref<1x512xi32, #tpu.memory_space<hbm>>
      %dma_wait3A_119 = tpu.memref_squeeze %dma_wait3A_118 : memref<1x512xi32, #tpu.memory_space<hbm>> -> memref<512xi32, #tpu.memory_space<hbm>>
      tpu.wait_dma2 semaphore(%run_scoped3A : memref<!tpu.dma_semaphore, #tpu.memory_space<semaphore_mem>>) src(%dma_wait3A_119 : memref<512xi32, #tpu.memory_space<hbm>>) dst(%arg7 : memref<512xi32, #tpu.memory_space<vmem>>)
      tpu.yield
    }) : () -> ()
    "tpu.region"() ({
      %run_scoped3A = tpu.sem_alloc : memref<!tpu.dma_semaphore, #tpu.memory_space<semaphore_mem>>
      %dma_start3A_108 = arith.constant 0 : i32
      %dma_start3A_109 = tpu.memref_slice %arg3[%add3A, %dma_start3A_108] : memref<32x512xi32, #tpu.memory_space<hbm>> -> memref<1x512xi32, #tpu.memory_space<hbm>>
      %dma_start3A_110 = tpu.memref_squeeze %dma_start3A_109 : memref<1x512xi32, #tpu.memory_space<hbm>> -> memref<512xi32, #tpu.memory_space<hbm>>
      %dma_start3A_111 = arith.constant 0 : i32
      %dma_start3A_112 = tpu.memref_slice %arg3[%add3A, %dma_start3A_111] : memref<32x512xi32, #tpu.memory_space<hbm>> -> memref<1x512xi32, #tpu.memory_space<hbm>>
      %dma_start3A_113 = tpu.memref_squeeze %dma_start3A_112 : memref<1x512xi32, #tpu.memory_space<hbm>> -> memref<512xi32, #tpu.memory_space<hbm>>
      tpu.enqueue_dma source(%dma_start3A_113 : memref<512xi32, #tpu.memory_space<hbm>>) target(%arg8 : memref<512xi32, #tpu.memory_space<vmem>>) target_semaphore(%run_scoped3A : memref<!tpu.dma_semaphore, #tpu.memory_space<semaphore_mem>>)
      %dma_wait3A_114 = arith.constant 0 : i32
      %dma_wait3A_115 = tpu.memref_slice %arg3[%add3A, %dma_wait3A_114] : memref<32x512xi32, #tpu.memory_space<hbm>> -> memref<1x512xi32, #tpu.memory_space<hbm>>
      %dma_wait3A_116 = tpu.memref_squeeze %dma_wait3A_115 : memref<1x512xi32, #tpu.memory_space<hbm>> -> memref<512xi32, #tpu.memory_space<hbm>>
      %dma_wait3A_117 = arith.constant 0 : i32
      %dma_wait3A_118 = tpu.memref_slice %arg3[%add3A, %dma_wait3A_117] : memref<32x512xi32, #tpu.memory_space<hbm>> -> memref<1x512xi32, #tpu.memory_space<hbm>>
      %dma_wait3A_119 = tpu.memref_squeeze %dma_wait3A_118 : memref<1x512xi32, #tpu.memory_space<hbm>> -> memref<512xi32, #tpu.memory_space<hbm>>
      tpu.wait_dma2 semaphore(%run_scoped3A : memref<!tpu.dma_semaphore, #tpu.memory_space<semaphore_mem>>) src(%dma_wait3A_119 : memref<512xi32, #tpu.memory_space<hbm>>) dst(%arg8 : memref<512xi32, #tpu.memory_space<vmem>>)
      tpu.yield
    }) : () -> ()
    %scan3A = arith.constant 0 : i32
    %scan3A_1 = arith.constant 0 : i32
    %scan3A_2 = arith.constant 32 : i32
    %scan3A_3 = arith.addi %scan3A_1, %scan3A_2 : i32
    %scan3A_4 = arith.constant 1 : i32
    scf.for %scan3A_108 = %scan3A_1 to %scan3A_3 step %scan3A_4  : i32 {
      %mul3A_109 = arith.constant 16 : i32
      %mul3A_110 = arith.muli %scan3A_108, %mul3A_109 : i32
      %get3A = arith.index_cast %mul3A_110 : i32 to index
      %get3A_111 = tpu.vector_load %arg7[%get3A] {strides = array<i32>} : memref<512xi32, #tpu.memory_space<vmem>>, vector<16xi32>,
      %shift_right_logical3A = arith.constant 3 : i32
      %shift_right_logical3A_112 = vector.broadcast %shift_right_logical3A : i32 to vector<16xi32>
      %shift_right_logical3A_113 = arith.shrui %get3A_111, %shift_right_logical3A_112 : vector<16xi32>
      %swap3A = arith.index_cast %mul3A_110 : i32 to index
      %swap3A_114 = tpu.vector_load %arg9[%swap3A] {strides = array<i32>} : memref<512xi32, #tpu.memory_space<vmem>>, vector<16xi32>,
      tpu.vector_store %arg9[%swap3A], %shift_right_logical3A_113 {strides = array<i32>} : memref<512xi32, #tpu.memory_space<vmem>>, vector<16xi32>,
      %get3A_115 = arith.index_cast %mul3A_110 : i32 to index
      %get3A_116 = tpu.vector_load %arg8[%get3A_115] {strides = array<i32>} : memref<512xi32, #tpu.memory_space<vmem>>, vector<16xi32>,
      %shift_right_logical3A_117 = arith.constant 3 : i32
      %shift_right_logical3A_118 = vector.broadcast %shift_right_logical3A_117 : i32 to vector<16xi32>
      %shift_right_logical3A_119 = arith.shrui %get3A_116, %shift_right_logical3A_118 : vector<16xi32>
      %swap3A_120 = arith.index_cast %mul3A_110 : i32 to index
      %swap3A_121 = tpu.vector_load %arg10[%swap3A_120] {strides = array<i32>} : memref<512xi32, #tpu.memory_space<vmem>>, vector<16xi32>,
      tpu.vector_store %arg10[%swap3A_120], %shift_right_logical3A_119 {strides = array<i32>} : memref<512xi32, #tpu.memory_space<vmem>>, vector<16xi32>,
    }
    %scan3A_5 = arith.constant 32 : i32
    %iota3A = tpu.iota {dimensions = array<i32: 0>} : vector<16xi32>
    %dma_start3A = arith.constant 0 : i32
    %dma_start3A_6 = tpu.memref_slice %arg9[%dma_start3A] : memref<512xi32, #tpu.memory_space<vmem>> -> memref<128xi32, #tpu.memory_space<vmem>>
    %dma_start3A_7 = arith.constant 0 : i32
    %dma_start3A_8 = arith.constant 0 : i32
    %dma_start3A_9 = tpu.memref_slice %arg4[%dma_start3A_7, %dma_start3A_8] : memref<125000x128xf32, #tpu.memory_space<hbm>> -> memref<125000x128xf32, #tpu.memory_space<hbm>>
    tpu.enqueue_indirect_dma source(%dma_start3A_9 : memref<125000x128xf32, #tpu.memory_space<hbm>>) target(%arg11 : memref<128x128xf32, #tpu.memory_space<vmem>>) offsets(%dma_start3A_6 : memref<128xi32, #tpu.memory_space<vmem>>) semaphore(%arg14 : memref<!tpu.dma_semaphore, #tpu.memory_space<semaphore_mem>>)
    %dma_start3A_10 = arith.constant 0 : i32
    %dma_start3A_11 = tpu.memref_slice %arg10[%dma_start3A_10] : memref<512xi32, #tpu.memory_space<vmem>> -> memref<128xi32, #tpu.memory_space<vmem>>
    %dma_start3A_12 = arith.constant 0 : i32
    %dma_start3A_13 = arith.constant 0 : i32
    %dma_start3A_14 = tpu.memref_slice %arg5[%dma_start3A_12, %dma_start3A_13] : memref<125000x128xf32, #tpu.memory_space<hbm>> -> memref<125000x128xf32, #tpu.memory_space<hbm>>
    tpu.enqueue_indirect_dma source(%dma_start3A_14 : memref<125000x128xf32, #tpu.memory_space<hbm>>) target(%arg12 : memref<128x128xf32, #tpu.memory_space<vmem>>) offsets(%dma_start3A_11 : memref<128xi32, #tpu.memory_space<vmem>>) semaphore(%arg15 : memref<!tpu.dma_semaphore, #tpu.memory_space<semaphore_mem>>)
    %dma_wait3A = arith.constant 0 : i32
    %dma_wait3A_15 = tpu.memref_slice %arg9[%dma_wait3A] : memref<512xi32, #tpu.memory_space<vmem>> -> memref<128xi32, #tpu.memory_space<vmem>>
    %dma_wait3A_16 = arith.constant 0 : i32
    %dma_wait3A_17 = arith.constant 0 : i32
    %dma_wait3A_18 = tpu.memref_slice %arg4[%dma_wait3A_16, %dma_wait3A_17] : memref<125000x128xf32, #tpu.memory_space<hbm>> -> memref<125000x128xf32, #tpu.memory_space<hbm>>
    tpu.wait_indirect_dma semaphore(%arg14 : memref<!tpu.dma_semaphore, #tpu.memory_space<semaphore_mem>>) src(%dma_wait3A_18 : memref<125000x128xf32, #tpu.memory_space<hbm>>) dst(%arg11 : memref<128x128xf32, #tpu.memory_space<vmem>>)
    %dma_wait3A_19 = arith.constant 0 : i32
    %dma_wait3A_20 = tpu.memref_slice %arg10[%dma_wait3A_19] : memref<512xi32, #tpu.memory_space<vmem>> -> memref<128xi32, #tpu.memory_space<vmem>>
    %dma_wait3A_21 = arith.constant 0 : i32
    %dma_wait3A_22 = arith.constant 0 : i32
    %dma_wait3A_23 = tpu.memref_slice %arg5[%dma_wait3A_21, %dma_wait3A_22] : memref<125000x128xf32, #tpu.memory_space<hbm>> -> memref<125000x128xf32, #tpu.memory_space<hbm>>
    tpu.wait_indirect_dma semaphore(%arg15 : memref<!tpu.dma_semaphore, #tpu.memory_space<semaphore_mem>>) src(%dma_wait3A_23 : memref<125000x128xf32, #tpu.memory_space<hbm>>) dst(%arg12 : memref<128x128xf32, #tpu.memory_space<vmem>>)
    %scan3A_24 = arith.constant 0 : i32
    %scan3A_25 = arith.constant 0 : i32
    %scan3A_26 = arith.constant 8 : i32
    %scan3A_27 = arith.addi %scan3A_25, %scan3A_26 : i32
    %scan3A_28 = arith.constant 1 : i32
    scf.for %scan3A_108 = %scan3A_25 to %scan3A_27 step %scan3A_28  : i32 {
      %mul3A_109 = arith.constant 16 : i32
      %mul3A_110 = arith.muli %scan3A_108, %mul3A_109 : i32
      %add3A_111 = arith.constant 0 : i32
      %add3A_112 = arith.addi %add3A_111, %mul3A_110 : i32
      %get3A = arith.index_cast %add3A_112 : i32 to index
      %get3A_113 = tpu.vector_load %arg7[%get3A] {strides = array<i32>} : memref<512xi32, #tpu.memory_space<vmem>>, vector<16xi32>,
      %get3A_114 = arith.index_cast %add3A_112 : i32 to index
      %get3A_115 = tpu.vector_load %arg8[%get3A_114] {strides = array<i32>} : memref<512xi32, #tpu.memory_space<vmem>>, vector<16xi32>,
      %and3A = arith.constant 7 : i32
      %and3A_116 = vector.broadcast %and3A : i32 to vector<16xi32>
      %and3A_117 = arith.andi %get3A_113, %and3A_116 : vector<16xi32>
      %mul3A_118 = arith.constant 16 : i32
      %mul3A_119 = vector.broadcast %mul3A_118 : i32 to vector<16xi32>
      %mul3A_120 = arith.muli %and3A_117, %mul3A_119 : vector<16xi32>
      %and3A_121 = arith.constant 7 : i32
      %and3A_122 = vector.broadcast %and3A_121 : i32 to vector<16xi32>
      %and3A_123 = arith.andi %get3A_115, %and3A_122 : vector<16xi32>
      %mul3A_124 = arith.constant 16 : i32
      %mul3A_125 = vector.broadcast %mul3A_124 : i32 to vector<16xi32>
      %mul3A_126 = arith.muli %and3A_123, %mul3A_125 : vector<16xi32>
      %mul3A_127 = arith.constant 16 : i32
      %mul3A_128 = arith.muli %scan3A_108, %mul3A_127 : i32
      %add3A_129 = vector.broadcast %mul3A_128 : i32 to vector<16xi32>
      %add3A_130 = arith.addi %iota3A, %add3A_129 : vector<16xi32>
      %broadcast_in_dim3A = arith.constant 0.000000e+00 : f32
      %broadcast_in_dim3A_131 = vector.broadcast %broadcast_in_dim3A : f32 to vector<16xf32>
      %add3A_132 = arith.constant 0 : i32
      %add3A_133 = vector.broadcast %add3A_132 : i32 to vector<16xi32>
      %add3A_134 = arith.addi %mul3A_120, %add3A_133 : vector<16xi32>
      %gather3A = tpu.vector_load_idx %arg11[%add3A_130, %add3A_134] : memref<128x128xf32, #tpu.memory_space<vmem>>[vector<16xi32>, vector<16xi32>], vector<16xf32>,
      %add3A_135 = arith.constant 0 : i32
      %add3A_136 = vector.broadcast %add3A_135 : i32 to vector<16xi32>
      %add3A_137 = arith.addi %mul3A_126, %add3A_136 : vector<16xi32>
      %gather3A_138 = tpu.vector_load_idx %arg12[%add3A_130, %add3A_137] : memref<128x128xf32, #tpu.memory_space<vmem>>[vector<16xi32>, vector<16xi32>], vector<16xf32>,
      %mul3A_139 = arith.mulf %gather3A, %gather3A_138 : vector<16xf32>
      %add3A_140 = arith.addf %broadcast_in_dim3A_131, %mul3A_139 : vector<16xf32>
      %add3A_141 = arith.constant 1 : i32
      %add3A_142 = vector.broadcast %add3A_141 : i32 to vector<16xi32>
      %add3A_143 = arith.addi %mul3A_120, %add3A_142 : vector<16xi32>
      %gather3A_144 = tpu.vector_load_idx %arg11[%add3A_130, %add3A_143] : memref<128x128xf32, #tpu.memory_space<vmem>>[vector<16xi32>, vector<16xi32>], vector<16xf32>,
      %add3A_145 = arith.constant 1 : i32
      %add3A_146 = vector.broadcast %add3A_145 : i32 to vector<16xi32>
      %add3A_147 = arith.addi %mul3A_126, %add3A_146 : vector<16xi32>
      %gather3A_148 = tpu.vector_load_idx %arg12[%add3A_130, %add3A_147] : memref<128x128xf32, #tpu.memory_space<vmem>>[vector<16xi32>, vector<16xi32>], vector<16xf32>,
      %mul3A_149 = arith.mulf %gather3A_144, %gather3A_148 : vector<16xf32>
      %add3A_150 = arith.addf %add3A_140, %mul3A_149 : vector<16xf32>
      %add3A_151 = arith.constant 2 : i32
      %add3A_152 = vector.broadcast %add3A_151 : i32 to vector<16xi32>
      %add3A_153 = arith.addi %mul3A_120, %add3A_152 : vector<16xi32>
      %gather3A_154 = tpu.vector_load_idx %arg11[%add3A_130, %add3A_153] : memref<128x128xf32, #tpu.memory_space<vmem>>[vector<16xi32>, vector<16xi32>], vector<16xf32>,
      %add3A_155 = arith.constant 2 : i32
      %add3A_156 = vector.broadcast %add3A_155 : i32 to vector<16xi32>
      %add3A_157 = arith.addi %mul3A_126, %add3A_156 : vector<16xi32>
      %gather3A_158 = tpu.vector_load_idx %arg12[%add3A_130, %add3A_157] : memref<128x128xf32, #tpu.memory_space<vmem>>[vector<16xi32>, vector<16xi32>], vector<16xf32>,
      %mul3A_159 = arith.mulf %gather3A_154, %gather3A_158 : vector<16xf32>
      %add3A_160 = arith.addf %add3A_150, %mul3A_159 : vector<16xf32>
      %add3A_161 = arith.constant 3 : i32
      %add3A_162 = vector.broadcast %add3A_161 : i32 to vector<16xi32>
      %add3A_163 = arith.addi %mul3A_120, %add3A_162 : vector<16xi32>
      %gather3A_164 = tpu.vector_load_idx %arg11[%add3A_130, %add3A_163] : memref<128x128xf32, #tpu.memory_space<vmem>>[vector<16xi32>, vector<16xi32>], vector<16xf32>,
      %add3A_165 = arith.constant 3 : i32
      %add3A_166 = vector.broadcast %add3A_165 : i32 to vector<16xi32>
      %add3A_167 = arith.addi %mul3A_126, %add3A_166 : vector<16xi32>
      %gather3A_168 = tpu.vector_load_idx %arg12[%add3A_130, %add3A_167] : memref<128x128xf32, #tpu.memory_space<vmem>>[vector<16xi32>, vector<16xi32>], vector<16xf32>,
      %mul3A_169 = arith.mulf %gather3A_164, %gather3A_168 : vector<16xf32>
      %add3A_170 = arith.addf %add3A_160, %mul3A_169 : vector<16xf32>
      %add3A_171 = arith.constant 4 : i32
      %add3A_172 = vector.broadcast %add3A_171 : i32 to vector<16xi32>
      %add3A_173 = arith.addi %mul3A_120, %add3A_172 : vector<16xi32>
      %gather3A_174 = tpu.vector_load_idx %arg11[%add3A_130, %add3A_173] : memref<128x128xf32, #tpu.memory_space<vmem>>[vector<16xi32>, vector<16xi32>], vector<16xf32>,
      %add3A_175 = arith.constant 4 : i32
      %add3A_176 = vector.broadcast %add3A_175 : i32 to vector<16xi32>
      %add3A_177 = arith.addi %mul3A_126, %add3A_176 : vector<16xi32>
      %gather3A_178 = tpu.vector_load_idx %arg12[%add3A_130, %add3A_177] : memref<128x128xf32, #tpu.memory_space<vmem>>[vector<16xi32>, vector<16xi32>], vector<16xf32>,
      %mul3A_179 = arith.mulf %gather3A_174, %gather3A_178 : vector<16xf32>
      %add3A_180 = arith.addf %add3A_170, %mul3A_179 : vector<16xf32>
      %add3A_181 = arith.constant 5 : i32
      %add3A_182 = vector.broadcast %add3A_181 : i32 to vector<16xi32>
      %add3A_183 = arith.addi %mul3A_120, %add3A_182 : vector<16xi32>
      %gather3A_184 = tpu.vector_load_idx %arg11[%add3A_130, %add3A_183] : memref<128x128xf32, #tpu.memory_space<vmem>>[vector<16xi32>, vector<16xi32>], vector<16xf32>,
      %add3A_185 = arith.constant 5 : i32
      %add3A_186 = vector.broadcast %add3A_185 : i32 to vector<16xi32>
      %add3A_187 = arith.addi %mul3A_126, %add3A_186 : vector<16xi32>
      %gather3A_188 = tpu.vector_load_idx %arg12[%add3A_130, %add3A_187] : memref<128x128xf32, #tpu.memory_space<vmem>>[vector<16xi32>, vector<16xi32>], vector<16xf32>,
      %mul3A_189 = arith.mulf %gather3A_184, %gather3A_188 : vector<16xf32>
      %add3A_190 = arith.addf %add3A_180, %mul3A_189 : vector<16xf32>
      %add3A_191 = arith.constant 6 : i32
      %add3A_192 = vector.broadcast %add3A_191 : i32 to vector<16xi32>
      %add3A_193 = arith.addi %mul3A_120, %add3A_192 : vector<16xi32>
      %gather3A_194 = tpu.vector_load_idx %arg11[%add3A_130, %add3A_193] : memref<128x128xf32, #tpu.memory_space<vmem>>[vector<16xi32>, vector<16xi32>], vector<16xf32>,
      %add3A_195 = arith.constant 6 : i32
      %add3A_196 = vector.broadcast %add3A_195 : i32 to vector<16xi32>
      %add3A_197 = arith.addi %mul3A_126, %add3A_196 : vector<16xi32>
      %gather3A_198 = tpu.vector_load_idx %arg12[%add3A_130, %add3A_197] : memref<128x128xf32, #tpu.memory_space<vmem>>[vector<16xi32>, vector<16xi32>], vector<16xf32>,
      %mul3A_199 = arith.mulf %gather3A_194, %gather3A_198 : vector<16xf32>
      %add3A_200 = arith.addf %add3A_190, %mul3A_199 : vector<16xf32>
      %add3A_201 = arith.constant 7 : i32
      %add3A_202 = vector.broadcast %add3A_201 : i32 to vector<16xi32>
      %add3A_203 = arith.addi %mul3A_120, %add3A_202 : vector<16xi32>
      %gather3A_204 = tpu.vector_load_idx %arg11[%add3A_130, %add3A_203] : memref<128x128xf32, #tpu.memory_space<vmem>>[vector<16xi32>, vector<16xi32>], vector<16xf32>,
      %add3A_205 = arith.constant 7 : i32
      %add3A_206 = vector.broadcast %add3A_205 : i32 to vector<16xi32>
      %add3A_207 = arith.addi %mul3A_126, %add3A_206 : vector<16xi32>
      %gather3A_208 = tpu.vector_load_idx %arg12[%add3A_130, %add3A_207] : memref<128x128xf32, #tpu.memory_space<vmem>>[vector<16xi32>, vector<16xi32>], vector<16xf32>,
      %mul3A_209 = arith.mulf %gather3A_204, %gather3A_208 : vector<16xf32>
      %add3A_210 = arith.addf %add3A_200, %mul3A_209 : vector<16xf32>
      %add3A_211 = arith.constant 8 : i32
      %add3A_212 = vector.broadcast %add3A_211 : i32 to vector<16xi32>
      %add3A_213 = arith.addi %mul3A_120, %add3A_212 : vector<16xi32>
      %gather3A_214 = tpu.vector_load_idx %arg11[%add3A_130, %add3A_213] : memref<128x128xf32, #tpu.memory_space<vmem>>[vector<16xi32>, vector<16xi32>], vector<16xf32>,
      %add3A_215 = arith.constant 8 : i32
      %add3A_216 = vector.broadcast %add3A_215 : i32 to vector<16xi32>
      %add3A_217 = arith.addi %mul3A_126, %add3A_216 : vector<16xi32>
      %gather3A_218 = tpu.vector_load_idx %arg12[%add3A_130, %add3A_217] : memref<128x128xf32, #tpu.memory_space<vmem>>[vector<16xi32>, vector<16xi32>], vector<16xf32>,
      %mul3A_219 = arith.mulf %gather3A_214, %gather3A_218 : vector<16xf32>
      %add3A_220 = arith.addf %add3A_210, %mul3A_219 : vector<16xf32>
      %add3A_221 = arith.constant 9 : i32
      %add3A_222 = vector.broadcast %add3A_221 : i32 to vector<16xi32>
      %add3A_223 = arith.addi %mul3A_120, %add3A_222 : vector<16xi32>
      %gather3A_224 = tpu.vector_load_idx %arg11[%add3A_130, %add3A_223] : memref<128x128xf32, #tpu.memory_space<vmem>>[vector<16xi32>, vector<16xi32>], vector<16xf32>,
      %add3A_225 = arith.constant 9 : i32
      %add3A_226 = vector.broadcast %add3A_225 : i32 to vector<16xi32>
      %add3A_227 = arith.addi %mul3A_126, %add3A_226 : vector<16xi32>
      %gather3A_228 = tpu.vector_load_idx %arg12[%add3A_130, %add3A_227] : memref<128x128xf32, #tpu.memory_space<vmem>>[vector<16xi32>, vector<16xi32>], vector<16xf32>,
      %mul3A_229 = arith.mulf %gather3A_224, %gather3A_228 : vector<16xf32>
      %add3A_230 = arith.addf %add3A_220, %mul3A_229 : vector<16xf32>
      %add3A_231 = arith.constant 10 : i32
      %add3A_232 = vector.broadcast %add3A_231 : i32 to vector<16xi32>
      %add3A_233 = arith.addi %mul3A_120, %add3A_232 : vector<16xi32>
      %gather3A_234 = tpu.vector_load_idx %arg11[%add3A_130, %add3A_233] : memref<128x128xf32, #tpu.memory_space<vmem>>[vector<16xi32>, vector<16xi32>], vector<16xf32>,
      %add3A_235 = arith.constant 10 : i32
      %add3A_236 = vector.broadcast %add3A_235 : i32 to vector<16xi32>
      %add3A_237 = arith.addi %mul3A_126, %add3A_236 : vector<16xi32>
      %gather3A_238 = tpu.vector_load_idx %arg12[%add3A_130, %add3A_237] : memref<128x128xf32, #tpu.memory_space<vmem>>[vector<16xi32>, vector<16xi32>], vector<16xf32>,
      %mul3A_239 = arith.mulf %gather3A_234, %gather3A_238 : vector<16xf32>
      %add3A_240 = arith.addf %add3A_230, %mul3A_239 : vector<16xf32>
      %add3A_241 = arith.constant 11 : i32
      %add3A_242 = vector.broadcast %add3A_241 : i32 to vector<16xi32>
      %add3A_243 = arith.addi %mul3A_120, %add3A_242 : vector<16xi32>
      %gather3A_244 = tpu.vector_load_idx %arg11[%add3A_130, %add3A_243] : memref<128x128xf32, #tpu.memory_space<vmem>>[vector<16xi32>, vector<16xi32>], vector<16xf32>,
      %add3A_245 = arith.constant 11 : i32
      %add3A_246 = vector.broadcast %add3A_245 : i32 to vector<16xi32>
      %add3A_247 = arith.addi %mul3A_126, %add3A_246 : vector<16xi32>
      %gather3A_248 = tpu.vector_load_idx %arg12[%add3A_130, %add3A_247] : memref<128x128xf32, #tpu.memory_space<vmem>>[vector<16xi32>, vector<16xi32>], vector<16xf32>,
      %mul3A_249 = arith.mulf %gather3A_244, %gather3A_248 : vector<16xf32>
      %add3A_250 = arith.addf %add3A_240, %mul3A_249 : vector<16xf32>
      %add3A_251 = arith.constant 12 : i32
      %add3A_252 = vector.broadcast %add3A_251 : i32 to vector<16xi32>
      %add3A_253 = arith.addi %mul3A_120, %add3A_252 : vector<16xi32>
      %gather3A_254 = tpu.vector_load_idx %arg11[%add3A_130, %add3A_253] : memref<128x128xf32, #tpu.memory_space<vmem>>[vector<16xi32>, vector<16xi32>], vector<16xf32>,
      %add3A_255 = arith.constant 12 : i32
      %add3A_256 = vector.broadcast %add3A_255 : i32 to vector<16xi32>
      %add3A_257 = arith.addi %mul3A_126, %add3A_256 : vector<16xi32>
      %gather3A_258 = tpu.vector_load_idx %arg12[%add3A_130, %add3A_257] : memref<128x128xf32, #tpu.memory_space<vmem>>[vector<16xi32>, vector<16xi32>], vector<16xf32>,
      %mul3A_259 = arith.mulf %gather3A_254, %gather3A_258 : vector<16xf32>
      %add3A_260 = arith.addf %add3A_250, %mul3A_259 : vector<16xf32>
      %add3A_261 = arith.constant 13 : i32
      %add3A_262 = vector.broadcast %add3A_261 : i32 to vector<16xi32>
      %add3A_263 = arith.addi %mul3A_120, %add3A_262 : vector<16xi32>
      %gather3A_264 = tpu.vector_load_idx %arg11[%add3A_130, %add3A_263] : memref<128x128xf32, #tpu.memory_space<vmem>>[vector<16xi32>, vector<16xi32>], vector<16xf32>,
      %add3A_265 = arith.constant 13 : i32
      %add3A_266 = vector.broadcast %add3A_265 : i32 to vector<16xi32>
      %add3A_267 = arith.addi %mul3A_126, %add3A_266 : vector<16xi32>
      %gather3A_268 = tpu.vector_load_idx %arg12[%add3A_130, %add3A_267] : memref<128x128xf32, #tpu.memory_space<vmem>>[vector<16xi32>, vector<16xi32>], vector<16xf32>,
      %mul3A_269 = arith.mulf %gather3A_264, %gather3A_268 : vector<16xf32>
      %add3A_270 = arith.addf %add3A_260, %mul3A_269 : vector<16xf32>
      %add3A_271 = arith.constant 14 : i32
      %add3A_272 = vector.broadcast %add3A_271 : i32 to vector<16xi32>
      %add3A_273 = arith.addi %mul3A_120, %add3A_272 : vector<16xi32>
      %gather3A_274 = tpu.vector_load_idx %arg11[%add3A_130, %add3A_273] : memref<128x128xf32, #tpu.memory_space<vmem>>[vector<16xi32>, vector<16xi32>], vector<16xf32>,
      %add3A_275 = arith.constant 14 : i32
      %add3A_276 = vector.broadcast %add3A_275 : i32 to vector<16xi32>
      %add3A_277 = arith.addi %mul3A_126, %add3A_276 : vector<16xi32>
      %gather3A_278 = tpu.vector_load_idx %arg12[%add3A_130, %add3A_277] : memref<128x128xf32, #tpu.memory_space<vmem>>[vector<16xi32>, vector<16xi32>], vector<16xf32>,
      %mul3A_279 = arith.mulf %gather3A_274, %gather3A_278 : vector<16xf32>
      %add3A_280 = arith.addf %add3A_270, %mul3A_279 : vector<16xf32>
      %add3A_281 = arith.constant 15 : i32
      %add3A_282 = vector.broadcast %add3A_281 : i32 to vector<16xi32>
      %add3A_283 = arith.addi %mul3A_120, %add3A_282 : vector<16xi32>
      %gather3A_284 = tpu.vector_load_idx %arg11[%add3A_130, %add3A_283] : memref<128x128xf32, #tpu.memory_space<vmem>>[vector<16xi32>, vector<16xi32>], vector<16xf32>,
      %add3A_285 = arith.constant 15 : i32
      %add3A_286 = vector.broadcast %add3A_285 : i32 to vector<16xi32>
      %add3A_287 = arith.addi %mul3A_126, %add3A_286 : vector<16xi32>
      %gather3A_288 = tpu.vector_load_idx %arg12[%add3A_130, %add3A_287] : memref<128x128xf32, #tpu.memory_space<vmem>>[vector<16xi32>, vector<16xi32>], vector<16xf32>,
      %mul3A_289 = arith.mulf %gather3A_284, %gather3A_288 : vector<16xf32>
      %add3A_290 = arith.addf %add3A_280, %mul3A_289 : vector<16xf32>
      %neg3A = arith.constant 0.000000e+00 : f32
      %neg3A_291 = vector.broadcast %neg3A : f32 to vector<16xf32>
      %neg3A_292 = arith.subf %neg3A_291, %add3A_290 : vector<16xf32>
      %exp3A = math.exp %neg3A_292 : vector<16xf32>
      %add3A_293 = arith.constant 1.000000e+00 : f32
      %add3A_294 = vector.broadcast %add3A_293 : f32 to vector<16xf32>
      %add3A_295 = arith.addf %add3A_294, %exp3A : vector<16xf32>
      %div3A = arith.constant 1.000000e+00 : f32
      %div3A_296 = vector.broadcast %div3A : f32 to vector<16xf32>
      %div3A_297 = arith.divf %div3A_296, %add3A_295 : vector<16xf32>
      %swap3A = arith.index_cast %add3A_112 : i32 to index
      %swap3A_298 = tpu.vector_load %arg13[%swap3A] {strides = array<i32>} : memref<512xf32, #tpu.memory_space<vmem>>, vector<16xf32>,
      tpu.vector_store %arg13[%swap3A], %div3A_297 {strides = array<i32>} : memref<512xf32, #tpu.memory_space<vmem>>, vector<16xf32>,
    }
    %scan3A_29 = arith.constant 8 : i32
    %dma_start3A_30 = arith.constant 128 : i32
    %dma_start3A_31 = tpu.memref_slice %arg9[%dma_start3A_30] : memref<512xi32, #tpu.memory_space<vmem>> -> memref<128xi32, #tpu.memory_space<vmem>>
    %dma_start3A_32 = arith.constant 0 : i32
    %dma_start3A_33 = arith.constant 0 : i32
    %dma_start3A_34 = tpu.memref_slice %arg4[%dma_start3A_32, %dma_start3A_33] : memref<125000x128xf32, #tpu.memory_space<hbm>> -> memref<125000x128xf32, #tpu.memory_space<hbm>>
    tpu.enqueue_indirect_dma source(%dma_start3A_34 : memref<125000x128xf32, #tpu.memory_space<hbm>>) target(%arg11 : memref<128x128xf32, #tpu.memory_space<vmem>>) offsets(%dma_start3A_31 : memref<128xi32, #tpu.memory_space<vmem>>) semaphore(%arg14 : memref<!tpu.dma_semaphore, #tpu.memory_space<semaphore_mem>>)
    %dma_start3A_35 = arith.constant 128 : i32
    %dma_start3A_36 = tpu.memref_slice %arg10[%dma_start3A_35] : memref<512xi32, #tpu.memory_space<vmem>> -> memref<128xi32, #tpu.memory_space<vmem>>
    %dma_start3A_37 = arith.constant 0 : i32
    %dma_start3A_38 = arith.constant 0 : i32
    %dma_start3A_39 = tpu.memref_slice %arg5[%dma_start3A_37, %dma_start3A_38] : memref<125000x128xf32, #tpu.memory_space<hbm>> -> memref<125000x128xf32, #tpu.memory_space<hbm>>
    tpu.enqueue_indirect_dma source(%dma_start3A_39 : memref<125000x128xf32, #tpu.memory_space<hbm>>) target(%arg12 : memref<128x128xf32, #tpu.memory_space<vmem>>) offsets(%dma_start3A_36 : memref<128xi32, #tpu.memory_space<vmem>>) semaphore(%arg15 : memref<!tpu.dma_semaphore, #tpu.memory_space<semaphore_mem>>)
    %dma_wait3A_40 = arith.constant 128 : i32
    %dma_wait3A_41 = tpu.memref_slice %arg9[%dma_wait3A_40] : memref<512xi32, #tpu.memory_space<vmem>> -> memref<128xi32, #tpu.memory_space<vmem>>
    %dma_wait3A_42 = arith.constant 0 : i32
    %dma_wait3A_43 = arith.constant 0 : i32
    %dma_wait3A_44 = tpu.memref_slice %arg4[%dma_wait3A_42, %dma_wait3A_43] : memref<125000x128xf32, #tpu.memory_space<hbm>> -> memref<125000x128xf32, #tpu.memory_space<hbm>>
    tpu.wait_indirect_dma semaphore(%arg14 : memref<!tpu.dma_semaphore, #tpu.memory_space<semaphore_mem>>) src(%dma_wait3A_44 : memref<125000x128xf32, #tpu.memory_space<hbm>>) dst(%arg11 : memref<128x128xf32, #tpu.memory_space<vmem>>)
    %dma_wait3A_45 = arith.constant 128 : i32
    %dma_wait3A_46 = tpu.memref_slice %arg10[%dma_wait3A_45] : memref<512xi32, #tpu.memory_space<vmem>> -> memref<128xi32, #tpu.memory_space<vmem>>
    %dma_wait3A_47 = arith.constant 0 : i32
    %dma_wait3A_48 = arith.constant 0 : i32
    %dma_wait3A_49 = tpu.memref_slice %arg5[%dma_wait3A_47, %dma_wait3A_48] : memref<125000x128xf32, #tpu.memory_space<hbm>> -> memref<125000x128xf32, #tpu.memory_space<hbm>>
    tpu.wait_indirect_dma semaphore(%arg15 : memref<!tpu.dma_semaphore, #tpu.memory_space<semaphore_mem>>) src(%dma_wait3A_49 : memref<125000x128xf32, #tpu.memory_space<hbm>>) dst(%arg12 : memref<128x128xf32, #tpu.memory_space<vmem>>)
    %scan3A_50 = arith.constant 0 : i32
    %scan3A_51 = arith.constant 0 : i32
    %scan3A_52 = arith.constant 8 : i32
    %scan3A_53 = arith.addi %scan3A_51, %scan3A_52 : i32
    %scan3A_54 = arith.constant 1 : i32
    scf.for %scan3A_108 = %scan3A_51 to %scan3A_53 step %scan3A_54  : i32 {
      %mul3A_109 = arith.constant 16 : i32
      %mul3A_110 = arith.muli %scan3A_108, %mul3A_109 : i32
      %add3A_111 = arith.constant 128 : i32
      %add3A_112 = arith.addi %add3A_111, %mul3A_110 : i32
      %get3A = arith.index_cast %add3A_112 : i32 to index
      %get3A_113 = tpu.vector_load %arg7[%get3A] {strides = array<i32>} : memref<512xi32, #tpu.memory_space<vmem>>, vector<16xi32>,
      %get3A_114 = arith.index_cast %add3A_112 : i32 to index
      %get3A_115 = tpu.vector_load %arg8[%get3A_114] {strides = array<i32>} : memref<512xi32, #tpu.memory_space<vmem>>, vector<16xi32>,
      %and3A = arith.constant 7 : i32
      %and3A_116 = vector.broadcast %and3A : i32 to vector<16xi32>
      %and3A_117 = arith.andi %get3A_113, %and3A_116 : vector<16xi32>
      %mul3A_118 = arith.constant 16 : i32
      %mul3A_119 = vector.broadcast %mul3A_118 : i32 to vector<16xi32>
      %mul3A_120 = arith.muli %and3A_117, %mul3A_119 : vector<16xi32>
      %and3A_121 = arith.constant 7 : i32
      %and3A_122 = vector.broadcast %and3A_121 : i32 to vector<16xi32>
      %and3A_123 = arith.andi %get3A_115, %and3A_122 : vector<16xi32>
      %mul3A_124 = arith.constant 16 : i32
      %mul3A_125 = vector.broadcast %mul3A_124 : i32 to vector<16xi32>
      %mul3A_126 = arith.muli %and3A_123, %mul3A_125 : vector<16xi32>
      %mul3A_127 = arith.constant 16 : i32
      %mul3A_128 = arith.muli %scan3A_108, %mul3A_127 : i32
      %add3A_129 = vector.broadcast %mul3A_128 : i32 to vector<16xi32>
      %add3A_130 = arith.addi %iota3A, %add3A_129 : vector<16xi32>
      %broadcast_in_dim3A = arith.constant 0.000000e+00 : f32
      %broadcast_in_dim3A_131 = vector.broadcast %broadcast_in_dim3A : f32 to vector<16xf32>
      %add3A_132 = arith.constant 0 : i32
      %add3A_133 = vector.broadcast %add3A_132 : i32 to vector<16xi32>
      %add3A_134 = arith.addi %mul3A_120, %add3A_133 : vector<16xi32>
      %gather3A = tpu.vector_load_idx %arg11[%add3A_130, %add3A_134] : memref<128x128xf32, #tpu.memory_space<vmem>>[vector<16xi32>, vector<16xi32>], vector<16xf32>,
      %add3A_135 = arith.constant 0 : i32
      %add3A_136 = vector.broadcast %add3A_135 : i32 to vector<16xi32>
      %add3A_137 = arith.addi %mul3A_126, %add3A_136 : vector<16xi32>
      %gather3A_138 = tpu.vector_load_idx %arg12[%add3A_130, %add3A_137] : memref<128x128xf32, #tpu.memory_space<vmem>>[vector<16xi32>, vector<16xi32>], vector<16xf32>,
      %mul3A_139 = arith.mulf %gather3A, %gather3A_138 : vector<16xf32>
      %add3A_140 = arith.addf %broadcast_in_dim3A_131, %mul3A_139 : vector<16xf32>
      %add3A_141 = arith.constant 1 : i32
      %add3A_142 = vector.broadcast %add3A_141 : i32 to vector<16xi32>
      %add3A_143 = arith.addi %mul3A_120, %add3A_142 : vector<16xi32>
      %gather3A_144 = tpu.vector_load_idx %arg11[%add3A_130, %add3A_143] : memref<128x128xf32, #tpu.memory_space<vmem>>[vector<16xi32>, vector<16xi32>], vector<16xf32>,
      %add3A_145 = arith.constant 1 : i32
      %add3A_146 = vector.broadcast %add3A_145 : i32 to vector<16xi32>
      %add3A_147 = arith.addi %mul3A_126, %add3A_146 : vector<16xi32>
      %gather3A_148 = tpu.vector_load_idx %arg12[%add3A_130, %add3A_147] : memref<128x128xf32, #tpu.memory_space<vmem>>[vector<16xi32>, vector<16xi32>], vector<16xf32>,
      %mul3A_149 = arith.mulf %gather3A_144, %gather3A_148 : vector<16xf32>
      %add3A_150 = arith.addf %add3A_140, %mul3A_149 : vector<16xf32>
      %add3A_151 = arith.constant 2 : i32
      %add3A_152 = vector.broadcast %add3A_151 : i32 to vector<16xi32>
      %add3A_153 = arith.addi %mul3A_120, %add3A_152 : vector<16xi32>
      %gather3A_154 = tpu.vector_load_idx %arg11[%add3A_130, %add3A_153] : memref<128x128xf32, #tpu.memory_space<vmem>>[vector<16xi32>, vector<16xi32>], vector<16xf32>,
      %add3A_155 = arith.constant 2 : i32
      %add3A_156 = vector.broadcast %add3A_155 : i32 to vector<16xi32>
      %add3A_157 = arith.addi %mul3A_126, %add3A_156 : vector<16xi32>
      %gather3A_158 = tpu.vector_load_idx %arg12[%add3A_130, %add3A_157] : memref<128x128xf32, #tpu.memory_space<vmem>>[vector<16xi32>, vector<16xi32>], vector<16xf32>,
      %mul3A_159 = arith.mulf %gather3A_154, %gather3A_158 : vector<16xf32>
      %add3A_160 = arith.addf %add3A_150, %mul3A_159 : vector<16xf32>
      %add3A_161 = arith.constant 3 : i32
      %add3A_162 = vector.broadcast %add3A_161 : i32 to vector<16xi32>
      %add3A_163 = arith.addi %mul3A_120, %add3A_162 : vector<16xi32>
      %gather3A_164 = tpu.vector_load_idx %arg11[%add3A_130, %add3A_163] : memref<128x128xf32, #tpu.memory_space<vmem>>[vector<16xi32>, vector<16xi32>], vector<16xf32>,
      %add3A_165 = arith.constant 3 : i32
      %add3A_166 = vector.broadcast %add3A_165 : i32 to vector<16xi32>
      %add3A_167 = arith.addi %mul3A_126, %add3A_166 : vector<16xi32>
      %gather3A_168 = tpu.vector_load_idx %arg12[%add3A_130, %add3A_167] : memref<128x128xf32, #tpu.memory_space<vmem>>[vector<16xi32>, vector<16xi32>], vector<16xf32>,
      %mul3A_169 = arith.mulf %gather3A_164, %gather3A_168 : vector<16xf32>
      %add3A_170 = arith.addf %add3A_160, %mul3A_169 : vector<16xf32>
      %add3A_171 = arith.constant 4 : i32
      %add3A_172 = vector.broadcast %add3A_171 : i32 to vector<16xi32>
      %add3A_173 = arith.addi %mul3A_120, %add3A_172 : vector<16xi32>
      %gather3A_174 = tpu.vector_load_idx %arg11[%add3A_130, %add3A_173] : memref<128x128xf32, #tpu.memory_space<vmem>>[vector<16xi32>, vector<16xi32>], vector<16xf32>,
      %add3A_175 = arith.constant 4 : i32
      %add3A_176 = vector.broadcast %add3A_175 : i32 to vector<16xi32>
      %add3A_177 = arith.addi %mul3A_126, %add3A_176 : vector<16xi32>
      %gather3A_178 = tpu.vector_load_idx %arg12[%add3A_130, %add3A_177] : memref<128x128xf32, #tpu.memory_space<vmem>>[vector<16xi32>, vector<16xi32>], vector<16xf32>,
      %mul3A_179 = arith.mulf %gather3A_174, %gather3A_178 : vector<16xf32>
      %add3A_180 = arith.addf %add3A_170, %mul3A_179 : vector<16xf32>
      %add3A_181 = arith.constant 5 : i32
      %add3A_182 = vector.broadcast %add3A_181 : i32 to vector<16xi32>
      %add3A_183 = arith.addi %mul3A_120, %add3A_182 : vector<16xi32>
      %gather3A_184 = tpu.vector_load_idx %arg11[%add3A_130, %add3A_183] : memref<128x128xf32, #tpu.memory_space<vmem>>[vector<16xi32>, vector<16xi32>], vector<16xf32>,
      %add3A_185 = arith.constant 5 : i32
      %add3A_186 = vector.broadcast %add3A_185 : i32 to vector<16xi32>
      %add3A_187 = arith.addi %mul3A_126, %add3A_186 : vector<16xi32>
      %gather3A_188 = tpu.vector_load_idx %arg12[%add3A_130, %add3A_187] : memref<128x128xf32, #tpu.memory_space<vmem>>[vector<16xi32>, vector<16xi32>], vector<16xf32>,
      %mul3A_189 = arith.mulf %gather3A_184, %gather3A_188 : vector<16xf32>
      %add3A_190 = arith.addf %add3A_180, %mul3A_189 : vector<16xf32>
      %add3A_191 = arith.constant 6 : i32
      %add3A_192 = vector.broadcast %add3A_191 : i32 to vector<16xi32>
      %add3A_193 = arith.addi %mul3A_120, %add3A_192 : vector<16xi32>
      %gather3A_194 = tpu.vector_load_idx %arg11[%add3A_130, %add3A_193] : memref<128x128xf32, #tpu.memory_space<vmem>>[vector<16xi32>, vector<16xi32>], vector<16xf32>,
      %add3A_195 = arith.constant 6 : i32
      %add3A_196 = vector.broadcast %add3A_195 : i32 to vector<16xi32>
      %add3A_197 = arith.addi %mul3A_126, %add3A_196 : vector<16xi32>
      %gather3A_198 = tpu.vector_load_idx %arg12[%add3A_130, %add3A_197] : memref<128x128xf32, #tpu.memory_space<vmem>>[vector<16xi32>, vector<16xi32>], vector<16xf32>,
      %mul3A_199 = arith.mulf %gather3A_194, %gather3A_198 : vector<16xf32>
      %add3A_200 = arith.addf %add3A_190, %mul3A_199 : vector<16xf32>
      %add3A_201 = arith.constant 7 : i32
      %add3A_202 = vector.broadcast %add3A_201 : i32 to vector<16xi32>
      %add3A_203 = arith.addi %mul3A_120, %add3A_202 : vector<16xi32>
      %gather3A_204 = tpu.vector_load_idx %arg11[%add3A_130, %add3A_203] : memref<128x128xf32, #tpu.memory_space<vmem>>[vector<16xi32>, vector<16xi32>], vector<16xf32>,
      %add3A_205 = arith.constant 7 : i32
      %add3A_206 = vector.broadcast %add3A_205 : i32 to vector<16xi32>
      %add3A_207 = arith.addi %mul3A_126, %add3A_206 : vector<16xi32>
      %gather3A_208 = tpu.vector_load_idx %arg12[%add3A_130, %add3A_207] : memref<128x128xf32, #tpu.memory_space<vmem>>[vector<16xi32>, vector<16xi32>], vector<16xf32>,
      %mul3A_209 = arith.mulf %gather3A_204, %gather3A_208 : vector<16xf32>
      %add3A_210 = arith.addf %add3A_200, %mul3A_209 : vector<16xf32>
      %add3A_211 = arith.constant 8 : i32
      %add3A_212 = vector.broadcast %add3A_211 : i32 to vector<16xi32>
      %add3A_213 = arith.addi %mul3A_120, %add3A_212 : vector<16xi32>
      %gather3A_214 = tpu.vector_load_idx %arg11[%add3A_130, %add3A_213] : memref<128x128xf32, #tpu.memory_space<vmem>>[vector<16xi32>, vector<16xi32>], vector<16xf32>,
      %add3A_215 = arith.constant 8 : i32
      %add3A_216 = vector.broadcast %add3A_215 : i32 to vector<16xi32>
      %add3A_217 = arith.addi %mul3A_126, %add3A_216 : vector<16xi32>
      %gather3A_218 = tpu.vector_load_idx %arg12[%add3A_130, %add3A_217] : memref<128x128xf32, #tpu.memory_space<vmem>>[vector<16xi32>, vector<16xi32>], vector<16xf32>,
      %mul3A_219 = arith.mulf %gather3A_214, %gather3A_218 : vector<16xf32>
      %add3A_220 = arith.addf %add3A_210, %mul3A_219 : vector<16xf32>
      %add3A_221 = arith.constant 9 : i32
      %add3A_222 = vector.broadcast %add3A_221 : i32 to vector<16xi32>
      %add3A_223 = arith.addi %mul3A_120, %add3A_222 : vector<16xi32>
      %gather3A_224 = tpu.vector_load_idx %arg11[%add3A_130, %add3A_223] : memref<128x128xf32, #tpu.memory_space<vmem>>[vector<16xi32>, vector<16xi32>], vector<16xf32>,
      %add3A_225 = arith.constant 9 : i32
      %add3A_226 = vector.broadcast %add3A_225 : i32 to vector<16xi32>
      %add3A_227 = arith.addi %mul3A_126, %add3A_226 : vector<16xi32>
      %gather3A_228 = tpu.vector_load_idx %arg12[%add3A_130, %add3A_227] : memref<128x128xf32, #tpu.memory_space<vmem>>[vector<16xi32>, vector<16xi32>], vector<16xf32>,
      %mul3A_229 = arith.mulf %gather3A_224, %gather3A_228 : vector<16xf32>
      %add3A_230 = arith.addf %add3A_220, %mul3A_229 : vector<16xf32>
      %add3A_231 = arith.constant 10 : i32
      %add3A_232 = vector.broadcast %add3A_231 : i32 to vector<16xi32>
      %add3A_233 = arith.addi %mul3A_120, %add3A_232 : vector<16xi32>
      %gather3A_234 = tpu.vector_load_idx %arg11[%add3A_130, %add3A_233] : memref<128x128xf32, #tpu.memory_space<vmem>>[vector<16xi32>, vector<16xi32>], vector<16xf32>,
      %add3A_235 = arith.constant 10 : i32
      %add3A_236 = vector.broadcast %add3A_235 : i32 to vector<16xi32>
      %add3A_237 = arith.addi %mul3A_126, %add3A_236 : vector<16xi32>
      %gather3A_238 = tpu.vector_load_idx %arg12[%add3A_130, %add3A_237] : memref<128x128xf32, #tpu.memory_space<vmem>>[vector<16xi32>, vector<16xi32>], vector<16xf32>,
      %mul3A_239 = arith.mulf %gather3A_234, %gather3A_238 : vector<16xf32>
      %add3A_240 = arith.addf %add3A_230, %mul3A_239 : vector<16xf32>
      %add3A_241 = arith.constant 11 : i32
      %add3A_242 = vector.broadcast %add3A_241 : i32 to vector<16xi32>
      %add3A_243 = arith.addi %mul3A_120, %add3A_242 : vector<16xi32>
      %gather3A_244 = tpu.vector_load_idx %arg11[%add3A_130, %add3A_243] : memref<128x128xf32, #tpu.memory_space<vmem>>[vector<16xi32>, vector<16xi32>], vector<16xf32>,
      %add3A_245 = arith.constant 11 : i32
      %add3A_246 = vector.broadcast %add3A_245 : i32 to vector<16xi32>
      %add3A_247 = arith.addi %mul3A_126, %add3A_246 : vector<16xi32>
      %gather3A_248 = tpu.vector_load_idx %arg12[%add3A_130, %add3A_247] : memref<128x128xf32, #tpu.memory_space<vmem>>[vector<16xi32>, vector<16xi32>], vector<16xf32>,
      %mul3A_249 = arith.mulf %gather3A_244, %gather3A_248 : vector<16xf32>
      %add3A_250 = arith.addf %add3A_240, %mul3A_249 : vector<16xf32>
      %add3A_251 = arith.constant 12 : i32
      %add3A_252 = vector.broadcast %add3A_251 : i32 to vector<16xi32>
      %add3A_253 = arith.addi %mul3A_120, %add3A_252 : vector<16xi32>
      %gather3A_254 = tpu.vector_load_idx %arg11[%add3A_130, %add3A_253] : memref<128x128xf32, #tpu.memory_space<vmem>>[vector<16xi32>, vector<16xi32>], vector<16xf32>,
      %add3A_255 = arith.constant 12 : i32
      %add3A_256 = vector.broadcast %add3A_255 : i32 to vector<16xi32>
      %add3A_257 = arith.addi %mul3A_126, %add3A_256 : vector<16xi32>
      %gather3A_258 = tpu.vector_load_idx %arg12[%add3A_130, %add3A_257] : memref<128x128xf32, #tpu.memory_space<vmem>>[vector<16xi32>, vector<16xi32>], vector<16xf32>,
      %mul3A_259 = arith.mulf %gather3A_254, %gather3A_258 : vector<16xf32>
      %add3A_260 = arith.addf %add3A_250, %mul3A_259 : vector<16xf32>
      %add3A_261 = arith.constant 13 : i32
      %add3A_262 = vector.broadcast %add3A_261 : i32 to vector<16xi32>
      %add3A_263 = arith.addi %mul3A_120, %add3A_262 : vector<16xi32>
      %gather3A_264 = tpu.vector_load_idx %arg11[%add3A_130, %add3A_263] : memref<128x128xf32, #tpu.memory_space<vmem>>[vector<16xi32>, vector<16xi32>], vector<16xf32>,
      %add3A_265 = arith.constant 13 : i32
      %add3A_266 = vector.broadcast %add3A_265 : i32 to vector<16xi32>
      %add3A_267 = arith.addi %mul3A_126, %add3A_266 : vector<16xi32>
      %gather3A_268 = tpu.vector_load_idx %arg12[%add3A_130, %add3A_267] : memref<128x128xf32, #tpu.memory_space<vmem>>[vector<16xi32>, vector<16xi32>], vector<16xf32>,
      %mul3A_269 = arith.mulf %gather3A_264, %gather3A_268 : vector<16xf32>
      %add3A_270 = arith.addf %add3A_260, %mul3A_269 : vector<16xf32>
      %add3A_271 = arith.constant 14 : i32
      %add3A_272 = vector.broadcast %add3A_271 : i32 to vector<16xi32>
      %add3A_273 = arith.addi %mul3A_120, %add3A_272 : vector<16xi32>
      %gather3A_274 = tpu.vector_load_idx %arg11[%add3A_130, %add3A_273] : memref<128x128xf32, #tpu.memory_space<vmem>>[vector<16xi32>, vector<16xi32>], vector<16xf32>,
      %add3A_275 = arith.constant 14 : i32
      %add3A_276 = vector.broadcast %add3A_275 : i32 to vector<16xi32>
      %add3A_277 = arith.addi %mul3A_126, %add3A_276 : vector<16xi32>
      %gather3A_278 = tpu.vector_load_idx %arg12[%add3A_130, %add3A_277] : memref<128x128xf32, #tpu.memory_space<vmem>>[vector<16xi32>, vector<16xi32>], vector<16xf32>,
      %mul3A_279 = arith.mulf %gather3A_274, %gather3A_278 : vector<16xf32>
      %add3A_280 = arith.addf %add3A_270, %mul3A_279 : vector<16xf32>
      %add3A_281 = arith.constant 15 : i32
      %add3A_282 = vector.broadcast %add3A_281 : i32 to vector<16xi32>
      %add3A_283 = arith.addi %mul3A_120, %add3A_282 : vector<16xi32>
      %gather3A_284 = tpu.vector_load_idx %arg11[%add3A_130, %add3A_283] : memref<128x128xf32, #tpu.memory_space<vmem>>[vector<16xi32>, vector<16xi32>], vector<16xf32>,
      %add3A_285 = arith.constant 15 : i32
      %add3A_286 = vector.broadcast %add3A_285 : i32 to vector<16xi32>
      %add3A_287 = arith.addi %mul3A_126, %add3A_286 : vector<16xi32>
      %gather3A_288 = tpu.vector_load_idx %arg12[%add3A_130, %add3A_287] : memref<128x128xf32, #tpu.memory_space<vmem>>[vector<16xi32>, vector<16xi32>], vector<16xf32>,
      %mul3A_289 = arith.mulf %gather3A_284, %gather3A_288 : vector<16xf32>
      %add3A_290 = arith.addf %add3A_280, %mul3A_289 : vector<16xf32>
      %neg3A = arith.constant 0.000000e+00 : f32
      %neg3A_291 = vector.broadcast %neg3A : f32 to vector<16xf32>
      %neg3A_292 = arith.subf %neg3A_291, %add3A_290 : vector<16xf32>
      %exp3A = math.exp %neg3A_292 : vector<16xf32>
      %add3A_293 = arith.constant 1.000000e+00 : f32
      %add3A_294 = vector.broadcast %add3A_293 : f32 to vector<16xf32>
      %add3A_295 = arith.addf %add3A_294, %exp3A : vector<16xf32>
      %div3A = arith.constant 1.000000e+00 : f32
      %div3A_296 = vector.broadcast %div3A : f32 to vector<16xf32>
      %div3A_297 = arith.divf %div3A_296, %add3A_295 : vector<16xf32>
      %swap3A = arith.index_cast %add3A_112 : i32 to index
      %swap3A_298 = tpu.vector_load %arg13[%swap3A] {strides = array<i32>} : memref<512xf32, #tpu.memory_space<vmem>>, vector<16xf32>,
      tpu.vector_store %arg13[%swap3A], %div3A_297 {strides = array<i32>} : memref<512xf32, #tpu.memory_space<vmem>>, vector<16xf32>,
    }
    %scan3A_55 = arith.constant 8 : i32
    %dma_start3A_56 = arith.constant 256 : i32
    %dma_start3A_57 = tpu.memref_slice %arg9[%dma_start3A_56] : memref<512xi32, #tpu.memory_space<vmem>> -> memref<128xi32, #tpu.memory_space<vmem>>
    %dma_start3A_58 = arith.constant 0 : i32
    %dma_start3A_59 = arith.constant 0 : i32
    %dma_start3A_60 = tpu.memref_slice %arg4[%dma_start3A_58, %dma_start3A_59] : memref<125000x128xf32, #tpu.memory_space<hbm>> -> memref<125000x128xf32, #tpu.memory_space<hbm>>
    tpu.enqueue_indirect_dma source(%dma_start3A_60 : memref<125000x128xf32, #tpu.memory_space<hbm>>) target(%arg11 : memref<128x128xf32, #tpu.memory_space<vmem>>) offsets(%dma_start3A_57 : memref<128xi32, #tpu.memory_space<vmem>>) semaphore(%arg14 : memref<!tpu.dma_semaphore, #tpu.memory_space<semaphore_mem>>)
    %dma_start3A_61 = arith.constant 256 : i32
    %dma_start3A_62 = tpu.memref_slice %arg10[%dma_start3A_61] : memref<512xi32, #tpu.memory_space<vmem>> -> memref<128xi32, #tpu.memory_space<vmem>>
    %dma_start3A_63 = arith.constant 0 : i32
    %dma_start3A_64 = arith.constant 0 : i32
    %dma_start3A_65 = tpu.memref_slice %arg5[%dma_start3A_63, %dma_start3A_64] : memref<125000x128xf32, #tpu.memory_space<hbm>> -> memref<125000x128xf32, #tpu.memory_space<hbm>>
    tpu.enqueue_indirect_dma source(%dma_start3A_65 : memref<125000x128xf32, #tpu.memory_space<hbm>>) target(%arg12 : memref<128x128xf32, #tpu.memory_space<vmem>>) offsets(%dma_start3A_62 : memref<128xi32, #tpu.memory_space<vmem>>) semaphore(%arg15 : memref<!tpu.dma_semaphore, #tpu.memory_space<semaphore_mem>>)
    %dma_wait3A_66 = arith.constant 256 : i32
    %dma_wait3A_67 = tpu.memref_slice %arg9[%dma_wait3A_66] : memref<512xi32, #tpu.memory_space<vmem>> -> memref<128xi32, #tpu.memory_space<vmem>>
    %dma_wait3A_68 = arith.constant 0 : i32
    %dma_wait3A_69 = arith.constant 0 : i32
    %dma_wait3A_70 = tpu.memref_slice %arg4[%dma_wait3A_68, %dma_wait3A_69] : memref<125000x128xf32, #tpu.memory_space<hbm>> -> memref<125000x128xf32, #tpu.memory_space<hbm>>
    tpu.wait_indirect_dma semaphore(%arg14 : memref<!tpu.dma_semaphore, #tpu.memory_space<semaphore_mem>>) src(%dma_wait3A_70 : memref<125000x128xf32, #tpu.memory_space<hbm>>) dst(%arg11 : memref<128x128xf32, #tpu.memory_space<vmem>>)
    %dma_wait3A_71 = arith.constant 256 : i32
    %dma_wait3A_72 = tpu.memref_slice %arg10[%dma_wait3A_71] : memref<512xi32, #tpu.memory_space<vmem>> -> memref<128xi32, #tpu.memory_space<vmem>>
    %dma_wait3A_73 = arith.constant 0 : i32
    %dma_wait3A_74 = arith.constant 0 : i32
    %dma_wait3A_75 = tpu.memref_slice %arg5[%dma_wait3A_73, %dma_wait3A_74] : memref<125000x128xf32, #tpu.memory_space<hbm>> -> memref<125000x128xf32, #tpu.memory_space<hbm>>
    tpu.wait_indirect_dma semaphore(%arg15 : memref<!tpu.dma_semaphore, #tpu.memory_space<semaphore_mem>>) src(%dma_wait3A_75 : memref<125000x128xf32, #tpu.memory_space<hbm>>) dst(%arg12 : memref<128x128xf32, #tpu.memory_space<vmem>>)
    %scan3A_76 = arith.constant 0 : i32
    %scan3A_77 = arith.constant 0 : i32
    %scan3A_78 = arith.constant 8 : i32
    %scan3A_79 = arith.addi %scan3A_77, %scan3A_78 : i32
    %scan3A_80 = arith.constant 1 : i32
    scf.for %scan3A_108 = %scan3A_77 to %scan3A_79 step %scan3A_80  : i32 {
      %mul3A_109 = arith.constant 16 : i32
      %mul3A_110 = arith.muli %scan3A_108, %mul3A_109 : i32
      %add3A_111 = arith.constant 256 : i32
      %add3A_112 = arith.addi %add3A_111, %mul3A_110 : i32
      %get3A = arith.index_cast %add3A_112 : i32 to index
      %get3A_113 = tpu.vector_load %arg7[%get3A] {strides = array<i32>} : memref<512xi32, #tpu.memory_space<vmem>>, vector<16xi32>,
      %get3A_114 = arith.index_cast %add3A_112 : i32 to index
      %get3A_115 = tpu.vector_load %arg8[%get3A_114] {strides = array<i32>} : memref<512xi32, #tpu.memory_space<vmem>>, vector<16xi32>,
      %and3A = arith.constant 7 : i32
      %and3A_116 = vector.broadcast %and3A : i32 to vector<16xi32>
      %and3A_117 = arith.andi %get3A_113, %and3A_116 : vector<16xi32>
      %mul3A_118 = arith.constant 16 : i32
      %mul3A_119 = vector.broadcast %mul3A_118 : i32 to vector<16xi32>
      %mul3A_120 = arith.muli %and3A_117, %mul3A_119 : vector<16xi32>
      %and3A_121 = arith.constant 7 : i32
      %and3A_122 = vector.broadcast %and3A_121 : i32 to vector<16xi32>
      %and3A_123 = arith.andi %get3A_115, %and3A_122 : vector<16xi32>
      %mul3A_124 = arith.constant 16 : i32
      %mul3A_125 = vector.broadcast %mul3A_124 : i32 to vector<16xi32>
      %mul3A_126 = arith.muli %and3A_123, %mul3A_125 : vector<16xi32>
      %mul3A_127 = arith.constant 16 : i32
      %mul3A_128 = arith.muli %scan3A_108, %mul3A_127 : i32
      %add3A_129 = vector.broadcast %mul3A_128 : i32 to vector<16xi32>
      %add3A_130 = arith.addi %iota3A, %add3A_129 : vector<16xi32>
      %broadcast_in_dim3A = arith.constant 0.000000e+00 : f32
      %broadcast_in_dim3A_131 = vector.broadcast %broadcast_in_dim3A : f32 to vector<16xf32>
      %add3A_132 = arith.constant 0 : i32
      %add3A_133 = vector.broadcast %add3A_132 : i32 to vector<16xi32>
      %add3A_134 = arith.addi %mul3A_120, %add3A_133 : vector<16xi32>
      %gather3A = tpu.vector_load_idx %arg11[%add3A_130, %add3A_134] : memref<128x128xf32, #tpu.memory_space<vmem>>[vector<16xi32>, vector<16xi32>], vector<16xf32>,
      %add3A_135 = arith.constant 0 : i32
      %add3A_136 = vector.broadcast %add3A_135 : i32 to vector<16xi32>
      %add3A_137 = arith.addi %mul3A_126, %add3A_136 : vector<16xi32>
      %gather3A_138 = tpu.vector_load_idx %arg12[%add3A_130, %add3A_137] : memref<128x128xf32, #tpu.memory_space<vmem>>[vector<16xi32>, vector<16xi32>], vector<16xf32>,
      %mul3A_139 = arith.mulf %gather3A, %gather3A_138 : vector<16xf32>
      %add3A_140 = arith.addf %broadcast_in_dim3A_131, %mul3A_139 : vector<16xf32>
      %add3A_141 = arith.constant 1 : i32
      %add3A_142 = vector.broadcast %add3A_141 : i32 to vector<16xi32>
      %add3A_143 = arith.addi %mul3A_120, %add3A_142 : vector<16xi32>
      %gather3A_144 = tpu.vector_load_idx %arg11[%add3A_130, %add3A_143] : memref<128x128xf32, #tpu.memory_space<vmem>>[vector<16xi32>, vector<16xi32>], vector<16xf32>,
      %add3A_145 = arith.constant 1 : i32
      %add3A_146 = vector.broadcast %add3A_145 : i32 to vector<16xi32>
      %add3A_147 = arith.addi %mul3A_126, %add3A_146 : vector<16xi32>
      %gather3A_148 = tpu.vector_load_idx %arg12[%add3A_130, %add3A_147] : memref<128x128xf32, #tpu.memory_space<vmem>>[vector<16xi32>, vector<16xi32>], vector<16xf32>,
      %mul3A_149 = arith.mulf %gather3A_144, %gather3A_148 : vector<16xf32>
      %add3A_150 = arith.addf %add3A_140, %mul3A_149 : vector<16xf32>
      %add3A_151 = arith.constant 2 : i32
      %add3A_152 = vector.broadcast %add3A_151 : i32 to vector<16xi32>
      %add3A_153 = arith.addi %mul3A_120, %add3A_152 : vector<16xi32>
      %gather3A_154 = tpu.vector_load_idx %arg11[%add3A_130, %add3A_153] : memref<128x128xf32, #tpu.memory_space<vmem>>[vector<16xi32>, vector<16xi32>], vector<16xf32>,
      %add3A_155 = arith.constant 2 : i32
      %add3A_156 = vector.broadcast %add3A_155 : i32 to vector<16xi32>
      %add3A_157 = arith.addi %mul3A_126, %add3A_156 : vector<16xi32>
      %gather3A_158 = tpu.vector_load_idx %arg12[%add3A_130, %add3A_157] : memref<128x128xf32, #tpu.memory_space<vmem>>[vector<16xi32>, vector<16xi32>], vector<16xf32>,
      %mul3A_159 = arith.mulf %gather3A_154, %gather3A_158 : vector<16xf32>
      %add3A_160 = arith.addf %add3A_150, %mul3A_159 : vector<16xf32>
      %add3A_161 = arith.constant 3 : i32
      %add3A_162 = vector.broadcast %add3A_161 : i32 to vector<16xi32>
      %add3A_163 = arith.addi %mul3A_120, %add3A_162 : vector<16xi32>
      %gather3A_164 = tpu.vector_load_idx %arg11[%add3A_130, %add3A_163] : memref<128x128xf32, #tpu.memory_space<vmem>>[vector<16xi32>, vector<16xi32>], vector<16xf32>,
      %add3A_165 = arith.constant 3 : i32
      %add3A_166 = vector.broadcast %add3A_165 : i32 to vector<16xi32>
      %add3A_167 = arith.addi %mul3A_126, %add3A_166 : vector<16xi32>
      %gather3A_168 = tpu.vector_load_idx %arg12[%add3A_130, %add3A_167] : memref<128x128xf32, #tpu.memory_space<vmem>>[vector<16xi32>, vector<16xi32>], vector<16xf32>,
      %mul3A_169 = arith.mulf %gather3A_164, %gather3A_168 : vector<16xf32>
      %add3A_170 = arith.addf %add3A_160, %mul3A_169 : vector<16xf32>
      %add3A_171 = arith.constant 4 : i32
      %add3A_172 = vector.broadcast %add3A_171 : i32 to vector<16xi32>
      %add3A_173 = arith.addi %mul3A_120, %add3A_172 : vector<16xi32>
      %gather3A_174 = tpu.vector_load_idx %arg11[%add3A_130, %add3A_173] : memref<128x128xf32, #tpu.memory_space<vmem>>[vector<16xi32>, vector<16xi32>], vector<16xf32>,
      %add3A_175 = arith.constant 4 : i32
      %add3A_176 = vector.broadcast %add3A_175 : i32 to vector<16xi32>
      %add3A_177 = arith.addi %mul3A_126, %add3A_176 : vector<16xi32>
      %gather3A_178 = tpu.vector_load_idx %arg12[%add3A_130, %add3A_177] : memref<128x128xf32, #tpu.memory_space<vmem>>[vector<16xi32>, vector<16xi32>], vector<16xf32>,
      %mul3A_179 = arith.mulf %gather3A_174, %gather3A_178 : vector<16xf32>
      %add3A_180 = arith.addf %add3A_170, %mul3A_179 : vector<16xf32>
      %add3A_181 = arith.constant 5 : i32
      %add3A_182 = vector.broadcast %add3A_181 : i32 to vector<16xi32>
      %add3A_183 = arith.addi %mul3A_120, %add3A_182 : vector<16xi32>
      %gather3A_184 = tpu.vector_load_idx %arg11[%add3A_130, %add3A_183] : memref<128x128xf32, #tpu.memory_space<vmem>>[vector<16xi32>, vector<16xi32>], vector<16xf32>,
      %add3A_185 = arith.constant 5 : i32
      %add3A_186 = vector.broadcast %add3A_185 : i32 to vector<16xi32>
      %add3A_187 = arith.addi %mul3A_126, %add3A_186 : vector<16xi32>
      %gather3A_188 = tpu.vector_load_idx %arg12[%add3A_130, %add3A_187] : memref<128x128xf32, #tpu.memory_space<vmem>>[vector<16xi32>, vector<16xi32>], vector<16xf32>,
      %mul3A_189 = arith.mulf %gather3A_184, %gather3A_188 : vector<16xf32>
      %add3A_190 = arith.addf %add3A_180, %mul3A_189 : vector<16xf32>
      %add3A_191 = arith.constant 6 : i32
      %add3A_192 = vector.broadcast %add3A_191 : i32 to vector<16xi32>
      %add3A_193 = arith.addi %mul3A_120, %add3A_192 : vector<16xi32>
      %gather3A_194 = tpu.vector_load_idx %arg11[%add3A_130, %add3A_193] : memref<128x128xf32, #tpu.memory_space<vmem>>[vector<16xi32>, vector<16xi32>], vector<16xf32>,
      %add3A_195 = arith.constant 6 : i32
      %add3A_196 = vector.broadcast %add3A_195 : i32 to vector<16xi32>
      %add3A_197 = arith.addi %mul3A_126, %add3A_196 : vector<16xi32>
      %gather3A_198 = tpu.vector_load_idx %arg12[%add3A_130, %add3A_197] : memref<128x128xf32, #tpu.memory_space<vmem>>[vector<16xi32>, vector<16xi32>], vector<16xf32>,
      %mul3A_199 = arith.mulf %gather3A_194, %gather3A_198 : vector<16xf32>
      %add3A_200 = arith.addf %add3A_190, %mul3A_199 : vector<16xf32>
      %add3A_201 = arith.constant 7 : i32
      %add3A_202 = vector.broadcast %add3A_201 : i32 to vector<16xi32>
      %add3A_203 = arith.addi %mul3A_120, %add3A_202 : vector<16xi32>
      %gather3A_204 = tpu.vector_load_idx %arg11[%add3A_130, %add3A_203] : memref<128x128xf32, #tpu.memory_space<vmem>>[vector<16xi32>, vector<16xi32>], vector<16xf32>,
      %add3A_205 = arith.constant 7 : i32
      %add3A_206 = vector.broadcast %add3A_205 : i32 to vector<16xi32>
      %add3A_207 = arith.addi %mul3A_126, %add3A_206 : vector<16xi32>
      %gather3A_208 = tpu.vector_load_idx %arg12[%add3A_130, %add3A_207] : memref<128x128xf32, #tpu.memory_space<vmem>>[vector<16xi32>, vector<16xi32>], vector<16xf32>,
      %mul3A_209 = arith.mulf %gather3A_204, %gather3A_208 : vector<16xf32>
      %add3A_210 = arith.addf %add3A_200, %mul3A_209 : vector<16xf32>
      %add3A_211 = arith.constant 8 : i32
      %add3A_212 = vector.broadcast %add3A_211 : i32 to vector<16xi32>
      %add3A_213 = arith.addi %mul3A_120, %add3A_212 : vector<16xi32>
      %gather3A_214 = tpu.vector_load_idx %arg11[%add3A_130, %add3A_213] : memref<128x128xf32, #tpu.memory_space<vmem>>[vector<16xi32>, vector<16xi32>], vector<16xf32>,
      %add3A_215 = arith.constant 8 : i32
      %add3A_216 = vector.broadcast %add3A_215 : i32 to vector<16xi32>
      %add3A_217 = arith.addi %mul3A_126, %add3A_216 : vector<16xi32>
      %gather3A_218 = tpu.vector_load_idx %arg12[%add3A_130, %add3A_217] : memref<128x128xf32, #tpu.memory_space<vmem>>[vector<16xi32>, vector<16xi32>], vector<16xf32>,
      %mul3A_219 = arith.mulf %gather3A_214, %gather3A_218 : vector<16xf32>
      %add3A_220 = arith.addf %add3A_210, %mul3A_219 : vector<16xf32>
      %add3A_221 = arith.constant 9 : i32
      %add3A_222 = vector.broadcast %add3A_221 : i32 to vector<16xi32>
      %add3A_223 = arith.addi %mul3A_120, %add3A_222 : vector<16xi32>
      %gather3A_224 = tpu.vector_load_idx %arg11[%add3A_130, %add3A_223] : memref<128x128xf32, #tpu.memory_space<vmem>>[vector<16xi32>, vector<16xi32>], vector<16xf32>,
      %add3A_225 = arith.constant 9 : i32
      %add3A_226 = vector.broadcast %add3A_225 : i32 to vector<16xi32>
      %add3A_227 = arith.addi %mul3A_126, %add3A_226 : vector<16xi32>
      %gather3A_228 = tpu.vector_load_idx %arg12[%add3A_130, %add3A_227] : memref<128x128xf32, #tpu.memory_space<vmem>>[vector<16xi32>, vector<16xi32>], vector<16xf32>,
      %mul3A_229 = arith.mulf %gather3A_224, %gather3A_228 : vector<16xf32>
      %add3A_230 = arith.addf %add3A_220, %mul3A_229 : vector<16xf32>
      %add3A_231 = arith.constant 10 : i32
      %add3A_232 = vector.broadcast %add3A_231 : i32 to vector<16xi32>
      %add3A_233 = arith.addi %mul3A_120, %add3A_232 : vector<16xi32>
      %gather3A_234 = tpu.vector_load_idx %arg11[%add3A_130, %add3A_233] : memref<128x128xf32, #tpu.memory_space<vmem>>[vector<16xi32>, vector<16xi32>], vector<16xf32>,
      %add3A_235 = arith.constant 10 : i32
      %add3A_236 = vector.broadcast %add3A_235 : i32 to vector<16xi32>
      %add3A_237 = arith.addi %mul3A_126, %add3A_236 : vector<16xi32>
      %gather3A_238 = tpu.vector_load_idx %arg12[%add3A_130, %add3A_237] : memref<128x128xf32, #tpu.memory_space<vmem>>[vector<16xi32>, vector<16xi32>], vector<16xf32>,
      %mul3A_239 = arith.mulf %gather3A_234, %gather3A_238 : vector<16xf32>
      %add3A_240 = arith.addf %add3A_230, %mul3A_239 : vector<16xf32>
      %add3A_241 = arith.constant 11 : i32
      %add3A_242 = vector.broadcast %add3A_241 : i32 to vector<16xi32>
      %add3A_243 = arith.addi %mul3A_120, %add3A_242 : vector<16xi32>
      %gather3A_244 = tpu.vector_load_idx %arg11[%add3A_130, %add3A_243] : memref<128x128xf32, #tpu.memory_space<vmem>>[vector<16xi32>, vector<16xi32>], vector<16xf32>,
      %add3A_245 = arith.constant 11 : i32
      %add3A_246 = vector.broadcast %add3A_245 : i32 to vector<16xi32>
      %add3A_247 = arith.addi %mul3A_126, %add3A_246 : vector<16xi32>
      %gather3A_248 = tpu.vector_load_idx %arg12[%add3A_130, %add3A_247] : memref<128x128xf32, #tpu.memory_space<vmem>>[vector<16xi32>, vector<16xi32>], vector<16xf32>,
      %mul3A_249 = arith.mulf %gather3A_244, %gather3A_248 : vector<16xf32>
      %add3A_250 = arith.addf %add3A_240, %mul3A_249 : vector<16xf32>
      %add3A_251 = arith.constant 12 : i32
      %add3A_252 = vector.broadcast %add3A_251 : i32 to vector<16xi32>
      %add3A_253 = arith.addi %mul3A_120, %add3A_252 : vector<16xi32>
      %gather3A_254 = tpu.vector_load_idx %arg11[%add3A_130, %add3A_253] : memref<128x128xf32, #tpu.memory_space<vmem>>[vector<16xi32>, vector<16xi32>], vector<16xf32>,
      %add3A_255 = arith.constant 12 : i32
      %add3A_256 = vector.broadcast %add3A_255 : i32 to vector<16xi32>
      %add3A_257 = arith.addi %mul3A_126, %add3A_256 : vector<16xi32>
      %gather3A_258 = tpu.vector_load_idx %arg12[%add3A_130, %add3A_257] : memref<128x128xf32, #tpu.memory_space<vmem>>[vector<16xi32>, vector<16xi32>], vector<16xf32>,
      %mul3A_259 = arith.mulf %gather3A_254, %gather3A_258 : vector<16xf32>
      %add3A_260 = arith.addf %add3A_250, %mul3A_259 : vector<16xf32>
      %add3A_261 = arith.constant 13 : i32
      %add3A_262 = vector.broadcast %add3A_261 : i32 to vector<16xi32>
      %add3A_263 = arith.addi %mul3A_120, %add3A_262 : vector<16xi32>
      %gather3A_264 = tpu.vector_load_idx %arg11[%add3A_130, %add3A_263] : memref<128x128xf32, #tpu.memory_space<vmem>>[vector<16xi32>, vector<16xi32>], vector<16xf32>,
      %add3A_265 = arith.constant 13 : i32
      %add3A_266 = vector.broadcast %add3A_265 : i32 to vector<16xi32>
      %add3A_267 = arith.addi %mul3A_126, %add3A_266 : vector<16xi32>
      %gather3A_268 = tpu.vector_load_idx %arg12[%add3A_130, %add3A_267] : memref<128x128xf32, #tpu.memory_space<vmem>>[vector<16xi32>, vector<16xi32>], vector<16xf32>,
      %mul3A_269 = arith.mulf %gather3A_264, %gather3A_268 : vector<16xf32>
      %add3A_270 = arith.addf %add3A_260, %mul3A_269 : vector<16xf32>
      %add3A_271 = arith.constant 14 : i32
      %add3A_272 = vector.broadcast %add3A_271 : i32 to vector<16xi32>
      %add3A_273 = arith.addi %mul3A_120, %add3A_272 : vector<16xi32>
      %gather3A_274 = tpu.vector_load_idx %arg11[%add3A_130, %add3A_273] : memref<128x128xf32, #tpu.memory_space<vmem>>[vector<16xi32>, vector<16xi32>], vector<16xf32>,
      %add3A_275 = arith.constant 14 : i32
      %add3A_276 = vector.broadcast %add3A_275 : i32 to vector<16xi32>
      %add3A_277 = arith.addi %mul3A_126, %add3A_276 : vector<16xi32>
      %gather3A_278 = tpu.vector_load_idx %arg12[%add3A_130, %add3A_277] : memref<128x128xf32, #tpu.memory_space<vmem>>[vector<16xi32>, vector<16xi32>], vector<16xf32>,
      %mul3A_279 = arith.mulf %gather3A_274, %gather3A_278 : vector<16xf32>
      %add3A_280 = arith.addf %add3A_270, %mul3A_279 : vector<16xf32>
      %add3A_281 = arith.constant 15 : i32
      %add3A_282 = vector.broadcast %add3A_281 : i32 to vector<16xi32>
      %add3A_283 = arith.addi %mul3A_120, %add3A_282 : vector<16xi32>
      %gather3A_284 = tpu.vector_load_idx %arg11[%add3A_130, %add3A_283] : memref<128x128xf32, #tpu.memory_space<vmem>>[vector<16xi32>, vector<16xi32>], vector<16xf32>,
      %add3A_285 = arith.constant 15 : i32
      %add3A_286 = vector.broadcast %add3A_285 : i32 to vector<16xi32>
      %add3A_287 = arith.addi %mul3A_126, %add3A_286 : vector<16xi32>
      %gather3A_288 = tpu.vector_load_idx %arg12[%add3A_130, %add3A_287] : memref<128x128xf32, #tpu.memory_space<vmem>>[vector<16xi32>, vector<16xi32>], vector<16xf32>,
      %mul3A_289 = arith.mulf %gather3A_284, %gather3A_288 : vector<16xf32>
      %add3A_290 = arith.addf %add3A_280, %mul3A_289 : vector<16xf32>
      %neg3A = arith.constant 0.000000e+00 : f32
      %neg3A_291 = vector.broadcast %neg3A : f32 to vector<16xf32>
      %neg3A_292 = arith.subf %neg3A_291, %add3A_290 : vector<16xf32>
      %exp3A = math.exp %neg3A_292 : vector<16xf32>
      %add3A_293 = arith.constant 1.000000e+00 : f32
      %add3A_294 = vector.broadcast %add3A_293 : f32 to vector<16xf32>
      %add3A_295 = arith.addf %add3A_294, %exp3A : vector<16xf32>
      %div3A = arith.constant 1.000000e+00 : f32
      %div3A_296 = vector.broadcast %div3A : f32 to vector<16xf32>
      %div3A_297 = arith.divf %div3A_296, %add3A_295 : vector<16xf32>
      %swap3A = arith.index_cast %add3A_112 : i32 to index
      %swap3A_298 = tpu.vector_load %arg13[%swap3A] {strides = array<i32>} : memref<512xf32, #tpu.memory_space<vmem>>, vector<16xf32>,
      tpu.vector_store %arg13[%swap3A], %div3A_297 {strides = array<i32>} : memref<512xf32, #tpu.memory_space<vmem>>, vector<16xf32>,
    }
    %scan3A_81 = arith.constant 8 : i32
    %dma_start3A_82 = arith.constant 384 : i32
    %dma_start3A_83 = tpu.memref_slice %arg9[%dma_start3A_82] : memref<512xi32, #tpu.memory_space<vmem>> -> memref<128xi32, #tpu.memory_space<vmem>>
    %dma_start3A_84 = arith.constant 0 : i32
    %dma_start3A_85 = arith.constant 0 : i32
    %dma_start3A_86 = tpu.memref_slice %arg4[%dma_start3A_84, %dma_start3A_85] : memref<125000x128xf32, #tpu.memory_space<hbm>> -> memref<125000x128xf32, #tpu.memory_space<hbm>>
    tpu.enqueue_indirect_dma source(%dma_start3A_86 : memref<125000x128xf32, #tpu.memory_space<hbm>>) target(%arg11 : memref<128x128xf32, #tpu.memory_space<vmem>>) offsets(%dma_start3A_83 : memref<128xi32, #tpu.memory_space<vmem>>) semaphore(%arg14 : memref<!tpu.dma_semaphore, #tpu.memory_space<semaphore_mem>>)
    %dma_start3A_87 = arith.constant 384 : i32
    %dma_start3A_88 = tpu.memref_slice %arg10[%dma_start3A_87] : memref<512xi32, #tpu.memory_space<vmem>> -> memref<128xi32, #tpu.memory_space<vmem>>
    %dma_start3A_89 = arith.constant 0 : i32
    %dma_start3A_90 = arith.constant 0 : i32
    %dma_start3A_91 = tpu.memref_slice %arg5[%dma_start3A_89, %dma_start3A_90] : memref<125000x128xf32, #tpu.memory_space<hbm>> -> memref<125000x128xf32, #tpu.memory_space<hbm>>
    tpu.enqueue_indirect_dma source(%dma_start3A_91 : memref<125000x128xf32, #tpu.memory_space<hbm>>) target(%arg12 : memref<128x128xf32, #tpu.memory_space<vmem>>) offsets(%dma_start3A_88 : memref<128xi32, #tpu.memory_space<vmem>>) semaphore(%arg15 : memref<!tpu.dma_semaphore, #tpu.memory_space<semaphore_mem>>)
    %dma_wait3A_92 = arith.constant 384 : i32
    %dma_wait3A_93 = tpu.memref_slice %arg9[%dma_wait3A_92] : memref<512xi32, #tpu.memory_space<vmem>> -> memref<128xi32, #tpu.memory_space<vmem>>
    %dma_wait3A_94 = arith.constant 0 : i32
    %dma_wait3A_95 = arith.constant 0 : i32
    %dma_wait3A_96 = tpu.memref_slice %arg4[%dma_wait3A_94, %dma_wait3A_95] : memref<125000x128xf32, #tpu.memory_space<hbm>> -> memref<125000x128xf32, #tpu.memory_space<hbm>>
    tpu.wait_indirect_dma semaphore(%arg14 : memref<!tpu.dma_semaphore, #tpu.memory_space<semaphore_mem>>) src(%dma_wait3A_96 : memref<125000x128xf32, #tpu.memory_space<hbm>>) dst(%arg11 : memref<128x128xf32, #tpu.memory_space<vmem>>)
    %dma_wait3A_97 = arith.constant 384 : i32
    %dma_wait3A_98 = tpu.memref_slice %arg10[%dma_wait3A_97] : memref<512xi32, #tpu.memory_space<vmem>> -> memref<128xi32, #tpu.memory_space<vmem>>
    %dma_wait3A_99 = arith.constant 0 : i32
    %dma_wait3A_100 = arith.constant 0 : i32
    %dma_wait3A_101 = tpu.memref_slice %arg5[%dma_wait3A_99, %dma_wait3A_100] : memref<125000x128xf32, #tpu.memory_space<hbm>> -> memref<125000x128xf32, #tpu.memory_space<hbm>>
    tpu.wait_indirect_dma semaphore(%arg15 : memref<!tpu.dma_semaphore, #tpu.memory_space<semaphore_mem>>) src(%dma_wait3A_101 : memref<125000x128xf32, #tpu.memory_space<hbm>>) dst(%arg12 : memref<128x128xf32, #tpu.memory_space<vmem>>)
    %scan3A_102 = arith.constant 0 : i32
    %scan3A_103 = arith.constant 0 : i32
    %scan3A_104 = arith.constant 8 : i32
    %scan3A_105 = arith.addi %scan3A_103, %scan3A_104 : i32
    %scan3A_106 = arith.constant 1 : i32
    scf.for %scan3A_108 = %scan3A_103 to %scan3A_105 step %scan3A_106  : i32 {
      %mul3A_109 = arith.constant 16 : i32
      %mul3A_110 = arith.muli %scan3A_108, %mul3A_109 : i32
      %add3A_111 = arith.constant 384 : i32
      %add3A_112 = arith.addi %add3A_111, %mul3A_110 : i32
      %get3A = arith.index_cast %add3A_112 : i32 to index
      %get3A_113 = tpu.vector_load %arg7[%get3A] {strides = array<i32>} : memref<512xi32, #tpu.memory_space<vmem>>, vector<16xi32>,
      %get3A_114 = arith.index_cast %add3A_112 : i32 to index
      %get3A_115 = tpu.vector_load %arg8[%get3A_114] {strides = array<i32>} : memref<512xi32, #tpu.memory_space<vmem>>, vector<16xi32>,
      %and3A = arith.constant 7 : i32
      %and3A_116 = vector.broadcast %and3A : i32 to vector<16xi32>
      %and3A_117 = arith.andi %get3A_113, %and3A_116 : vector<16xi32>
      %mul3A_118 = arith.constant 16 : i32
      %mul3A_119 = vector.broadcast %mul3A_118 : i32 to vector<16xi32>
      %mul3A_120 = arith.muli %and3A_117, %mul3A_119 : vector<16xi32>
      %and3A_121 = arith.constant 7 : i32
      %and3A_122 = vector.broadcast %and3A_121 : i32 to vector<16xi32>
      %and3A_123 = arith.andi %get3A_115, %and3A_122 : vector<16xi32>
      %mul3A_124 = arith.constant 16 : i32
      %mul3A_125 = vector.broadcast %mul3A_124 : i32 to vector<16xi32>
      %mul3A_126 = arith.muli %and3A_123, %mul3A_125 : vector<16xi32>
      %mul3A_127 = arith.constant 16 : i32
      %mul3A_128 = arith.muli %scan3A_108, %mul3A_127 : i32
      %add3A_129 = vector.broadcast %mul3A_128 : i32 to vector<16xi32>
      %add3A_130 = arith.addi %iota3A, %add3A_129 : vector<16xi32>
      %broadcast_in_dim3A = arith.constant 0.000000e+00 : f32
      %broadcast_in_dim3A_131 = vector.broadcast %broadcast_in_dim3A : f32 to vector<16xf32>
      %add3A_132 = arith.constant 0 : i32
      %add3A_133 = vector.broadcast %add3A_132 : i32 to vector<16xi32>
      %add3A_134 = arith.addi %mul3A_120, %add3A_133 : vector<16xi32>
      %gather3A = tpu.vector_load_idx %arg11[%add3A_130, %add3A_134] : memref<128x128xf32, #tpu.memory_space<vmem>>[vector<16xi32>, vector<16xi32>], vector<16xf32>,
      %add3A_135 = arith.constant 0 : i32
      %add3A_136 = vector.broadcast %add3A_135 : i32 to vector<16xi32>
      %add3A_137 = arith.addi %mul3A_126, %add3A_136 : vector<16xi32>
      %gather3A_138 = tpu.vector_load_idx %arg12[%add3A_130, %add3A_137] : memref<128x128xf32, #tpu.memory_space<vmem>>[vector<16xi32>, vector<16xi32>], vector<16xf32>,
      %mul3A_139 = arith.mulf %gather3A, %gather3A_138 : vector<16xf32>
      %add3A_140 = arith.addf %broadcast_in_dim3A_131, %mul3A_139 : vector<16xf32>
      %add3A_141 = arith.constant 1 : i32
      %add3A_142 = vector.broadcast %add3A_141 : i32 to vector<16xi32>
      %add3A_143 = arith.addi %mul3A_120, %add3A_142 : vector<16xi32>
      %gather3A_144 = tpu.vector_load_idx %arg11[%add3A_130, %add3A_143] : memref<128x128xf32, #tpu.memory_space<vmem>>[vector<16xi32>, vector<16xi32>], vector<16xf32>,
      %add3A_145 = arith.constant 1 : i32
      %add3A_146 = vector.broadcast %add3A_145 : i32 to vector<16xi32>
      %add3A_147 = arith.addi %mul3A_126, %add3A_146 : vector<16xi32>
      %gather3A_148 = tpu.vector_load_idx %arg12[%add3A_130, %add3A_147] : memref<128x128xf32, #tpu.memory_space<vmem>>[vector<16xi32>, vector<16xi32>], vector<16xf32>,
      %mul3A_149 = arith.mulf %gather3A_144, %gather3A_148 : vector<16xf32>
      %add3A_150 = arith.addf %add3A_140, %mul3A_149 : vector<16xf32>
      %add3A_151 = arith.constant 2 : i32
      %add3A_152 = vector.broadcast %add3A_151 : i32 to vector<16xi32>
      %add3A_153 = arith.addi %mul3A_120, %add3A_152 : vector<16xi32>
      %gather3A_154 = tpu.vector_load_idx %arg11[%add3A_130, %add3A_153] : memref<128x128xf32, #tpu.memory_space<vmem>>[vector<16xi32>, vector<16xi32>], vector<16xf32>,
      %add3A_155 = arith.constant 2 : i32
      %add3A_156 = vector.broadcast %add3A_155 : i32 to vector<16xi32>
      %add3A_157 = arith.addi %mul3A_126, %add3A_156 : vector<16xi32>
      %gather3A_158 = tpu.vector_load_idx %arg12[%add3A_130, %add3A_157] : memref<128x128xf32, #tpu.memory_space<vmem>>[vector<16xi32>, vector<16xi32>], vector<16xf32>,
      %mul3A_159 = arith.mulf %gather3A_154, %gather3A_158 : vector<16xf32>
      %add3A_160 = arith.addf %add3A_150, %mul3A_159 : vector<16xf32>
      %add3A_161 = arith.constant 3 : i32
      %add3A_162 = vector.broadcast %add3A_161 : i32 to vector<16xi32>
      %add3A_163 = arith.addi %mul3A_120, %add3A_162 : vector<16xi32>
      %gather3A_164 = tpu.vector_load_idx %arg11[%add3A_130, %add3A_163] : memref<128x128xf32, #tpu.memory_space<vmem>>[vector<16xi32>, vector<16xi32>], vector<16xf32>,
      %add3A_165 = arith.constant 3 : i32
      %add3A_166 = vector.broadcast %add3A_165 : i32 to vector<16xi32>
      %add3A_167 = arith.addi %mul3A_126, %add3A_166 : vector<16xi32>
      %gather3A_168 = tpu.vector_load_idx %arg12[%add3A_130, %add3A_167] : memref<128x128xf32, #tpu.memory_space<vmem>>[vector<16xi32>, vector<16xi32>], vector<16xf32>,
      %mul3A_169 = arith.mulf %gather3A_164, %gather3A_168 : vector<16xf32>
      %add3A_170 = arith.addf %add3A_160, %mul3A_169 : vector<16xf32>
      %add3A_171 = arith.constant 4 : i32
      %add3A_172 = vector.broadcast %add3A_171 : i32 to vector<16xi32>
      %add3A_173 = arith.addi %mul3A_120, %add3A_172 : vector<16xi32>
      %gather3A_174 = tpu.vector_load_idx %arg11[%add3A_130, %add3A_173] : memref<128x128xf32, #tpu.memory_space<vmem>>[vector<16xi32>, vector<16xi32>], vector<16xf32>,
      %add3A_175 = arith.constant 4 : i32
      %add3A_176 = vector.broadcast %add3A_175 : i32 to vector<16xi32>
      %add3A_177 = arith.addi %mul3A_126, %add3A_176 : vector<16xi32>
      %gather3A_178 = tpu.vector_load_idx %arg12[%add3A_130, %add3A_177] : memref<128x128xf32, #tpu.memory_space<vmem>>[vector<16xi32>, vector<16xi32>], vector<16xf32>,
      %mul3A_179 = arith.mulf %gather3A_174, %gather3A_178 : vector<16xf32>
      %add3A_180 = arith.addf %add3A_170, %mul3A_179 : vector<16xf32>
      %add3A_181 = arith.constant 5 : i32
      %add3A_182 = vector.broadcast %add3A_181 : i32 to vector<16xi32>
      %add3A_183 = arith.addi %mul3A_120, %add3A_182 : vector<16xi32>
      %gather3A_184 = tpu.vector_load_idx %arg11[%add3A_130, %add3A_183] : memref<128x128xf32, #tpu.memory_space<vmem>>[vector<16xi32>, vector<16xi32>], vector<16xf32>,
      %add3A_185 = arith.constant 5 : i32
      %add3A_186 = vector.broadcast %add3A_185 : i32 to vector<16xi32>
      %add3A_187 = arith.addi %mul3A_126, %add3A_186 : vector<16xi32>
      %gather3A_188 = tpu.vector_load_idx %arg12[%add3A_130, %add3A_187] : memref<128x128xf32, #tpu.memory_space<vmem>>[vector<16xi32>, vector<16xi32>], vector<16xf32>,
      %mul3A_189 = arith.mulf %gather3A_184, %gather3A_188 : vector<16xf32>
      %add3A_190 = arith.addf %add3A_180, %mul3A_189 : vector<16xf32>
      %add3A_191 = arith.constant 6 : i32
      %add3A_192 = vector.broadcast %add3A_191 : i32 to vector<16xi32>
      %add3A_193 = arith.addi %mul3A_120, %add3A_192 : vector<16xi32>
      %gather3A_194 = tpu.vector_load_idx %arg11[%add3A_130, %add3A_193] : memref<128x128xf32, #tpu.memory_space<vmem>>[vector<16xi32>, vector<16xi32>], vector<16xf32>,
      %add3A_195 = arith.constant 6 : i32
      %add3A_196 = vector.broadcast %add3A_195 : i32 to vector<16xi32>
      %add3A_197 = arith.addi %mul3A_126, %add3A_196 : vector<16xi32>
      %gather3A_198 = tpu.vector_load_idx %arg12[%add3A_130, %add3A_197] : memref<128x128xf32, #tpu.memory_space<vmem>>[vector<16xi32>, vector<16xi32>], vector<16xf32>,
      %mul3A_199 = arith.mulf %gather3A_194, %gather3A_198 : vector<16xf32>
      %add3A_200 = arith.addf %add3A_190, %mul3A_199 : vector<16xf32>
      %add3A_201 = arith.constant 7 : i32
      %add3A_202 = vector.broadcast %add3A_201 : i32 to vector<16xi32>
      %add3A_203 = arith.addi %mul3A_120, %add3A_202 : vector<16xi32>
      %gather3A_204 = tpu.vector_load_idx %arg11[%add3A_130, %add3A_203] : memref<128x128xf32, #tpu.memory_space<vmem>>[vector<16xi32>, vector<16xi32>], vector<16xf32>,
      %add3A_205 = arith.constant 7 : i32
      %add3A_206 = vector.broadcast %add3A_205 : i32 to vector<16xi32>
      %add3A_207 = arith.addi %mul3A_126, %add3A_206 : vector<16xi32>
      %gather3A_208 = tpu.vector_load_idx %arg12[%add3A_130, %add3A_207] : memref<128x128xf32, #tpu.memory_space<vmem>>[vector<16xi32>, vector<16xi32>], vector<16xf32>,
      %mul3A_209 = arith.mulf %gather3A_204, %gather3A_208 : vector<16xf32>
      %add3A_210 = arith.addf %add3A_200, %mul3A_209 : vector<16xf32>
      %add3A_211 = arith.constant 8 : i32
      %add3A_212 = vector.broadcast %add3A_211 : i32 to vector<16xi32>
      %add3A_213 = arith.addi %mul3A_120, %add3A_212 : vector<16xi32>
      %gather3A_214 = tpu.vector_load_idx %arg11[%add3A_130, %add3A_213] : memref<128x128xf32, #tpu.memory_space<vmem>>[vector<16xi32>, vector<16xi32>], vector<16xf32>,
      %add3A_215 = arith.constant 8 : i32
      %add3A_216 = vector.broadcast %add3A_215 : i32 to vector<16xi32>
      %add3A_217 = arith.addi %mul3A_126, %add3A_216 : vector<16xi32>
      %gather3A_218 = tpu.vector_load_idx %arg12[%add3A_130, %add3A_217] : memref<128x128xf32, #tpu.memory_space<vmem>>[vector<16xi32>, vector<16xi32>], vector<16xf32>,
      %mul3A_219 = arith.mulf %gather3A_214, %gather3A_218 : vector<16xf32>
      %add3A_220 = arith.addf %add3A_210, %mul3A_219 : vector<16xf32>
      %add3A_221 = arith.constant 9 : i32
      %add3A_222 = vector.broadcast %add3A_221 : i32 to vector<16xi32>
      %add3A_223 = arith.addi %mul3A_120, %add3A_222 : vector<16xi32>
      %gather3A_224 = tpu.vector_load_idx %arg11[%add3A_130, %add3A_223] : memref<128x128xf32, #tpu.memory_space<vmem>>[vector<16xi32>, vector<16xi32>], vector<16xf32>,
      %add3A_225 = arith.constant 9 : i32
      %add3A_226 = vector.broadcast %add3A_225 : i32 to vector<16xi32>
      %add3A_227 = arith.addi %mul3A_126, %add3A_226 : vector<16xi32>
      %gather3A_228 = tpu.vector_load_idx %arg12[%add3A_130, %add3A_227] : memref<128x128xf32, #tpu.memory_space<vmem>>[vector<16xi32>, vector<16xi32>], vector<16xf32>,
      %mul3A_229 = arith.mulf %gather3A_224, %gather3A_228 : vector<16xf32>
      %add3A_230 = arith.addf %add3A_220, %mul3A_229 : vector<16xf32>
      %add3A_231 = arith.constant 10 : i32
      %add3A_232 = vector.broadcast %add3A_231 : i32 to vector<16xi32>
      %add3A_233 = arith.addi %mul3A_120, %add3A_232 : vector<16xi32>
      %gather3A_234 = tpu.vector_load_idx %arg11[%add3A_130, %add3A_233] : memref<128x128xf32, #tpu.memory_space<vmem>>[vector<16xi32>, vector<16xi32>], vector<16xf32>,
      %add3A_235 = arith.constant 10 : i32
      %add3A_236 = vector.broadcast %add3A_235 : i32 to vector<16xi32>
      %add3A_237 = arith.addi %mul3A_126, %add3A_236 : vector<16xi32>
      %gather3A_238 = tpu.vector_load_idx %arg12[%add3A_130, %add3A_237] : memref<128x128xf32, #tpu.memory_space<vmem>>[vector<16xi32>, vector<16xi32>], vector<16xf32>,
      %mul3A_239 = arith.mulf %gather3A_234, %gather3A_238 : vector<16xf32>
      %add3A_240 = arith.addf %add3A_230, %mul3A_239 : vector<16xf32>
      %add3A_241 = arith.constant 11 : i32
      %add3A_242 = vector.broadcast %add3A_241 : i32 to vector<16xi32>
      %add3A_243 = arith.addi %mul3A_120, %add3A_242 : vector<16xi32>
      %gather3A_244 = tpu.vector_load_idx %arg11[%add3A_130, %add3A_243] : memref<128x128xf32, #tpu.memory_space<vmem>>[vector<16xi32>, vector<16xi32>], vector<16xf32>,
      %add3A_245 = arith.constant 11 : i32
      %add3A_246 = vector.broadcast %add3A_245 : i32 to vector<16xi32>
      %add3A_247 = arith.addi %mul3A_126, %add3A_246 : vector<16xi32>
      %gather3A_248 = tpu.vector_load_idx %arg12[%add3A_130, %add3A_247] : memref<128x128xf32, #tpu.memory_space<vmem>>[vector<16xi32>, vector<16xi32>], vector<16xf32>,
      %mul3A_249 = arith.mulf %gather3A_244, %gather3A_248 : vector<16xf32>
      %add3A_250 = arith.addf %add3A_240, %mul3A_249 : vector<16xf32>
      %add3A_251 = arith.constant 12 : i32
      %add3A_252 = vector.broadcast %add3A_251 : i32 to vector<16xi32>
      %add3A_253 = arith.addi %mul3A_120, %add3A_252 : vector<16xi32>
      %gather3A_254 = tpu.vector_load_idx %arg11[%add3A_130, %add3A_253] : memref<128x128xf32, #tpu.memory_space<vmem>>[vector<16xi32>, vector<16xi32>], vector<16xf32>,
      %add3A_255 = arith.constant 12 : i32
      %add3A_256 = vector.broadcast %add3A_255 : i32 to vector<16xi32>
      %add3A_257 = arith.addi %mul3A_126, %add3A_256 : vector<16xi32>
      %gather3A_258 = tpu.vector_load_idx %arg12[%add3A_130, %add3A_257] : memref<128x128xf32, #tpu.memory_space<vmem>>[vector<16xi32>, vector<16xi32>], vector<16xf32>,
      %mul3A_259 = arith.mulf %gather3A_254, %gather3A_258 : vector<16xf32>
      %add3A_260 = arith.addf %add3A_250, %mul3A_259 : vector<16xf32>
      %add3A_261 = arith.constant 13 : i32
      %add3A_262 = vector.broadcast %add3A_261 : i32 to vector<16xi32>
      %add3A_263 = arith.addi %mul3A_120, %add3A_262 : vector<16xi32>
      %gather3A_264 = tpu.vector_load_idx %arg11[%add3A_130, %add3A_263] : memref<128x128xf32, #tpu.memory_space<vmem>>[vector<16xi32>, vector<16xi32>], vector<16xf32>,
      %add3A_265 = arith.constant 13 : i32
      %add3A_266 = vector.broadcast %add3A_265 : i32 to vector<16xi32>
      %add3A_267 = arith.addi %mul3A_126, %add3A_266 : vector<16xi32>
      %gather3A_268 = tpu.vector_load_idx %arg12[%add3A_130, %add3A_267] : memref<128x128xf32, #tpu.memory_space<vmem>>[vector<16xi32>, vector<16xi32>], vector<16xf32>,
      %mul3A_269 = arith.mulf %gather3A_264, %gather3A_268 : vector<16xf32>
      %add3A_270 = arith.addf %add3A_260, %mul3A_269 : vector<16xf32>
      %add3A_271 = arith.constant 14 : i32
      %add3A_272 = vector.broadcast %add3A_271 : i32 to vector<16xi32>
      %add3A_273 = arith.addi %mul3A_120, %add3A_272 : vector<16xi32>
      %gather3A_274 = tpu.vector_load_idx %arg11[%add3A_130, %add3A_273] : memref<128x128xf32, #tpu.memory_space<vmem>>[vector<16xi32>, vector<16xi32>], vector<16xf32>,
      %add3A_275 = arith.constant 14 : i32
      %add3A_276 = vector.broadcast %add3A_275 : i32 to vector<16xi32>
      %add3A_277 = arith.addi %mul3A_126, %add3A_276 : vector<16xi32>
      %gather3A_278 = tpu.vector_load_idx %arg12[%add3A_130, %add3A_277] : memref<128x128xf32, #tpu.memory_space<vmem>>[vector<16xi32>, vector<16xi32>], vector<16xf32>,
      %mul3A_279 = arith.mulf %gather3A_274, %gather3A_278 : vector<16xf32>
      %add3A_280 = arith.addf %add3A_270, %mul3A_279 : vector<16xf32>
      %add3A_281 = arith.constant 15 : i32
      %add3A_282 = vector.broadcast %add3A_281 : i32 to vector<16xi32>
      %add3A_283 = arith.addi %mul3A_120, %add3A_282 : vector<16xi32>
      %gather3A_284 = tpu.vector_load_idx %arg11[%add3A_130, %add3A_283] : memref<128x128xf32, #tpu.memory_space<vmem>>[vector<16xi32>, vector<16xi32>], vector<16xf32>,
      %add3A_285 = arith.constant 15 : i32
      %add3A_286 = vector.broadcast %add3A_285 : i32 to vector<16xi32>
      %add3A_287 = arith.addi %mul3A_126, %add3A_286 : vector<16xi32>
      %gather3A_288 = tpu.vector_load_idx %arg12[%add3A_130, %add3A_287] : memref<128x128xf32, #tpu.memory_space<vmem>>[vector<16xi32>, vector<16xi32>], vector<16xf32>,
      %mul3A_289 = arith.mulf %gather3A_284, %gather3A_288 : vector<16xf32>
      %add3A_290 = arith.addf %add3A_280, %mul3A_289 : vector<16xf32>
      %neg3A = arith.constant 0.000000e+00 : f32
      %neg3A_291 = vector.broadcast %neg3A : f32 to vector<16xf32>
      %neg3A_292 = arith.subf %neg3A_291, %add3A_290 : vector<16xf32>
      %exp3A = math.exp %neg3A_292 : vector<16xf32>
      %add3A_293 = arith.constant 1.000000e+00 : f32
      %add3A_294 = vector.broadcast %add3A_293 : f32 to vector<16xf32>
      %add3A_295 = arith.addf %add3A_294, %exp3A : vector<16xf32>
      %div3A = arith.constant 1.000000e+00 : f32
      %div3A_296 = vector.broadcast %div3A : f32 to vector<16xf32>
      %div3A_297 = arith.divf %div3A_296, %add3A_295 : vector<16xf32>
      %swap3A = arith.index_cast %add3A_112 : i32 to index
      %swap3A_298 = tpu.vector_load %arg13[%swap3A] {strides = array<i32>} : memref<512xf32, #tpu.memory_space<vmem>>, vector<16xf32>,
      tpu.vector_store %arg13[%swap3A], %div3A_297 {strides = array<i32>} : memref<512xf32, #tpu.memory_space<vmem>>, vector<16xf32>,
    }
    %scan3A_107 = arith.constant 8 : i32
    "tpu.region"() ({
      %run_scoped3A = tpu.sem_alloc : memref<!tpu.dma_semaphore, #tpu.memory_space<semaphore_mem>>
      %dma_start3A_108 = arith.constant 0 : i32
      %dma_start3A_109 = tpu.memref_slice %arg6[%add3A, %dma_start3A_108] : memref<32x512xf32, #tpu.memory_space<hbm>> -> memref<1x512xf32, #tpu.memory_space<hbm>>
      %dma_start3A_110 = tpu.memref_squeeze %dma_start3A_109 : memref<1x512xf32, #tpu.memory_space<hbm>> -> memref<512xf32, #tpu.memory_space<hbm>>
      %dma_start3A_111 = arith.constant 0 : i32
      %dma_start3A_112 = tpu.memref_slice %arg6[%add3A, %dma_start3A_111] : memref<32x512xf32, #tpu.memory_space<hbm>> -> memref<1x512xf32, #tpu.memory_space<hbm>>
      %dma_start3A_113 = tpu.memref_squeeze %dma_start3A_112 : memref<1x512xf32, #tpu.memory_space<hbm>> -> memref<512xf32, #tpu.memory_space<hbm>>
      tpu.enqueue_dma source(%arg13 : memref<512xf32, #tpu.memory_space<vmem>>) target(%dma_start3A_113 : memref<512xf32, #tpu.memory_space<hbm>>) target_semaphore(%run_scoped3A : memref<!tpu.dma_semaphore, #tpu.memory_space<semaphore_mem>>)
      %dma_wait3A_114 = arith.constant 0 : i32
      %dma_wait3A_115 = tpu.memref_slice %arg6[%add3A, %dma_wait3A_114] : memref<32x512xf32, #tpu.memory_space<hbm>> -> memref<1x512xf32, #tpu.memory_space<hbm>>
      %dma_wait3A_116 = tpu.memref_squeeze %dma_wait3A_115 : memref<1x512xf32, #tpu.memory_space<hbm>> -> memref<512xf32, #tpu.memory_space<hbm>>
      %dma_wait3A_117 = arith.constant 0 : i32
      %dma_wait3A_118 = tpu.memref_slice %arg6[%add3A, %dma_wait3A_117] : memref<32x512xf32, #tpu.memory_space<hbm>> -> memref<1x512xf32, #tpu.memory_space<hbm>>
      %dma_wait3A_119 = tpu.memref_squeeze %dma_wait3A_118 : memref<1x512xf32, #tpu.memory_space<hbm>> -> memref<512xf32, #tpu.memory_space<hbm>>
      tpu.wait_dma2 semaphore(%run_scoped3A : memref<!tpu.dma_semaphore, #tpu.memory_space<semaphore_mem>>) src(%arg13 : memref<512xf32, #tpu.memory_space<vmem>>) dst(%dma_wait3A_119 : memref<512xf32, #tpu.memory_space<hbm>>)
      tpu.yield
    }) : () -> ()
    return
  }
}

</mosaic_0001>

<sc_bundles>
// kernel: kernel.4.cloned.1.call-start
scs
__scs_entry_jumppad:
0x0: {  	(pc) =	sbr.rel $0x88, $3  }
0x1: {  	(tag) =	ssettag $0x0;
	lr =	simm.s32 $0x1  }
0x2: {  	[smem:$0x3F9D] =	sst lr;
	_ =	strace $0xD0000000  }
0x3: {  	_ = 	snop  }
0x4: {  	_ = 	snop  }
0x5: {  	_ = 	snop  }
0x6: {  	_ = 	snop  }
0x7: {  	_ = 	snop  }
__scs_overlays_trampoline_lowered:
0x8: {  	[smem:$0x3FAC] =	sst s0  }
0x9: {  	[smem:$0x3FAD] =	sst s1  }
0xa: {  	[smem:$0x3FAE] =	sst s2  }
0xb: {  	[smem:$0x3FAF] =	sst s3  }
0xc: {  	[smem:$0x3FB0] =	sst s4  }
0xd: {  	[smem:$0x3FB1] =	sst s5  }
0xe: {  	[smem:$0x3FB2] =	sst s6  }
0xf: {  	[smem:$0x3FB3] =	sst s7  }
0x10: {  	[smem:$0x3FB4] =	sst s8  }
0x11: {  	[smem:$0x3FB5] =	sst s9;
	s0 =	simm.s32 @!p0 $0x0  }
0x12: {  	s1 =	sld [smem:$0x3F9B];
	s0 =	simm.s32 @p0 $0x1  }
0x13: {  	[smem:$0x3FB6] =	sst s0;
	s0 =	simm.s32 @!p1 $0x0  }
0x14: {  	s2 =	sld [smem:$0x3F9A];
	s0 =	simm.s32 @p1 $0x1  }
0x15: {  	[smem:$0x3FB7] =	sst s0;
	s0 =	simm.s32 @!p2 $0x0  }
0x16: {  	s3 =	sld [smem:$0x3FDB];
	s0 =	simm.s32 @p2 $0x1  }
0x17: {  	s4 =	simm.s32 $0x1BF5;
	[smem:$0x3FB9] =	sst s0  }
0x18: {  	s0 =	sld [smem:$0x3F9C];
	_ =	swait.ge [sflag:s4], $0x0  }
0x19: {  	s7 =	sld [smem:$0x3F9D]  }
0x1a: {  	s8 =	sadd.s32 $0xFFFFE003, lr  }
0x1b: {  	s9 =	sadd.s32 $0xFFFFFEF7, lr;
	s5 =	simm.s32 $0xFFFFFFFF;
	p2 =	slt.u32 s8, $0xFFFFF086  }
0x1c: {  	p1 =	slt.u32 s9, $0xF7A;
	s5 =	simm.s32 @!p2 $0x0  }
0x1d: {  	s5 =	simm.s32 @p1 $0x1;
	p0 =	seq.s32 s7, s2  }
0x1e: {  	s7 =	smul.u32 @!p0 $0xF7A, s2;
	p2 =	seq.s32 @!p0 s5, $0x0  }
0x1f: {  	s9 =	smul.u32 $0xF7A, s1;
	s8 =	simm.s32 @!p0 $0x1BF5;
	p2 =	por !p2, p0  }
0x20: {  	[sflag:s8] =	ssyncset.s32 @!p0 $0xFFFFF086;
	s6 =	sadd.s32 @!p0 s3, s7;
	s7 =	simm.s32 @!p0 $0x108  }
0x21: {  	s3 =	sadd.s32 s3, s9;
	s6 =	sadd.s32 @!p0 $0x88, s6;
	s7 =	simm.s32 @p2 $0x1082  }
0x22: {  	[simem:s7], [sflag:s8] =	dma.local @!p0 [hbm:s6], $0xF7A  }
0x23: {  	s9 =	sor.u32 $0xD0000000, s2;
	s6 =	simm.s32 $0x108;
	_ =	swait.ge @!p0 [sflag:s8], $0x0  }
0x24: {  	s3 =	sadd.s32 $0x88, s3;
	s6 =	simm.s32 @!p1 $0x1082;
	[sflag:s4] =	ssyncset.s32 $0xFFFFF086  }
0x25: {  	[simem:s6], [sflag:s4] =	dma.local [hbm:s3], $0xF7A  }
0x26: {  	[smem:$0x3F9D] =	sst s1;
	(tag) =	ssettag s2;
	_ =	strace s9  }
0x27: {  	s1 =	sld [smem:$0x3FAD]  }
0x28: {  	s2 =	sld [smem:$0x3FAE]  }
0x29: {  	s4 =	sld [smem:$0x3FB0]  }
0x2a: {  	p0 =	seq.s32 s5, $0x0;
	s5 =	sld [smem:$0x3FB1]  }
0x2b: {  	s6 =	sld [smem:$0x3FB2]  }
0x2c: {  	s7 =	sld [smem:$0x3FB3]  }
0x2d: {  	s3 =	simm.s32 $0x108;
	s8 =	sld [smem:$0x3FB4]  }
0x2e: {  	s3 =	simm.s32 @!p0 $0x1082;
	s9 =	sld [smem:$0x3FB5]  }
0x2f: {  	lr =	sadd.s32 s0, s3;
	s0 =	sld [smem:$0x3FAC]  }
0x30: {  	s3 =	sld [smem:$0x3FAF]  }
0x31: {  	[smem:$0x3FB8] =	sst s10  }
0x32: {  	s10 =	sld [smem:$0x3FB6];
	_ =	sdelay $0x3  }
0x33: {  	p0 =	seq.s32 s10, $0x1;
	s10 =	sld [smem:$0x3FB8];
	_ =	sdelay $0x3  }
0x34: {  	[smem:$0x3FB8] =	sst s10  }
0x35: {  	s10 =	sld [smem:$0x3FB7];
	_ =	sdelay $0x3  }
0x36: {  	p1 =	seq.s32 s10, $0x1;
	s10 =	sld [smem:$0x3FB8];
	_ =	sdelay $0x3  }
0x37: {  	[smem:$0x3FB8] =	sst s10  }
0x38: {  	s10 =	sld [smem:$0x3FB9]  }
0x39: {  	_ = 	snop;
	(pc) =	sbr.ind lr, $3  }
0x3a: {  	_ = 	snop  }
0x3b: {  	_ = 	snop  }
0x3c: {  	p2 =	seq.s32 s10, $0x1;
	s10 =	sld [smem:$0x3FB8]  }
0x3d: {  	_ =	shalt  }
0x3e: {  	_ =	shalt  }
0x3f: {  	_ =	shalt  }
0x40: {  	_ =	shalt  }
0x41: {  	_ =	shalt  }
0x42: {  	_ =	shalt  }
0x43: {  	_ =	shalt  }
0x44: {  	_ =	shalt  }
0x45: {  	_ =	shalt  }
0x46: {  	_ =	shalt  }
0x47: {  	_ =	shalt  }
0x48: {  	_ =	shalt  }
0x49: {  	_ =	shalt  }
0x4a: {  	_ =	shalt  }
0x4b: {  	_ =	shalt  }
0x4c: {  	_ =	shalt  }
0x4d: {  	_ =	shalt  }
0x4e: {  	_ =	shalt  }
0x4f: {  	_ =	shalt  }
0x50: {  	_ =	shalt  }
0x51: {  	_ =	shalt  }
0x52: {  	_ =	shalt  }
0x53: {  	_ =	shalt  }
0x54: {  	_ =	shalt  }
0x55: {  	_ =	shalt  }
0x56: {  	_ =	shalt  }
0x57: {  	_ =	shalt  }
0x58: {  	_ =	shalt  }
0x59: {  	_ =	shalt  }
0x5a: {  	_ =	shalt  }
0x5b: {  	_ =	shalt  }
0x5c: {  	_ =	shalt  }
0x5d: {  	_ =	shalt  }
0x5e: {  	_ =	shalt  }
0x5f: {  	_ =	shalt  }
0x60: {  	_ =	shalt  }
0x61: {  	_ =	shalt  }
0x62: {  	_ =	shalt  }
0x63: {  	_ =	shalt  }
0x64: {  	_ =	shalt  }
0x65: {  	_ =	shalt  }
0x66: {  	_ =	shalt  }
0x67: {  	_ =	shalt  }
0x68: {  	_ =	shalt  }
0x69: {  	_ =	shalt  }
0x6a: {  	_ =	shalt  }
0x6b: {  	_ =	shalt  }
0x6c: {  	_ =	shalt  }
0x6d: {  	_ =	shalt  }
0x6e: {  	_ =	shalt  }
0x6f: {  	_ =	shalt  }
0x70: {  	_ =	shalt  }
0x71: {  	_ =	shalt  }
0x72: {  	_ =	shalt  }
0x73: {  	_ =	shalt  }
0x74: {  	_ =	shalt  }
0x75: {  	_ =	shalt  }
0x76: {  	_ =	shalt  }
0x77: {  	_ =	shalt  }
0x78: {  	_ =	shalt  }
0x79: {  	_ =	shalt  }
0x7a: {  	_ =	shalt  }
0x7b: {  	_ =	shalt  }
0x7c: {  	_ =	shalt  }
0x7d: {  	_ =	shalt  }
0x7e: {  	_ =	shalt  }
0x7f: {  	_ =	shalt  }
0x80: {  	_ =	shalt  }
0x81: {  	_ =	shalt  }
0x82: {  	_ =	shalt  }
0x83: {  	_ =	shalt  }
0x84: {  	_ =	shalt  }
0x85: {  	_ =	shalt  }
0x86: {  	_ =	shalt  }
0x87: {  	_ =	shalt  }
.Lfunc_end0:
.L_simem_size_0:
called_computation_lowered:
.L_overlay_start_0:
0x88: {  	s2 =	sld [smem:$0x3FD9]  }
0x89: {  	s3 =	sld [smem:$0x3FFE];
	_ =	sdelay $0x1  }
0x8a: {  	s1 =	srdreg.scid  }
0x8b: {  	s0 =	sand.u32 $0x1, s1  }
0x8c: {  	s17 =	sshll.u32 s0, $0xA;
	s2 =	sadd.s32 s3, s2  }
0x8d: {  	s2 =	sadd.s32 s2, s17  }
0x8e: {  	[smem:$0x3FC4] =	sst s2  }
0x8f: {  	_ = 	snop  }
0x90: {  	s2 =	sld [smem:$0x3FC7]  }
0x91: {  	s18 =	sld [smem:$0x3FC6];
	(tm) =	ssettm $0x1  }
0x92: {  	s4 =	sld [smem:$0x3FFB];
	_ =	sdelay $0x3  }
0x93: {  	_ =	strace s4  }
0x94: {  	s4 =	sld [smem:$0x3FFC];
	_ =	sdelay $0x3  }
0x95: {  	_ =	strace s4  }
0x96: {  	s4 =	sld [smem:$0x3FFD];
	_ =	sdelay $0x3  }
0x97: {  	_ =	strace s4  }
0x98: {  	_ =	strace $0x8FFFFFFF  }
0x99: {  	s19 =	sld [smem:$0x3FDB];
	_ =	sdelay $0x1  }
0x9a: {  	s5 =	simm.s32 $_scs_section_size  }
0x9b: {  	s6 =	simm.s32 $_size__tile_overlayer_lowered;
	s7 =	simm.s32 $_tile_overlayer_lowered  }
0x9c: {  	s22 =	simm.s32 $0x1BFF;
	s21 =	sshll.u32 s7, $0x1;
	s4 =	sadd.s32 s5, s19  }
0x9d: {  	s8 =	simm.s32 $0x0;
	s20 =	sshll.u32 s6, $0x1;
	s6 =	sadd.s32 s21, s4  }
0x9e: {  	[timem:s8], [sflag:s22] =	dma.local [hbm:s6], s20  }
0x9f: {  	_ =	swait.ge [sflag:s22], s20  }
0xa0: {  	s5 =	ssub.s32 $0x0, s20;
	[sflag:s22] =	ssyncset.done $0x0  }
0xa1: {  	[sflag:s22] =	ssyncadd.s32 s5;
	_ =	sdelay $0x1  }
0xa2: {  	s23 =	simm.s32 $0x1B8B  }
0xa3: {  	_ =	swait.ge [sflag:s23], $0x1  }
0xa4: {  	[sflag:s23] =	ssyncset.done $0x0  }
0xa5: {  	s25 =	simm.s32 $0x1B8E;
	s24 =	sld [smem:$0x3FFE];
	[sflag:s23] =	ssyncadd.s32 $0xFFFFFFFF  }
0xa6: {  	s26 =	simm.s32 $execute0_lowered;
	[smem:$0x3FD2] =	sst s25  }
0xa7: {  	s6 =	sshll.u32 s26, $0x1;
	_ =	strace $0x80000046;
	[dreg:$0x1] =	wrdreg $0xFFFFFFFF  }
0xa8: {  	s28 =	simm.s32 $_size_execute0_lowered;
	s4 =	sadd.s32 s4, s6;
	[dreg:$0x0] =	wrdreg $0x0  }
0xa9: {  	s6 =	sshll.u32 s28, $0x1;
	[dreg:$0x2] =	wrdreg s4  }
0xaa: {  	[dreg:$0x3] =	wrdreg s6  }
0xab: {  	[dreg:$0x4] =	wrdreg $0xC0  }
0xac: {  	_ =	task [dreg:s8], $0x5FFFF  }
0xad: {  	[dreg:$0x1] =	wrdreg $0xFFFFFFFF  }
0xae: {  	[dreg:$0x0] =	wrdreg $0x60  }
0xaf: {  	[dreg:$0x2] =	wrdreg s2  }
0xb0: {  	[dreg:$0x3] =	wrdreg s18  }
0xb1: {  	[dreg:$0x4] =	wrdreg s24  }
0xb2: {  	[dreg:$0x5] =	wrdreg $0x9  }
0xb3: {  	_ =	task.clear_ibuf [dreg:s8], $0x6FFFF;
	_ =	strace $0x90000046  }
0xb4: {  	s29 =	simm.s32 $0x9;
	_ =	strace $0x80000048  }
0xb5: {  	_ =	swait.ge [sflag:s29], $0x1  }
0xb6: {  	[sflag:s29] =	ssyncadd.s32 $0xFFFFFFFF  }
0xb7: {  	_ =	strace $0x90000048  }
0xb8: {  	_ =	sfence  }
0xb9: {  	s30 =	sld [smem:$0x0];
	_ =	sdelay $0x2  }
0xba: {  	s31 =	sshll.u32 s1, $0xD;
	s1 =	sshrl.u32 s1, $0x2  }
0xbb: {  	s3 =	sand.u32 $0x4000, s31;
	s1 =	sadd.s32 s1, s30  }
0xbc: {  	s0 =	sor.u32 s3, s0;
	s1 =	sshll.u32 s1, $0x11  }
0xbd: {  	s0 =	sor.u32 s1, s0  }
0xbe: {  	s0 =	sadd.s32 $0x8F2B, s0  }
0xbf: {  	[sflag:s0] =	ssyncadd.remote.s32 $0x1  }
0xc0: {  	_ =	sfence.sel $0xFFFF  }
0xc1: {  	[dreg:$0x0] =	wrdreg $0xFFFFFFFF;
	(pc) =	sbr.abs _section_cstart, $3  }
0xc2: {  	[dreg:$0x1] =	wrdreg $0xFFFFFFFF  }
0xc3: {  	_ =	task.clear_ibuf [dreg:s8], $0x2FFFF;
	_ =	strace $0x9FFFFFFF  }
0xc4: {  	(tm) =	ssettm $0x7FFFFFFF  }
0xc5: {  	_ =	shalt  }
tec
execute0_lowered:
.L_overlay_start_1:
0x0: {  	(tag) =	ssettag $0x1  }
0x1: {  	s1 =	rddreg [dreg:$0x0]  }
0x2: {  	s3 =	rddreg [dreg:$0x1]  }
0x3: {  	s0 =	rddreg [dreg:$0x2]  }
0x4: {  	s2 =	srdreg.scid;
	s5 =	stileid.u32;
	s4 =	simm.s32 $0x0  }
0x5: {  	s19 =	simm.s32 $0x1C00;
	s20 =	simm.s32 $0x7A1400;
	s22 =	simm.s32 $0x1  }
0x6: {  	s23 =	simm.s32 $0x7800;
	s24 =	simm.s32 $0x2;
	s28 =	simm.s32 $0x4  }
0x7: {  	s31 =	simm.s32 $0x5;
	s2 =	sand.u32 $0x1, s2;
	s5 =	sshll.u32 s5, $0x1  }
0x8: {  	[smem:$0x7FF] =	sst s4;
	s6 =	sadd.s32 $0x1000, s0;
	s26 =	sadd.s32 $0xF4200, s1  }
0x9: {  	s29 =	sadd.s32 $0x1E9400, s0;
	_ =	strace $0x80000047;
	[dreg:$0x5] =	wrdreg s26  }
0xa: {  	v0 =	vlaneseq.u32;
	s7 =	sadd.s32 $0x1E9600, s0;
	s30 =	sadd.s32 $0xF4200, s3;
	[dreg:$0x6] =	wrdreg s29  }
0xb: {  	v1 =	vand.u32 $0x7, v0;
	s0 =	sadd.s32 $0x3D1A00, s0;
	s5 =	sor.u32 s2, s5;
	[dreg:$0x7] =	wrdreg s30  }
0xc: {  	v2 =	vshrl.u32 v0, $0x3;
	s2 =	ssub.s32 $0x2, s2;
	v0 =	vmul.u32 $0x10, v1;
	[dreg:$0x8] =	wrdreg s0;
	s8 =	smul.u32 $0x1C00, s5  }
0xd: {  	v1 =	vmul.u32 $0x80, v2;
	s26 =	simm.s32 $0x3;
	s0 =	simm.s32 $0x0;
	s12 =	smul.u32 $0x380, s5  }
.Ltmp0:
0xe: {  	s9 =	sshrl.u32 s2, $0x1;
	s11 =	sor.u32 $0x60, s5;
	v2 =	vor.u32 $0x1, v0;
	v3 =	vor.u32 $0x2, v0;
	v4 =	vor.u32 $0x3, v0;
	(pc) =	sbr.rel .LBB2_1-.Ltmp0, $4  }
0xf: {  	p0 =	sne.s32 s5, $0x1C;
	s2 =	ssub.s32 s2, s9;
	v5 =	vor.u32 $0x4, v0;
	v6 =	vor.u32 $0x5, v0;
	v7 =	vor.u32 $0x6, v0;
	s10 =	sshrl.u32 s8, $0x3  }
0x10: {  	v8 =	vor.u32 $0x7, v0;
	v9 =	vor.u32 $0x8, v0;
	v10 =	vor.u32 $0x9, v0;
	s25 =	sadd.s32 s1, s12;
	s14 =	sadd.s32 s3, s12;
	s18 =	smax.u32 s2, $0x1  }
0x11: {  	v11 =	vor.u32 $0xA, v0;
	v12 =	vor.u32 $0xB, v0;
	v13 =	vor.u32 $0xC, v0;
	[dreg:$0x4] =	wrdreg s25;
	s13 =	sadd.s32 $0x7000, s10;
	s10 =	sor.u32 $0x40, s5  }
0x12: {  	v14 =	vor.u32 $0xD, v0;
	v15 =	vor.u32 $0xE, v0;
	v16 =	vor.u32 $0xF, v0;
	s25 =	simm.s32 $0xB000;
	s9 =	sadd.s32 s1, s13;
	s15 =	sadd.s32 s3, s13  }
.LBB2_29:
0x13: {  	s0 =	sadd.s32 $0x1, s0  }
0x14: {  	p1 =	sne.s32 s0, s18  }
.Ltmp1:
0x15: {  	_ = 	snop;
	(pc) =	sbr.rel @!p1 .LBB2_30-.Ltmp1, $1  }
0x16: {  	_ =	sdelay $0x3  }
.LBB2_1:
.Ltmp2:
0x17: {  	(pc) =	sbr.rel .LBB2_2-.Ltmp2, $4  }
0x18: {  	s2 =	rddreg [dreg:$0x4]  }
0x19: {  	[tilespmem:s4], [sflag:$0x1] =	stream.strided.gather [hbm4b:s2+s19], $0x3800, s20, s19, $0x38;
	[tilespmem:$0xE800] =	vst v63  }
0x1a: {  	s30 =	simm.s32 $0x3800;
	s2 =	simm.s32 $0x0  }
0x1b: {  	[tilespmem:s30], [sflag:$0x2] =	stream.strided.gather [hbm4b:s9+s19], $0x3800, s20, s19, $0x38;
	[tilespmem:$0xE800] =	vst v63  }
.LBB2_10:
0x1c: {  	s2 =	sadd.s32 $0x1, s2  }
0x1d: {  	p1 =	sne.s32 s2, $0x12  }
.Ltmp3:
0x1e: {  	_ = 	snop;
	(pc) =	sbr.rel @!p1 .LBB2_11-.Ltmp3, $1  }
0x1f: {  	_ =	sdelay $0x3  }
.LBB2_2:
0x20: {  	s29 =	sshll.u32 s2, $0x6  }
0x21: {  	s30 =	sor.u32 s5, s29  }
0x22: {  	p2 =	sgt.u32 s30, $0x45B  }
.Ltmp4:
0x23: {  	_ = 	snop;
	(pc) =	sbr.rel @p2 .LBB2_6-.Ltmp4, $2  }
0x24: {  	_ =	sdelay $0x2  }
0x25: {  	p1 =	seq.s32 s2, $0x0  }
0x26: {  	_ =	swait.ge [sflag:s22], $0x3800  }
0x27: {  	[sflag:s22] =	ssyncset.done $0x0  }
0x28: {  	s12 =	simm.s32 @!p1 $0x3;
	s13 =	simm.s32 $0x0;
	[sflag:s22] =	ssyncadd.s32 $0xFFFFC800  }
0x29: {  	v17 =	vmov s13;
	_ =	swait.ge @!p1 [sflag:s12], $0x3800  }
0x2a: {  	s16 =	sand.u32 $0x70, s13;
	s17 =	sand.u32 $0x1C00, s13;
	v17 =	vshll.u32 v17, $0x7;
	[sflag:s12] =	ssyncset.done @!p1 $0x0  }
0x2b: {  	s17 =	sor.u32 s16, s17;
	v17 =	vor.u32 v1, v17;
	[sflag:s12] =	ssyncadd.s32 @!p1 $0xFFFFC800  }
0x2c: {  	v19 =	vor.u32 v0, v17;
	v18 =	vld [tilespmem:s17+$0x0];
	_ =	sdelay $0x4  }
0x2d: {  	[tilespmem:v19+s23+$0x0] =	vst.idx.msk $0xffff, v18  }
0x2e: {  	v19 =	vor.u32 v2, v17;
	v18 =	vld [tilespmem:s17+$0x80];
	_ =	sdelay $0x4  }
0x2f: {  	[tilespmem:v19+s23+$0x0] =	vst.idx.msk $0xffff, v18  }
0x30: {  	v19 =	vor.u32 v3, v17;
	v18 =	vld [tilespmem:s17+$0x100];
	_ =	sdelay $0x4  }
0x31: {  	[tilespmem:v19+s23+$0x0] =	vst.idx.msk $0xffff, v18  }
0x32: {  	v19 =	vor.u32 v4, v17;
	v18 =	vld [tilespmem:s17+$0x180];
	_ =	sdelay $0x4  }
0x33: {  	[tilespmem:v19+s23+$0x0] =	vst.idx.msk $0xffff, v18  }
0x34: {  	v19 =	vor.u32 v5, v17;
	v18 =	vld [tilespmem:s17+$0x200];
	_ =	sdelay $0x4  }
0x35: {  	[tilespmem:v19+s23+$0x0] =	vst.idx.msk $0xffff, v18  }
0x36: {  	v19 =	vor.u32 v6, v17;
	v18 =	vld [tilespmem:s17+$0x280];
	_ =	sdelay $0x4  }
0x37: {  	[tilespmem:v19+s23+$0x0] =	vst.idx.msk $0xffff, v18  }
0x38: {  	v19 =	vor.u32 v7, v17;
	v18 =	vld [tilespmem:s17+$0x300];
	_ =	sdelay $0x3  }
0x39: {  	s21 =	sor.u32 s13, s13  }
0x3a: {  	s12 =	sor.u32 $0x380, s21;
	[tilespmem:v19+s23+$0x0] =	vst.idx.msk $0xffff, v18  }
0x3b: {  	v19 =	vor.u32 v8, v17;
	v18 =	vld [tilespmem:s12+$0x0];
	_ =	sdelay $0x4  }
0x3c: {  	[tilespmem:v19+s23+$0x0] =	vst.idx.msk $0xffff, v18  }
0x3d: {  	v19 =	vor.u32 v9, v17;
	v18 =	vld [tilespmem:s17+$0x1C00];
	_ =	sdelay $0x4  }
0x3e: {  	[tilespmem:v19+s23+$0x0] =	vst.idx.msk $0xffff, v18  }
0x3f: {  	v19 =	vor.u32 v10, v17;
	v18 =	vld [tilespmem:s17+$0x1C80];
	_ =	sdelay $0x4  }
0x40: {  	[tilespmem:v19+s23+$0x0] =	vst.idx.msk $0xffff, v18  }
0x41: {  	v19 =	vor.u32 v11, v17;
	v18 =	vld [tilespmem:s17+$0x1D00];
	_ =	sdelay $0x4  }
0x42: {  	[tilespmem:v19+s23+$0x0] =	vst.idx.msk $0xffff, v18  }
0x43: {  	v19 =	vor.u32 v12, v17;
	v18 =	vld [tilespmem:s17+$0x1D80];
	_ =	sdelay $0x4  }
0x44: {  	[tilespmem:v19+s23+$0x0] =	vst.idx.msk $0xffff, v18  }
0x45: {  	v19 =	vor.u32 v13, v17;
	v18 =	vld [tilespmem:s17+$0x1E00];
	_ =	sdelay $0x4  }
0x46: {  	[tilespmem:v19+s23+$0x0] =	vst.idx.msk $0xffff, v18  }
0x47: {  	v19 =	vor.u32 v14, v17;
	v18 =	vld [tilespmem:s17+$0x1E80];
	_ =	sdelay $0x4  }
0x48: {  	[tilespmem:v19+s23+$0x0] =	vst.idx.msk $0xffff, v18  }
0x49: {  	v19 =	vor.u32 v15, v17;
	v18 =	vld [tilespmem:s17+$0x1F00];
	_ =	sdelay $0x4  }
0x4a: {  	[tilespmem:v19+s23+$0x0] =	vst.idx.msk $0xffff, v18  }
0x4b: {  	v19 =	vor.u32 v16, v17;
	v18 =	vld [tilespmem:s17+$0x1F80];
	_ =	sdelay $0x1  }
0x4c: {  	s16 =	simm.s32 $0x2  }
0x4d: {  	s13 =	simm.s32 $0x80;
	s12 =	simm.s32 $0x10;
	v17 =	vmov s16;
	s17 =	simm.s32 $0x20  }
.LBB2_4:
0x4e: {  	p2 =	sne.s32 s17, $0x370;
	s21 =	sand.u32 $0x70, s12;
	s8 =	sand.u32 $0x1C00, s13;
	v17 =	vshll.u32 v17, $0x7  }
0x4f: {  	s21 =	sor.u32 s21, s8;
	v17 =	vor.u32 v1, v17;
	[tilespmem:v19+s23+$0x0] =	vst.idx.msk $0xffff, v18  }
0x50: {  	v18 =	vld [tilespmem:s21+$0x0];
	v19 =	vor.u32 v0, v17;
	_ =	sdelay $0x4  }
0x51: {  	[tilespmem:v19+s23+$0x0] =	vst.idx.msk $0xffff, v18  }
0x52: {  	v19 =	vor.u32 v2, v17;
	v18 =	vld [tilespmem:s21+$0x80];
	_ =	sdelay $0x4  }
0x53: {  	[tilespmem:v19+s23+$0x0] =	vst.idx.msk $0xffff, v18  }
0x54: {  	v19 =	vor.u32 v3, v17;
	v18 =	vld [tilespmem:s21+$0x100];
	_ =	sdelay $0x4  }
0x55: {  	[tilespmem:v19+s23+$0x0] =	vst.idx.msk $0xffff, v18  }
0x56: {  	v19 =	vor.u32 v4, v17;
	v18 =	vld [tilespmem:s21+$0x180];
	_ =	sdelay $0x4  }
0x57: {  	[tilespmem:v19+s23+$0x0] =	vst.idx.msk $0xffff, v18  }
0x58: {  	v19 =	vor.u32 v5, v17;
	v18 =	vld [tilespmem:s21+$0x200];
	_ =	sdelay $0x4  }
0x59: {  	[tilespmem:v19+s23+$0x0] =	vst.idx.msk $0xffff, v18  }
0x5a: {  	v19 =	vor.u32 v6, v17;
	v18 =	vld [tilespmem:s21+$0x280];
	_ =	sdelay $0x4  }
0x5b: {  	[tilespmem:v19+s23+$0x0] =	vst.idx.msk $0xffff, v18  }
0x5c: {  	v19 =	vor.u32 v7, v17;
	v18 =	vld [tilespmem:s21+$0x300];
	_ =	sdelay $0x3  }
0x5d: {  	s8 =	sor.u32 s13, s12;
	s12 =	smov.u32 s17  }
0x5e: {  	s8 =	sor.u32 $0x380, s8;
	[tilespmem:v19+s23+$0x0] =	vst.idx.msk $0xffff, v18  }
0x5f: {  	v19 =	vor.u32 v8, v17;
	v18 =	vld [tilespmem:s8+$0x0];
	_ =	sdelay $0x4  }
0x60: {  	[tilespmem:v19+s23+$0x0] =	vst.idx.msk $0xffff, v18  }
0x61: {  	v19 =	vor.u32 v9, v17;
	v18 =	vld [tilespmem:s21+$0x1C00];
	_ =	sdelay $0x4  }
0x62: {  	[tilespmem:v19+s23+$0x0] =	vst.idx.msk $0xffff, v18  }
0x63: {  	v19 =	vor.u32 v10, v17;
	v18 =	vld [tilespmem:s21+$0x1C80];
	_ =	sdelay $0x4  }
0x64: {  	[tilespmem:v19+s23+$0x0] =	vst.idx.msk $0xffff, v18  }
0x65: {  	v19 =	vor.u32 v11, v17;
	v18 =	vld [tilespmem:s21+$0x1D00];
	_ =	sdelay $0x4  }
0x66: {  	[tilespmem:v19+s23+$0x0] =	vst.idx.msk $0xffff, v18  }
0x67: {  	v19 =	vor.u32 v12, v17;
	v18 =	vld [tilespmem:s21+$0x1D80];
	_ =	sdelay $0x4  }
0x68: {  	[tilespmem:v19+s23+$0x0] =	vst.idx.msk $0xffff, v18  }
0x69: {  	v19 =	vor.u32 v13, v17;
	v18 =	vld [tilespmem:s21+$0x1E00];
	_ =	sdelay $0x4  }
0x6a: {  	[tilespmem:v19+s23+$0x0] =	vst.idx.msk $0xffff, v18  }
0x6b: {  	v19 =	vor.u32 v14, v17;
	v18 =	vld [tilespmem:s21+$0x1E80];
	_ =	sdelay $0x4  }
0x6c: {  	[tilespmem:v19+s23+$0x0] =	vst.idx.msk $0xffff, v18  }
0x6d: {  	v19 =	vor.u32 v15, v17;
	v18 =	vld [tilespmem:s21+$0x1F00];
	_ =	sdelay $0x4  }
.Ltmp5:
0x6e: {  	[tilespmem:v19+s23+$0x0] =	vst.idx.msk $0xffff, v18;
	(pc) =	sbr.rel @p2 .LBB2_4-.Ltmp5, $3  }
0x6f: {  	v19 =	vor.u32 v16, v17;
	v18 =	vld [tilespmem:s21+$0x1F80];
	_ =	sdelay $0x1  }
0x70: {  	s16 =	sadd.s32 $0x2, s16  }
0x71: {  	s17 =	sadd.s32 $0x10, s17;
	s13 =	sadd.s32 $0x80, s13;
	v17 =	vmov s16  }
0x72: {  	_ =	sdelay $0x2  }
0x73: {  	s8 =	sand.u32 $0x70, s12;
	s16 =	sand.u32 $0x1C00, s13;
	v17 =	vshll.u32 v17, $0x7  }
0x74: {  	s8 =	sor.u32 s8, s16;
	v17 =	vor.u32 v1, v17;
	[tilespmem:v19+s23+$0x0] =	vst.idx.msk $0xffff, v18  }
0x75: {  	v18 =	vld [tilespmem:s8+$0x0];
	v19 =	vor.u32 v0, v17;
	_ =	sdelay $0x4  }
0x76: {  	[tilespmem:v19+s23+$0x0] =	vst.idx.msk $0xffff, v18  }
0x77: {  	v19 =	vor.u32 v2, v17;
	v18 =	vld [tilespmem:s8+$0x80];
	_ =	sdelay $0x4  }
0x78: {  	[tilespmem:v19+s23+$0x0] =	vst.idx.msk $0xffff, v18  }
0x79: {  	v19 =	vor.u32 v3, v17;
	v18 =	vld [tilespmem:s8+$0x100];
	_ =	sdelay $0x4  }
0x7a: {  	[tilespmem:v19+s23+$0x0] =	vst.idx.msk $0xffff, v18  }
0x7b: {  	v19 =	vor.u32 v4, v17;
	v18 =	vld [tilespmem:s8+$0x180];
	_ =	sdelay $0x4  }
0x7c: {  	[tilespmem:v19+s23+$0x0] =	vst.idx.msk $0xffff, v18  }
0x7d: {  	v19 =	vor.u32 v5, v17;
	v18 =	vld [tilespmem:s8+$0x200];
	_ =	sdelay $0x4  }
0x7e: {  	[tilespmem:v19+s23+$0x0] =	vst.idx.msk $0xffff, v18  }
0x7f: {  	v19 =	vor.u32 v6, v17;
	v18 =	vld [tilespmem:s8+$0x280];
	_ =	sdelay $0x4  }
0x80: {  	[tilespmem:v19+s23+$0x0] =	vst.idx.msk $0xffff, v18  }
0x81: {  	v19 =	vor.u32 v7, v17;
	v18 =	vld [tilespmem:s8+$0x300];
	_ =	sdelay $0x3  }
0x82: {  	s17 =	sor.u32 s13, s12  }
0x83: {  	s12 =	sor.u32 $0x380, s17;
	[tilespmem:v19+s23+$0x0] =	vst.idx.msk $0xffff, v18  }
0x84: {  	v19 =	vor.u32 v8, v17;
	v18 =	vld [tilespmem:s12+$0x0];
	_ =	sdelay $0x4  }
0x85: {  	[tilespmem:v19+s23+$0x0] =	vst.idx.msk $0xffff, v18  }
0x86: {  	v19 =	vor.u32 v9, v17;
	v18 =	vld [tilespmem:s8+$0x1C00];
	_ =	sdelay $0x4  }
0x87: {  	[tilespmem:v19+s23+$0x0] =	vst.idx.msk $0xffff, v18  }
0x88: {  	v19 =	vor.u32 v10, v17;
	v18 =	vld [tilespmem:s8+$0x1C80];
	_ =	sdelay $0x4  }
0x89: {  	[tilespmem:v19+s23+$0x0] =	vst.idx.msk $0xffff, v18  }
0x8a: {  	v19 =	vor.u32 v11, v17;
	v18 =	vld [tilespmem:s8+$0x1D00];
	_ =	sdelay $0x4  }
0x8b: {  	[tilespmem:v19+s23+$0x0] =	vst.idx.msk $0xffff, v18  }
0x8c: {  	v19 =	vor.u32 v12, v17;
	v18 =	vld [tilespmem:s8+$0x1D80];
	_ =	sdelay $0x4  }
0x8d: {  	[tilespmem:v19+s23+$0x0] =	vst.idx.msk $0xffff, v18  }
0x8e: {  	v19 =	vor.u32 v13, v17;
	v18 =	vld [tilespmem:s8+$0x1E00];
	_ =	sdelay $0x4  }
0x8f: {  	[tilespmem:v19+s23+$0x0] =	vst.idx.msk $0xffff, v18  }
0x90: {  	v19 =	vor.u32 v14, v17;
	v18 =	vld [tilespmem:s8+$0x1E80];
	_ =	sdelay $0x4  }
0x91: {  	[tilespmem:v19+s23+$0x0] =	vst.idx.msk $0xffff, v18  }
0x92: {  	v19 =	vor.u32 v15, v17;
	v18 =	vld [tilespmem:s8+$0x1F00];
	_ =	sdelay $0x4  }
0x93: {  	[tilespmem:v19+s23+$0x0] =	vst.idx.msk $0xffff, v18  }
0x94: {  	v17 =	vor.u32 v16, v17;
	v18 =	vld [tilespmem:s8+$0x1F80];
	_ =	sdelay $0x2  }
0x95: {  	s21 =	smul.u32 $0x700, s30;
	s12 =	sadd.s32 s10, s29  }
0x96: {  	p2 =	sgt.u32 s12, $0x45B  }
0x97: {  	s12 =	smul.u32 @!p2 $0x380, s12;
	s13 =	simm.s32 @!p2 $0x7A1400;
	s8 =	sadd.s32 s6, s21;
	[tilespmem:v17+s23+$0x0] =	vst.idx.msk $0xffff, v18  }
0x98: {  	[hbm4b:s8+s4] =	stream.linear.scatter [tilespmem:s23], [sflag:$0x3], $0x3800, $0x38;
	[tilespmem:$0xE800] =	vst v63  }
0x99: {  	s16 =	simm.s32 @!p2 $0x0;
	s8 =	sadd.s32 @!p2 s1, s12;
	s12 =	simm.s32 @!p2 $0x1C00  }
0x9a: {  	[tilespmem:s16], [sflag:$0x1] =	stream.strided.gather @!p2 [hbm4b:s8+s12], $0x3800, s13, s12, $0x38;
	[tilespmem:$0xE800] =	vst v63  }
.LBB2_6:
0x9b: {  	s30 =	sor.u32 $0x20, s30  }
0x9c: {  	p2 =	sgt.u32 s30, $0x45B  }
.Ltmp6:
0x9d: {  	_ = 	snop;
	(pc) =	sbr.rel @p2 .LBB2_10-.Ltmp6, $1  }
0x9e: {  	_ =	sdelay $0x3  }
0x9f: {  	_ =	swait.ge [sflag:s24], $0x3800  }
0xa0: {  	[sflag:s24] =	ssyncset.done $0x0  }
0xa1: {  	s8 =	simm.s32 @!p1 $0x4;
	s12 =	simm.s32 $0x0;
	[sflag:s24] =	ssyncadd.s32 $0xFFFFC800  }
0xa2: {  	v17 =	vmov s12;
	_ =	swait.ge @!p1 [sflag:s8], $0x3800  }
0xa3: {  	s13 =	sand.u32 $0x70, s12;
	s16 =	sand.u32 $0x1C00, s12;
	v17 =	vshll.u32 v17, $0x7;
	[sflag:s8] =	ssyncset.done @!p1 $0x0  }
0xa4: {  	s21 =	sor.u32 s13, s16;
	v17 =	vor.u32 v1, v17;
	[sflag:s8] =	ssyncadd.s32 @!p1 $0xFFFFC800  }
0xa5: {  	v19 =	vor.u32 v0, v17;
	v18 =	vld [tilespmem:s21+$0x3800];
	_ =	sdelay $0x4  }
0xa6: {  	[tilespmem:v19+s25+$0x0] =	vst.idx.msk $0xffff, v18  }
0xa7: {  	v19 =	vor.u32 v2, v17;
	v18 =	vld [tilespmem:s21+$0x3880];
	_ =	sdelay $0x4  }
0xa8: {  	[tilespmem:v19+s25+$0x0] =	vst.idx.msk $0xffff, v18  }
0xa9: {  	v19 =	vor.u32 v3, v17;
	v18 =	vld [tilespmem:s21+$0x3900];
	_ =	sdelay $0x4  }
0xaa: {  	[tilespmem:v19+s25+$0x0] =	vst.idx.msk $0xffff, v18  }
0xab: {  	v19 =	vor.u32 v4, v17;
	v18 =	vld [tilespmem:s21+$0x3980];
	_ =	sdelay $0x4  }
0xac: {  	[tilespmem:v19+s25+$0x0] =	vst.idx.msk $0xffff, v18  }
0xad: {  	v19 =	vor.u32 v5, v17;
	v18 =	vld [tilespmem:s21+$0x3A00];
	_ =	sdelay $0x4  }
0xae: {  	[tilespmem:v19+s25+$0x0] =	vst.idx.msk $0xffff, v18  }
0xaf: {  	v19 =	vor.u32 v6, v17;
	v18 =	vld [tilespmem:s21+$0x3A80];
	_ =	sdelay $0x4  }
0xb0: {  	[tilespmem:v19+s25+$0x0] =	vst.idx.msk $0xffff, v18  }
0xb1: {  	v19 =	vor.u32 v7, v17;
	v18 =	vld [tilespmem:s21+$0x3B00];
	_ =	sdelay $0x3  }
0xb2: {  	s12 =	sor.u32 s12, s12  }
0xb3: {  	s12 =	sor.u32 $0x380, s12;
	[tilespmem:v19+s25+$0x0] =	vst.idx.msk $0xffff, v18  }
0xb4: {  	v19 =	vor.u32 v8, v17;
	v18 =	vld [tilespmem:s12+$0x3800];
	_ =	sdelay $0x4  }
0xb5: {  	[tilespmem:v19+s25+$0x0] =	vst.idx.msk $0xffff, v18  }
0xb6: {  	v19 =	vor.u32 v9, v17;
	v18 =	vld [tilespmem:s21+$0x5400];
	_ =	sdelay $0x4  }
0xb7: {  	[tilespmem:v19+s25+$0x0] =	vst.idx.msk $0xffff, v18  }
0xb8: {  	v19 =	vor.u32 v10, v17;
	v18 =	vld [tilespmem:s21+$0x5480];
	_ =	sdelay $0x4  }
0xb9: {  	[tilespmem:v19+s25+$0x0] =	vst.idx.msk $0xffff, v18  }
0xba: {  	v19 =	vor.u32 v11, v17;
	v18 =	vld [tilespmem:s21+$0x5500];
	_ =	sdelay $0x4  }
0xbb: {  	[tilespmem:v19+s25+$0x0] =	vst.idx.msk $0xffff, v18  }
0xbc: {  	v19 =	vor.u32 v12, v17;
	v18 =	vld [tilespmem:s21+$0x5580];
	_ =	sdelay $0x4  }
0xbd: {  	[tilespmem:v19+s25+$0x0] =	vst.idx.msk $0xffff, v18  }
0xbe: {  	v19 =	vor.u32 v13, v17;
	v18 =	vld [tilespmem:s21+$0x5600];
	_ =	sdelay $0x4  }
0xbf: {  	[tilespmem:v19+s25+$0x0] =	vst.idx.msk $0xffff, v18  }
0xc0: {  	v19 =	vor.u32 v14, v17;
	v18 =	vld [tilespmem:s21+$0x5680];
	_ =	sdelay $0x4  }
0xc1: {  	[tilespmem:v19+s25+$0x0] =	vst.idx.msk $0xffff, v18  }
0xc2: {  	v19 =	vor.u32 v15, v17;
	v18 =	vld [tilespmem:s21+$0x5700];
	_ =	sdelay $0x4  }
0xc3: {  	[tilespmem:v19+s25+$0x0] =	vst.idx.msk $0xffff, v18  }
0xc4: {  	v19 =	vor.u32 v16, v17;
	v18 =	vld [tilespmem:s21+$0x5780];
	_ =	sdelay $0x1  }
0xc5: {  	s16 =	simm.s32 $0x2  }
0xc6: {  	s17 =	simm.s32 $0x20;
	s13 =	simm.s32 $0x80;
	s12 =	simm.s32 $0x10;
	v17 =	vmov s16  }
.LBB2_8:
0xc7: {  	p1 =	sne.s32 s17, $0x370;
	s8 =	sand.u32 $0x70, s12;
	s21 =	sand.u32 $0x1C00, s13;
	v17 =	vshll.u32 v17, $0x7  }
0xc8: {  	s21 =	sor.u32 s8, s21;
	v17 =	vor.u32 v1, v17;
	[tilespmem:v19+s25+$0x0] =	vst.idx.msk $0xffff, v18  }
0xc9: {  	v18 =	vld [tilespmem:s21+$0x3800];
	v19 =	vor.u32 v0, v17;
	_ =	sdelay $0x4  }
0xca: {  	[tilespmem:v19+s25+$0x0] =	vst.idx.msk $0xffff, v18  }
0xcb: {  	v19 =	vor.u32 v2, v17;
	v18 =	vld [tilespmem:s21+$0x3880];
	_ =	sdelay $0x4  }
0xcc: {  	[tilespmem:v19+s25+$0x0] =	vst.idx.msk $0xffff, v18  }
0xcd: {  	v19 =	vor.u32 v3, v17;
	v18 =	vld [tilespmem:s21+$0x3900];
	_ =	sdelay $0x4  }
0xce: {  	[tilespmem:v19+s25+$0x0] =	vst.idx.msk $0xffff, v18  }
0xcf: {  	v19 =	vor.u32 v4, v17;
	v18 =	vld [tilespmem:s21+$0x3980];
	_ =	sdelay $0x4  }
0xd0: {  	[tilespmem:v19+s25+$0x0] =	vst.idx.msk $0xffff, v18  }
0xd1: {  	v19 =	vor.u32 v5, v17;
	v18 =	vld [tilespmem:s21+$0x3A00];
	_ =	sdelay $0x4  }
0xd2: {  	[tilespmem:v19+s25+$0x0] =	vst.idx.msk $0xffff, v18  }
0xd3: {  	v19 =	vor.u32 v6, v17;
	v18 =	vld [tilespmem:s21+$0x3A80];
	_ =	sdelay $0x4  }
0xd4: {  	[tilespmem:v19+s25+$0x0] =	vst.idx.msk $0xffff, v18  }
0xd5: {  	v19 =	vor.u32 v7, v17;
	v18 =	vld [tilespmem:s21+$0x3B00];
	_ =	sdelay $0x3  }
0xd6: {  	s8 =	sor.u32 s13, s12;
	s12 =	smov.u32 s17  }
0xd7: {  	s8 =	sor.u32 $0x380, s8;
	[tilespmem:v19+s25+$0x0] =	vst.idx.msk $0xffff, v18  }
0xd8: {  	v19 =	vor.u32 v8, v17;
	v18 =	vld [tilespmem:s8+$0x3800];
	_ =	sdelay $0x4  }
0xd9: {  	[tilespmem:v19+s25+$0x0] =	vst.idx.msk $0xffff, v18  }
0xda: {  	v19 =	vor.u32 v9, v17;
	v18 =	vld [tilespmem:s21+$0x5400];
	_ =	sdelay $0x4  }
0xdb: {  	[tilespmem:v19+s25+$0x0] =	vst.idx.msk $0xffff, v18  }
0xdc: {  	v19 =	vor.u32 v10, v17;
	v18 =	vld [tilespmem:s21+$0x5480];
	_ =	sdelay $0x4  }
0xdd: {  	[tilespmem:v19+s25+$0x0] =	vst.idx.msk $0xffff, v18  }
0xde: {  	v19 =	vor.u32 v11, v17;
	v18 =	vld [tilespmem:s21+$0x5500];
	_ =	sdelay $0x4  }
0xdf: {  	[tilespmem:v19+s25+$0x0] =	vst.idx.msk $0xffff, v18  }
0xe0: {  	v19 =	vor.u32 v12, v17;
	v18 =	vld [tilespmem:s21+$0x5580];
	_ =	sdelay $0x4  }
0xe1: {  	[tilespmem:v19+s25+$0x0] =	vst.idx.msk $0xffff, v18  }
0xe2: {  	v19 =	vor.u32 v13, v17;
	v18 =	vld [tilespmem:s21+$0x5600];
	_ =	sdelay $0x4  }
0xe3: {  	[tilespmem:v19+s25+$0x0] =	vst.idx.msk $0xffff, v18  }
0xe4: {  	v19 =	vor.u32 v14, v17;
	v18 =	vld [tilespmem:s21+$0x5680];
	_ =	sdelay $0x4  }
0xe5: {  	[tilespmem:v19+s25+$0x0] =	vst.idx.msk $0xffff, v18  }
0xe6: {  	v19 =	vor.u32 v15, v17;
	v18 =	vld [tilespmem:s21+$0x5700];
	_ =	sdelay $0x4  }
.Ltmp7:
0xe7: {  	[tilespmem:v19+s25+$0x0] =	vst.idx.msk $0xffff, v18;
	(pc) =	sbr.rel @p1 .LBB2_8-.Ltmp7, $3  }
0xe8: {  	v19 =	vor.u32 v16, v17;
	v18 =	vld [tilespmem:s21+$0x5780];
	_ =	sdelay $0x1  }
0xe9: {  	s16 =	sadd.s32 $0x2, s16  }
0xea: {  	s17 =	sadd.s32 $0x10, s17;
	s13 =	sadd.s32 $0x80, s13;
	v17 =	vmov s16  }
0xeb: {  	_ =	sdelay $0x2  }
0xec: {  	s8 =	sand.u32 $0x70, s12;
	s16 =	sand.u32 $0x1C00, s13;
	v17 =	vshll.u32 v17, $0x7  }
0xed: {  	s8 =	sor.u32 s8, s16;
	v17 =	vor.u32 v1, v17;
	[tilespmem:v19+s25+$0x0] =	vst.idx.msk $0xffff, v18  }
0xee: {  	v18 =	vld [tilespmem:s8+$0x3800];
	v19 =	vor.u32 v0, v17;
	_ =	sdelay $0x4  }
0xef: {  	[tilespmem:v19+s25+$0x0] =	vst.idx.msk $0xffff, v18  }
0xf0: {  	v19 =	vor.u32 v2, v17;
	v18 =	vld [tilespmem:s8+$0x3880];
	_ =	sdelay $0x4  }
0xf1: {  	[tilespmem:v19+s25+$0x0] =	vst.idx.msk $0xffff, v18  }
0xf2: {  	v19 =	vor.u32 v3, v17;
	v18 =	vld [tilespmem:s8+$0x3900];
	_ =	sdelay $0x4  }
0xf3: {  	[tilespmem:v19+s25+$0x0] =	vst.idx.msk $0xffff, v18  }
0xf4: {  	v19 =	vor.u32 v4, v17;
	v18 =	vld [tilespmem:s8+$0x3980];
	_ =	sdelay $0x4  }
0xf5: {  	[tilespmem:v19+s25+$0x0] =	vst.idx.msk $0xffff, v18  }
0xf6: {  	v19 =	vor.u32 v5, v17;
	v18 =	vld [tilespmem:s8+$0x3A00];
	_ =	sdelay $0x4  }
0xf7: {  	[tilespmem:v19+s25+$0x0] =	vst.idx.msk $0xffff, v18  }
0xf8: {  	v19 =	vor.u32 v6, v17;
	v18 =	vld [tilespmem:s8+$0x3A80];
	_ =	sdelay $0x4  }
0xf9: {  	[tilespmem:v19+s25+$0x0] =	vst.idx.msk $0xffff, v18  }
0xfa: {  	v19 =	vor.u32 v7, v17;
	v18 =	vld [tilespmem:s8+$0x3B00];
	_ =	sdelay $0x3  }
0xfb: {  	s21 =	sor.u32 s13, s12  }
0xfc: {  	s12 =	sor.u32 $0x380, s21;
	[tilespmem:v19+s25+$0x0] =	vst.idx.msk $0xffff, v18  }
0xfd: {  	v19 =	vor.u32 v8, v17;
	v18 =	vld [tilespmem:s12+$0x3800];
	_ =	sdelay $0x4  }
0xfe: {  	[tilespmem:v19+s25+$0x0] =	vst.idx.msk $0xffff, v18  }
0xff: {  	v19 =	vor.u32 v9, v17;
	v18 =	vld [tilespmem:s8+$0x5400];
	_ =	sdelay $0x4  }
0x100: {  	[tilespmem:v19+s25+$0x0] =	vst.idx.msk $0xffff, v18  }
0x101: {  	v19 =	vor.u32 v10, v17;
	v18 =	vld [tilespmem:s8+$0x5480];
	_ =	sdelay $0x4  }
0x102: {  	[tilespmem:v19+s25+$0x0] =	vst.idx.msk $0xffff, v18  }
0x103: {  	v19 =	vor.u32 v11, v17;
	v18 =	vld [tilespmem:s8+$0x5500];
	_ =	sdelay $0x4  }
0x104: {  	[tilespmem:v19+s25+$0x0] =	vst.idx.msk $0xffff, v18  }
0x105: {  	v19 =	vor.u32 v12, v17;
	v18 =	vld [tilespmem:s8+$0x5580];
	_ =	sdelay $0x4  }
0x106: {  	[tilespmem:v19+s25+$0x0] =	vst.idx.msk $0xffff, v18  }
0x107: {  	v19 =	vor.u32 v13, v17;
	v18 =	vld [tilespmem:s8+$0x5600];
	_ =	sdelay $0x4  }
0x108: {  	[tilespmem:v19+s25+$0x0] =	vst.idx.msk $0xffff, v18  }
0x109: {  	v19 =	vor.u32 v14, v17;
	v18 =	vld [tilespmem:s8+$0x5680];
	_ =	sdelay $0x4  }
0x10a: {  	[tilespmem:v19+s25+$0x0] =	vst.idx.msk $0xffff, v18  }
0x10b: {  	v19 =	vor.u32 v15, v17;
	v18 =	vld [tilespmem:s8+$0x5700];
	_ =	sdelay $0x4  }
0x10c: {  	[tilespmem:v19+s25+$0x0] =	vst.idx.msk $0xffff, v18  }
0x10d: {  	v17 =	vor.u32 v16, v17;
	v18 =	vld [tilespmem:s8+$0x5780];
	_ =	sdelay $0x2  }
0x10e: {  	s30 =	smul.u32 $0x700, s30;
	s12 =	sadd.s32 s11, s29  }
.Ltmp8:
0x10f: {  	p1 =	sgt.u32 s12, $0x45B;
	(pc) =	sbr.rel .LBB2_10-.Ltmp8, $4  }
0x110: {  	s12 =	smul.u32 @!p1 $0x380, s12;
	s13 =	simm.s32 @!p1 $0x7A1400;
	s8 =	sadd.s32 s6, s30;
	[tilespmem:v17+s25+$0x0] =	vst.idx.msk $0xffff, v18  }
0x111: {  	[hbm4b:s8+s4] =	stream.linear.scatter [tilespmem:s25], [sflag:$0x4], $0x3800, $0x38;
	[tilespmem:$0xE800] =	vst v63  }
0x112: {  	s16 =	simm.s32 @!p1 $0x3800;
	s8 =	sadd.s32 @!p1 s1, s12;
	s12 =	simm.s32 @!p1 $0x1C00  }
0x113: {  	[tilespmem:s16], [sflag:$0x2] =	stream.strided.gather @!p1 [hbm4b:s8+s12], $0x3800, s13, s12, $0x38;
	[tilespmem:$0xE800] =	vst v63  }
.LBB2_11:
0x114: {  	_ =	swait.ge [sflag:s26], $0x3800  }
.Ltmp9:
0x115: {  	[sflag:s26] =	ssyncset.done $0x0;
	(pc) =	sbr.rel @p0 .LBB2_15-.Ltmp9, $4  }
0x116: {  	[sflag:s26] =	ssyncadd.s32 $0xFFFFC800  }
0x117: {  	_ =	swait.ge [sflag:s28], $0x3800  }
0x118: {  	[sflag:s28] =	ssyncset.done $0x0  }
0x119: {  	[sflag:s28] =	ssyncadd.s32 $0xFFFFC800  }
0x11a: {  	s2 =	rddreg [dreg:$0x5]  }
0x11b: {  	s8 =	simm.s32 $0x400;
	s12 =	simm.s32 $0x7000;
	s29 =	simm.s32 $0x0  }
0x11c: {  	[tilespmem:s12], [sflag:$0x5] =	stream.strided.gather [hbm4b:s2+s8], $0x800, s20, s8, $0x38;
	[tilespmem:$0xE800] =	vst v63  }
0x11d: {  	v17 =	vmov s29;
	_ =	swait.ge [sflag:s31], $0x800  }
0x11e: {  	v17 =	vshll.u32 v17, $0x7;
	[sflag:s31] =	ssyncset.done $0x0  }
0x11f: {  	s2 =	simm.s32 $0x7400;
	v17 =	vor.u32 v1, v17;
	[sflag:s31] =	ssyncadd.s32 $0xFFFFF800  }
0x120: {  	v19 =	vor.u32 v0, v17;
	v18 =	vld [tilespmem:s2+$0xFFFFFC00];
	_ =	sdelay $0x4  }
0x121: {  	[tilespmem:v19+s23+$0x0] =	vst.idx.msk $0xffff, v18  }
0x122: {  	v19 =	vor.u32 v2, v17;
	v18 =	vld [tilespmem:s2+$0xFFFFFC80];
	_ =	sdelay $0x4  }
0x123: {  	[tilespmem:v19+s23+$0x0] =	vst.idx.msk $0xffff, v18  }
0x124: {  	v19 =	vor.u32 v3, v17;
	v18 =	vld [tilespmem:s2+$0xFFFFFD00];
	_ =	sdelay $0x4  }
0x125: {  	[tilespmem:v19+s23+$0x0] =	vst.idx.msk $0xffff, v18  }
0x126: {  	v19 =	vor.u32 v4, v17;
	v18 =	vld [tilespmem:s2+$0xFFFFFD80];
	_ =	sdelay $0x4  }
0x127: {  	[tilespmem:v19+s23+$0x0] =	vst.idx.msk $0xffff, v18  }
0x128: {  	v19 =	vor.u32 v5, v17;
	v18 =	vld [tilespmem:s2+$0xFFFFFE00];
	_ =	sdelay $0x4  }
0x129: {  	[tilespmem:v19+s23+$0x0] =	vst.idx.msk $0xffff, v18  }
0x12a: {  	v19 =	vor.u32 v6, v17;
	v18 =	vld [tilespmem:s2+$0xFFFFFE80];
	_ =	sdelay $0x4  }
0x12b: {  	[tilespmem:v19+s23+$0x0] =	vst.idx.msk $0xffff, v18  }
0x12c: {  	v19 =	vor.u32 v7, v17;
	v18 =	vld [tilespmem:s2+$0xFFFFFF00];
	_ =	sdelay $0x4  }
0x12d: {  	[tilespmem:v19+s23+$0x0] =	vst.idx.msk $0xffff, v18  }
0x12e: {  	v19 =	vor.u32 v8, v17;
	v18 =	vld [tilespmem:s2+$0xFFFFFF80];
	_ =	sdelay $0x4  }
0x12f: {  	[tilespmem:v19+s23+$0x0] =	vst.idx.msk $0xffff, v18  }
0x130: {  	v19 =	vor.u32 v9, v17;
	v18 =	vld [tilespmem:s2+$0x0];
	_ =	sdelay $0x4  }
0x131: {  	[tilespmem:v19+s23+$0x0] =	vst.idx.msk $0xffff, v18  }
0x132: {  	v19 =	vor.u32 v10, v17;
	v18 =	vld [tilespmem:s2+$0x80];
	_ =	sdelay $0x4  }
0x133: {  	[tilespmem:v19+s23+$0x0] =	vst.idx.msk $0xffff, v18  }
0x134: {  	v19 =	vor.u32 v11, v17;
	v18 =	vld [tilespmem:s2+$0x100];
	_ =	sdelay $0x4  }
0x135: {  	[tilespmem:v19+s23+$0x0] =	vst.idx.msk $0xffff, v18  }
0x136: {  	v19 =	vor.u32 v12, v17;
	v18 =	vld [tilespmem:s2+$0x180];
	_ =	sdelay $0x4  }
0x137: {  	[tilespmem:v19+s23+$0x0] =	vst.idx.msk $0xffff, v18  }
0x138: {  	v19 =	vor.u32 v13, v17;
	v18 =	vld [tilespmem:s2+$0x200];
	_ =	sdelay $0x4  }
0x139: {  	[tilespmem:v19+s23+$0x0] =	vst.idx.msk $0xffff, v18  }
0x13a: {  	v19 =	vor.u32 v14, v17;
	v18 =	vld [tilespmem:s2+$0x280];
	_ =	sdelay $0x4  }
0x13b: {  	[tilespmem:v19+s23+$0x0] =	vst.idx.msk $0xffff, v18  }
0x13c: {  	v19 =	vor.u32 v15, v17;
	v18 =	vld [tilespmem:s2+$0x300];
	_ =	sdelay $0x4  }
0x13d: {  	[tilespmem:v19+s23+$0x0] =	vst.idx.msk $0xffff, v18  }
0x13e: {  	v19 =	vor.u32 v16, v17;
	v18 =	vld [tilespmem:s2+$0x380];
	_ =	sdelay $0x1  }
0x13f: {  	s30 =	simm.s32 $0x2  }
0x140: {  	s12 =	simm.s32 $0x4;
	v17 =	vmov s30  }
.LBB2_13:
0x141: {  	p1 =	sne.s32 s12, $0x6;
	v17 =	vshll.u32 v17, $0x7  }
0x142: {  	s2 =	sadd.s32 $0x10, s2;
	v17 =	vor.u32 v1, v17;
	[tilespmem:v19+s23+$0x0] =	vst.idx.msk $0xffff, v18  }
0x143: {  	v18 =	vld [tilespmem:s2+$0xFFFFFC00];
	v19 =	vor.u32 v0, v17;
	_ =	sdelay $0x4  }
0x144: {  	[tilespmem:v19+s23+$0x0] =	vst.idx.msk $0xffff, v18  }
0x145: {  	v19 =	vor.u32 v2, v17;
	v18 =	vld [tilespmem:s2+$0xFFFFFC80];
	_ =	sdelay $0x4  }
0x146: {  	[tilespmem:v19+s23+$0x0] =	vst.idx.msk $0xffff, v18  }
0x147: {  	v19 =	vor.u32 v3, v17;
	v18 =	vld [tilespmem:s2+$0xFFFFFD00];
	_ =	sdelay $0x4  }
0x148: {  	[tilespmem:v19+s23+$0x0] =	vst.idx.msk $0xffff, v18  }
0x149: {  	v19 =	vor.u32 v4, v17;
	v18 =	vld [tilespmem:s2+$0xFFFFFD80];
	_ =	sdelay $0x4  }
0x14a: {  	[tilespmem:v19+s23+$0x0] =	vst.idx.msk $0xffff, v18  }
0x14b: {  	v19 =	vor.u32 v5, v17;
	v18 =	vld [tilespmem:s2+$0xFFFFFE00];
	_ =	sdelay $0x4  }
0x14c: {  	[tilespmem:v19+s23+$0x0] =	vst.idx.msk $0xffff, v18  }
0x14d: {  	v19 =	vor.u32 v6, v17;
	v18 =	vld [tilespmem:s2+$0xFFFFFE80];
	_ =	sdelay $0x4  }
0x14e: {  	[tilespmem:v19+s23+$0x0] =	vst.idx.msk $0xffff, v18  }
0x14f: {  	v19 =	vor.u32 v7, v17;
	v18 =	vld [tilespmem:s2+$0xFFFFFF00];
	_ =	sdelay $0x4  }
0x150: {  	[tilespmem:v19+s23+$0x0] =	vst.idx.msk $0xffff, v18  }
0x151: {  	v19 =	vor.u32 v8, v17;
	v18 =	vld [tilespmem:s2+$0xFFFFFF80];
	_ =	sdelay $0x4  }
0x152: {  	[tilespmem:v19+s23+$0x0] =	vst.idx.msk $0xffff, v18  }
0x153: {  	v19 =	vor.u32 v9, v17;
	v18 =	vld [tilespmem:s2+$0x0];
	_ =	sdelay $0x4  }
0x154: {  	[tilespmem:v19+s23+$0x0] =	vst.idx.msk $0xffff, v18  }
0x155: {  	v19 =	vor.u32 v10, v17;
	v18 =	vld [tilespmem:s2+$0x80];
	_ =	sdelay $0x4  }
0x156: {  	[tilespmem:v19+s23+$0x0] =	vst.idx.msk $0xffff, v18  }
0x157: {  	v19 =	vor.u32 v11, v17;
	v18 =	vld [tilespmem:s2+$0x100];
	_ =	sdelay $0x4  }
0x158: {  	[tilespmem:v19+s23+$0x0] =	vst.idx.msk $0xffff, v18  }
0x159: {  	v19 =	vor.u32 v12, v17;
	v18 =	vld [tilespmem:s2+$0x180];
	_ =	sdelay $0x4  }
0x15a: {  	[tilespmem:v19+s23+$0x0] =	vst.idx.msk $0xffff, v18  }
0x15b: {  	v19 =	vor.u32 v13, v17;
	v18 =	vld [tilespmem:s2+$0x200];
	_ =	sdelay $0x4  }
0x15c: {  	[tilespmem:v19+s23+$0x0] =	vst.idx.msk $0xffff, v18  }
0x15d: {  	v19 =	vor.u32 v14, v17;
	v18 =	vld [tilespmem:s2+$0x280];
	_ =	sdelay $0x4  }
0x15e: {  	[tilespmem:v19+s23+$0x0] =	vst.idx.msk $0xffff, v18  }
0x15f: {  	v19 =	vor.u32 v15, v17;
	v18 =	vld [tilespmem:s2+$0x300];
	_ =	sdelay $0x4  }
.Ltmp10:
0x160: {  	[tilespmem:v19+s23+$0x0] =	vst.idx.msk $0xffff, v18;
	(pc) =	sbr.rel @p1 .LBB2_13-.Ltmp10, $2  }
0x161: {  	v19 =	vor.u32 v16, v17;
	v18 =	vld [tilespmem:s2+$0x380];
	_ =	sdelay $0x2  }
0x162: {  	v17 =	vmov s12;
	s12 =	sadd.s32 $0x2, s12  }
0x163: {  	_ =	sdelay $0x2  }
0x164: {  	v17 =	vshll.u32 v17, $0x7  }
0x165: {  	s2 =	sadd.s32 $0x10, s2;
	v17 =	vor.u32 v1, v17;
	[tilespmem:v19+s23+$0x0] =	vst.idx.msk $0xffff, v18  }
0x166: {  	v18 =	vld [tilespmem:s2+$0xFFFFFC00];
	v19 =	vor.u32 v0, v17;
	_ =	sdelay $0x4  }
0x167: {  	[tilespmem:v19+s23+$0x0] =	vst.idx.msk $0xffff, v18  }
0x168: {  	v19 =	vor.u32 v2, v17;
	v18 =	vld [tilespmem:s2+$0xFFFFFC80];
	_ =	sdelay $0x4  }
0x169: {  	[tilespmem:v19+s23+$0x0] =	vst.idx.msk $0xffff, v18  }
0x16a: {  	v19 =	vor.u32 v3, v17;
	v18 =	vld [tilespmem:s2+$0xFFFFFD00];
	_ =	sdelay $0x4  }
0x16b: {  	[tilespmem:v19+s23+$0x0] =	vst.idx.msk $0xffff, v18  }
0x16c: {  	v19 =	vor.u32 v4, v17;
	v18 =	vld [tilespmem:s2+$0xFFFFFD80];
	_ =	sdelay $0x4  }
0x16d: {  	[tilespmem:v19+s23+$0x0] =	vst.idx.msk $0xffff, v18  }
0x16e: {  	v19 =	vor.u32 v5, v17;
	v18 =	vld [tilespmem:s2+$0xFFFFFE00];
	_ =	sdelay $0x4  }
0x16f: {  	[tilespmem:v19+s23+$0x0] =	vst.idx.msk $0xffff, v18  }
0x170: {  	v19 =	vor.u32 v6, v17;
	v18 =	vld [tilespmem:s2+$0xFFFFFE80];
	_ =	sdelay $0x4  }
0x171: {  	[tilespmem:v19+s23+$0x0] =	vst.idx.msk $0xffff, v18  }
0x172: {  	v19 =	vor.u32 v7, v17;
	v18 =	vld [tilespmem:s2+$0xFFFFFF00];
	_ =	sdelay $0x4  }
0x173: {  	[tilespmem:v19+s23+$0x0] =	vst.idx.msk $0xffff, v18  }
0x174: {  	v19 =	vor.u32 v8, v17;
	v18 =	vld [tilespmem:s2+$0xFFFFFF80];
	_ =	sdelay $0x4  }
0x175: {  	[tilespmem:v19+s23+$0x0] =	vst.idx.msk $0xffff, v18  }
0x176: {  	v19 =	vor.u32 v9, v17;
	v18 =	vld [tilespmem:s2+$0x0];
	_ =	sdelay $0x4  }
0x177: {  	[tilespmem:v19+s23+$0x0] =	vst.idx.msk $0xffff, v18  }
0x178: {  	v19 =	vor.u32 v10, v17;
	v18 =	vld [tilespmem:s2+$0x80];
	_ =	sdelay $0x4  }
0x179: {  	[tilespmem:v19+s23+$0x0] =	vst.idx.msk $0xffff, v18  }
0x17a: {  	v19 =	vor.u32 v11, v17;
	v18 =	vld [tilespmem:s2+$0x100];
	_ =	sdelay $0x4  }
0x17b: {  	[tilespmem:v19+s23+$0x0] =	vst.idx.msk $0xffff, v18  }
0x17c: {  	v19 =	vor.u32 v12, v17;
	v18 =	vld [tilespmem:s2+$0x180];
	_ =	sdelay $0x4  }
0x17d: {  	[tilespmem:v19+s23+$0x0] =	vst.idx.msk $0xffff, v18  }
0x17e: {  	v19 =	vor.u32 v13, v17;
	v18 =	vld [tilespmem:s2+$0x200];
	_ =	sdelay $0x4  }
0x17f: {  	[tilespmem:v19+s23+$0x0] =	vst.idx.msk $0xffff, v18  }
0x180: {  	v19 =	vor.u32 v14, v17;
	v18 =	vld [tilespmem:s2+$0x280];
	_ =	sdelay $0x4  }
0x181: {  	[tilespmem:v19+s23+$0x0] =	vst.idx.msk $0xffff, v18  }
0x182: {  	v19 =	vor.u32 v15, v17;
	v18 =	vld [tilespmem:s2+$0x300];
	_ =	sdelay $0x4  }
0x183: {  	[tilespmem:v19+s23+$0x0] =	vst.idx.msk $0xffff, v18  }
0x184: {  	v17 =	vor.u32 v16, v17;
	v18 =	vld [tilespmem:s2+$0x380];
	_ =	sdelay $0x4  }
0x185: {  	s30 =	rddreg [dreg:$0x6];
	[tilespmem:v17+s23+$0x0] =	vst.idx.msk $0xffff, v18  }
0x186: {  	[hbm4b:s30+s4] =	stream.linear.scatter [tilespmem:s23], [sflag:$0x5], $0x400, $0x38;
	[tilespmem:$0xE800] =	vst v63  }
0x187: {  	_ =	swait.ge [sflag:s31], $0x400  }
0x188: {  	[sflag:s31] =	ssyncset.done $0x0  }
0x189: {  	[sflag:s31] =	ssyncadd.s32 $0xFFFFFC00  }
.LBB2_15:
.Ltmp11:
0x18a: {  	(pc) =	sbr.rel .LBB2_16-.Ltmp11, $4  }
0x18b: {  	s2 =	simm.s32 $0x0  }
0x18c: {  	[tilespmem:s2], [sflag:$0x1] =	stream.strided.gather [hbm4b:s14+s19], $0x3800, s20, s19, $0x38;
	[tilespmem:$0xE800] =	vst v63  }
0x18d: {  	s8 =	simm.s32 $0x3800  }
0x18e: {  	[tilespmem:s8], [sflag:$0x2] =	stream.strided.gather [hbm4b:s15+s19], $0x3800, s20, s19, $0x38;
	[tilespmem:$0xE800] =	vst v63  }
.LBB2_24:
0x18f: {  	s2 =	sadd.s32 $0x1, s2  }
0x190: {  	p1 =	sne.s32 s2, $0x12  }
.Ltmp12:
0x191: {  	_ = 	snop;
	(pc) =	sbr.rel @!p1 .LBB2_25-.Ltmp12, $1  }
0x192: {  	_ =	sdelay $0x3  }
.LBB2_16:
0x193: {  	s29 =	sshll.u32 s2, $0x6  }
0x194: {  	s30 =	sor.u32 s5, s29  }
0x195: {  	p2 =	sgt.u32 s30, $0x45B  }
.Ltmp13:
0x196: {  	_ = 	snop;
	(pc) =	sbr.rel @p2 .LBB2_20-.Ltmp13, $2  }
0x197: {  	_ =	sdelay $0x2  }
0x198: {  	p1 =	seq.s32 s2, $0x0  }
0x199: {  	_ =	swait.ge [sflag:s22], $0x3800  }
0x19a: {  	[sflag:s22] =	ssyncset.done $0x0  }
0x19b: {  	s8 =	simm.s32 @!p1 $0x3;
	s12 =	simm.s32 $0x0;
	[sflag:s22] =	ssyncadd.s32 $0xFFFFC800  }
0x19c: {  	v17 =	vmov s12;
	_ =	swait.ge @!p1 [sflag:s8], $0x3800  }
0x19d: {  	s13 =	sand.u32 $0x70, s12;
	s16 =	sand.u32 $0x1C00, s12;
	v17 =	vshll.u32 v17, $0x7;
	[sflag:s8] =	ssyncset.done @!p1 $0x0  }
0x19e: {  	s21 =	sor.u32 s13, s16;
	v17 =	vor.u32 v1, v17;
	[sflag:s8] =	ssyncadd.s32 @!p1 $0xFFFFC800  }
0x19f: {  	v19 =	vor.u32 v0, v17;
	v18 =	vld [tilespmem:s21+$0x0];
	_ =	sdelay $0x4  }
0x1a0: {  	[tilespmem:v19+s23+$0x0] =	vst.idx.msk $0xffff, v18  }
0x1a1: {  	v19 =	vor.u32 v2, v17;
	v18 =	vld [tilespmem:s21+$0x80];
	_ =	sdelay $0x4  }
0x1a2: {  	[tilespmem:v19+s23+$0x0] =	vst.idx.msk $0xffff, v18  }
0x1a3: {  	v19 =	vor.u32 v3, v17;
	v18 =	vld [tilespmem:s21+$0x100];
	_ =	sdelay $0x4  }
0x1a4: {  	[tilespmem:v19+s23+$0x0] =	vst.idx.msk $0xffff, v18  }
0x1a5: {  	v19 =	vor.u32 v4, v17;
	v18 =	vld [tilespmem:s21+$0x180];
	_ =	sdelay $0x4  }
0x1a6: {  	[tilespmem:v19+s23+$0x0] =	vst.idx.msk $0xffff, v18  }
0x1a7: {  	v19 =	vor.u32 v5, v17;
	v18 =	vld [tilespmem:s21+$0x200];
	_ =	sdelay $0x4  }
0x1a8: {  	[tilespmem:v19+s23+$0x0] =	vst.idx.msk $0xffff, v18  }
0x1a9: {  	v19 =	vor.u32 v6, v17;
	v18 =	vld [tilespmem:s21+$0x280];
	_ =	sdelay $0x4  }
0x1aa: {  	[tilespmem:v19+s23+$0x0] =	vst.idx.msk $0xffff, v18  }
0x1ab: {  	v19 =	vor.u32 v7, v17;
	v18 =	vld [tilespmem:s21+$0x300];
	_ =	sdelay $0x3  }
0x1ac: {  	s12 =	sor.u32 s12, s12  }
0x1ad: {  	s12 =	sor.u32 $0x380, s12;
	[tilespmem:v19+s23+$0x0] =	vst.idx.msk $0xffff, v18  }
0x1ae: {  	v19 =	vor.u32 v8, v17;
	v18 =	vld [tilespmem:s12+$0x0];
	_ =	sdelay $0x4  }
0x1af: {  	[tilespmem:v19+s23+$0x0] =	vst.idx.msk $0xffff, v18  }
0x1b0: {  	v19 =	vor.u32 v9, v17;
	v18 =	vld [tilespmem:s21+$0x1C00];
	_ =	sdelay $0x4  }
0x1b1: {  	[tilespmem:v19+s23+$0x0] =	vst.idx.msk $0xffff, v18  }
0x1b2: {  	v19 =	vor.u32 v10, v17;
	v18 =	vld [tilespmem:s21+$0x1C80];
	_ =	sdelay $0x4  }
0x1b3: {  	[tilespmem:v19+s23+$0x0] =	vst.idx.msk $0xffff, v18  }
0x1b4: {  	v19 =	vor.u32 v11, v17;
	v18 =	vld [tilespmem:s21+$0x1D00];
	_ =	sdelay $0x4  }
0x1b5: {  	[tilespmem:v19+s23+$0x0] =	vst.idx.msk $0xffff, v18  }
0x1b6: {  	v19 =	vor.u32 v12, v17;
	v18 =	vld [tilespmem:s21+$0x1D80];
	_ =	sdelay $0x4  }
0x1b7: {  	[tilespmem:v19+s23+$0x0] =	vst.idx.msk $0xffff, v18  }
0x1b8: {  	v19 =	vor.u32 v13, v17;
	v18 =	vld [tilespmem:s21+$0x1E00];
	_ =	sdelay $0x4  }
0x1b9: {  	[tilespmem:v19+s23+$0x0] =	vst.idx.msk $0xffff, v18  }
0x1ba: {  	v19 =	vor.u32 v14, v17;
	v18 =	vld [tilespmem:s21+$0x1E80];
	_ =	sdelay $0x4  }
0x1bb: {  	[tilespmem:v19+s23+$0x0] =	vst.idx.msk $0xffff, v18  }
0x1bc: {  	v19 =	vor.u32 v15, v17;
	v18 =	vld [tilespmem:s21+$0x1F00];
	_ =	sdelay $0x4  }
0x1bd: {  	[tilespmem:v19+s23+$0x0] =	vst.idx.msk $0xffff, v18  }
0x1be: {  	v19 =	vor.u32 v16, v17;
	v18 =	vld [tilespmem:s21+$0x1F80];
	_ =	sdelay $0x1  }
0x1bf: {  	s16 =	simm.s32 $0x2  }
0x1c0: {  	s17 =	simm.s32 $0x20;
	s13 =	simm.s32 $0x80;
	s12 =	simm.s32 $0x10;
	v17 =	vmov s16  }
.LBB2_18:
0x1c1: {  	p2 =	sne.s32 s17, $0x370;
	s8 =	sand.u32 $0x70, s12;
	s21 =	sand.u32 $0x1C00, s13;
	v17 =	vshll.u32 v17, $0x7  }
0x1c2: {  	s21 =	sor.u32 s8, s21;
	v17 =	vor.u32 v1, v17;
	[tilespmem:v19+s23+$0x0] =	vst.idx.msk $0xffff, v18  }
0x1c3: {  	v18 =	vld [tilespmem:s21+$0x0];
	v19 =	vor.u32 v0, v17;
	_ =	sdelay $0x4  }
0x1c4: {  	[tilespmem:v19+s23+$0x0] =	vst.idx.msk $0xffff, v18  }
0x1c5: {  	v19 =	vor.u32 v2, v17;
	v18 =	vld [tilespmem:s21+$0x80];
	_ =	sdelay $0x4  }
0x1c6: {  	[tilespmem:v19+s23+$0x0] =	vst.idx.msk $0xffff, v18  }
0x1c7: {  	v19 =	vor.u32 v3, v17;
	v18 =	vld [tilespmem:s21+$0x100];
	_ =	sdelay $0x4  }
0x1c8: {  	[tilespmem:v19+s23+$0x0] =	vst.idx.msk $0xffff, v18  }
0x1c9: {  	v19 =	vor.u32 v4, v17;
	v18 =	vld [tilespmem:s21+$0x180];
	_ =	sdelay $0x4  }
0x1ca: {  	[tilespmem:v19+s23+$0x0] =	vst.idx.msk $0xffff, v18  }
0x1cb: {  	v19 =	vor.u32 v5, v17;
	v18 =	vld [tilespmem:s21+$0x200];
	_ =	sdelay $0x4  }
0x1cc: {  	[tilespmem:v19+s23+$0x0] =	vst.idx.msk $0xffff, v18  }
0x1cd: {  	v19 =	vor.u32 v6, v17;
	v18 =	vld [tilespmem:s21+$0x280];
	_ =	sdelay $0x4  }
0x1ce: {  	[tilespmem:v19+s23+$0x0] =	vst.idx.msk $0xffff, v18  }
0x1cf: {  	v19 =	vor.u32 v7, v17;
	v18 =	vld [tilespmem:s21+$0x300];
	_ =	sdelay $0x3  }
0x1d0: {  	s8 =	sor.u32 s13, s12;
	s12 =	smov.u32 s17  }
0x1d1: {  	s8 =	sor.u32 $0x380, s8;
	[tilespmem:v19+s23+$0x0] =	vst.idx.msk $0xffff, v18  }
0x1d2: {  	v19 =	vor.u32 v8, v17;
	v18 =	vld [tilespmem:s8+$0x0];
	_ =	sdelay $0x4  }
0x1d3: {  	[tilespmem:v19+s23+$0x0] =	vst.idx.msk $0xffff, v18  }
0x1d4: {  	v19 =	vor.u32 v9, v17;
	v18 =	vld [tilespmem:s21+$0x1C00];
	_ =	sdelay $0x4  }
0x1d5: {  	[tilespmem:v19+s23+$0x0] =	vst.idx.msk $0xffff, v18  }
0x1d6: {  	v19 =	vor.u32 v10, v17;
	v18 =	vld [tilespmem:s21+$0x1C80];
	_ =	sdelay $0x4  }
0x1d7: {  	[tilespmem:v19+s23+$0x0] =	vst.idx.msk $0xffff, v18  }
0x1d8: {  	v19 =	vor.u32 v11, v17;
	v18 =	vld [tilespmem:s21+$0x1D00];
	_ =	sdelay $0x4  }
0x1d9: {  	[tilespmem:v19+s23+$0x0] =	vst.idx.msk $0xffff, v18  }
0x1da: {  	v19 =	vor.u32 v12, v17;
	v18 =	vld [tilespmem:s21+$0x1D80];
	_ =	sdelay $0x4  }
0x1db: {  	[tilespmem:v19+s23+$0x0] =	vst.idx.msk $0xffff, v18  }
0x1dc: {  	v19 =	vor.u32 v13, v17;
	v18 =	vld [tilespmem:s21+$0x1E00];
	_ =	sdelay $0x4  }
0x1dd: {  	[tilespmem:v19+s23+$0x0] =	vst.idx.msk $0xffff, v18  }
0x1de: {  	v19 =	vor.u32 v14, v17;
	v18 =	vld [tilespmem:s21+$0x1E80];
	_ =	sdelay $0x4  }
0x1df: {  	[tilespmem:v19+s23+$0x0] =	vst.idx.msk $0xffff, v18  }
0x1e0: {  	v19 =	vor.u32 v15, v17;
	v18 =	vld [tilespmem:s21+$0x1F00];
	_ =	sdelay $0x4  }
.Ltmp14:
0x1e1: {  	[tilespmem:v19+s23+$0x0] =	vst.idx.msk $0xffff, v18;
	(pc) =	sbr.rel @p2 .LBB2_18-.Ltmp14, $3  }
0x1e2: {  	v19 =	vor.u32 v16, v17;
	v18 =	vld [tilespmem:s21+$0x1F80];
	_ =	sdelay $0x1  }
0x1e3: {  	s16 =	sadd.s32 $0x2, s16  }
0x1e4: {  	s17 =	sadd.s32 $0x10, s17;
	s13 =	sadd.s32 $0x80, s13;
	v17 =	vmov s16  }
0x1e5: {  	_ =	sdelay $0x2  }
0x1e6: {  	s8 =	sand.u32 $0x70, s12;
	s16 =	sand.u32 $0x1C00, s13;
	v17 =	vshll.u32 v17, $0x7  }
0x1e7: {  	s8 =	sor.u32 s8, s16;
	v17 =	vor.u32 v1, v17;
	[tilespmem:v19+s23+$0x0] =	vst.idx.msk $0xffff, v18  }
0x1e8: {  	v18 =	vld [tilespmem:s8+$0x0];
	v19 =	vor.u32 v0, v17;
	_ =	sdelay $0x4  }
0x1e9: {  	[tilespmem:v19+s23+$0x0] =	vst.idx.msk $0xffff, v18  }
0x1ea: {  	v19 =	vor.u32 v2, v17;
	v18 =	vld [tilespmem:s8+$0x80];
	_ =	sdelay $0x4  }
0x1eb: {  	[tilespmem:v19+s23+$0x0] =	vst.idx.msk $0xffff, v18  }
0x1ec: {  	v19 =	vor.u32 v3, v17;
	v18 =	vld [tilespmem:s8+$0x100];
	_ =	sdelay $0x4  }
0x1ed: {  	[tilespmem:v19+s23+$0x0] =	vst.idx.msk $0xffff, v18  }
0x1ee: {  	v19 =	vor.u32 v4, v17;
	v18 =	vld [tilespmem:s8+$0x180];
	_ =	sdelay $0x4  }
0x1ef: {  	[tilespmem:v19+s23+$0x0] =	vst.idx.msk $0xffff, v18  }
0x1f0: {  	v19 =	vor.u32 v5, v17;
	v18 =	vld [tilespmem:s8+$0x200];
	_ =	sdelay $0x4  }
0x1f1: {  	[tilespmem:v19+s23+$0x0] =	vst.idx.msk $0xffff, v18  }
0x1f2: {  	v19 =	vor.u32 v6, v17;
	v18 =	vld [tilespmem:s8+$0x280];
	_ =	sdelay $0x4  }
0x1f3: {  	[tilespmem:v19+s23+$0x0] =	vst.idx.msk $0xffff, v18  }
0x1f4: {  	v19 =	vor.u32 v7, v17;
	v18 =	vld [tilespmem:s8+$0x300];
	_ =	sdelay $0x3  }
0x1f5: {  	s17 =	sor.u32 s13, s12  }
0x1f6: {  	s12 =	sor.u32 $0x380, s17;
	[tilespmem:v19+s23+$0x0] =	vst.idx.msk $0xffff, v18  }
0x1f7: {  	v19 =	vor.u32 v8, v17;
	v18 =	vld [tilespmem:s12+$0x0];
	_ =	sdelay $0x4  }
0x1f8: {  	[tilespmem:v19+s23+$0x0] =	vst.idx.msk $0xffff, v18  }
0x1f9: {  	v19 =	vor.u32 v9, v17;
	v18 =	vld [tilespmem:s8+$0x1C00];
	_ =	sdelay $0x4  }
0x1fa: {  	[tilespmem:v19+s23+$0x0] =	vst.idx.msk $0xffff, v18  }
0x1fb: {  	v19 =	vor.u32 v10, v17;
	v18 =	vld [tilespmem:s8+$0x1C80];
	_ =	sdelay $0x4  }
0x1fc: {  	[tilespmem:v19+s23+$0x0] =	vst.idx.msk $0xffff, v18  }
0x1fd: {  	v19 =	vor.u32 v11, v17;
	v18 =	vld [tilespmem:s8+$0x1D00];
	_ =	sdelay $0x4  }
0x1fe: {  	[tilespmem:v19+s23+$0x0] =	vst.idx.msk $0xffff, v18  }
0x1ff: {  	v19 =	vor.u32 v12, v17;
	v18 =	vld [tilespmem:s8+$0x1D80];
	_ =	sdelay $0x4  }
0x200: {  	[tilespmem:v19+s23+$0x0] =	vst.idx.msk $0xffff, v18  }
0x201: {  	v19 =	vor.u32 v13, v17;
	v18 =	vld [tilespmem:s8+$0x1E00];
	_ =	sdelay $0x4  }
0x202: {  	[tilespmem:v19+s23+$0x0] =	vst.idx.msk $0xffff, v18  }
0x203: {  	v19 =	vor.u32 v14, v17;
	v18 =	vld [tilespmem:s8+$0x1E80];
	_ =	sdelay $0x4  }
0x204: {  	[tilespmem:v19+s23+$0x0] =	vst.idx.msk $0xffff, v18  }
0x205: {  	v19 =	vor.u32 v15, v17;
	v18 =	vld [tilespmem:s8+$0x1F00];
	_ =	sdelay $0x4  }
0x206: {  	[tilespmem:v19+s23+$0x0] =	vst.idx.msk $0xffff, v18  }
0x207: {  	v17 =	vor.u32 v16, v17;
	v18 =	vld [tilespmem:s8+$0x1F80];
	_ =	sdelay $0x2  }
0x208: {  	s21 =	smul.u32 $0x700, s30;
	s12 =	sadd.s32 s10, s29  }
0x209: {  	p2 =	sgt.u32 s12, $0x45B  }
0x20a: {  	s12 =	smul.u32 @!p2 $0x380, s12;
	s13 =	simm.s32 @!p2 $0x7A1400;
	s8 =	sadd.s32 s7, s21;
	[tilespmem:v17+s23+$0x0] =	vst.idx.msk $0xffff, v18  }
0x20b: {  	[hbm4b:s8+s4] =	stream.linear.scatter [tilespmem:s23], [sflag:$0x3], $0x3800, $0x38;
	[tilespmem:$0xE800] =	vst v63  }
0x20c: {  	s16 =	simm.s32 @!p2 $0x0;
	s8 =	sadd.s32 @!p2 s3, s12;
	s12 =	simm.s32 @!p2 $0x1C00  }
0x20d: {  	[tilespmem:s16], [sflag:$0x1] =	stream.strided.gather @!p2 [hbm4b:s8+s12], $0x3800, s13, s12, $0x38;
	[tilespmem:$0xE800] =	vst v63  }
.LBB2_20:
0x20e: {  	s30 =	sor.u32 $0x20, s30  }
0x20f: {  	p2 =	sgt.u32 s30, $0x45B  }
.Ltmp15:
0x210: {  	_ = 	snop;
	(pc) =	sbr.rel @p2 .LBB2_24-.Ltmp15, $1  }
0x211: {  	_ =	sdelay $0x3  }
0x212: {  	_ =	swait.ge [sflag:s24], $0x3800  }
0x213: {  	[sflag:s24] =	ssyncset.done $0x0  }
0x214: {  	s8 =	simm.s32 @!p1 $0x4;
	s12 =	simm.s32 $0x0;
	[sflag:s24] =	ssyncadd.s32 $0xFFFFC800  }
0x215: {  	v17 =	vmov s12;
	_ =	swait.ge @!p1 [sflag:s8], $0x3800  }
0x216: {  	s13 =	sand.u32 $0x70, s12;
	s16 =	sand.u32 $0x1C00, s12;
	v17 =	vshll.u32 v17, $0x7;
	[sflag:s8] =	ssyncset.done @!p1 $0x0  }
0x217: {  	s21 =	sor.u32 s13, s16;
	v17 =	vor.u32 v1, v17;
	[sflag:s8] =	ssyncadd.s32 @!p1 $0xFFFFC800  }
0x218: {  	v19 =	vor.u32 v0, v17;
	v18 =	vld [tilespmem:s21+$0x3800];
	_ =	sdelay $0x4  }
0x219: {  	[tilespmem:v19+s25+$0x0] =	vst.idx.msk $0xffff, v18  }
0x21a: {  	v19 =	vor.u32 v2, v17;
	v18 =	vld [tilespmem:s21+$0x3880];
	_ =	sdelay $0x4  }
0x21b: {  	[tilespmem:v19+s25+$0x0] =	vst.idx.msk $0xffff, v18  }
0x21c: {  	v19 =	vor.u32 v3, v17;
	v18 =	vld [tilespmem:s21+$0x3900];
	_ =	sdelay $0x4  }
0x21d: {  	[tilespmem:v19+s25+$0x0] =	vst.idx.msk $0xffff, v18  }
0x21e: {  	v19 =	vor.u32 v4, v17;
	v18 =	vld [tilespmem:s21+$0x3980];
	_ =	sdelay $0x4  }
0x21f: {  	[tilespmem:v19+s25+$0x0] =	vst.idx.msk $0xffff, v18  }
0x220: {  	v19 =	vor.u32 v5, v17;
	v18 =	vld [tilespmem:s21+$0x3A00];
	_ =	sdelay $0x4  }
0x221: {  	[tilespmem:v19+s25+$0x0] =	vst.idx.msk $0xffff, v18  }
0x222: {  	v19 =	vor.u32 v6, v17;
	v18 =	vld [tilespmem:s21+$0x3A80];
	_ =	sdelay $0x4  }
0x223: {  	[tilespmem:v19+s25+$0x0] =	vst.idx.msk $0xffff, v18  }
0x224: {  	v19 =	vor.u32 v7, v17;
	v18 =	vld [tilespmem:s21+$0x3B00];
	_ =	sdelay $0x3  }
0x225: {  	s12 =	sor.u32 s12, s12  }
0x226: {  	s12 =	sor.u32 $0x380, s12;
	[tilespmem:v19+s25+$0x0] =	vst.idx.msk $0xffff, v18  }
0x227: {  	v19 =	vor.u32 v8, v17;
	v18 =	vld [tilespmem:s12+$0x3800];
	_ =	sdelay $0x4  }
0x228: {  	[tilespmem:v19+s25+$0x0] =	vst.idx.msk $0xffff, v18  }
0x229: {  	v19 =	vor.u32 v9, v17;
	v18 =	vld [tilespmem:s21+$0x5400];
	_ =	sdelay $0x4  }
0x22a: {  	[tilespmem:v19+s25+$0x0] =	vst.idx.msk $0xffff, v18  }
0x22b: {  	v19 =	vor.u32 v10, v17;
	v18 =	vld [tilespmem:s21+$0x5480];
	_ =	sdelay $0x4  }
0x22c: {  	[tilespmem:v19+s25+$0x0] =	vst.idx.msk $0xffff, v18  }
0x22d: {  	v19 =	vor.u32 v11, v17;
	v18 =	vld [tilespmem:s21+$0x5500];
	_ =	sdelay $0x4  }
0x22e: {  	[tilespmem:v19+s25+$0x0] =	vst.idx.msk $0xffff, v18  }
0x22f: {  	v19 =	vor.u32 v12, v17;
	v18 =	vld [tilespmem:s21+$0x5580];
	_ =	sdelay $0x4  }
0x230: {  	[tilespmem:v19+s25+$0x0] =	vst.idx.msk $0xffff, v18  }
0x231: {  	v19 =	vor.u32 v13, v17;
	v18 =	vld [tilespmem:s21+$0x5600];
	_ =	sdelay $0x4  }
0x232: {  	[tilespmem:v19+s25+$0x0] =	vst.idx.msk $0xffff, v18  }
0x233: {  	v19 =	vor.u32 v14, v17;
	v18 =	vld [tilespmem:s21+$0x5680];
	_ =	sdelay $0x4  }
0x234: {  	[tilespmem:v19+s25+$0x0] =	vst.idx.msk $0xffff, v18  }
0x235: {  	v19 =	vor.u32 v15, v17;
	v18 =	vld [tilespmem:s21+$0x5700];
	_ =	sdelay $0x4  }
0x236: {  	[tilespmem:v19+s25+$0x0] =	vst.idx.msk $0xffff, v18  }
0x237: {  	v19 =	vor.u32 v16, v17;
	v18 =	vld [tilespmem:s21+$0x5780];
	_ =	sdelay $0x1  }
0x238: {  	s16 =	simm.s32 $0x2  }
0x239: {  	s17 =	simm.s32 $0x20;
	s13 =	simm.s32 $0x80;
	s12 =	simm.s32 $0x10;
	v17 =	vmov s16  }
.LBB2_22:
0x23a: {  	p1 =	sne.s32 s17, $0x370;
	s8 =	sand.u32 $0x70, s12;
	s21 =	sand.u32 $0x1C00, s13;
	v17 =	vshll.u32 v17, $0x7  }
0x23b: {  	s21 =	sor.u32 s8, s21;
	v17 =	vor.u32 v1, v17;
	[tilespmem:v19+s25+$0x0] =	vst.idx.msk $0xffff, v18  }
0x23c: {  	v18 =	vld [tilespmem:s21+$0x3800];
	v19 =	vor.u32 v0, v17;
	_ =	sdelay $0x4  }
0x23d: {  	[tilespmem:v19+s25+$0x0] =	vst.idx.msk $0xffff, v18  }
0x23e: {  	v19 =	vor.u32 v2, v17;
	v18 =	vld [tilespmem:s21+$0x3880];
	_ =	sdelay $0x4  }
0x23f: {  	[tilespmem:v19+s25+$0x0] =	vst.idx.msk $0xffff, v18  }
0x240: {  	v19 =	vor.u32 v3, v17;
	v18 =	vld [tilespmem:s21+$0x3900];
	_ =	sdelay $0x4  }
0x241: {  	[tilespmem:v19+s25+$0x0] =	vst.idx.msk $0xffff, v18  }
0x242: {  	v19 =	vor.u32 v4, v17;
	v18 =	vld [tilespmem:s21+$0x3980];
	_ =	sdelay $0x4  }
0x243: {  	[tilespmem:v19+s25+$0x0] =	vst.idx.msk $0xffff, v18  }
0x244: {  	v19 =	vor.u32 v5, v17;
	v18 =	vld [tilespmem:s21+$0x3A00];
	_ =	sdelay $0x4  }
0x245: {  	[tilespmem:v19+s25+$0x0] =	vst.idx.msk $0xffff, v18  }
0x246: {  	v19 =	vor.u32 v6, v17;
	v18 =	vld [tilespmem:s21+$0x3A80];
	_ =	sdelay $0x4  }
0x247: {  	[tilespmem:v19+s25+$0x0] =	vst.idx.msk $0xffff, v18  }
0x248: {  	v19 =	vor.u32 v7, v17;
	v18 =	vld [tilespmem:s21+$0x3B00];
	_ =	sdelay $0x3  }
0x249: {  	s8 =	sor.u32 s13, s12;
	s12 =	smov.u32 s17  }
0x24a: {  	s8 =	sor.u32 $0x380, s8;
	[tilespmem:v19+s25+$0x0] =	vst.idx.msk $0xffff, v18  }
0x24b: {  	v19 =	vor.u32 v8, v17;
	v18 =	vld [tilespmem:s8+$0x3800];
	_ =	sdelay $0x4  }
0x24c: {  	[tilespmem:v19+s25+$0x0] =	vst.idx.msk $0xffff, v18  }
0x24d: {  	v19 =	vor.u32 v9, v17;
	v18 =	vld [tilespmem:s21+$0x5400];
	_ =	sdelay $0x4  }
0x24e: {  	[tilespmem:v19+s25+$0x0] =	vst.idx.msk $0xffff, v18  }
0x24f: {  	v19 =	vor.u32 v10, v17;
	v18 =	vld [tilespmem:s21+$0x5480];
	_ =	sdelay $0x4  }
0x250: {  	[tilespmem:v19+s25+$0x0] =	vst.idx.msk $0xffff, v18  }
0x251: {  	v19 =	vor.u32 v11, v17;
	v18 =	vld [tilespmem:s21+$0x5500];
	_ =	sdelay $0x4  }
0x252: {  	[tilespmem:v19+s25+$0x0] =	vst.idx.msk $0xffff, v18  }
0x253: {  	v19 =	vor.u32 v12, v17;
	v18 =	vld [tilespmem:s21+$0x5580];
	_ =	sdelay $0x4  }
0x254: {  	[tilespmem:v19+s25+$0x0] =	vst.idx.msk $0xffff, v18  }
0x255: {  	v19 =	vor.u32 v13, v17;
	v18 =	vld [tilespmem:s21+$0x5600];
	_ =	sdelay $0x4  }
0x256: {  	[tilespmem:v19+s25+$0x0] =	vst.idx.msk $0xffff, v18  }
0x257: {  	v19 =	vor.u32 v14, v17;
	v18 =	vld [tilespmem:s21+$0x5680];
	_ =	sdelay $0x4  }
0x258: {  	[tilespmem:v19+s25+$0x0] =	vst.idx.msk $0xffff, v18  }
0x259: {  	v19 =	vor.u32 v15, v17;
	v18 =	vld [tilespmem:s21+$0x5700];
	_ =	sdelay $0x4  }
.Ltmp16:
0x25a: {  	[tilespmem:v19+s25+$0x0] =	vst.idx.msk $0xffff, v18;
	(pc) =	sbr.rel @p1 .LBB2_22-.Ltmp16, $3  }
0x25b: {  	v19 =	vor.u32 v16, v17;
	v18 =	vld [tilespmem:s21+$0x5780];
	_ =	sdelay $0x1  }
0x25c: {  	s16 =	sadd.s32 $0x2, s16  }
0x25d: {  	s17 =	sadd.s32 $0x10, s17;
	s13 =	sadd.s32 $0x80, s13;
	v17 =	vmov s16  }
0x25e: {  	_ =	sdelay $0x2  }
0x25f: {  	s8 =	sand.u32 $0x70, s12;
	s16 =	sand.u32 $0x1C00, s13;
	v17 =	vshll.u32 v17, $0x7  }
0x260: {  	s8 =	sor.u32 s8, s16;
	v17 =	vor.u32 v1, v17;
	[tilespmem:v19+s25+$0x0] =	vst.idx.msk $0xffff, v18  }
0x261: {  	v18 =	vld [tilespmem:s8+$0x3800];
	v19 =	vor.u32 v0, v17;
	_ =	sdelay $0x4  }
0x262: {  	[tilespmem:v19+s25+$0x0] =	vst.idx.msk $0xffff, v18  }
0x263: {  	v19 =	vor.u32 v2, v17;
	v18 =	vld [tilespmem:s8+$0x3880];
	_ =	sdelay $0x4  }
0x264: {  	[tilespmem:v19+s25+$0x0] =	vst.idx.msk $0xffff, v18  }
0x265: {  	v19 =	vor.u32 v3, v17;
	v18 =	vld [tilespmem:s8+$0x3900];
	_ =	sdelay $0x4  }
0x266: {  	[tilespmem:v19+s25+$0x0] =	vst.idx.msk $0xffff, v18  }
0x267: {  	v19 =	vor.u32 v4, v17;
	v18 =	vld [tilespmem:s8+$0x3980];
	_ =	sdelay $0x4  }
0x268: {  	[tilespmem:v19+s25+$0x0] =	vst.idx.msk $0xffff, v18  }
0x269: {  	v19 =	vor.u32 v5, v17;
	v18 =	vld [tilespmem:s8+$0x3A00];
	_ =	sdelay $0x4  }
0x26a: {  	[tilespmem:v19+s25+$0x0] =	vst.idx.msk $0xffff, v18  }
0x26b: {  	v19 =	vor.u32 v6, v17;
	v18 =	vld [tilespmem:s8+$0x3A80];
	_ =	sdelay $0x4  }
0x26c: {  	[tilespmem:v19+s25+$0x0] =	vst.idx.msk $0xffff, v18  }
0x26d: {  	v19 =	vor.u32 v7, v17;
	v18 =	vld [tilespmem:s8+$0x3B00];
	_ =	sdelay $0x3  }
0x26e: {  	s21 =	sor.u32 s13, s12  }
0x26f: {  	s12 =	sor.u32 $0x380, s21;
	[tilespmem:v19+s25+$0x0] =	vst.idx.msk $0xffff, v18  }
0x270: {  	v19 =	vor.u32 v8, v17;
	v18 =	vld [tilespmem:s12+$0x3800];
	_ =	sdelay $0x4  }
0x271: {  	[tilespmem:v19+s25+$0x0] =	vst.idx.msk $0xffff, v18  }
0x272: {  	v19 =	vor.u32 v9, v17;
	v18 =	vld [tilespmem:s8+$0x5400];
	_ =	sdelay $0x4  }
0x273: {  	[tilespmem:v19+s25+$0x0] =	vst.idx.msk $0xffff, v18  }
0x274: {  	v19 =	vor.u32 v10, v17;
	v18 =	vld [tilespmem:s8+$0x5480];
	_ =	sdelay $0x4  }
0x275: {  	[tilespmem:v19+s25+$0x0] =	vst.idx.msk $0xffff, v18  }
0x276: {  	v19 =	vor.u32 v11, v17;
	v18 =	vld [tilespmem:s8+$0x5500];
	_ =	sdelay $0x4  }
0x277: {  	[tilespmem:v19+s25+$0x0] =	vst.idx.msk $0xffff, v18  }
0x278: {  	v19 =	vor.u32 v12, v17;
	v18 =	vld [tilespmem:s8+$0x5580];
	_ =	sdelay $0x4  }
0x279: {  	[tilespmem:v19+s25+$0x0] =	vst.idx.msk $0xffff, v18  }
0x27a: {  	v19 =	vor.u32 v13, v17;
	v18 =	vld [tilespmem:s8+$0x5600];
	_ =	sdelay $0x4  }
0x27b: {  	[tilespmem:v19+s25+$0x0] =	vst.idx.msk $0xffff, v18  }
0x27c: {  	v19 =	vor.u32 v14, v17;
	v18 =	vld [tilespmem:s8+$0x5680];
	_ =	sdelay $0x4  }
0x27d: {  	[tilespmem:v19+s25+$0x0] =	vst.idx.msk $0xffff, v18  }
0x27e: {  	v19 =	vor.u32 v15, v17;
	v18 =	vld [tilespmem:s8+$0x5700];
	_ =	sdelay $0x4  }
0x27f: {  	[tilespmem:v19+s25+$0x0] =	vst.idx.msk $0xffff, v18  }
0x280: {  	v17 =	vor.u32 v16, v17;
	v18 =	vld [tilespmem:s8+$0x5780];
	_ =	sdelay $0x2  }
0x281: {  	s30 =	smul.u32 $0x700, s30;
	s12 =	sadd.s32 s11, s29  }
.Ltmp17:
0x282: {  	p1 =	sgt.u32 s12, $0x45B;
	(pc) =	sbr.rel .LBB2_24-.Ltmp17, $4  }
0x283: {  	s12 =	smul.u32 @!p1 $0x380, s12;
	s13 =	simm.s32 @!p1 $0x7A1400;
	s8 =	sadd.s32 s7, s30;
	[tilespmem:v17+s25+$0x0] =	vst.idx.msk $0xffff, v18  }
0x284: {  	[hbm4b:s8+s4] =	stream.linear.scatter [tilespmem:s25], [sflag:$0x4], $0x3800, $0x38;
	[tilespmem:$0xE800] =	vst v63  }
0x285: {  	s16 =	simm.s32 @!p1 $0x3800;
	s8 =	sadd.s32 @!p1 s3, s12;
	s12 =	simm.s32 @!p1 $0x1C00  }
0x286: {  	[tilespmem:s16], [sflag:$0x2] =	stream.strided.gather @!p1 [hbm4b:s8+s12], $0x3800, s13, s12, $0x38;
	[tilespmem:$0xE800] =	vst v63  }
.LBB2_25:
0x287: {  	_ =	swait.ge [sflag:s26], $0x3800  }
.Ltmp18:
0x288: {  	[sflag:s26] =	ssyncset.done $0x0;
	(pc) =	sbr.rel @p0 .LBB2_29-.Ltmp18, $4  }
0x289: {  	[sflag:s26] =	ssyncadd.s32 $0xFFFFC800  }
0x28a: {  	_ =	swait.ge [sflag:s28], $0x3800  }
0x28b: {  	[sflag:s28] =	ssyncset.done $0x0  }
0x28c: {  	[sflag:s28] =	ssyncadd.s32 $0xFFFFC800  }
0x28d: {  	s2 =	rddreg [dreg:$0x7]  }
0x28e: {  	s8 =	simm.s32 $0x400;
	s12 =	simm.s32 $0x7000;
	s29 =	simm.s32 $0x0  }
0x28f: {  	[tilespmem:s12], [sflag:$0x5] =	stream.strided.gather [hbm4b:s2+s8], $0x800, s20, s8, $0x38;
	[tilespmem:$0xE800] =	vst v63  }
0x290: {  	v17 =	vmov s29;
	_ =	swait.ge [sflag:s31], $0x800  }
0x291: {  	v17 =	vshll.u32 v17, $0x7;
	[sflag:s31] =	ssyncset.done $0x0  }
0x292: {  	s2 =	simm.s32 $0x7400;
	v17 =	vor.u32 v1, v17;
	[sflag:s31] =	ssyncadd.s32 $0xFFFFF800  }
0x293: {  	v19 =	vor.u32 v0, v17;
	v18 =	vld [tilespmem:s2+$0xFFFFFC00];
	_ =	sdelay $0x4  }
0x294: {  	[tilespmem:v19+s23+$0x0] =	vst.idx.msk $0xffff, v18  }
0x295: {  	v19 =	vor.u32 v2, v17;
	v18 =	vld [tilespmem:s2+$0xFFFFFC80];
	_ =	sdelay $0x4  }
0x296: {  	[tilespmem:v19+s23+$0x0] =	vst.idx.msk $0xffff, v18  }
0x297: {  	v19 =	vor.u32 v3, v17;
	v18 =	vld [tilespmem:s2+$0xFFFFFD00];
	_ =	sdelay $0x4  }
0x298: {  	[tilespmem:v19+s23+$0x0] =	vst.idx.msk $0xffff, v18  }
0x299: {  	v19 =	vor.u32 v4, v17;
	v18 =	vld [tilespmem:s2+$0xFFFFFD80];
	_ =	sdelay $0x4  }
0x29a: {  	[tilespmem:v19+s23+$0x0] =	vst.idx.msk $0xffff, v18  }
0x29b: {  	v19 =	vor.u32 v5, v17;
	v18 =	vld [tilespmem:s2+$0xFFFFFE00];
	_ =	sdelay $0x4  }
0x29c: {  	[tilespmem:v19+s23+$0x0] =	vst.idx.msk $0xffff, v18  }
0x29d: {  	v19 =	vor.u32 v6, v17;
	v18 =	vld [tilespmem:s2+$0xFFFFFE80];
	_ =	sdelay $0x4  }
0x29e: {  	[tilespmem:v19+s23+$0x0] =	vst.idx.msk $0xffff, v18  }
0x29f: {  	v19 =	vor.u32 v7, v17;
	v18 =	vld [tilespmem:s2+$0xFFFFFF00];
	_ =	sdelay $0x4  }
0x2a0: {  	[tilespmem:v19+s23+$0x0] =	vst.idx.msk $0xffff, v18  }
0x2a1: {  	v19 =	vor.u32 v8, v17;
	v18 =	vld [tilespmem:s2+$0xFFFFFF80];
	_ =	sdelay $0x4  }
0x2a2: {  	[tilespmem:v19+s23+$0x0] =	vst.idx.msk $0xffff, v18  }
0x2a3: {  	v19 =	vor.u32 v9, v17;
	v18 =	vld [tilespmem:s2+$0x0];
	_ =	sdelay $0x4  }
0x2a4: {  	[tilespmem:v19+s23+$0x0] =	vst.idx.msk $0xffff, v18  }
0x2a5: {  	v19 =	vor.u32 v10, v17;
	v18 =	vld [tilespmem:s2+$0x80];
	_ =	sdelay $0x4  }
0x2a6: {  	[tilespmem:v19+s23+$0x0] =	vst.idx.msk $0xffff, v18  }
0x2a7: {  	v19 =	vor.u32 v11, v17;
	v18 =	vld [tilespmem:s2+$0x100];
	_ =	sdelay $0x4  }
0x2a8: {  	[tilespmem:v19+s23+$0x0] =	vst.idx.msk $0xffff, v18  }
0x2a9: {  	v19 =	vor.u32 v12, v17;
	v18 =	vld [tilespmem:s2+$0x180];
	_ =	sdelay $0x4  }
0x2aa: {  	[tilespmem:v19+s23+$0x0] =	vst.idx.msk $0xffff, v18  }
0x2ab: {  	v19 =	vor.u32 v13, v17;
	v18 =	vld [tilespmem:s2+$0x200];
	_ =	sdelay $0x4  }
0x2ac: {  	[tilespmem:v19+s23+$0x0] =	vst.idx.msk $0xffff, v18  }
0x2ad: {  	v19 =	vor.u32 v14, v17;
	v18 =	vld [tilespmem:s2+$0x280];
	_ =	sdelay $0x4  }
0x2ae: {  	[tilespmem:v19+s23+$0x0] =	vst.idx.msk $0xffff, v18  }
0x2af: {  	v19 =	vor.u32 v15, v17;
	v18 =	vld [tilespmem:s2+$0x300];
	_ =	sdelay $0x4  }
0x2b0: {  	[tilespmem:v19+s23+$0x0] =	vst.idx.msk $0xffff, v18  }
0x2b1: {  	v19 =	vor.u32 v16, v17;
	v18 =	vld [tilespmem:s2+$0x380];
	_ =	sdelay $0x1  }
0x2b2: {  	s30 =	simm.s32 $0x2  }
0x2b3: {  	s12 =	simm.s32 $0x4;
	v17 =	vmov s30  }
.LBB2_27:
0x2b4: {  	p1 =	sne.s32 s12, $0x6;
	v17 =	vshll.u32 v17, $0x7  }
0x2b5: {  	s2 =	sadd.s32 $0x10, s2;
	v17 =	vor.u32 v1, v17;
	[tilespmem:v19+s23+$0x0] =	vst.idx.msk $0xffff, v18  }
0x2b6: {  	v18 =	vld [tilespmem:s2+$0xFFFFFC00];
	v19 =	vor.u32 v0, v17;
	_ =	sdelay $0x4  }
0x2b7: {  	[tilespmem:v19+s23+$0x0] =	vst.idx.msk $0xffff, v18  }
0x2b8: {  	v19 =	vor.u32 v2, v17;
	v18 =	vld [tilespmem:s2+$0xFFFFFC80];
	_ =	sdelay $0x4  }
0x2b9: {  	[tilespmem:v19+s23+$0x0] =	vst.idx.msk $0xffff, v18  }
0x2ba: {  	v19 =	vor.u32 v3, v17;
	v18 =	vld [tilespmem:s2+$0xFFFFFD00];
	_ =	sdelay $0x4  }
0x2bb: {  	[tilespmem:v19+s23+$0x0] =	vst.idx.msk $0xffff, v18  }
0x2bc: {  	v19 =	vor.u32 v4, v17;
	v18 =	vld [tilespmem:s2+$0xFFFFFD80];
	_ =	sdelay $0x4  }
0x2bd: {  	[tilespmem:v19+s23+$0x0] =	vst.idx.msk $0xffff, v18  }
0x2be: {  	v19 =	vor.u32 v5, v17;
	v18 =	vld [tilespmem:s2+$0xFFFFFE00];
	_ =	sdelay $0x4  }
0x2bf: {  	[tilespmem:v19+s23+$0x0] =	vst.idx.msk $0xffff, v18  }
0x2c0: {  	v19 =	vor.u32 v6, v17;
	v18 =	vld [tilespmem:s2+$0xFFFFFE80];
	_ =	sdelay $0x4  }
0x2c1: {  	[tilespmem:v19+s23+$0x0] =	vst.idx.msk $0xffff, v18  }
0x2c2: {  	v19 =	vor.u32 v7, v17;
	v18 =	vld [tilespmem:s2+$0xFFFFFF00];
	_ =	sdelay $0x4  }
0x2c3: {  	[tilespmem:v19+s23+$0x0] =	vst.idx.msk $0xffff, v18  }
0x2c4: {  	v19 =	vor.u32 v8, v17;
	v18 =	vld [tilespmem:s2+$0xFFFFFF80];
	_ =	sdelay $0x4  }
0x2c5: {  	[tilespmem:v19+s23+$0x0] =	vst.idx.msk $0xffff, v18  }
0x2c6: {  	v19 =	vor.u32 v9, v17;
	v18 =	vld [tilespmem:s2+$0x0];
	_ =	sdelay $0x4  }
0x2c7: {  	[tilespmem:v19+s23+$0x0] =	vst.idx.msk $0xffff, v18  }
0x2c8: {  	v19 =	vor.u32 v10, v17;
	v18 =	vld [tilespmem:s2+$0x80];
	_ =	sdelay $0x4  }
0x2c9: {  	[tilespmem:v19+s23+$0x0] =	vst.idx.msk $0xffff, v18  }
0x2ca: {  	v19 =	vor.u32 v11, v17;
	v18 =	vld [tilespmem:s2+$0x100];
	_ =	sdelay $0x4  }
0x2cb: {  	[tilespmem:v19+s23+$0x0] =	vst.idx.msk $0xffff, v18  }
0x2cc: {  	v19 =	vor.u32 v12, v17;
	v18 =	vld [tilespmem:s2+$0x180];
	_ =	sdelay $0x4  }
0x2cd: {  	[tilespmem:v19+s23+$0x0] =	vst.idx.msk $0xffff, v18  }
0x2ce: {  	v19 =	vor.u32 v13, v17;
	v18 =	vld [tilespmem:s2+$0x200];
	_ =	sdelay $0x4  }
0x2cf: {  	[tilespmem:v19+s23+$0x0] =	vst.idx.msk $0xffff, v18  }
0x2d0: {  	v19 =	vor.u32 v14, v17;
	v18 =	vld [tilespmem:s2+$0x280];
	_ =	sdelay $0x4  }
0x2d1: {  	[tilespmem:v19+s23+$0x0] =	vst.idx.msk $0xffff, v18  }
0x2d2: {  	v19 =	vor.u32 v15, v17;
	v18 =	vld [tilespmem:s2+$0x300];
	_ =	sdelay $0x4  }
.Ltmp19:
0x2d3: {  	[tilespmem:v19+s23+$0x0] =	vst.idx.msk $0xffff, v18;
	(pc) =	sbr.rel @p1 .LBB2_27-.Ltmp19, $2  }
0x2d4: {  	v19 =	vor.u32 v16, v17;
	v18 =	vld [tilespmem:s2+$0x380];
	_ =	sdelay $0x2  }
0x2d5: {  	v17 =	vmov s12;
	s12 =	sadd.s32 $0x2, s12  }
0x2d6: {  	_ =	sdelay $0x2  }
0x2d7: {  	v17 =	vshll.u32 v17, $0x7  }
0x2d8: {  	s2 =	sadd.s32 $0x10, s2;
	v17 =	vor.u32 v1, v17;
	[tilespmem:v19+s23+$0x0] =	vst.idx.msk $0xffff, v18  }
0x2d9: {  	v18 =	vld [tilespmem:s2+$0xFFFFFC00];
	v19 =	vor.u32 v0, v17;
	_ =	sdelay $0x4  }
0x2da: {  	[tilespmem:v19+s23+$0x0] =	vst.idx.msk $0xffff, v18  }
0x2db: {  	v19 =	vor.u32 v2, v17;
	v18 =	vld [tilespmem:s2+$0xFFFFFC80];
	_ =	sdelay $0x4  }
0x2dc: {  	[tilespmem:v19+s23+$0x0] =	vst.idx.msk $0xffff, v18  }
0x2dd: {  	v19 =	vor.u32 v3, v17;
	v18 =	vld [tilespmem:s2+$0xFFFFFD00];
	_ =	sdelay $0x4  }
0x2de: {  	[tilespmem:v19+s23+$0x0] =	vst.idx.msk $0xffff, v18  }
0x2df: {  	v19 =	vor.u32 v4, v17;
	v18 =	vld [tilespmem:s2+$0xFFFFFD80];
	_ =	sdelay $0x4  }
0x2e0: {  	[tilespmem:v19+s23+$0x0] =	vst.idx.msk $0xffff, v18  }
0x2e1: {  	v19 =	vor.u32 v5, v17;
	v18 =	vld [tilespmem:s2+$0xFFFFFE00];
	_ =	sdelay $0x4  }
0x2e2: {  	[tilespmem:v19+s23+$0x0] =	vst.idx.msk $0xffff, v18  }
0x2e3: {  	v19 =	vor.u32 v6, v17;
	v18 =	vld [tilespmem:s2+$0xFFFFFE80];
	_ =	sdelay $0x4  }
0x2e4: {  	[tilespmem:v19+s23+$0x0] =	vst.idx.msk $0xffff, v18  }
0x2e5: {  	v19 =	vor.u32 v7, v17;
	v18 =	vld [tilespmem:s2+$0xFFFFFF00];
	_ =	sdelay $0x4  }
0x2e6: {  	[tilespmem:v19+s23+$0x0] =	vst.idx.msk $0xffff, v18  }
0x2e7: {  	v19 =	vor.u32 v8, v17;
	v18 =	vld [tilespmem:s2+$0xFFFFFF80];
	_ =	sdelay $0x4  }
0x2e8: {  	[tilespmem:v19+s23+$0x0] =	vst.idx.msk $0xffff, v18  }
0x2e9: {  	v19 =	vor.u32 v9, v17;
	v18 =	vld [tilespmem:s2+$0x0];
	_ =	sdelay $0x4  }
0x2ea: {  	[tilespmem:v19+s23+$0x0] =	vst.idx.msk $0xffff, v18  }
0x2eb: {  	v19 =	vor.u32 v10, v17;
	v18 =	vld [tilespmem:s2+$0x80];
	_ =	sdelay $0x4  }
0x2ec: {  	[tilespmem:v19+s23+$0x0] =	vst.idx.msk $0xffff, v18  }
0x2ed: {  	v19 =	vor.u32 v11, v17;
	v18 =	vld [tilespmem:s2+$0x100];
	_ =	sdelay $0x4  }
0x2ee: {  	[tilespmem:v19+s23+$0x0] =	vst.idx.msk $0xffff, v18  }
0x2ef: {  	v19 =	vor.u32 v12, v17;
	v18 =	vld [tilespmem:s2+$0x180];
	_ =	sdelay $0x4  }
0x2f0: {  	[tilespmem:v19+s23+$0x0] =	vst.idx.msk $0xffff, v18  }
0x2f1: {  	v19 =	vor.u32 v13, v17;
	v18 =	vld [tilespmem:s2+$0x200];
	_ =	sdelay $0x4  }
0x2f2: {  	[tilespmem:v19+s23+$0x0] =	vst.idx.msk $0xffff, v18  }
0x2f3: {  	v19 =	vor.u32 v14, v17;
	v18 =	vld [tilespmem:s2+$0x280];
	_ =	sdelay $0x4  }
0x2f4: {  	[tilespmem:v19+s23+$0x0] =	vst.idx.msk $0xffff, v18  }
0x2f5: {  	v19 =	vor.u32 v15, v17;
	v18 =	vld [tilespmem:s2+$0x300];
	_ =	sdelay $0x4  }
0x2f6: {  	[tilespmem:v19+s23+$0x0] =	vst.idx.msk $0xffff, v18  }
0x2f7: {  	v17 =	vor.u32 v16, v17;
	v18 =	vld [tilespmem:s2+$0x380];
	_ =	sdelay $0x4  }
.Ltmp20:
0x2f8: {  	s30 =	rddreg [dreg:$0x8];
	[tilespmem:v17+s23+$0x0] =	vst.idx.msk $0xffff, v18;
	(pc) =	sbr.rel .LBB2_29-.Ltmp20, $4  }
0x2f9: {  	[hbm4b:s30+s4] =	stream.linear.scatter [tilespmem:s23], [sflag:$0x5], $0x400, $0x38;
	[tilespmem:$0xE800] =	vst v63  }
0x2fa: {  	_ =	swait.ge [sflag:s31], $0x400  }
0x2fb: {  	[sflag:s31] =	ssyncset.done $0x0  }
0x2fc: {  	[sflag:s31] =	ssyncadd.s32 $0xFFFFFC00  }
.LBB2_30:
0x2fd: {  	_ =	sfence.sel $0x180000  }
0x2fe: {  	[bflag:$0x0] =	sbarrier.arrive $0xFFFF  }
0x2ff: {  	_ =	strace $0x90000047  }
0x300: {  	s0 =	stileid.u32;
	[bflag:$0x2] =	sbarrier.arrive $0xFFFF  }
0x301: {  	p0 =	sne.s32 s0, $0x0;
	s0 =	rddreg [dreg:$0x3]  }
0x302: {  	s0 =	sadd.s32 @!p0 $0x100000, s0  }
0x303: {  	[sflag:s0] =	ssyncadd.tile.s32 @!p0 $0x1;
	_ =	shalt  }
.Lfunc_end2:
_tile_overlayer_lowered:
.L_overlay_start_2:
0x304: {  	(tag) =	ssettag $0x2  }
0x305: {  	s0 =	rddreg [dreg:$0x0];
	s2 =	stileid.u32  }
0x306: {  	s1 =	rddreg [dreg:$0x1];
	p0 =	sne.s32 s2, $0x0  }
0x307: {  	s3 =	rddreg [dreg:$0x2];
	[bflag:$0x3] =	sbarrier.arrive $0xFFFF;
	s2 =	simm.s32 @!p0 $0x1C05  }
0x308: {  	[timem:s3], [sflag:s2] =	dma.local @!p0 [hbm:s0], s1  }
0x309: {  	s0 =	simm.s32 @!p0 $0x5  }
0x30a: {  	_ =	swait.ge @!p0 [sflag:s0], s1  }
0x30b: {  	s1 =	ssub.s32 @!p0 $0x0, s1;
	[sflag:s0] =	ssyncset.done @!p0 $0x0  }
0x30c: {  	[sflag:s0] =	ssyncadd.s32 @!p0 s1  }
0x30d: {  	[bflag:$0x3] =	sbarrier.arrive $0xFFFF  }
0x30e: {  	_ =	shalt  }

// kernel: kernel.7.cloned.1.call-start
scs
__scs_entry_jumppad:
0x0: {  	(pc) =	sbr.rel $0x88, $3  }
0x1: {  	(tag) =	ssettag $0x0;
	lr =	simm.s32 $0x1  }
0x2: {  	[smem:$0x3F9D] =	sst lr;
	_ =	strace $0xD0000000  }
0x3: {  	_ = 	snop  }
0x4: {  	_ = 	snop  }
0x5: {  	_ = 	snop  }
0x6: {  	_ = 	snop  }
0x7: {  	_ = 	snop  }
__scs_overlays_trampoline_lowered:
0x8: {  	[smem:$0x3FAC] =	sst s0  }
0x9: {  	[smem:$0x3FAD] =	sst s1  }
0xa: {  	[smem:$0x3FAE] =	sst s2  }
0xb: {  	[smem:$0x3FAF] =	sst s3  }
0xc: {  	[smem:$0x3FB0] =	sst s4  }
0xd: {  	[smem:$0x3FB1] =	sst s5  }
0xe: {  	[smem:$0x3FB2] =	sst s6  }
0xf: {  	[smem:$0x3FB3] =	sst s7  }
0x10: {  	[smem:$0x3FB4] =	sst s8  }
0x11: {  	[smem:$0x3FB5] =	sst s9;
	s0 =	simm.s32 @!p0 $0x0  }
0x12: {  	s1 =	sld [smem:$0x3F9B];
	s0 =	simm.s32 @p0 $0x1  }
0x13: {  	[smem:$0x3FB6] =	sst s0;
	s0 =	simm.s32 @!p1 $0x0  }
0x14: {  	s2 =	sld [smem:$0x3F9A];
	s0 =	simm.s32 @p1 $0x1  }
0x15: {  	[smem:$0x3FB7] =	sst s0;
	s0 =	simm.s32 @!p2 $0x0  }
0x16: {  	s3 =	sld [smem:$0x3FDB];
	s0 =	simm.s32 @p2 $0x1  }
0x17: {  	s4 =	simm.s32 $0x1BF5;
	[smem:$0x3FB9] =	sst s0  }
0x18: {  	s0 =	sld [smem:$0x3F9C];
	_ =	swait.ge [sflag:s4], $0x0  }
0x19: {  	s7 =	sld [smem:$0x3F9D]  }
0x1a: {  	s8 =	sadd.s32 $0xFFFFE003, lr  }
0x1b: {  	s9 =	sadd.s32 $0xFFFFFEF7, lr;
	s5 =	simm.s32 $0xFFFFFFFF;
	p2 =	slt.u32 s8, $0xFFFFF086  }
0x1c: {  	p1 =	slt.u32 s9, $0xF7A;
	s5 =	simm.s32 @!p2 $0x0  }
0x1d: {  	s5 =	simm.s32 @p1 $0x1;
	p0 =	seq.s32 s7, s2  }
0x1e: {  	s7 =	smul.u32 @!p0 $0xF7A, s2;
	p2 =	seq.s32 @!p0 s5, $0x0  }
0x1f: {  	s9 =	smul.u32 $0xF7A, s1;
	s8 =	simm.s32 @!p0 $0x1BF5;
	p2 =	por !p2, p0  }
0x20: {  	[sflag:s8] =	ssyncset.s32 @!p0 $0xFFFFF086;
	s6 =	sadd.s32 @!p0 s3, s7;
	s7 =	simm.s32 @!p0 $0x108  }
0x21: {  	s3 =	sadd.s32 s3, s9;
	s6 =	sadd.s32 @!p0 $0x88, s6;
	s7 =	simm.s32 @p2 $0x1082  }
0x22: {  	[simem:s7], [sflag:s8] =	dma.local @!p0 [hbm:s6], $0xF7A  }
0x23: {  	s9 =	sor.u32 $0xD0000000, s2;
	s6 =	simm.s32 $0x108;
	_ =	swait.ge @!p0 [sflag:s8], $0x0  }
0x24: {  	s3 =	sadd.s32 $0x88, s3;
	s6 =	simm.s32 @!p1 $0x1082;
	[sflag:s4] =	ssyncset.s32 $0xFFFFF086  }
0x25: {  	[simem:s6], [sflag:s4] =	dma.local [hbm:s3], $0xF7A  }
0x26: {  	[smem:$0x3F9D] =	sst s1;
	(tag) =	ssettag s2;
	_ =	strace s9  }
0x27: {  	s1 =	sld [smem:$0x3FAD]  }
0x28: {  	s2 =	sld [smem:$0x3FAE]  }
0x29: {  	s4 =	sld [smem:$0x3FB0]  }
0x2a: {  	p0 =	seq.s32 s5, $0x0;
	s5 =	sld [smem:$0x3FB1]  }
0x2b: {  	s6 =	sld [smem:$0x3FB2]  }
0x2c: {  	s7 =	sld [smem:$0x3FB3]  }
0x2d: {  	s3 =	simm.s32 $0x108;
	s8 =	sld [smem:$0x3FB4]  }
0x2e: {  	s3 =	simm.s32 @!p0 $0x1082;
	s9 =	sld [smem:$0x3FB5]  }
0x2f: {  	lr =	sadd.s32 s0, s3;
	s0 =	sld [smem:$0x3FAC]  }
0x30: {  	s3 =	sld [smem:$0x3FAF]  }
0x31: {  	[smem:$0x3FB8] =	sst s10  }
0x32: {  	s10 =	sld [smem:$0x3FB6];
	_ =	sdelay $0x3  }
0x33: {  	p0 =	seq.s32 s10, $0x1;
	s10 =	sld [smem:$0x3FB8];
	_ =	sdelay $0x3  }
0x34: {  	[smem:$0x3FB8] =	sst s10  }
0x35: {  	s10 =	sld [smem:$0x3FB7];
	_ =	sdelay $0x3  }
0x36: {  	p1 =	seq.s32 s10, $0x1;
	s10 =	sld [smem:$0x3FB8];
	_ =	sdelay $0x3  }
0x37: {  	[smem:$0x3FB8] =	sst s10  }
0x38: {  	s10 =	sld [smem:$0x3FB9]  }
0x39: {  	_ = 	snop;
	(pc) =	sbr.ind lr, $3  }
0x3a: {  	_ = 	snop  }
0x3b: {  	_ = 	snop  }
0x3c: {  	p2 =	seq.s32 s10, $0x1;
	s10 =	sld [smem:$0x3FB8]  }
0x3d: {  	_ =	shalt  }
0x3e: {  	_ =	shalt  }
0x3f: {  	_ =	shalt  }
0x40: {  	_ =	shalt  }
0x41: {  	_ =	shalt  }
0x42: {  	_ =	shalt  }
0x43: {  	_ =	shalt  }
0x44: {  	_ =	shalt  }
0x45: {  	_ =	shalt  }
0x46: {  	_ =	shalt  }
0x47: {  	_ =	shalt  }
0x48: {  	_ =	shalt  }
0x49: {  	_ =	shalt  }
0x4a: {  	_ =	shalt  }
0x4b: {  	_ =	shalt  }
0x4c: {  	_ =	shalt  }
0x4d: {  	_ =	shalt  }
0x4e: {  	_ =	shalt  }
0x4f: {  	_ =	shalt  }
0x50: {  	_ =	shalt  }
0x51: {  	_ =	shalt  }
0x52: {  	_ =	shalt  }
0x53: {  	_ =	shalt  }
0x54: {  	_ =	shalt  }
0x55: {  	_ =	shalt  }
0x56: {  	_ =	shalt  }
0x57: {  	_ =	shalt  }
0x58: {  	_ =	shalt  }
0x59: {  	_ =	shalt  }
0x5a: {  	_ =	shalt  }
0x5b: {  	_ =	shalt  }
0x5c: {  	_ =	shalt  }
0x5d: {  	_ =	shalt  }
0x5e: {  	_ =	shalt  }
0x5f: {  	_ =	shalt  }
0x60: {  	_ =	shalt  }
0x61: {  	_ =	shalt  }
0x62: {  	_ =	shalt  }
0x63: {  	_ =	shalt  }
0x64: {  	_ =	shalt  }
0x65: {  	_ =	shalt  }
0x66: {  	_ =	shalt  }
0x67: {  	_ =	shalt  }
0x68: {  	_ =	shalt  }
0x69: {  	_ =	shalt  }
0x6a: {  	_ =	shalt  }
0x6b: {  	_ =	shalt  }
0x6c: {  	_ =	shalt  }
0x6d: {  	_ =	shalt  }
0x6e: {  	_ =	shalt  }
0x6f: {  	_ =	shalt  }
0x70: {  	_ =	shalt  }
0x71: {  	_ =	shalt  }
0x72: {  	_ =	shalt  }
0x73: {  	_ =	shalt  }
0x74: {  	_ =	shalt  }
0x75: {  	_ =	shalt  }
0x76: {  	_ =	shalt  }
0x77: {  	_ =	shalt  }
0x78: {  	_ =	shalt  }
0x79: {  	_ =	shalt  }
0x7a: {  	_ =	shalt  }
0x7b: {  	_ =	shalt  }
0x7c: {  	_ =	shalt  }
0x7d: {  	_ =	shalt  }
0x7e: {  	_ =	shalt  }
0x7f: {  	_ =	shalt  }
0x80: {  	_ =	shalt  }
0x81: {  	_ =	shalt  }
0x82: {  	_ =	shalt  }
0x83: {  	_ =	shalt  }
0x84: {  	_ =	shalt  }
0x85: {  	_ =	shalt  }
0x86: {  	_ =	shalt  }
0x87: {  	_ =	shalt  }
.Lfunc_end0:
.L_simem_size_0:
called_computation.1_lowered:
.L_overlay_start_0:
0x88: {  	s2 =	sld [smem:$0x3FD9]  }
0x89: {  	s3 =	sld [smem:$0x3FFE];
	_ =	sdelay $0x1  }
0x8a: {  	s1 =	srdreg.scid  }
0x8b: {  	s0 =	sand.u32 $0x1, s1  }
0x8c: {  	s17 =	sshll.u32 s0, $0xA;
	s2 =	sadd.s32 s3, s2  }
0x8d: {  	s2 =	sadd.s32 s2, s17  }
0x8e: {  	[smem:$0x3FC4] =	sst s2  }
0x8f: {  	_ = 	snop  }
0x90: {  	s2 =	sld [smem:$0x3FD0];
	(tm) =	ssettm $0x1  }
0x91: {  	s18 =	sld [smem:$0x3FFB];
	_ =	sdelay $0x3  }
0x92: {  	_ =	strace s18  }
0x93: {  	s3 =	sld [smem:$0x3FFC];
	_ =	sdelay $0x3  }
0x94: {  	_ =	strace s3  }
0x95: {  	s3 =	sld [smem:$0x3FFD];
	_ =	sdelay $0x3  }
0x96: {  	_ =	strace s3  }
0x97: {  	_ =	strace $0x8FFFFFFF  }
0x98: {  	s19 =	sld [smem:$0x3FDB];
	_ =	sdelay $0x1  }
0x99: {  	s4 =	simm.s32 $_scs_section_size  }
0x9a: {  	s5 =	simm.s32 $_size__tile_overlayer_lowered;
	s6 =	simm.s32 $_tile_overlayer_lowered  }
0x9b: {  	s22 =	simm.s32 $0x1BFF;
	s21 =	sshll.u32 s6, $0x1;
	s3 =	sadd.s32 s4, s19  }
0x9c: {  	s7 =	simm.s32 $0x0;
	s20 =	sshll.u32 s5, $0x1;
	s5 =	sadd.s32 s21, s3  }
0x9d: {  	[timem:s7], [sflag:s22] =	dma.local [hbm:s5], s20  }
0x9e: {  	_ =	swait.ge [sflag:s22], s20  }
0x9f: {  	s4 =	ssub.s32 $0x0, s20;
	[sflag:s22] =	ssyncset.done $0x0  }
0xa0: {  	[sflag:s22] =	ssyncadd.s32 s4;
	_ =	sdelay $0x1  }
0xa1: {  	s23 =	simm.s32 $0x1B8B  }
0xa2: {  	_ =	swait.ge [sflag:s23], $0x1  }
0xa3: {  	[sflag:s23] =	ssyncset.done $0x0  }
0xa4: {  	s25 =	simm.s32 $0x1B8E;
	s24 =	sld [smem:$0x3FFE];
	[sflag:s23] =	ssyncadd.s32 $0xFFFFFFFF  }
0xa5: {  	s26 =	simm.s32 $execute0_lowered;
	[smem:$0x3FD2] =	sst s25  }
0xa6: {  	s5 =	sshll.u32 s26, $0x1;
	_ =	strace $0x80000049;
	[dreg:$0x1] =	wrdreg $0xFFFFFFFF  }
0xa7: {  	s28 =	simm.s32 $_size_execute0_lowered;
	s3 =	sadd.s32 s3, s5;
	[dreg:$0x0] =	wrdreg $0x0  }
0xa8: {  	s5 =	sshll.u32 s28, $0x1;
	[dreg:$0x2] =	wrdreg s3  }
0xa9: {  	[dreg:$0x3] =	wrdreg s5  }
0xaa: {  	[dreg:$0x4] =	wrdreg $0xC0  }
0xab: {  	_ =	task [dreg:s7], $0x5FFFF  }
0xac: {  	[dreg:$0x1] =	wrdreg $0xFFFFFFFF  }
0xad: {  	[dreg:$0x0] =	wrdreg $0x60  }
0xae: {  	[dreg:$0x2] =	wrdreg s2  }
0xaf: {  	[dreg:$0x3] =	wrdreg s24  }
0xb0: {  	[dreg:$0x4] =	wrdreg $0x9  }
0xb1: {  	_ =	task.clear_ibuf [dreg:s7], $0x5FFFF;
	_ =	strace $0x90000049  }
0xb2: {  	s29 =	simm.s32 $0x9;
	_ =	strace $0x8000004B  }
0xb3: {  	_ =	swait.ge [sflag:s29], $0x1  }
0xb4: {  	[sflag:s29] =	ssyncadd.s32 $0xFFFFFFFF  }
0xb5: {  	_ =	strace $0x9000004B  }
0xb6: {  	_ =	sfence  }
0xb7: {  	s30 =	sld [smem:$0x0];
	_ =	sdelay $0x2  }
0xb8: {  	s31 =	sshll.u32 s1, $0xD;
	s1 =	sshrl.u32 s1, $0x2  }
0xb9: {  	s3 =	sand.u32 $0x4000, s31;
	s1 =	sadd.s32 s1, s30  }
0xba: {  	s0 =	sor.u32 s3, s0;
	s1 =	sshll.u32 s1, $0x11  }
0xbb: {  	s0 =	sor.u32 s1, s0  }
0xbc: {  	s0 =	sadd.s32 $0x8F2B, s0  }
0xbd: {  	[sflag:s0] =	ssyncadd.remote.s32 $0x1  }
0xbe: {  	_ =	sfence.sel $0xFFFF  }
0xbf: {  	[dreg:$0x0] =	wrdreg $0xFFFFFFFF;
	(pc) =	sbr.abs _section_cstart, $3  }
0xc0: {  	[dreg:$0x1] =	wrdreg $0xFFFFFFFF  }
0xc1: {  	_ =	task.clear_ibuf [dreg:s7], $0x2FFFF;
	_ =	strace $0x9FFFFFFF  }
0xc2: {  	(tm) =	ssettm $0x7FFFFFFF  }
0xc3: {  	_ =	shalt  }
tec
execute0_lowered:
.L_overlay_start_1:
0x0: {  	(tag) =	ssettag $0x1  }
0x1: {  	s5 =	rddreg [dreg:$0x0]  }
0x2: {  	s6 =	rddreg [dreg:$0x1]  }
0x3: {  	s0 =	rddreg [dreg:$0x2];
	s2 =	simm.s32 $0x0  }
0x4: {  	s3 =	srdreg.scid;
	s1 =	stileid.u32;
	s11 =	simm.s32 $0x3  }
0x5: {  	s12 =	simm.s32 $0x200;
	s13 =	simm.s32 $0x800;
	s14 =	simm.s32 $0x600  }
0x6: {  	s15 =	simm.s32 $0x4800;
	s16 =	simm.s32 $0x1;
	s17 =	simm.s32 $0x2  }
0x7: {  	s18 =	simm.s32 $0x480;
	s19 =	simm.s32 $0x680;
	s20 =	simm.s32 $0x500  }
0x8: {  	s21 =	simm.s32 $0x700;
	s22 =	simm.s32 $0x580;
	s23 =	simm.s32 $0x780  }
0x9: {  	s24 =	simm.s32 $0x8800;
	s25 =	simm.s32 $0x0;
	[smem:$0x7FF] =	sst s2  }
0xa: {  	s3 =	sand.u32 $0x1, s3;
	s4 =	sshll.u32 s1, $0x5;
	s7 =	sshll.u32 s1, $0x7  }
0xb: {  	_ =	strace $0x8000004A;
	s8 =	sshll.u32 s3, $0x4;
	s4 =	sand.u32 $0x60, s4  }
0xc: {  	s7 =	sand.u32 $0x600, s7;
	s31 =	ssub.s32 $0x2, s3;
	s4 =	sor.u32 s8, s4  }
0xd: {  	s3 =	sadd.s32 $0x1000, s6;
	s9 =	sshrl.u32 s31, $0x1;
	s7 =	sor.u32 s7, s4  }
0xe: {  	s4 =	sadd.s32 $0x1E9600, s6;
	s8 =	ssub.s32 s31, s9;
	s10 =	sadd.s32 s7, s6  }
0xf: {  	v0 =	vlaneseq.u32;
	s9 =	simm.s32 $0x80;
	s5 =	sadd.s32 s5, s7;
	s6 =	sadd.s32 $0x3D1C00, s10  }
0x10: {  	v0 =	vmul.u32 $0x80, v0;
	s8 =	smax.u32 s8, $0x1;
	s7 =	sadd.s32 $0x3D2400, s10;
	s10 =	simm.s32 $0x400  }
.LBB2_1:
0x11: {  	[tilespmem:s2], [sflag:$0x3] =	stream.strided.gather [hbm4b:s5+s9], $0x200, s10, s9, $0x38;
	[tilespmem:$0x8A00] =	vst v63  }
0x12: {  	_ =	swait.ge [sflag:s11], $0x200  }
0x13: {  	[sflag:s11] =	ssyncset.done $0x0  }
0x14: {  	[sflag:s11] =	ssyncadd.s32 $0xFFFFFE00  }
0x15: {  	[tilespmem:s12], [sflag:$0x3] =	stream.strided.gather [hbm4b:s6+s9], $0x200, s10, s9, $0x38;
	[tilespmem:$0x8A00] =	vst v63  }
0x16: {  	_ =	swait.ge [sflag:s11], $0x200  }
0x17: {  	[sflag:s11] =	ssyncset.done $0x0  }
0x18: {  	s26 =	simm.s32 $0x0;
	[sflag:s11] =	ssyncadd.s32 $0xFFFFFE00  }
0x19: {  	v1 =	vld [tilespmem:s26+$0x200]  }
0x1a: {  	s28 =	simm.s32 $0x40;
	v2 =	vld [tilespmem:s26+$0x0]  }
.LBB2_2:
0x1b: {  	p0 =	sne.s32 s28, $0x7C0  }
.Ltmp0:
0x1c: {  	_ = 	snop;
	(pc) =	sbr.rel @p0 .LBB2_2-.Ltmp0, $4  }
0x1d: {  	_ = 	snop  }
0x1e: {  	s29 =	sshra.s32 s28, $0x2;
	s28 =	sadd.s32 $0x40, s28;
	v3 =	vshrl.u32 v1, $0x3  }
0x1f: {  	v1 =	vld [tilespmem:s29+$0x200];
	v4 =	vshrl.u32 v2, $0x3;
	[tilespmem:s26+$0x600] =	vst v3  }
0x20: {  	v2 =	vld [tilespmem:s29+$0x0];
	[tilespmem:s26+$0x400] =	vst v4;
	s26 =	smov.u32 s29  }
0x21: {  	_ =	sdelay $0x2  }
0x22: {  	v1 =	vshrl.u32 v1, $0x3  }
0x23: {  	v2 =	vshrl.u32 v2, $0x3;
	[tilespmem:s26+$0x600] =	vst v1  }
0x24: {  	[tilespmem:s26+$0x400] =	vst v2  }
0x25: {  	[tilespmem:s13], [sflag:$0x1] =	stream.indirect.gather [hbm4b:s3+s9], $0x80, s10, s9, $0xb8;
	[tilespmem:$0x8A00] =	vst v63  }
0x26: {  	_ = 	snop  }
0x27: {  	[tilespmem:s15], [sflag:$0x2] =	stream.indirect.gather [hbm4b:s4+s9], $0x80, s14, s9, $0xb8;
	[tilespmem:$0x8A00] =	vst v63  }
0x28: {  	_ =	swait.ge [sflag:s16], $0x4000  }
0x29: {  	[sflag:s16] =	ssyncset.done $0x0  }
0x2a: {  	[sflag:s16] =	ssyncadd.s32 $0xFFFFC000  }
0x2b: {  	_ =	swait.ge [sflag:s17], $0x4000  }
0x2c: {  	[sflag:s17] =	ssyncset.done $0x0  }
0x2d: {  	s26 =	simm.s32 $0x0;
	[sflag:s17] =	ssyncadd.s32 $0xFFFFC000  }
0x2e: {  	s28 =	simm.s32 $0x200;
	v1 =	vld [tilespmem:s26+$0x0]  }
0x2f: {  	v2 =	vld [tilespmem:s28+$0x0];
	_ =	sdelay $0x2  }
0x30: {  	v3 =	vmov s26  }
0x31: {  	v3 =	vshll.u32 v3, $0x7;
	v1 =	vshll.u32 v1, $0x4  }
0x32: {  	v3 =	vor.u32 v0, v3;
	v2 =	vshll.u32 v2, $0x4;
	v1 =	vand.u32 $0x70, v1  }
0x33: {  	v2 =	vand.u32 $0x70, v2;
	v1 =	vor.u32 v3, v1  }
0x34: {  	v2 =	vor.u32 v3, v2  }
0x35: {  	v3 =	vor.u32 $0x1, v1  }
0x36: {  	v4 =	vor.u32 $0x1, v2  }
0x37: {  	v5 =	vor.u32 $0x2, v1  }
0x38: {  	v7 =	vor.u32 $0x2, v2;
	v6 =	vld.idx.msk [tilespmem:v1+s13+$0x0], $0xffff  }
0x39: {  	v9 =	vor.u32 $0x3, v1;
	v8 =	vld.idx.msk [tilespmem:v2+s15+$0x0], $0xffff  }
0x3a: {  	v10 =	vor.u32 $0x3, v2;
	v3 =	vld.idx.msk [tilespmem:v3+s13+$0x0], $0xffff  }
0x3b: {  	v11 =	vor.u32 $0x4, v1;
	v4 =	vld.idx.msk [tilespmem:v4+s15+$0x0], $0xffff  }
0x3c: {  	v12 =	vor.u32 $0x4, v2;
	v5 =	vld.idx.msk [tilespmem:v5+s13+$0x0], $0xffff  }
0x3d: {  	v13 =	vor.u32 $0x5, v1;
	v7 =	vld.idx.msk [tilespmem:v7+s15+$0x0], $0xffff  }
0x3e: {  	v14 =	vor.u32 $0x5, v2;
	v9 =	vld.idx.msk [tilespmem:v9+s13+$0x0], $0xffff;
	v6 =	vmul.f32 v8, v6  }
0x3f: {  	v25 =	vor.u32 $0x6, v1;
	v24 =	vld.idx.msk [tilespmem:v10+s15+$0x0], $0xffff  }
0x40: {  	v15 =	vor.u32 $0x6, v2;
	v11 =	vld.idx.msk [tilespmem:v11+s13+$0x0], $0xffff;
	v3 =	vmul.f32 v4, v3;
	v6 =	vadd.f32 $0.0e+00, v6  }
0x41: {  	v27 =	vor.u32 $0x7, v1;
	v26 =	vld.idx.msk [tilespmem:v12+s15+$0x0], $0xffff  }
0x42: {  	v16 =	vor.u32 $0x7, v2;
	v13 =	vld.idx.msk [tilespmem:v13+s13+$0x0], $0xffff;
	v5 =	vmul.f32 v7, v5;
	v3 =	vadd.f32 v3, v6  }
0x43: {  	v30 =	vor.u32 $0x8, v2;
	v28 =	vld.idx.msk [tilespmem:v14+s15+$0x0], $0xffff  }
0x44: {  	v29 =	vor.u32 $0x8, v1;
	v10 =	vld.idx.msk [tilespmem:v25+s13+$0x0], $0xffff;
	v31 =	vmul.f32 v24, v9;
	v3 =	vadd.f32 v5, v3  }
0x45: {  	v34 =	vor.u32 $0x9, v2;
	v32 =	vld.idx.msk [tilespmem:v15+s15+$0x0], $0xffff  }
0x46: {  	v33 =	vor.u32 $0x9, v1;
	v12 =	vld.idx.msk [tilespmem:v27+s13+$0x0], $0xffff;
	v4 =	vmul.f32 v26, v11;
	v3 =	vadd.f32 v31, v3  }
0x47: {  	v37 =	vor.u32 $0xA, v2;
	v35 =	vld.idx.msk [tilespmem:v16+s15+$0x0], $0xffff  }
0x48: {  	v36 =	vor.u32 $0xA, v1;
	v39 =	vld.idx.msk [tilespmem:v30+s15+$0x0], $0xffff;
	v38 =	vmul.f32 v28, v13;
	v3 =	vadd.f32 v4, v3  }
0x49: {  	v41 =	vor.u32 $0xB, v2;
	v7 =	vld.idx.msk [tilespmem:v29+s13+$0x0], $0xffff  }
0x4a: {  	v40 =	vor.u32 $0xB, v1;
	v43 =	vld.idx.msk [tilespmem:v34+s15+$0x0], $0xffff;
	v42 =	vmul.f32 v32, v10;
	v3 =	vadd.f32 v38, v3  }
0x4b: {  	v45 =	vor.u32 $0xC, v2;
	v9 =	vld.idx.msk [tilespmem:v33+s13+$0x0], $0xffff  }
0x4c: {  	v44 =	vor.u32 $0xC, v1;
	v47 =	vld.idx.msk [tilespmem:v37+s15+$0x0], $0xffff;
	v46 =	vmul.f32 v35, v12;
	v3 =	vadd.f32 v42, v3  }
0x4d: {  	v48 =	vor.u32 $0xD, v1;
	v11 =	vld.idx.msk [tilespmem:v36+s13+$0x0], $0xffff  }
0x4e: {  	v49 =	vor.u32 $0xD, v2;
	v51 =	vld.idx.msk [tilespmem:v41+s15+$0x0], $0xffff;
	v50 =	vmul.f32 v39, v7;
	v3 =	vadd.f32 v46, v3  }
0x4f: {  	v53 =	vor.u32 $0xE, v2;
	v13 =	vld.idx.msk [tilespmem:v40+s13+$0x0], $0xffff  }
0x50: {  	v52 =	vor.u32 $0xE, v1;
	v55 =	vld.idx.msk [tilespmem:v45+s15+$0x0], $0xffff;
	v54 =	vmul.f32 v43, v9;
	v3 =	vadd.f32 v50, v3  }
0x51: {  	v1 =	vor.u32 $0xF, v1;
	v10 =	vld.idx.msk [tilespmem:v44+s13+$0x0], $0xffff  }
0x52: {  	v2 =	vor.u32 $0xF, v2;
	v56 =	vld.idx.msk [tilespmem:v48+s13+$0x0], $0xffff;
	v57 =	vmul.f32 v47, v11;
	v3 =	vadd.f32 v54, v3  }
0x53: {  	v58 =	vld.idx.msk [tilespmem:v49+s15+$0x0], $0xffff  }
0x54: {  	v60 =	vld.idx.msk [tilespmem:v53+s15+$0x0], $0xffff;
	v59 =	vmul.f32 v51, v13;
	v3 =	vadd.f32 v57, v3  }
0x55: {  	v7 =	vld.idx.msk [tilespmem:v52+s13+$0x0], $0xffff  }
0x56: {  	v1 =	vld.idx.msk [tilespmem:v1+s13+$0x0], $0xffff;
	v61 =	vmul.f32 v55, v10;
	v3 =	vadd.f32 v59, v3  }
0x57: {  	v2 =	vld.idx.msk [tilespmem:v2+s15+$0x0], $0xffff  }
0x58: {  	v62 =	vmul.f32 v58, v56;
	v3 =	vadd.f32 v61, v3;
	_ =	sdelay $0x1  }
0x59: {  	v63 =	vmul.f32 v60, v7;
	v3 =	vadd.f32 v62, v3;
	_ =	sdelay $0x1  }
0x5a: {  	v1 =	vmul.f32 v2, v1;
	v3 =	vadd.f32 v63, v3;
	_ =	sdelay $0x1  }
0x5b: {  	v1 =	vadd.f32 v1, v3;
	_ =	sdelay $0x1  }
0x5c: {  	v1 =	vsub.f32 $0.0e+00, v1;
	_ =	sdelay $0x1  }
0x5d: {  	v1 =	vmul.f32 $1.442695020e+00, v1;
	_ =	sdelay $0x1  }
0x5e: {  	(erf) = vpow2.f32 v1;
	_ =	sdelay $0x8  }
0x5f: {  	v1 =	vpop (erf)  }
0x60: {  	v1 =	vadd.f32 $1.000000000e+00, v1;
	_ =	sdelay $0x1  }
0x61: {  	(erf) = vrcp.f32 v1;
	_ =	sdelay $0x8  }
0x62: {  	s26 =	simm.s32 $0x8800;
	v1 =	vpop (erf)  }
0x63: {  	s28 =	simm.s32 $0x10;
	[tilespmem:s26+$0x0] =	vst v1  }
0x64: {  	s29 =	simm.s32 $0x210;
	v2 =	vld [tilespmem:s28+$0x0]  }
0x65: {  	s30 =	simm.s32 $0x20;
	s31 =	simm.s32 $0x10;
	v1 =	vld [tilespmem:s29+$0x0]  }
.LBB2_4:
0x66: {  	p0 =	sne.s32 s30, $0x70;
	_ =	sdelay $0x1  }
0x67: {  	v3 =	vmov s28;
	s28 =	smov.u32 s30  }
0x68: {  	v3 =	vshll.u32 v3, $0x7;
	v2 =	vshll.u32 v2, $0x4  }
0x69: {  	v3 =	vor.u32 v0, v3;
	v2 =	vand.u32 $0x70, v2;
	v1 =	vshll.u32 v1, $0x4  }
0x6a: {  	v1 =	vand.u32 $0x70, v1;
	v2 =	vor.u32 v3, v2  }
0x6b: {  	v1 =	vor.u32 v3, v1  }
0x6c: {  	v3 =	vor.u32 $0x1, v2  }
0x6d: {  	v4 =	vor.u32 $0x1, v1  }
0x6e: {  	v5 =	vor.u32 $0x2, v2  }
0x6f: {  	v7 =	vor.u32 $0x2, v1;
	v6 =	vld.idx.msk [tilespmem:v2+s13+$0x0], $0xffff  }
0x70: {  	v9 =	vor.u32 $0x3, v2;
	v8 =	vld.idx.msk [tilespmem:v1+s15+$0x0], $0xffff  }
0x71: {  	v10 =	vor.u32 $0x3, v1;
	v3 =	vld.idx.msk [tilespmem:v3+s13+$0x0], $0xffff  }
0x72: {  	v11 =	vor.u32 $0x4, v2;
	v4 =	vld.idx.msk [tilespmem:v4+s15+$0x0], $0xffff  }
0x73: {  	v12 =	vor.u32 $0x4, v1;
	v5 =	vld.idx.msk [tilespmem:v5+s13+$0x0], $0xffff  }
0x74: {  	v13 =	vor.u32 $0x5, v2;
	v7 =	vld.idx.msk [tilespmem:v7+s15+$0x0], $0xffff  }
0x75: {  	v14 =	vor.u32 $0x5, v1;
	v9 =	vld.idx.msk [tilespmem:v9+s13+$0x0], $0xffff  }
0x76: {  	v6 =	vmul.f32 v8, v6;
	v8 =	vld.idx.msk [tilespmem:v10+s15+$0x0], $0xffff;
	v10 =	vor.u32 $0x6, v2  }
0x77: {  	v15 =	vor.u32 $0x6, v1;
	v11 =	vld.idx.msk [tilespmem:v11+s13+$0x0], $0xffff  }
0x78: {  	v6 =	vadd.f32 $0.0e+00, v6;
	v3 =	vmul.f32 v4, v3;
	v4 =	vld.idx.msk [tilespmem:v12+s15+$0x0], $0xffff;
	v12 =	vor.u32 $0x7, v2  }
0x79: {  	v16 =	vor.u32 $0x7, v1;
	v13 =	vld.idx.msk [tilespmem:v13+s13+$0x0], $0xffff  }
0x7a: {  	v3 =	vadd.f32 v3, v6;
	v5 =	vmul.f32 v7, v5;
	v7 =	vor.u32 $0x8, v2;
	v6 =	vld.idx.msk [tilespmem:v14+s15+$0x0], $0xffff  }
0x7b: {  	v14 =	vor.u32 $0x8, v1;
	v10 =	vld.idx.msk [tilespmem:v10+s13+$0x0], $0xffff  }
0x7c: {  	v3 =	vadd.f32 v5, v3;
	v5 =	vmul.f32 v8, v9;
	v9 =	vor.u32 $0x9, v2;
	v8 =	vld.idx.msk [tilespmem:v15+s15+$0x0], $0xffff  }
0x7d: {  	v15 =	vor.u32 $0x9, v1;
	v12 =	vld.idx.msk [tilespmem:v12+s13+$0x0], $0xffff  }
0x7e: {  	v3 =	vadd.f32 v5, v3;
	v4 =	vmul.f32 v4, v11;
	v11 =	vor.u32 $0xA, v2;
	v5 =	vld.idx.msk [tilespmem:v16+s15+$0x0], $0xffff  }
0x7f: {  	v16 =	vor.u32 $0xA, v1;
	v7 =	vld.idx.msk [tilespmem:v7+s13+$0x0], $0xffff  }
0x80: {  	v3 =	vadd.f32 v4, v3;
	v4 =	vmul.f32 v6, v13;
	v13 =	vor.u32 $0xB, v2;
	v6 =	vld.idx.msk [tilespmem:v14+s15+$0x0], $0xffff  }
0x81: {  	v14 =	vor.u32 $0xB, v1;
	v9 =	vld.idx.msk [tilespmem:v9+s13+$0x0], $0xffff  }
0x82: {  	v3 =	vadd.f32 v4, v3;
	v4 =	vmul.f32 v8, v10;
	v10 =	vor.u32 $0xC, v2;
	v8 =	vld.idx.msk [tilespmem:v15+s15+$0x0], $0xffff  }
0x83: {  	v15 =	vor.u32 $0xC, v1;
	v11 =	vld.idx.msk [tilespmem:v11+s13+$0x0], $0xffff  }
0x84: {  	v3 =	vadd.f32 v4, v3;
	v4 =	vmul.f32 v5, v12;
	v12 =	vor.u32 $0xD, v2;
	v5 =	vld.idx.msk [tilespmem:v16+s15+$0x0], $0xffff  }
0x85: {  	v16 =	vor.u32 $0xD, v1;
	v13 =	vld.idx.msk [tilespmem:v13+s13+$0x0], $0xffff  }
0x86: {  	v3 =	vadd.f32 v4, v3;
	v4 =	vmul.f32 v6, v7;
	v7 =	vor.u32 $0xE, v2;
	v6 =	vld.idx.msk [tilespmem:v14+s15+$0x0], $0xffff  }
0x87: {  	v14 =	vor.u32 $0xE, v1;
	v10 =	vld.idx.msk [tilespmem:v10+s13+$0x0], $0xffff  }
0x88: {  	v2 =	vor.u32 $0xF, v2;
	v3 =	vadd.f32 v4, v3;
	v4 =	vmul.f32 v8, v9;
	v8 =	vld.idx.msk [tilespmem:v15+s15+$0x0], $0xffff  }
0x89: {  	v1 =	vor.u32 $0xF, v1;
	v9 =	vld.idx.msk [tilespmem:v12+s13+$0x0], $0xffff  }
0x8a: {  	v3 =	vadd.f32 v4, v3;
	v4 =	vmul.f32 v5, v11;
	v5 =	vld.idx.msk [tilespmem:v16+s15+$0x0], $0xffff  }
0x8b: {  	v7 =	vld.idx.msk [tilespmem:v7+s13+$0x0], $0xffff  }
0x8c: {  	v3 =	vadd.f32 v4, v3;
	v4 =	vmul.f32 v6, v13;
	v6 =	vld.idx.msk [tilespmem:v14+s15+$0x0], $0xffff  }
0x8d: {  	v2 =	vld.idx.msk [tilespmem:v2+s13+$0x0], $0xffff  }
0x8e: {  	v3 =	vadd.f32 v4, v3;
	v4 =	vmul.f32 v8, v10;
	v1 =	vld.idx.msk [tilespmem:v1+s15+$0x0], $0xffff;
	_ =	sdelay $0x1  }
0x8f: {  	v3 =	vadd.f32 v4, v3;
	v4 =	vmul.f32 v5, v9;
	_ =	sdelay $0x1  }
0x90: {  	v3 =	vadd.f32 v4, v3;
	v4 =	vmul.f32 v6, v7;
	_ =	sdelay $0x1  }
0x91: {  	v3 =	vadd.f32 v4, v3;
	v1 =	vmul.f32 v1, v2;
	_ =	sdelay $0x1  }
0x92: {  	v1 =	vadd.f32 v1, v3;
	_ =	sdelay $0x1  }
0x93: {  	v1 =	vsub.f32 $0.0e+00, v1;
	_ =	sdelay $0x1  }
0x94: {  	v1 =	vmul.f32 $1.442695020e+00, v1;
	_ =	sdelay $0x1  }
0x95: {  	(erf) = vpow2.f32 v1;
	_ =	sdelay $0x8  }
0x96: {  	v1 =	vpop (erf)  }
0x97: {  	v1 =	vadd.f32 $1.000000000e+00, v1;
	_ =	sdelay $0x1  }
0x98: {  	(erf) = vrcp.f32 v1;
	_ =	sdelay $0x7  }
.Ltmp1:
0x99: {  	(pc) =	sbr.rel @p0 .LBB2_4-.Ltmp1, $4  }
0x9a: {  	s26 =	sadd.s32 $0x10, s26;
	v1 =	vpop (erf)  }
0x9b: {  	s31 =	sadd.s32 $0x10, s31;
	[tilespmem:s26+$0x0] =	vst v1  }
0x9c: {  	s29 =	sadd.s32 $0x10, s29;
	v2 =	vld [tilespmem:s31+$0x0]  }
0x9d: {  	s30 =	sadd.s32 $0x10, s30;
	v1 =	vld [tilespmem:s29+$0x0]  }
0x9e: {  	_ =	sdelay $0x1  }
0x9f: {  	v3 =	vmov s28  }
0xa0: {  	v3 =	vshll.u32 v3, $0x7;
	v2 =	vshll.u32 v2, $0x4  }
0xa1: {  	v3 =	vor.u32 v0, v3;
	v2 =	vand.u32 $0x70, v2;
	v1 =	vshll.u32 v1, $0x4  }
0xa2: {  	v1 =	vand.u32 $0x70, v1;
	v2 =	vor.u32 v3, v2  }
0xa3: {  	v1 =	vor.u32 v3, v1  }
0xa4: {  	v3 =	vor.u32 $0x1, v2  }
0xa5: {  	v4 =	vor.u32 $0x1, v1  }
0xa6: {  	v5 =	vor.u32 $0x2, v2  }
0xa7: {  	v7 =	vor.u32 $0x2, v1;
	v6 =	vld.idx.msk [tilespmem:v2+s13+$0x0], $0xffff  }
0xa8: {  	v9 =	vor.u32 $0x3, v2;
	v8 =	vld.idx.msk [tilespmem:v1+s15+$0x0], $0xffff  }
0xa9: {  	v10 =	vor.u32 $0x3, v1;
	v3 =	vld.idx.msk [tilespmem:v3+s13+$0x0], $0xffff  }
0xaa: {  	v11 =	vor.u32 $0x4, v2;
	v4 =	vld.idx.msk [tilespmem:v4+s15+$0x0], $0xffff  }
0xab: {  	v12 =	vor.u32 $0x4, v1;
	v5 =	vld.idx.msk [tilespmem:v5+s13+$0x0], $0xffff  }
0xac: {  	v13 =	vor.u32 $0x5, v2;
	v7 =	vld.idx.msk [tilespmem:v7+s15+$0x0], $0xffff  }
0xad: {  	v14 =	vor.u32 $0x5, v1;
	v9 =	vld.idx.msk [tilespmem:v9+s13+$0x0], $0xffff;
	v6 =	vmul.f32 v8, v6  }
0xae: {  	v20 =	vor.u32 $0x6, v2;
	v63 =	vld.idx.msk [tilespmem:v10+s15+$0x0], $0xffff  }
0xaf: {  	v15 =	vor.u32 $0x6, v1;
	v11 =	vld.idx.msk [tilespmem:v11+s13+$0x0], $0xffff;
	v3 =	vmul.f32 v4, v3;
	v6 =	vadd.f32 $0.0e+00, v6  }
0xb0: {  	v22 =	vor.u32 $0x7, v2;
	v21 =	vld.idx.msk [tilespmem:v12+s15+$0x0], $0xffff  }
0xb1: {  	v16 =	vor.u32 $0x7, v1;
	v13 =	vld.idx.msk [tilespmem:v13+s13+$0x0], $0xffff;
	v5 =	vmul.f32 v7, v5;
	v3 =	vadd.f32 v3, v6  }
0xb2: {  	v25 =	vor.u32 $0x8, v1;
	v23 =	vld.idx.msk [tilespmem:v14+s15+$0x0], $0xffff  }
0xb3: {  	v24 =	vor.u32 $0x8, v2;
	v10 =	vld.idx.msk [tilespmem:v20+s13+$0x0], $0xffff;
	v26 =	vmul.f32 v63, v9;
	v3 =	vadd.f32 v5, v3  }
0xb4: {  	v29 =	vor.u32 $0x9, v1;
	v27 =	vld.idx.msk [tilespmem:v15+s15+$0x0], $0xffff  }
0xb5: {  	v28 =	vor.u32 $0x9, v2;
	v12 =	vld.idx.msk [tilespmem:v22+s13+$0x0], $0xffff;
	v4 =	vmul.f32 v21, v11;
	v3 =	vadd.f32 v26, v3  }
0xb6: {  	v32 =	vor.u32 $0xA, v1;
	v30 =	vld.idx.msk [tilespmem:v16+s15+$0x0], $0xffff  }
0xb7: {  	v31 =	vor.u32 $0xA, v2;
	v34 =	vld.idx.msk [tilespmem:v25+s15+$0x0], $0xffff;
	v33 =	vmul.f32 v23, v13;
	v3 =	vadd.f32 v4, v3  }
0xb8: {  	v36 =	vor.u32 $0xB, v1;
	v7 =	vld.idx.msk [tilespmem:v24+s13+$0x0], $0xffff  }
0xb9: {  	v35 =	vor.u32 $0xB, v2;
	v38 =	vld.idx.msk [tilespmem:v29+s15+$0x0], $0xffff;
	v37 =	vmul.f32 v27, v10;
	v3 =	vadd.f32 v33, v3  }
0xba: {  	v40 =	vor.u32 $0xC, v1;
	v9 =	vld.idx.msk [tilespmem:v28+s13+$0x0], $0xffff  }
0xbb: {  	v39 =	vor.u32 $0xC, v2;
	v42 =	vld.idx.msk [tilespmem:v32+s15+$0x0], $0xffff;
	v41 =	vmul.f32 v30, v12;
	v3 =	vadd.f32 v37, v3  }
0xbc: {  	v43 =	vor.u32 $0xD, v2;
	v11 =	vld.idx.msk [tilespmem:v31+s13+$0x0], $0xffff  }
0xbd: {  	v44 =	vor.u32 $0xD, v1;
	v46 =	vld.idx.msk [tilespmem:v36+s15+$0x0], $0xffff;
	v45 =	vmul.f32 v34, v7;
	v3 =	vadd.f32 v41, v3  }
0xbe: {  	v48 =	vor.u32 $0xE, v1;
	v13 =	vld.idx.msk [tilespmem:v35+s13+$0x0], $0xffff  }
0xbf: {  	v47 =	vor.u32 $0xE, v2;
	v50 =	vld.idx.msk [tilespmem:v40+s15+$0x0], $0xffff;
	v49 =	vmul.f32 v38, v9;
	v3 =	vadd.f32 v45, v3  }
0xc0: {  	v2 =	vor.u32 $0xF, v2;
	v10 =	vld.idx.msk [tilespmem:v39+s13+$0x0], $0xffff  }
0xc1: {  	v51 =	vld.idx.msk [tilespmem:v43+s13+$0x0], $0xffff;
	v1 =	vor.u32 $0xF, v1;
	v52 =	vmul.f32 v42, v11;
	v3 =	vadd.f32 v49, v3  }
0xc2: {  	v53 =	vld.idx.msk [tilespmem:v44+s15+$0x0], $0xffff  }
0xc3: {  	v55 =	vld.idx.msk [tilespmem:v48+s15+$0x0], $0xffff;
	v54 =	vmul.f32 v46, v13;
	v3 =	vadd.f32 v52, v3  }
0xc4: {  	v7 =	vld.idx.msk [tilespmem:v47+s13+$0x0], $0xffff  }
0xc5: {  	v2 =	vld.idx.msk [tilespmem:v2+s13+$0x0], $0xffff;
	v56 =	vmul.f32 v50, v10;
	v3 =	vadd.f32 v54, v3  }
0xc6: {  	v1 =	vld.idx.msk [tilespmem:v1+s15+$0x0], $0xffff  }
0xc7: {  	v57 =	vmul.f32 v53, v51;
	v3 =	vadd.f32 v56, v3;
	_ =	sdelay $0x1  }
0xc8: {  	v58 =	vmul.f32 v55, v7;
	v3 =	vadd.f32 v57, v3;
	_ =	sdelay $0x1  }
0xc9: {  	v1 =	vmul.f32 v1, v2;
	v3 =	vadd.f32 v58, v3;
	_ =	sdelay $0x1  }
0xca: {  	v1 =	vadd.f32 v1, v3;
	_ =	sdelay $0x1  }
0xcb: {  	v1 =	vsub.f32 $0.0e+00, v1;
	_ =	sdelay $0x1  }
0xcc: {  	v1 =	vmul.f32 $1.442695020e+00, v1;
	_ =	sdelay $0x1  }
0xcd: {  	(erf) = vpow2.f32 v1;
	_ =	sdelay $0x8  }
0xce: {  	v1 =	vpop (erf)  }
0xcf: {  	v1 =	vadd.f32 $1.000000000e+00, v1;
	_ =	sdelay $0x1  }
0xd0: {  	(erf) = vrcp.f32 v1;
	_ =	sdelay $0x8  }
0xd1: {  	s26 =	sadd.s32 $0x10, s26;
	v1 =	vpop (erf)  }
0xd2: {  	[tilespmem:s26+$0x0] =	vst v1;
	s26 =	simm.s32 $0x80  }
0xd3: {  	[tilespmem:s13], [sflag:$0x1] =	stream.indirect.gather [hbm4b:s3+s26], $0x80, s18, s26, $0xb8;
	[tilespmem:$0x8A00] =	vst v63  }
0xd4: {  	_ = 	snop  }
0xd5: {  	[tilespmem:s15], [sflag:$0x2] =	stream.indirect.gather [hbm4b:s4+s26], $0x80, s19, s26, $0xb8;
	[tilespmem:$0x8A00] =	vst v63  }
0xd6: {  	_ =	swait.ge [sflag:s16], $0x4000  }
0xd7: {  	[sflag:s16] =	ssyncset.done $0x0  }
0xd8: {  	[sflag:s16] =	ssyncadd.s32 $0xFFFFC000  }
0xd9: {  	_ =	swait.ge [sflag:s17], $0x4000  }
0xda: {  	[sflag:s17] =	ssyncset.done $0x0  }
0xdb: {  	[sflag:s17] =	ssyncadd.s32 $0xFFFFC000  }
0xdc: {  	s28 =	simm.s32 $0x280;
	v1 =	vld [tilespmem:s26+$0x0]  }
0xdd: {  	v2 =	vld [tilespmem:s28+$0x0];
	_ =	sdelay $0x1  }
0xde: {  	s26 =	simm.s32 $0x0  }
0xdf: {  	v3 =	vmov s26  }
0xe0: {  	v3 =	vshll.u32 v3, $0x7;
	v1 =	vshll.u32 v1, $0x4  }
0xe1: {  	v3 =	vor.u32 v0, v3;
	v2 =	vshll.u32 v2, $0x4;
	v1 =	vand.u32 $0x70, v1  }
0xe2: {  	v2 =	vand.u32 $0x70, v2;
	v1 =	vor.u32 v3, v1  }
0xe3: {  	v2 =	vor.u32 v3, v2  }
0xe4: {  	v3 =	vor.u32 $0x1, v1  }
0xe5: {  	v59 =	vor.u32 $0x1, v2  }
0xe6: {  	v60 =	vor.u32 $0x2, v1  }
0xe7: {  	v62 =	vor.u32 $0x2, v2;
	v61 =	vld.idx.msk [tilespmem:v1+s13+$0x0], $0xffff  }
0xe8: {  	v16 =	vor.u32 $0x3, v1;
	v63 =	vld.idx.msk [tilespmem:v2+s15+$0x0], $0xffff  }
0xe9: {  	v17 =	vor.u32 $0x3, v2;
	v3 =	vld.idx.msk [tilespmem:v3+s13+$0x0], $0xffff  }
0xea: {  	v18 =	vor.u32 $0x4, v1;
	v4 =	vld.idx.msk [tilespmem:v59+s15+$0x0], $0xffff  }
0xeb: {  	v19 =	vor.u32 $0x4, v2;
	v5 =	vld.idx.msk [tilespmem:v60+s13+$0x0], $0xffff  }
0xec: {  	v20 =	vor.u32 $0x5, v1;
	v7 =	vld.idx.msk [tilespmem:v62+s15+$0x0], $0xffff  }
0xed: {  	v21 =	vor.u32 $0x5, v2;
	v9 =	vld.idx.msk [tilespmem:v16+s13+$0x0], $0xffff;
	v6 =	vmul.f32 v63, v61  }
0xee: {  	v23 =	vor.u32 $0x6, v1;
	v22 =	vld.idx.msk [tilespmem:v17+s15+$0x0], $0xffff  }
0xef: {  	v24 =	vor.u32 $0x6, v2;
	v11 =	vld.idx.msk [tilespmem:v18+s13+$0x0], $0xffff;
	v3 =	vmul.f32 v4, v3;
	v6 =	vadd.f32 $0.0e+00, v6  }
0xf0: {  	v26 =	vor.u32 $0x7, v1;
	v25 =	vld.idx.msk [tilespmem:v19+s15+$0x0], $0xffff  }
0xf1: {  	v27 =	vor.u32 $0x7, v2;
	v13 =	vld.idx.msk [tilespmem:v20+s13+$0x0], $0xffff;
	v5 =	vmul.f32 v7, v5;
	v3 =	vadd.f32 v3, v6  }
0xf2: {  	v30 =	vor.u32 $0x8, v2;
	v28 =	vld.idx.msk [tilespmem:v21+s15+$0x0], $0xffff  }
0xf3: {  	v29 =	vor.u32 $0x8, v1;
	v10 =	vld.idx.msk [tilespmem:v23+s13+$0x0], $0xffff;
	v31 =	vmul.f32 v22, v9;
	v3 =	vadd.f32 v5, v3  }
0xf4: {  	v34 =	vor.u32 $0x9, v2;
	v32 =	vld.idx.msk [tilespmem:v24+s15+$0x0], $0xffff  }
0xf5: {  	v33 =	vor.u32 $0x9, v1;
	v12 =	vld.idx.msk [tilespmem:v26+s13+$0x0], $0xffff;
	v4 =	vmul.f32 v25, v11;
	v3 =	vadd.f32 v31, v3  }
0xf6: {  	v37 =	vor.u32 $0xA, v2;
	v35 =	vld.idx.msk [tilespmem:v27+s15+$0x0], $0xffff  }
0xf7: {  	v36 =	vor.u32 $0xA, v1;
	v39 =	vld.idx.msk [tilespmem:v30+s15+$0x0], $0xffff;
	v38 =	vmul.f32 v28, v13;
	v3 =	vadd.f32 v4, v3  }
0xf8: {  	v41 =	vor.u32 $0xB, v2;
	v7 =	vld.idx.msk [tilespmem:v29+s13+$0x0], $0xffff  }
0xf9: {  	v40 =	vor.u32 $0xB, v1;
	v43 =	vld.idx.msk [tilespmem:v34+s15+$0x0], $0xffff;
	v42 =	vmul.f32 v32, v10;
	v3 =	vadd.f32 v38, v3  }
0xfa: {  	v45 =	vor.u32 $0xC, v2;
	v9 =	vld.idx.msk [tilespmem:v33+s13+$0x0], $0xffff  }
0xfb: {  	v44 =	vor.u32 $0xC, v1;
	v47 =	vld.idx.msk [tilespmem:v37+s15+$0x0], $0xffff;
	v46 =	vmul.f32 v35, v12;
	v3 =	vadd.f32 v42, v3  }
0xfc: {  	v48 =	vor.u32 $0xD, v1;
	v11 =	vld.idx.msk [tilespmem:v36+s13+$0x0], $0xffff  }
0xfd: {  	v49 =	vor.u32 $0xD, v2;
	v51 =	vld.idx.msk [tilespmem:v41+s15+$0x0], $0xffff;
	v50 =	vmul.f32 v39, v7;
	v3 =	vadd.f32 v46, v3  }
0xfe: {  	v53 =	vor.u32 $0xE, v2;
	v13 =	vld.idx.msk [tilespmem:v40+s13+$0x0], $0xffff  }
0xff: {  	v52 =	vor.u32 $0xE, v1;
	v55 =	vld.idx.msk [tilespmem:v45+s15+$0x0], $0xffff;
	v54 =	vmul.f32 v43, v9;
	v3 =	vadd.f32 v50, v3  }
0x100: {  	v1 =	vor.u32 $0xF, v1;
	v10 =	vld.idx.msk [tilespmem:v44+s13+$0x0], $0xffff  }
0x101: {  	v2 =	vor.u32 $0xF, v2;
	v56 =	vld.idx.msk [tilespmem:v48+s13+$0x0], $0xffff;
	v57 =	vmul.f32 v47, v11;
	v3 =	vadd.f32 v54, v3  }
0x102: {  	v58 =	vld.idx.msk [tilespmem:v49+s15+$0x0], $0xffff  }
0x103: {  	v60 =	vld.idx.msk [tilespmem:v53+s15+$0x0], $0xffff;
	v59 =	vmul.f32 v51, v13;
	v3 =	vadd.f32 v57, v3  }
0x104: {  	v7 =	vld.idx.msk [tilespmem:v52+s13+$0x0], $0xffff  }
0x105: {  	v1 =	vld.idx.msk [tilespmem:v1+s13+$0x0], $0xffff;
	v61 =	vmul.f32 v55, v10;
	v3 =	vadd.f32 v59, v3  }
0x106: {  	v2 =	vld.idx.msk [tilespmem:v2+s15+$0x0], $0xffff  }
0x107: {  	v62 =	vmul.f32 v58, v56;
	v3 =	vadd.f32 v61, v3;
	_ =	sdelay $0x1  }
0x108: {  	v63 =	vmul.f32 v60, v7;
	v3 =	vadd.f32 v62, v3;
	_ =	sdelay $0x1  }
0x109: {  	v1 =	vmul.f32 v2, v1;
	v3 =	vadd.f32 v63, v3;
	_ =	sdelay $0x1  }
0x10a: {  	v1 =	vadd.f32 v1, v3;
	_ =	sdelay $0x1  }
0x10b: {  	v1 =	vsub.f32 $0.0e+00, v1;
	_ =	sdelay $0x1  }
0x10c: {  	v1 =	vmul.f32 $1.442695020e+00, v1;
	_ =	sdelay $0x1  }
0x10d: {  	(erf) = vpow2.f32 v1;
	_ =	sdelay $0x8  }
0x10e: {  	v1 =	vpop (erf)  }
0x10f: {  	v1 =	vadd.f32 $1.000000000e+00, v1;
	_ =	sdelay $0x1  }
0x110: {  	(erf) = vrcp.f32 v1;
	_ =	sdelay $0x8  }
0x111: {  	s26 =	simm.s32 $0x8880;
	v1 =	vpop (erf)  }
0x112: {  	s28 =	simm.s32 $0x90;
	[tilespmem:s26+$0x0] =	vst v1  }
0x113: {  	s29 =	simm.s32 $0x290;
	v2 =	vld [tilespmem:s28+$0x0]  }
0x114: {  	s30 =	simm.s32 $0x10;
	s31 =	simm.s32 $0x20;
	v1 =	vld [tilespmem:s29+$0x0]  }
.LBB2_6:
0x115: {  	p0 =	sne.s32 s31, $0x70;
	_ =	sdelay $0x1  }
0x116: {  	v3 =	vmov s30;
	s30 =	smov.u32 s31  }
0x117: {  	v3 =	vshll.u32 v3, $0x7;
	v2 =	vshll.u32 v2, $0x4  }
0x118: {  	v3 =	vor.u32 v0, v3;
	v2 =	vand.u32 $0x70, v2;
	v1 =	vshll.u32 v1, $0x4  }
0x119: {  	v1 =	vand.u32 $0x70, v1;
	v2 =	vor.u32 v3, v2  }
0x11a: {  	v1 =	vor.u32 v3, v1  }
0x11b: {  	v3 =	vor.u32 $0x1, v2  }
0x11c: {  	v4 =	vor.u32 $0x1, v1  }
0x11d: {  	v5 =	vor.u32 $0x2, v2  }
0x11e: {  	v7 =	vor.u32 $0x2, v1;
	v6 =	vld.idx.msk [tilespmem:v2+s13+$0x0], $0xffff  }
0x11f: {  	v9 =	vor.u32 $0x3, v2;
	v8 =	vld.idx.msk [tilespmem:v1+s15+$0x0], $0xffff  }
0x120: {  	v10 =	vor.u32 $0x3, v1;
	v3 =	vld.idx.msk [tilespmem:v3+s13+$0x0], $0xffff  }
0x121: {  	v11 =	vor.u32 $0x4, v2;
	v4 =	vld.idx.msk [tilespmem:v4+s15+$0x0], $0xffff  }
0x122: {  	v12 =	vor.u32 $0x4, v1;
	v5 =	vld.idx.msk [tilespmem:v5+s13+$0x0], $0xffff  }
0x123: {  	v13 =	vor.u32 $0x5, v2;
	v7 =	vld.idx.msk [tilespmem:v7+s15+$0x0], $0xffff  }
0x124: {  	v14 =	vor.u32 $0x5, v1;
	v9 =	vld.idx.msk [tilespmem:v9+s13+$0x0], $0xffff  }
0x125: {  	v6 =	vmul.f32 v8, v6;
	v8 =	vld.idx.msk [tilespmem:v10+s15+$0x0], $0xffff;
	v10 =	vor.u32 $0x6, v2  }
0x126: {  	v15 =	vor.u32 $0x6, v1;
	v11 =	vld.idx.msk [tilespmem:v11+s13+$0x0], $0xffff  }
0x127: {  	v6 =	vadd.f32 $0.0e+00, v6;
	v3 =	vmul.f32 v4, v3;
	v4 =	vld.idx.msk [tilespmem:v12+s15+$0x0], $0xffff;
	v12 =	vor.u32 $0x7, v2  }
0x128: {  	v16 =	vor.u32 $0x7, v1;
	v13 =	vld.idx.msk [tilespmem:v13+s13+$0x0], $0xffff  }
0x129: {  	v3 =	vadd.f32 v3, v6;
	v5 =	vmul.f32 v7, v5;
	v7 =	vor.u32 $0x8, v2;
	v6 =	vld.idx.msk [tilespmem:v14+s15+$0x0], $0xffff  }
0x12a: {  	v14 =	vor.u32 $0x8, v1;
	v10 =	vld.idx.msk [tilespmem:v10+s13+$0x0], $0xffff  }
0x12b: {  	v3 =	vadd.f32 v5, v3;
	v5 =	vmul.f32 v8, v9;
	v9 =	vor.u32 $0x9, v2;
	v8 =	vld.idx.msk [tilespmem:v15+s15+$0x0], $0xffff  }
0x12c: {  	v15 =	vor.u32 $0x9, v1;
	v12 =	vld.idx.msk [tilespmem:v12+s13+$0x0], $0xffff  }
0x12d: {  	v3 =	vadd.f32 v5, v3;
	v4 =	vmul.f32 v4, v11;
	v11 =	vor.u32 $0xA, v2;
	v5 =	vld.idx.msk [tilespmem:v16+s15+$0x0], $0xffff  }
0x12e: {  	v16 =	vor.u32 $0xA, v1;
	v7 =	vld.idx.msk [tilespmem:v7+s13+$0x0], $0xffff  }
0x12f: {  	v3 =	vadd.f32 v4, v3;
	v4 =	vmul.f32 v6, v13;
	v13 =	vor.u32 $0xB, v2;
	v6 =	vld.idx.msk [tilespmem:v14+s15+$0x0], $0xffff  }
0x130: {  	v14 =	vor.u32 $0xB, v1;
	v9 =	vld.idx.msk [tilespmem:v9+s13+$0x0], $0xffff  }
0x131: {  	v3 =	vadd.f32 v4, v3;
	v4 =	vmul.f32 v8, v10;
	v10 =	vor.u32 $0xC, v2;
	v8 =	vld.idx.msk [tilespmem:v15+s15+$0x0], $0xffff  }
0x132: {  	v15 =	vor.u32 $0xC, v1;
	v11 =	vld.idx.msk [tilespmem:v11+s13+$0x0], $0xffff  }
0x133: {  	v3 =	vadd.f32 v4, v3;
	v4 =	vmul.f32 v5, v12;
	v12 =	vor.u32 $0xD, v2;
	v5 =	vld.idx.msk [tilespmem:v16+s15+$0x0], $0xffff  }
0x134: {  	v16 =	vor.u32 $0xD, v1;
	v13 =	vld.idx.msk [tilespmem:v13+s13+$0x0], $0xffff  }
0x135: {  	v3 =	vadd.f32 v4, v3;
	v4 =	vmul.f32 v6, v7;
	v7 =	vor.u32 $0xE, v2;
	v6 =	vld.idx.msk [tilespmem:v14+s15+$0x0], $0xffff  }
0x136: {  	v14 =	vor.u32 $0xE, v1;
	v10 =	vld.idx.msk [tilespmem:v10+s13+$0x0], $0xffff  }
0x137: {  	v2 =	vor.u32 $0xF, v2;
	v3 =	vadd.f32 v4, v3;
	v4 =	vmul.f32 v8, v9;
	v8 =	vld.idx.msk [tilespmem:v15+s15+$0x0], $0xffff  }
0x138: {  	v1 =	vor.u32 $0xF, v1;
	v9 =	vld.idx.msk [tilespmem:v12+s13+$0x0], $0xffff  }
0x139: {  	v3 =	vadd.f32 v4, v3;
	v4 =	vmul.f32 v5, v11;
	v5 =	vld.idx.msk [tilespmem:v16+s15+$0x0], $0xffff  }
0x13a: {  	v7 =	vld.idx.msk [tilespmem:v7+s13+$0x0], $0xffff  }
0x13b: {  	v3 =	vadd.f32 v4, v3;
	v4 =	vmul.f32 v6, v13;
	v6 =	vld.idx.msk [tilespmem:v14+s15+$0x0], $0xffff  }
0x13c: {  	v2 =	vld.idx.msk [tilespmem:v2+s13+$0x0], $0xffff  }
0x13d: {  	v3 =	vadd.f32 v4, v3;
	v4 =	vmul.f32 v8, v10;
	v1 =	vld.idx.msk [tilespmem:v1+s15+$0x0], $0xffff;
	_ =	sdelay $0x1  }
0x13e: {  	v3 =	vadd.f32 v4, v3;
	v4 =	vmul.f32 v5, v9;
	_ =	sdelay $0x1  }
0x13f: {  	v3 =	vadd.f32 v4, v3;
	v4 =	vmul.f32 v6, v7;
	_ =	sdelay $0x1  }
0x140: {  	v3 =	vadd.f32 v4, v3;
	v1 =	vmul.f32 v1, v2;
	_ =	sdelay $0x1  }
0x141: {  	v1 =	vadd.f32 v1, v3;
	_ =	sdelay $0x1  }
0x142: {  	v1 =	vsub.f32 $0.0e+00, v1;
	_ =	sdelay $0x1  }
0x143: {  	v1 =	vmul.f32 $1.442695020e+00, v1;
	_ =	sdelay $0x1  }
0x144: {  	(erf) = vpow2.f32 v1;
	_ =	sdelay $0x8  }
0x145: {  	v1 =	vpop (erf)  }
0x146: {  	v1 =	vadd.f32 $1.000000000e+00, v1;
	_ =	sdelay $0x1  }
0x147: {  	(erf) = vrcp.f32 v1;
	_ =	sdelay $0x7  }
.Ltmp2:
0x148: {  	(pc) =	sbr.rel @p0 .LBB2_6-.Ltmp2, $4  }
0x149: {  	s26 =	sadd.s32 $0x10, s26;
	v1 =	vpop (erf)  }
0x14a: {  	s28 =	sadd.s32 $0x10, s28;
	[tilespmem:s26+$0x0] =	vst v1  }
0x14b: {  	s29 =	sadd.s32 $0x10, s29;
	v2 =	vld [tilespmem:s28+$0x0]  }
0x14c: {  	s31 =	sadd.s32 $0x10, s31;
	v1 =	vld [tilespmem:s29+$0x0]  }
0x14d: {  	_ =	sdelay $0x1  }
0x14e: {  	v3 =	vmov s30  }
0x14f: {  	v3 =	vshll.u32 v3, $0x7;
	v2 =	vshll.u32 v2, $0x4  }
0x150: {  	v3 =	vor.u32 v0, v3;
	v2 =	vand.u32 $0x70, v2;
	v1 =	vshll.u32 v1, $0x4  }
0x151: {  	v1 =	vand.u32 $0x70, v1;
	v2 =	vor.u32 v3, v2  }
0x152: {  	v1 =	vor.u32 v3, v1  }
0x153: {  	v3 =	vor.u32 $0x1, v2  }
0x154: {  	v4 =	vor.u32 $0x1, v1  }
0x155: {  	v5 =	vor.u32 $0x2, v2  }
0x156: {  	v7 =	vor.u32 $0x2, v1;
	v6 =	vld.idx.msk [tilespmem:v2+s13+$0x0], $0xffff  }
0x157: {  	v9 =	vor.u32 $0x3, v2;
	v8 =	vld.idx.msk [tilespmem:v1+s15+$0x0], $0xffff  }
0x158: {  	v10 =	vor.u32 $0x3, v1;
	v3 =	vld.idx.msk [tilespmem:v3+s13+$0x0], $0xffff  }
0x159: {  	v11 =	vor.u32 $0x4, v2;
	v4 =	vld.idx.msk [tilespmem:v4+s15+$0x0], $0xffff  }
0x15a: {  	v12 =	vor.u32 $0x4, v1;
	v5 =	vld.idx.msk [tilespmem:v5+s13+$0x0], $0xffff  }
0x15b: {  	v13 =	vor.u32 $0x5, v2;
	v7 =	vld.idx.msk [tilespmem:v7+s15+$0x0], $0xffff  }
0x15c: {  	v14 =	vor.u32 $0x5, v1;
	v9 =	vld.idx.msk [tilespmem:v9+s13+$0x0], $0xffff;
	v6 =	vmul.f32 v8, v6  }
0x15d: {  	v20 =	vor.u32 $0x6, v2;
	v63 =	vld.idx.msk [tilespmem:v10+s15+$0x0], $0xffff  }
0x15e: {  	v15 =	vor.u32 $0x6, v1;
	v11 =	vld.idx.msk [tilespmem:v11+s13+$0x0], $0xffff;
	v3 =	vmul.f32 v4, v3;
	v6 =	vadd.f32 $0.0e+00, v6  }
0x15f: {  	v22 =	vor.u32 $0x7, v2;
	v21 =	vld.idx.msk [tilespmem:v12+s15+$0x0], $0xffff  }
0x160: {  	v16 =	vor.u32 $0x7, v1;
	v13 =	vld.idx.msk [tilespmem:v13+s13+$0x0], $0xffff;
	v5 =	vmul.f32 v7, v5;
	v3 =	vadd.f32 v3, v6  }
0x161: {  	v25 =	vor.u32 $0x8, v1;
	v23 =	vld.idx.msk [tilespmem:v14+s15+$0x0], $0xffff  }
0x162: {  	v24 =	vor.u32 $0x8, v2;
	v10 =	vld.idx.msk [tilespmem:v20+s13+$0x0], $0xffff;
	v26 =	vmul.f32 v63, v9;
	v3 =	vadd.f32 v5, v3  }
0x163: {  	v29 =	vor.u32 $0x9, v1;
	v27 =	vld.idx.msk [tilespmem:v15+s15+$0x0], $0xffff  }
0x164: {  	v28 =	vor.u32 $0x9, v2;
	v12 =	vld.idx.msk [tilespmem:v22+s13+$0x0], $0xffff;
	v4 =	vmul.f32 v21, v11;
	v3 =	vadd.f32 v26, v3  }
0x165: {  	v32 =	vor.u32 $0xA, v1;
	v30 =	vld.idx.msk [tilespmem:v16+s15+$0x0], $0xffff  }
0x166: {  	v31 =	vor.u32 $0xA, v2;
	v34 =	vld.idx.msk [tilespmem:v25+s15+$0x0], $0xffff;
	v33 =	vmul.f32 v23, v13;
	v3 =	vadd.f32 v4, v3  }
0x167: {  	v36 =	vor.u32 $0xB, v1;
	v7 =	vld.idx.msk [tilespmem:v24+s13+$0x0], $0xffff  }
0x168: {  	v35 =	vor.u32 $0xB, v2;
	v38 =	vld.idx.msk [tilespmem:v29+s15+$0x0], $0xffff;
	v37 =	vmul.f32 v27, v10;
	v3 =	vadd.f32 v33, v3  }
0x169: {  	v40 =	vor.u32 $0xC, v1;
	v9 =	vld.idx.msk [tilespmem:v28+s13+$0x0], $0xffff  }
0x16a: {  	v39 =	vor.u32 $0xC, v2;
	v42 =	vld.idx.msk [tilespmem:v32+s15+$0x0], $0xffff;
	v41 =	vmul.f32 v30, v12;
	v3 =	vadd.f32 v37, v3  }
0x16b: {  	v43 =	vor.u32 $0xD, v2;
	v11 =	vld.idx.msk [tilespmem:v31+s13+$0x0], $0xffff  }
0x16c: {  	v44 =	vor.u32 $0xD, v1;
	v46 =	vld.idx.msk [tilespmem:v36+s15+$0x0], $0xffff;
	v45 =	vmul.f32 v34, v7;
	v3 =	vadd.f32 v41, v3  }
0x16d: {  	v48 =	vor.u32 $0xE, v1;
	v13 =	vld.idx.msk [tilespmem:v35+s13+$0x0], $0xffff  }
0x16e: {  	v47 =	vor.u32 $0xE, v2;
	v50 =	vld.idx.msk [tilespmem:v40+s15+$0x0], $0xffff;
	v49 =	vmul.f32 v38, v9;
	v3 =	vadd.f32 v45, v3  }
0x16f: {  	v2 =	vor.u32 $0xF, v2;
	v10 =	vld.idx.msk [tilespmem:v39+s13+$0x0], $0xffff  }
0x170: {  	v51 =	vld.idx.msk [tilespmem:v43+s13+$0x0], $0xffff;
	v1 =	vor.u32 $0xF, v1;
	v52 =	vmul.f32 v42, v11;
	v3 =	vadd.f32 v49, v3  }
0x171: {  	v53 =	vld.idx.msk [tilespmem:v44+s15+$0x0], $0xffff  }
0x172: {  	v55 =	vld.idx.msk [tilespmem:v48+s15+$0x0], $0xffff;
	v54 =	vmul.f32 v46, v13;
	v3 =	vadd.f32 v52, v3  }
0x173: {  	v7 =	vld.idx.msk [tilespmem:v47+s13+$0x0], $0xffff  }
0x174: {  	v2 =	vld.idx.msk [tilespmem:v2+s13+$0x0], $0xffff;
	v56 =	vmul.f32 v50, v10;
	v3 =	vadd.f32 v54, v3  }
0x175: {  	v1 =	vld.idx.msk [tilespmem:v1+s15+$0x0], $0xffff  }
0x176: {  	v57 =	vmul.f32 v53, v51;
	v3 =	vadd.f32 v56, v3;
	_ =	sdelay $0x1  }
0x177: {  	v58 =	vmul.f32 v55, v7;
	v3 =	vadd.f32 v57, v3;
	_ =	sdelay $0x1  }
0x178: {  	v1 =	vmul.f32 v1, v2;
	v3 =	vadd.f32 v58, v3;
	_ =	sdelay $0x1  }
0x179: {  	v1 =	vadd.f32 v1, v3;
	_ =	sdelay $0x1  }
0x17a: {  	v1 =	vsub.f32 $0.0e+00, v1;
	_ =	sdelay $0x1  }
0x17b: {  	v1 =	vmul.f32 $1.442695020e+00, v1;
	_ =	sdelay $0x1  }
0x17c: {  	(erf) = vpow2.f32 v1;
	_ =	sdelay $0x8  }
0x17d: {  	v1 =	vpop (erf)  }
0x17e: {  	v1 =	vadd.f32 $1.000000000e+00, v1;
	_ =	sdelay $0x1  }
0x17f: {  	(erf) = vrcp.f32 v1;
	_ =	sdelay $0x8  }
0x180: {  	s26 =	sadd.s32 $0x10, s26;
	v1 =	vpop (erf)  }
0x181: {  	[tilespmem:s26+$0x0] =	vst v1  }
0x182: {  	[tilespmem:s13], [sflag:$0x1] =	stream.indirect.gather [hbm4b:s3+s9], $0x80, s20, s9, $0xb8;
	[tilespmem:$0x8A00] =	vst v63  }
0x183: {  	_ = 	snop  }
0x184: {  	[tilespmem:s15], [sflag:$0x2] =	stream.indirect.gather [hbm4b:s4+s9], $0x80, s21, s9, $0xb8;
	[tilespmem:$0x8A00] =	vst v63  }
0x185: {  	_ =	swait.ge [sflag:s16], $0x4000  }
0x186: {  	[sflag:s16] =	ssyncset.done $0x0  }
0x187: {  	[sflag:s16] =	ssyncadd.s32 $0xFFFFC000  }
0x188: {  	_ =	swait.ge [sflag:s17], $0x4000  }
0x189: {  	[sflag:s17] =	ssyncset.done $0x0  }
0x18a: {  	s26 =	simm.s32 $0x100;
	[sflag:s17] =	ssyncadd.s32 $0xFFFFC000  }
0x18b: {  	s28 =	simm.s32 $0x300;
	v1 =	vld [tilespmem:s26+$0x0]  }
0x18c: {  	v2 =	vld [tilespmem:s28+$0x0];
	_ =	sdelay $0x1  }
0x18d: {  	s26 =	simm.s32 $0x0  }
0x18e: {  	v3 =	vmov s26  }
0x18f: {  	v3 =	vshll.u32 v3, $0x7;
	v1 =	vshll.u32 v1, $0x4  }
0x190: {  	v3 =	vor.u32 v0, v3;
	v2 =	vshll.u32 v2, $0x4;
	v1 =	vand.u32 $0x70, v1  }
0x191: {  	v2 =	vand.u32 $0x70, v2;
	v1 =	vor.u32 v3, v1  }
0x192: {  	v2 =	vor.u32 v3, v2  }
0x193: {  	v3 =	vor.u32 $0x1, v1  }
0x194: {  	v59 =	vor.u32 $0x1, v2  }
0x195: {  	v60 =	vor.u32 $0x2, v1  }
0x196: {  	v62 =	vor.u32 $0x2, v2;
	v61 =	vld.idx.msk [tilespmem:v1+s13+$0x0], $0xffff  }
0x197: {  	v16 =	vor.u32 $0x3, v1;
	v63 =	vld.idx.msk [tilespmem:v2+s15+$0x0], $0xffff  }
0x198: {  	v17 =	vor.u32 $0x3, v2;
	v3 =	vld.idx.msk [tilespmem:v3+s13+$0x0], $0xffff  }
0x199: {  	v18 =	vor.u32 $0x4, v1;
	v4 =	vld.idx.msk [tilespmem:v59+s15+$0x0], $0xffff  }
0x19a: {  	v19 =	vor.u32 $0x4, v2;
	v5 =	vld.idx.msk [tilespmem:v60+s13+$0x0], $0xffff  }
0x19b: {  	v20 =	vor.u32 $0x5, v1;
	v7 =	vld.idx.msk [tilespmem:v62+s15+$0x0], $0xffff  }
0x19c: {  	v21 =	vor.u32 $0x5, v2;
	v9 =	vld.idx.msk [tilespmem:v16+s13+$0x0], $0xffff;
	v6 =	vmul.f32 v63, v61  }
0x19d: {  	v23 =	vor.u32 $0x6, v1;
	v22 =	vld.idx.msk [tilespmem:v17+s15+$0x0], $0xffff  }
0x19e: {  	v24 =	vor.u32 $0x6, v2;
	v11 =	vld.idx.msk [tilespmem:v18+s13+$0x0], $0xffff;
	v3 =	vmul.f32 v4, v3;
	v6 =	vadd.f32 $0.0e+00, v6  }
0x19f: {  	v26 =	vor.u32 $0x7, v1;
	v25 =	vld.idx.msk [tilespmem:v19+s15+$0x0], $0xffff  }
0x1a0: {  	v27 =	vor.u32 $0x7, v2;
	v13 =	vld.idx.msk [tilespmem:v20+s13+$0x0], $0xffff;
	v5 =	vmul.f32 v7, v5;
	v3 =	vadd.f32 v3, v6  }
0x1a1: {  	v30 =	vor.u32 $0x8, v2;
	v28 =	vld.idx.msk [tilespmem:v21+s15+$0x0], $0xffff  }
0x1a2: {  	v29 =	vor.u32 $0x8, v1;
	v10 =	vld.idx.msk [tilespmem:v23+s13+$0x0], $0xffff;
	v31 =	vmul.f32 v22, v9;
	v3 =	vadd.f32 v5, v3  }
0x1a3: {  	v34 =	vor.u32 $0x9, v2;
	v32 =	vld.idx.msk [tilespmem:v24+s15+$0x0], $0xffff  }
0x1a4: {  	v33 =	vor.u32 $0x9, v1;
	v12 =	vld.idx.msk [tilespmem:v26+s13+$0x0], $0xffff;
	v4 =	vmul.f32 v25, v11;
	v3 =	vadd.f32 v31, v3  }
0x1a5: {  	v37 =	vor.u32 $0xA, v2;
	v35 =	vld.idx.msk [tilespmem:v27+s15+$0x0], $0xffff  }
0x1a6: {  	v36 =	vor.u32 $0xA, v1;
	v39 =	vld.idx.msk [tilespmem:v30+s15+$0x0], $0xffff;
	v38 =	vmul.f32 v28, v13;
	v3 =	vadd.f32 v4, v3  }
0x1a7: {  	v41 =	vor.u32 $0xB, v2;
	v7 =	vld.idx.msk [tilespmem:v29+s13+$0x0], $0xffff  }
0x1a8: {  	v40 =	vor.u32 $0xB, v1;
	v43 =	vld.idx.msk [tilespmem:v34+s15+$0x0], $0xffff;
	v42 =	vmul.f32 v32, v10;
	v3 =	vadd.f32 v38, v3  }
0x1a9: {  	v45 =	vor.u32 $0xC, v2;
	v9 =	vld.idx.msk [tilespmem:v33+s13+$0x0], $0xffff  }
0x1aa: {  	v44 =	vor.u32 $0xC, v1;
	v47 =	vld.idx.msk [tilespmem:v37+s15+$0x0], $0xffff;
	v46 =	vmul.f32 v35, v12;
	v3 =	vadd.f32 v42, v3  }
0x1ab: {  	v48 =	vor.u32 $0xD, v1;
	v11 =	vld.idx.msk [tilespmem:v36+s13+$0x0], $0xffff  }
0x1ac: {  	v49 =	vor.u32 $0xD, v2;
	v51 =	vld.idx.msk [tilespmem:v41+s15+$0x0], $0xffff;
	v50 =	vmul.f32 v39, v7;
	v3 =	vadd.f32 v46, v3  }
0x1ad: {  	v53 =	vor.u32 $0xE, v2;
	v13 =	vld.idx.msk [tilespmem:v40+s13+$0x0], $0xffff  }
0x1ae: {  	v52 =	vor.u32 $0xE, v1;
	v55 =	vld.idx.msk [tilespmem:v45+s15+$0x0], $0xffff;
	v54 =	vmul.f32 v43, v9;
	v3 =	vadd.f32 v50, v3  }
0x1af: {  	v1 =	vor.u32 $0xF, v1;
	v10 =	vld.idx.msk [tilespmem:v44+s13+$0x0], $0xffff  }
0x1b0: {  	v2 =	vor.u32 $0xF, v2;
	v56 =	vld.idx.msk [tilespmem:v48+s13+$0x0], $0xffff;
	v57 =	vmul.f32 v47, v11;
	v3 =	vadd.f32 v54, v3  }
0x1b1: {  	v58 =	vld.idx.msk [tilespmem:v49+s15+$0x0], $0xffff  }
0x1b2: {  	v60 =	vld.idx.msk [tilespmem:v53+s15+$0x0], $0xffff;
	v59 =	vmul.f32 v51, v13;
	v3 =	vadd.f32 v57, v3  }
0x1b3: {  	v7 =	vld.idx.msk [tilespmem:v52+s13+$0x0], $0xffff  }
0x1b4: {  	v1 =	vld.idx.msk [tilespmem:v1+s13+$0x0], $0xffff;
	v61 =	vmul.f32 v55, v10;
	v3 =	vadd.f32 v59, v3  }
0x1b5: {  	v2 =	vld.idx.msk [tilespmem:v2+s15+$0x0], $0xffff  }
0x1b6: {  	v62 =	vmul.f32 v58, v56;
	v3 =	vadd.f32 v61, v3;
	_ =	sdelay $0x1  }
0x1b7: {  	v63 =	vmul.f32 v60, v7;
	v3 =	vadd.f32 v62, v3;
	_ =	sdelay $0x1  }
0x1b8: {  	v1 =	vmul.f32 v2, v1;
	v3 =	vadd.f32 v63, v3;
	_ =	sdelay $0x1  }
0x1b9: {  	v1 =	vadd.f32 v1, v3;
	_ =	sdelay $0x1  }
0x1ba: {  	v1 =	vsub.f32 $0.0e+00, v1;
	_ =	sdelay $0x1  }
0x1bb: {  	v1 =	vmul.f32 $1.442695020e+00, v1;
	_ =	sdelay $0x1  }
0x1bc: {  	(erf) = vpow2.f32 v1;
	_ =	sdelay $0x8  }
0x1bd: {  	v1 =	vpop (erf)  }
0x1be: {  	v1 =	vadd.f32 $1.000000000e+00, v1;
	_ =	sdelay $0x1  }
0x1bf: {  	(erf) = vrcp.f32 v1;
	_ =	sdelay $0x8  }
0x1c0: {  	s26 =	simm.s32 $0x8900;
	v1 =	vpop (erf)  }
0x1c1: {  	s28 =	simm.s32 $0x110;
	[tilespmem:s26+$0x0] =	vst v1  }
0x1c2: {  	s29 =	simm.s32 $0x310;
	v2 =	vld [tilespmem:s28+$0x0]  }
0x1c3: {  	s30 =	simm.s32 $0x10;
	s31 =	simm.s32 $0x20;
	v1 =	vld [tilespmem:s29+$0x0]  }
.LBB2_8:
0x1c4: {  	p0 =	sne.s32 s31, $0x70;
	_ =	sdelay $0x1  }
0x1c5: {  	v3 =	vmov s30;
	s30 =	smov.u32 s31  }
0x1c6: {  	v3 =	vshll.u32 v3, $0x7;
	v2 =	vshll.u32 v2, $0x4  }
0x1c7: {  	v3 =	vor.u32 v0, v3;
	v2 =	vand.u32 $0x70, v2;
	v1 =	vshll.u32 v1, $0x4  }
0x1c8: {  	v1 =	vand.u32 $0x70, v1;
	v2 =	vor.u32 v3, v2  }
0x1c9: {  	v1 =	vor.u32 v3, v1  }
0x1ca: {  	v3 =	vor.u32 $0x1, v2  }
0x1cb: {  	v4 =	vor.u32 $0x1, v1  }
0x1cc: {  	v5 =	vor.u32 $0x2, v2  }
0x1cd: {  	v7 =	vor.u32 $0x2, v1;
	v6 =	vld.idx.msk [tilespmem:v2+s13+$0x0], $0xffff  }
0x1ce: {  	v9 =	vor.u32 $0x3, v2;
	v8 =	vld.idx.msk [tilespmem:v1+s15+$0x0], $0xffff  }
0x1cf: {  	v10 =	vor.u32 $0x3, v1;
	v3 =	vld.idx.msk [tilespmem:v3+s13+$0x0], $0xffff  }
0x1d0: {  	v11 =	vor.u32 $0x4, v2;
	v4 =	vld.idx.msk [tilespmem:v4+s15+$0x0], $0xffff  }
0x1d1: {  	v12 =	vor.u32 $0x4, v1;
	v5 =	vld.idx.msk [tilespmem:v5+s13+$0x0], $0xffff  }
0x1d2: {  	v13 =	vor.u32 $0x5, v2;
	v7 =	vld.idx.msk [tilespmem:v7+s15+$0x0], $0xffff  }
0x1d3: {  	v14 =	vor.u32 $0x5, v1;
	v9 =	vld.idx.msk [tilespmem:v9+s13+$0x0], $0xffff  }
0x1d4: {  	v6 =	vmul.f32 v8, v6;
	v8 =	vld.idx.msk [tilespmem:v10+s15+$0x0], $0xffff;
	v10 =	vor.u32 $0x6, v2  }
0x1d5: {  	v15 =	vor.u32 $0x6, v1;
	v11 =	vld.idx.msk [tilespmem:v11+s13+$0x0], $0xffff  }
0x1d6: {  	v6 =	vadd.f32 $0.0e+00, v6;
	v3 =	vmul.f32 v4, v3;
	v4 =	vld.idx.msk [tilespmem:v12+s15+$0x0], $0xffff;
	v12 =	vor.u32 $0x7, v2  }
0x1d7: {  	v16 =	vor.u32 $0x7, v1;
	v13 =	vld.idx.msk [tilespmem:v13+s13+$0x0], $0xffff  }
0x1d8: {  	v3 =	vadd.f32 v3, v6;
	v5 =	vmul.f32 v7, v5;
	v7 =	vor.u32 $0x8, v2;
	v6 =	vld.idx.msk [tilespmem:v14+s15+$0x0], $0xffff  }
0x1d9: {  	v14 =	vor.u32 $0x8, v1;
	v10 =	vld.idx.msk [tilespmem:v10+s13+$0x0], $0xffff  }
0x1da: {  	v3 =	vadd.f32 v5, v3;
	v5 =	vmul.f32 v8, v9;
	v9 =	vor.u32 $0x9, v2;
	v8 =	vld.idx.msk [tilespmem:v15+s15+$0x0], $0xffff  }
0x1db: {  	v15 =	vor.u32 $0x9, v1;
	v12 =	vld.idx.msk [tilespmem:v12+s13+$0x0], $0xffff  }
0x1dc: {  	v3 =	vadd.f32 v5, v3;
	v4 =	vmul.f32 v4, v11;
	v11 =	vor.u32 $0xA, v2;
	v5 =	vld.idx.msk [tilespmem:v16+s15+$0x0], $0xffff  }
0x1dd: {  	v16 =	vor.u32 $0xA, v1;
	v7 =	vld.idx.msk [tilespmem:v7+s13+$0x0], $0xffff  }
0x1de: {  	v3 =	vadd.f32 v4, v3;
	v4 =	vmul.f32 v6, v13;
	v13 =	vor.u32 $0xB, v2;
	v6 =	vld.idx.msk [tilespmem:v14+s15+$0x0], $0xffff  }
0x1df: {  	v14 =	vor.u32 $0xB, v1;
	v9 =	vld.idx.msk [tilespmem:v9+s13+$0x0], $0xffff  }
0x1e0: {  	v3 =	vadd.f32 v4, v3;
	v4 =	vmul.f32 v8, v10;
	v10 =	vor.u32 $0xC, v2;
	v8 =	vld.idx.msk [tilespmem:v15+s15+$0x0], $0xffff  }
0x1e1: {  	v15 =	vor.u32 $0xC, v1;
	v11 =	vld.idx.msk [tilespmem:v11+s13+$0x0], $0xffff  }
0x1e2: {  	v3 =	vadd.f32 v4, v3;
	v4 =	vmul.f32 v5, v12;
	v12 =	vor.u32 $0xD, v2;
	v5 =	vld.idx.msk [tilespmem:v16+s15+$0x0], $0xffff  }
0x1e3: {  	v16 =	vor.u32 $0xD, v1;
	v13 =	vld.idx.msk [tilespmem:v13+s13+$0x0], $0xffff  }
0x1e4: {  	v3 =	vadd.f32 v4, v3;
	v4 =	vmul.f32 v6, v7;
	v7 =	vor.u32 $0xE, v2;
	v6 =	vld.idx.msk [tilespmem:v14+s15+$0x0], $0xffff  }
0x1e5: {  	v14 =	vor.u32 $0xE, v1;
	v10 =	vld.idx.msk [tilespmem:v10+s13+$0x0], $0xffff  }
0x1e6: {  	v2 =	vor.u32 $0xF, v2;
	v3 =	vadd.f32 v4, v3;
	v4 =	vmul.f32 v8, v9;
	v8 =	vld.idx.msk [tilespmem:v15+s15+$0x0], $0xffff  }
0x1e7: {  	v1 =	vor.u32 $0xF, v1;
	v9 =	vld.idx.msk [tilespmem:v12+s13+$0x0], $0xffff  }
0x1e8: {  	v3 =	vadd.f32 v4, v3;
	v4 =	vmul.f32 v5, v11;
	v5 =	vld.idx.msk [tilespmem:v16+s15+$0x0], $0xffff  }
0x1e9: {  	v7 =	vld.idx.msk [tilespmem:v7+s13+$0x0], $0xffff  }
0x1ea: {  	v3 =	vadd.f32 v4, v3;
	v4 =	vmul.f32 v6, v13;
	v6 =	vld.idx.msk [tilespmem:v14+s15+$0x0], $0xffff  }
0x1eb: {  	v2 =	vld.idx.msk [tilespmem:v2+s13+$0x0], $0xffff  }
0x1ec: {  	v3 =	vadd.f32 v4, v3;
	v4 =	vmul.f32 v8, v10;
	v1 =	vld.idx.msk [tilespmem:v1+s15+$0x0], $0xffff;
	_ =	sdelay $0x1  }
0x1ed: {  	v3 =	vadd.f32 v4, v3;
	v4 =	vmul.f32 v5, v9;
	_ =	sdelay $0x1  }
0x1ee: {  	v3 =	vadd.f32 v4, v3;
	v4 =	vmul.f32 v6, v7;
	_ =	sdelay $0x1  }
0x1ef: {  	v3 =	vadd.f32 v4, v3;
	v1 =	vmul.f32 v1, v2;
	_ =	sdelay $0x1  }
0x1f0: {  	v1 =	vadd.f32 v1, v3;
	_ =	sdelay $0x1  }
0x1f1: {  	v1 =	vsub.f32 $0.0e+00, v1;
	_ =	sdelay $0x1  }
0x1f2: {  	v1 =	vmul.f32 $1.442695020e+00, v1;
	_ =	sdelay $0x1  }
0x1f3: {  	(erf) = vpow2.f32 v1;
	_ =	sdelay $0x8  }
0x1f4: {  	v1 =	vpop (erf)  }
0x1f5: {  	v1 =	vadd.f32 $1.000000000e+00, v1;
	_ =	sdelay $0x1  }
0x1f6: {  	(erf) = vrcp.f32 v1;
	_ =	sdelay $0x7  }
.Ltmp3:
0x1f7: {  	(pc) =	sbr.rel @p0 .LBB2_8-.Ltmp3, $4  }
0x1f8: {  	s26 =	sadd.s32 $0x10, s26;
	v1 =	vpop (erf)  }
0x1f9: {  	s28 =	sadd.s32 $0x10, s28;
	[tilespmem:s26+$0x0] =	vst v1  }
0x1fa: {  	s29 =	sadd.s32 $0x10, s29;
	v2 =	vld [tilespmem:s28+$0x0]  }
0x1fb: {  	s31 =	sadd.s32 $0x10, s31;
	v1 =	vld [tilespmem:s29+$0x0]  }
0x1fc: {  	_ =	sdelay $0x1  }
0x1fd: {  	v3 =	vmov s30  }
0x1fe: {  	v3 =	vshll.u32 v3, $0x7;
	v2 =	vshll.u32 v2, $0x4  }
0x1ff: {  	v3 =	vor.u32 v0, v3;
	v2 =	vand.u32 $0x70, v2;
	v1 =	vshll.u32 v1, $0x4  }
0x200: {  	v1 =	vand.u32 $0x70, v1;
	v2 =	vor.u32 v3, v2  }
0x201: {  	v1 =	vor.u32 v3, v1  }
0x202: {  	v3 =	vor.u32 $0x1, v2  }
0x203: {  	v4 =	vor.u32 $0x1, v1  }
0x204: {  	v5 =	vor.u32 $0x2, v2  }
0x205: {  	v7 =	vor.u32 $0x2, v1;
	v6 =	vld.idx.msk [tilespmem:v2+s13+$0x0], $0xffff  }
0x206: {  	v9 =	vor.u32 $0x3, v2;
	v8 =	vld.idx.msk [tilespmem:v1+s15+$0x0], $0xffff  }
0x207: {  	v10 =	vor.u32 $0x3, v1;
	v3 =	vld.idx.msk [tilespmem:v3+s13+$0x0], $0xffff  }
0x208: {  	v11 =	vor.u32 $0x4, v2;
	v4 =	vld.idx.msk [tilespmem:v4+s15+$0x0], $0xffff  }
0x209: {  	v12 =	vor.u32 $0x4, v1;
	v5 =	vld.idx.msk [tilespmem:v5+s13+$0x0], $0xffff  }
0x20a: {  	v13 =	vor.u32 $0x5, v2;
	v7 =	vld.idx.msk [tilespmem:v7+s15+$0x0], $0xffff  }
0x20b: {  	v14 =	vor.u32 $0x5, v1;
	v9 =	vld.idx.msk [tilespmem:v9+s13+$0x0], $0xffff;
	v6 =	vmul.f32 v8, v6  }
0x20c: {  	v20 =	vor.u32 $0x6, v2;
	v63 =	vld.idx.msk [tilespmem:v10+s15+$0x0], $0xffff  }
0x20d: {  	v15 =	vor.u32 $0x6, v1;
	v11 =	vld.idx.msk [tilespmem:v11+s13+$0x0], $0xffff;
	v3 =	vmul.f32 v4, v3;
	v6 =	vadd.f32 $0.0e+00, v6  }
0x20e: {  	v22 =	vor.u32 $0x7, v2;
	v21 =	vld.idx.msk [tilespmem:v12+s15+$0x0], $0xffff  }
0x20f: {  	v16 =	vor.u32 $0x7, v1;
	v13 =	vld.idx.msk [tilespmem:v13+s13+$0x0], $0xffff;
	v5 =	vmul.f32 v7, v5;
	v3 =	vadd.f32 v3, v6  }
0x210: {  	v25 =	vor.u32 $0x8, v1;
	v23 =	vld.idx.msk [tilespmem:v14+s15+$0x0], $0xffff  }
0x211: {  	v24 =	vor.u32 $0x8, v2;
	v10 =	vld.idx.msk [tilespmem:v20+s13+$0x0], $0xffff;
	v26 =	vmul.f32 v63, v9;
	v3 =	vadd.f32 v5, v3  }
0x212: {  	v29 =	vor.u32 $0x9, v1;
	v27 =	vld.idx.msk [tilespmem:v15+s15+$0x0], $0xffff  }
0x213: {  	v28 =	vor.u32 $0x9, v2;
	v12 =	vld.idx.msk [tilespmem:v22+s13+$0x0], $0xffff;
	v4 =	vmul.f32 v21, v11;
	v3 =	vadd.f32 v26, v3  }
0x214: {  	v32 =	vor.u32 $0xA, v1;
	v30 =	vld.idx.msk [tilespmem:v16+s15+$0x0], $0xffff  }
0x215: {  	v31 =	vor.u32 $0xA, v2;
	v34 =	vld.idx.msk [tilespmem:v25+s15+$0x0], $0xffff;
	v33 =	vmul.f32 v23, v13;
	v3 =	vadd.f32 v4, v3  }
0x216: {  	v36 =	vor.u32 $0xB, v1;
	v7 =	vld.idx.msk [tilespmem:v24+s13+$0x0], $0xffff  }
0x217: {  	v35 =	vor.u32 $0xB, v2;
	v38 =	vld.idx.msk [tilespmem:v29+s15+$0x0], $0xffff;
	v37 =	vmul.f32 v27, v10;
	v3 =	vadd.f32 v33, v3  }
0x218: {  	v40 =	vor.u32 $0xC, v1;
	v9 =	vld.idx.msk [tilespmem:v28+s13+$0x0], $0xffff  }
0x219: {  	v39 =	vor.u32 $0xC, v2;
	v42 =	vld.idx.msk [tilespmem:v32+s15+$0x0], $0xffff;
	v41 =	vmul.f32 v30, v12;
	v3 =	vadd.f32 v37, v3  }
0x21a: {  	v43 =	vor.u32 $0xD, v2;
	v11 =	vld.idx.msk [tilespmem:v31+s13+$0x0], $0xffff  }
0x21b: {  	v44 =	vor.u32 $0xD, v1;
	v46 =	vld.idx.msk [tilespmem:v36+s15+$0x0], $0xffff;
	v45 =	vmul.f32 v34, v7;
	v3 =	vadd.f32 v41, v3  }
0x21c: {  	v48 =	vor.u32 $0xE, v1;
	v13 =	vld.idx.msk [tilespmem:v35+s13+$0x0], $0xffff  }
0x21d: {  	v47 =	vor.u32 $0xE, v2;
	v50 =	vld.idx.msk [tilespmem:v40+s15+$0x0], $0xffff;
	v49 =	vmul.f32 v38, v9;
	v3 =	vadd.f32 v45, v3  }
0x21e: {  	v2 =	vor.u32 $0xF, v2;
	v10 =	vld.idx.msk [tilespmem:v39+s13+$0x0], $0xffff  }
0x21f: {  	v51 =	vld.idx.msk [tilespmem:v43+s13+$0x0], $0xffff;
	v1 =	vor.u32 $0xF, v1;
	v52 =	vmul.f32 v42, v11;
	v3 =	vadd.f32 v49, v3  }
0x220: {  	v53 =	vld.idx.msk [tilespmem:v44+s15+$0x0], $0xffff  }
0x221: {  	v55 =	vld.idx.msk [tilespmem:v48+s15+$0x0], $0xffff;
	v54 =	vmul.f32 v46, v13;
	v3 =	vadd.f32 v52, v3  }
0x222: {  	v7 =	vld.idx.msk [tilespmem:v47+s13+$0x0], $0xffff  }
0x223: {  	v2 =	vld.idx.msk [tilespmem:v2+s13+$0x0], $0xffff;
	v56 =	vmul.f32 v50, v10;
	v3 =	vadd.f32 v54, v3  }
0x224: {  	v1 =	vld.idx.msk [tilespmem:v1+s15+$0x0], $0xffff  }
0x225: {  	v57 =	vmul.f32 v53, v51;
	v3 =	vadd.f32 v56, v3;
	_ =	sdelay $0x1  }
0x226: {  	v58 =	vmul.f32 v55, v7;
	v3 =	vadd.f32 v57, v3;
	_ =	sdelay $0x1  }
0x227: {  	v1 =	vmul.f32 v1, v2;
	v3 =	vadd.f32 v58, v3;
	_ =	sdelay $0x1  }
0x228: {  	v1 =	vadd.f32 v1, v3;
	_ =	sdelay $0x1  }
0x229: {  	v1 =	vsub.f32 $0.0e+00, v1;
	_ =	sdelay $0x1  }
0x22a: {  	v1 =	vmul.f32 $1.442695020e+00, v1;
	_ =	sdelay $0x1  }
0x22b: {  	(erf) = vpow2.f32 v1;
	_ =	sdelay $0x8  }
0x22c: {  	v1 =	vpop (erf)  }
0x22d: {  	v1 =	vadd.f32 $1.000000000e+00, v1;
	_ =	sdelay $0x1  }
0x22e: {  	(erf) = vrcp.f32 v1;
	_ =	sdelay $0x8  }
0x22f: {  	s26 =	sadd.s32 $0x10, s26;
	v1 =	vpop (erf)  }
0x230: {  	[tilespmem:s26+$0x0] =	vst v1  }
0x231: {  	[tilespmem:s13], [sflag:$0x1] =	stream.indirect.gather [hbm4b:s3+s9], $0x80, s22, s9, $0xb8;
	[tilespmem:$0x8A00] =	vst v63  }
0x232: {  	_ = 	snop  }
0x233: {  	[tilespmem:s15], [sflag:$0x2] =	stream.indirect.gather [hbm4b:s4+s9], $0x80, s23, s9, $0xb8;
	[tilespmem:$0x8A00] =	vst v63  }
0x234: {  	_ =	swait.ge [sflag:s16], $0x4000  }
0x235: {  	[sflag:s16] =	ssyncset.done $0x0  }
0x236: {  	[sflag:s16] =	ssyncadd.s32 $0xFFFFC000  }
0x237: {  	_ =	swait.ge [sflag:s17], $0x4000  }
0x238: {  	[sflag:s17] =	ssyncset.done $0x0  }
0x239: {  	s26 =	simm.s32 $0x180;
	[sflag:s17] =	ssyncadd.s32 $0xFFFFC000  }
0x23a: {  	s28 =	simm.s32 $0x380;
	v1 =	vld [tilespmem:s26+$0x0]  }
0x23b: {  	v2 =	vld [tilespmem:s28+$0x0];
	_ =	sdelay $0x1  }
0x23c: {  	s26 =	simm.s32 $0x0  }
0x23d: {  	v3 =	vmov s26  }
0x23e: {  	v3 =	vshll.u32 v3, $0x7;
	v1 =	vshll.u32 v1, $0x4  }
0x23f: {  	v3 =	vor.u32 v0, v3;
	v2 =	vshll.u32 v2, $0x4;
	v1 =	vand.u32 $0x70, v1  }
0x240: {  	v2 =	vand.u32 $0x70, v2;
	v1 =	vor.u32 v3, v1  }
0x241: {  	v2 =	vor.u32 v3, v2  }
0x242: {  	v3 =	vor.u32 $0x1, v1  }
0x243: {  	v59 =	vor.u32 $0x1, v2  }
0x244: {  	v60 =	vor.u32 $0x2, v1  }
0x245: {  	v62 =	vor.u32 $0x2, v2;
	v61 =	vld.idx.msk [tilespmem:v1+s13+$0x0], $0xffff  }
0x246: {  	v16 =	vor.u32 $0x3, v1;
	v63 =	vld.idx.msk [tilespmem:v2+s15+$0x0], $0xffff  }
0x247: {  	v17 =	vor.u32 $0x3, v2;
	v3 =	vld.idx.msk [tilespmem:v3+s13+$0x0], $0xffff  }
0x248: {  	v18 =	vor.u32 $0x4, v1;
	v4 =	vld.idx.msk [tilespmem:v59+s15+$0x0], $0xffff  }
0x249: {  	v19 =	vor.u32 $0x4, v2;
	v5 =	vld.idx.msk [tilespmem:v60+s13+$0x0], $0xffff  }
0x24a: {  	v20 =	vor.u32 $0x5, v1;
	v7 =	vld.idx.msk [tilespmem:v62+s15+$0x0], $0xffff  }
0x24b: {  	v21 =	vor.u32 $0x5, v2;
	v9 =	vld.idx.msk [tilespmem:v16+s13+$0x0], $0xffff;
	v6 =	vmul.f32 v63, v61  }
0x24c: {  	v23 =	vor.u32 $0x6, v1;
	v22 =	vld.idx.msk [tilespmem:v17+s15+$0x0], $0xffff  }
0x24d: {  	v24 =	vor.u32 $0x6, v2;
	v11 =	vld.idx.msk [tilespmem:v18+s13+$0x0], $0xffff;
	v3 =	vmul.f32 v4, v3;
	v6 =	vadd.f32 $0.0e+00, v6  }
0x24e: {  	v26 =	vor.u32 $0x7, v1;
	v25 =	vld.idx.msk [tilespmem:v19+s15+$0x0], $0xffff  }
0x24f: {  	v27 =	vor.u32 $0x7, v2;
	v13 =	vld.idx.msk [tilespmem:v20+s13+$0x0], $0xffff;
	v5 =	vmul.f32 v7, v5;
	v3 =	vadd.f32 v3, v6  }
0x250: {  	v30 =	vor.u32 $0x8, v2;
	v28 =	vld.idx.msk [tilespmem:v21+s15+$0x0], $0xffff  }
0x251: {  	v29 =	vor.u32 $0x8, v1;
	v10 =	vld.idx.msk [tilespmem:v23+s13+$0x0], $0xffff;
	v31 =	vmul.f32 v22, v9;
	v3 =	vadd.f32 v5, v3  }
0x252: {  	v34 =	vor.u32 $0x9, v2;
	v32 =	vld.idx.msk [tilespmem:v24+s15+$0x0], $0xffff  }
0x253: {  	v33 =	vor.u32 $0x9, v1;
	v12 =	vld.idx.msk [tilespmem:v26+s13+$0x0], $0xffff;
	v4 =	vmul.f32 v25, v11;
	v3 =	vadd.f32 v31, v3  }
0x254: {  	v37 =	vor.u32 $0xA, v2;
	v35 =	vld.idx.msk [tilespmem:v27+s15+$0x0], $0xffff  }
0x255: {  	v36 =	vor.u32 $0xA, v1;
	v39 =	vld.idx.msk [tilespmem:v30+s15+$0x0], $0xffff;
	v38 =	vmul.f32 v28, v13;
	v3 =	vadd.f32 v4, v3  }
0x256: {  	v41 =	vor.u32 $0xB, v2;
	v7 =	vld.idx.msk [tilespmem:v29+s13+$0x0], $0xffff  }
0x257: {  	v40 =	vor.u32 $0xB, v1;
	v43 =	vld.idx.msk [tilespmem:v34+s15+$0x0], $0xffff;
	v42 =	vmul.f32 v32, v10;
	v3 =	vadd.f32 v38, v3  }
0x258: {  	v45 =	vor.u32 $0xC, v2;
	v9 =	vld.idx.msk [tilespmem:v33+s13+$0x0], $0xffff  }
0x259: {  	v44 =	vor.u32 $0xC, v1;
	v47 =	vld.idx.msk [tilespmem:v37+s15+$0x0], $0xffff;
	v46 =	vmul.f32 v35, v12;
	v3 =	vadd.f32 v42, v3  }
0x25a: {  	v48 =	vor.u32 $0xD, v1;
	v11 =	vld.idx.msk [tilespmem:v36+s13+$0x0], $0xffff  }
0x25b: {  	v49 =	vor.u32 $0xD, v2;
	v51 =	vld.idx.msk [tilespmem:v41+s15+$0x0], $0xffff;
	v50 =	vmul.f32 v39, v7;
	v3 =	vadd.f32 v46, v3  }
0x25c: {  	v53 =	vor.u32 $0xE, v2;
	v13 =	vld.idx.msk [tilespmem:v40+s13+$0x0], $0xffff  }
0x25d: {  	v52 =	vor.u32 $0xE, v1;
	v55 =	vld.idx.msk [tilespmem:v45+s15+$0x0], $0xffff;
	v54 =	vmul.f32 v43, v9;
	v3 =	vadd.f32 v50, v3  }
0x25e: {  	v1 =	vor.u32 $0xF, v1;
	v10 =	vld.idx.msk [tilespmem:v44+s13+$0x0], $0xffff  }
0x25f: {  	v2 =	vor.u32 $0xF, v2;
	v56 =	vld.idx.msk [tilespmem:v48+s13+$0x0], $0xffff;
	v57 =	vmul.f32 v47, v11;
	v3 =	vadd.f32 v54, v3  }
0x260: {  	v58 =	vld.idx.msk [tilespmem:v49+s15+$0x0], $0xffff  }
0x261: {  	v60 =	vld.idx.msk [tilespmem:v53+s15+$0x0], $0xffff;
	v59 =	vmul.f32 v51, v13;
	v3 =	vadd.f32 v57, v3  }
0x262: {  	v7 =	vld.idx.msk [tilespmem:v52+s13+$0x0], $0xffff  }
0x263: {  	v1 =	vld.idx.msk [tilespmem:v1+s13+$0x0], $0xffff;
	v61 =	vmul.f32 v55, v10;
	v3 =	vadd.f32 v59, v3  }
0x264: {  	v2 =	vld.idx.msk [tilespmem:v2+s15+$0x0], $0xffff  }
0x265: {  	v62 =	vmul.f32 v58, v56;
	v3 =	vadd.f32 v61, v3;
	_ =	sdelay $0x1  }
0x266: {  	v63 =	vmul.f32 v60, v7;
	v3 =	vadd.f32 v62, v3;
	_ =	sdelay $0x1  }
0x267: {  	v1 =	vmul.f32 v2, v1;
	v3 =	vadd.f32 v63, v3;
	_ =	sdelay $0x1  }
0x268: {  	v1 =	vadd.f32 v1, v3;
	_ =	sdelay $0x1  }
0x269: {  	v1 =	vsub.f32 $0.0e+00, v1;
	_ =	sdelay $0x1  }
0x26a: {  	v1 =	vmul.f32 $1.442695020e+00, v1;
	_ =	sdelay $0x1  }
0x26b: {  	(erf) = vpow2.f32 v1;
	_ =	sdelay $0x8  }
0x26c: {  	v1 =	vpop (erf)  }
0x26d: {  	v1 =	vadd.f32 $1.000000000e+00, v1;
	_ =	sdelay $0x1  }
0x26e: {  	(erf) = vrcp.f32 v1;
	_ =	sdelay $0x8  }
0x26f: {  	s26 =	simm.s32 $0x8980;
	v1 =	vpop (erf)  }
0x270: {  	s28 =	simm.s32 $0x190;
	[tilespmem:s26+$0x0] =	vst v1  }
0x271: {  	s29 =	simm.s32 $0x390;
	v2 =	vld [tilespmem:s28+$0x0]  }
0x272: {  	s30 =	simm.s32 $0x10;
	s31 =	simm.s32 $0x20;
	v1 =	vld [tilespmem:s29+$0x0]  }
.LBB2_10:
0x273: {  	p0 =	sne.s32 s31, $0x70;
	_ =	sdelay $0x1  }
0x274: {  	v3 =	vmov s30;
	s30 =	smov.u32 s31  }
0x275: {  	v3 =	vshll.u32 v3, $0x7;
	v2 =	vshll.u32 v2, $0x4  }
0x276: {  	v3 =	vor.u32 v0, v3;
	v2 =	vand.u32 $0x70, v2;
	v1 =	vshll.u32 v1, $0x4  }
0x277: {  	v1 =	vand.u32 $0x70, v1;
	v2 =	vor.u32 v3, v2  }
0x278: {  	v1 =	vor.u32 v3, v1  }
0x279: {  	v3 =	vor.u32 $0x1, v2  }
0x27a: {  	v4 =	vor.u32 $0x1, v1  }
0x27b: {  	v5 =	vor.u32 $0x2, v2  }
0x27c: {  	v7 =	vor.u32 $0x2, v1;
	v6 =	vld.idx.msk [tilespmem:v2+s13+$0x0], $0xffff  }
0x27d: {  	v9 =	vor.u32 $0x3, v2;
	v8 =	vld.idx.msk [tilespmem:v1+s15+$0x0], $0xffff  }
0x27e: {  	v10 =	vor.u32 $0x3, v1;
	v3 =	vld.idx.msk [tilespmem:v3+s13+$0x0], $0xffff  }
0x27f: {  	v11 =	vor.u32 $0x4, v2;
	v4 =	vld.idx.msk [tilespmem:v4+s15+$0x0], $0xffff  }
0x280: {  	v12 =	vor.u32 $0x4, v1;
	v5 =	vld.idx.msk [tilespmem:v5+s13+$0x0], $0xffff  }
0x281: {  	v13 =	vor.u32 $0x5, v2;
	v7 =	vld.idx.msk [tilespmem:v7+s15+$0x0], $0xffff  }
0x282: {  	v14 =	vor.u32 $0x5, v1;
	v9 =	vld.idx.msk [tilespmem:v9+s13+$0x0], $0xffff  }
0x283: {  	v6 =	vmul.f32 v8, v6;
	v8 =	vld.idx.msk [tilespmem:v10+s15+$0x0], $0xffff;
	v10 =	vor.u32 $0x6, v2  }
0x284: {  	v15 =	vor.u32 $0x6, v1;
	v11 =	vld.idx.msk [tilespmem:v11+s13+$0x0], $0xffff  }
0x285: {  	v6 =	vadd.f32 $0.0e+00, v6;
	v3 =	vmul.f32 v4, v3;
	v4 =	vld.idx.msk [tilespmem:v12+s15+$0x0], $0xffff;
	v12 =	vor.u32 $0x7, v2  }
0x286: {  	v16 =	vor.u32 $0x7, v1;
	v13 =	vld.idx.msk [tilespmem:v13+s13+$0x0], $0xffff  }
0x287: {  	v3 =	vadd.f32 v3, v6;
	v5 =	vmul.f32 v7, v5;
	v7 =	vor.u32 $0x8, v2;
	v6 =	vld.idx.msk [tilespmem:v14+s15+$0x0], $0xffff  }
0x288: {  	v14 =	vor.u32 $0x8, v1;
	v10 =	vld.idx.msk [tilespmem:v10+s13+$0x0], $0xffff  }
0x289: {  	v3 =	vadd.f32 v5, v3;
	v5 =	vmul.f32 v8, v9;
	v9 =	vor.u32 $0x9, v2;
	v8 =	vld.idx.msk [tilespmem:v15+s15+$0x0], $0xffff  }
0x28a: {  	v15 =	vor.u32 $0x9, v1;
	v12 =	vld.idx.msk [tilespmem:v12+s13+$0x0], $0xffff  }
0x28b: {  	v3 =	vadd.f32 v5, v3;
	v4 =	vmul.f32 v4, v11;
	v11 =	vor.u32 $0xA, v2;
	v5 =	vld.idx.msk [tilespmem:v16+s15+$0x0], $0xffff  }
0x28c: {  	v16 =	vor.u32 $0xA, v1;
	v7 =	vld.idx.msk [tilespmem:v7+s13+$0x0], $0xffff  }
0x28d: {  	v3 =	vadd.f32 v4, v3;
	v4 =	vmul.f32 v6, v13;
	v13 =	vor.u32 $0xB, v2;
	v6 =	vld.idx.msk [tilespmem:v14+s15+$0x0], $0xffff  }
0x28e: {  	v14 =	vor.u32 $0xB, v1;
	v9 =	vld.idx.msk [tilespmem:v9+s13+$0x0], $0xffff  }
0x28f: {  	v3 =	vadd.f32 v4, v3;
	v4 =	vmul.f32 v8, v10;
	v10 =	vor.u32 $0xC, v2;
	v8 =	vld.idx.msk [tilespmem:v15+s15+$0x0], $0xffff  }
0x290: {  	v15 =	vor.u32 $0xC, v1;
	v11 =	vld.idx.msk [tilespmem:v11+s13+$0x0], $0xffff  }
0x291: {  	v3 =	vadd.f32 v4, v3;
	v4 =	vmul.f32 v5, v12;
	v12 =	vor.u32 $0xD, v2;
	v5 =	vld.idx.msk [tilespmem:v16+s15+$0x0], $0xffff  }
0x292: {  	v16 =	vor.u32 $0xD, v1;
	v13 =	vld.idx.msk [tilespmem:v13+s13+$0x0], $0xffff  }
0x293: {  	v3 =	vadd.f32 v4, v3;
	v4 =	vmul.f32 v6, v7;
	v7 =	vor.u32 $0xE, v2;
	v6 =	vld.idx.msk [tilespmem:v14+s15+$0x0], $0xffff  }
0x294: {  	v14 =	vor.u32 $0xE, v1;
	v10 =	vld.idx.msk [tilespmem:v10+s13+$0x0], $0xffff  }
0x295: {  	v2 =	vor.u32 $0xF, v2;
	v3 =	vadd.f32 v4, v3;
	v4 =	vmul.f32 v8, v9;
	v8 =	vld.idx.msk [tilespmem:v15+s15+$0x0], $0xffff  }
0x296: {  	v1 =	vor.u32 $0xF, v1;
	v9 =	vld.idx.msk [tilespmem:v12+s13+$0x0], $0xffff  }
0x297: {  	v3 =	vadd.f32 v4, v3;
	v4 =	vmul.f32 v5, v11;
	v5 =	vld.idx.msk [tilespmem:v16+s15+$0x0], $0xffff  }
0x298: {  	v7 =	vld.idx.msk [tilespmem:v7+s13+$0x0], $0xffff  }
0x299: {  	v3 =	vadd.f32 v4, v3;
	v4 =	vmul.f32 v6, v13;
	v6 =	vld.idx.msk [tilespmem:v14+s15+$0x0], $0xffff  }
0x29a: {  	v2 =	vld.idx.msk [tilespmem:v2+s13+$0x0], $0xffff  }
0x29b: {  	v3 =	vadd.f32 v4, v3;
	v4 =	vmul.f32 v8, v10;
	v1 =	vld.idx.msk [tilespmem:v1+s15+$0x0], $0xffff;
	_ =	sdelay $0x1  }
0x29c: {  	v3 =	vadd.f32 v4, v3;
	v4 =	vmul.f32 v5, v9;
	_ =	sdelay $0x1  }
0x29d: {  	v3 =	vadd.f32 v4, v3;
	v4 =	vmul.f32 v6, v7;
	_ =	sdelay $0x1  }
0x29e: {  	v3 =	vadd.f32 v4, v3;
	v1 =	vmul.f32 v1, v2;
	_ =	sdelay $0x1  }
0x29f: {  	v1 =	vadd.f32 v1, v3;
	_ =	sdelay $0x1  }
0x2a0: {  	v1 =	vsub.f32 $0.0e+00, v1;
	_ =	sdelay $0x1  }
0x2a1: {  	v1 =	vmul.f32 $1.442695020e+00, v1;
	_ =	sdelay $0x1  }
0x2a2: {  	(erf) = vpow2.f32 v1;
	_ =	sdelay $0x8  }
0x2a3: {  	v1 =	vpop (erf)  }
0x2a4: {  	v1 =	vadd.f32 $1.000000000e+00, v1;
	_ =	sdelay $0x1  }
0x2a5: {  	(erf) = vrcp.f32 v1;
	_ =	sdelay $0x7  }
.Ltmp4:
0x2a6: {  	(pc) =	sbr.rel @p0 .LBB2_10-.Ltmp4, $4  }
0x2a7: {  	s26 =	sadd.s32 $0x10, s26;
	v1 =	vpop (erf)  }
0x2a8: {  	s28 =	sadd.s32 $0x10, s28;
	[tilespmem:s26+$0x0] =	vst v1  }
0x2a9: {  	s29 =	sadd.s32 $0x10, s29;
	v2 =	vld [tilespmem:s28+$0x0]  }
0x2aa: {  	s31 =	sadd.s32 $0x10, s31;
	v1 =	vld [tilespmem:s29+$0x0]  }
0x2ab: {  	_ =	sdelay $0x1  }
0x2ac: {  	v3 =	vmov s30  }
0x2ad: {  	v3 =	vshll.u32 v3, $0x7;
	v2 =	vshll.u32 v2, $0x4  }
0x2ae: {  	v3 =	vor.u32 v0, v3;
	v2 =	vand.u32 $0x70, v2;
	v1 =	vshll.u32 v1, $0x4  }
0x2af: {  	v1 =	vand.u32 $0x70, v1;
	v2 =	vor.u32 v3, v2  }
0x2b0: {  	v1 =	vor.u32 v3, v1  }
0x2b1: {  	v3 =	vor.u32 $0x1, v2  }
0x2b2: {  	v4 =	vor.u32 $0x1, v1  }
0x2b3: {  	v5 =	vor.u32 $0x2, v2  }
0x2b4: {  	v7 =	vor.u32 $0x2, v1;
	v6 =	vld.idx.msk [tilespmem:v2+s13+$0x0], $0xffff  }
0x2b5: {  	v9 =	vor.u32 $0x3, v2;
	v8 =	vld.idx.msk [tilespmem:v1+s15+$0x0], $0xffff  }
0x2b6: {  	v10 =	vor.u32 $0x3, v1;
	v3 =	vld.idx.msk [tilespmem:v3+s13+$0x0], $0xffff  }
0x2b7: {  	v11 =	vor.u32 $0x4, v2;
	v4 =	vld.idx.msk [tilespmem:v4+s15+$0x0], $0xffff  }
0x2b8: {  	v12 =	vor.u32 $0x4, v1;
	v5 =	vld.idx.msk [tilespmem:v5+s13+$0x0], $0xffff  }
0x2b9: {  	v13 =	vor.u32 $0x5, v2;
	v7 =	vld.idx.msk [tilespmem:v7+s15+$0x0], $0xffff  }
0x2ba: {  	v14 =	vor.u32 $0x5, v1;
	v9 =	vld.idx.msk [tilespmem:v9+s13+$0x0], $0xffff;
	v6 =	vmul.f32 v8, v6  }
0x2bb: {  	v25 =	vor.u32 $0x6, v2;
	v24 =	vld.idx.msk [tilespmem:v10+s15+$0x0], $0xffff  }
0x2bc: {  	v15 =	vor.u32 $0x6, v1;
	v11 =	vld.idx.msk [tilespmem:v11+s13+$0x0], $0xffff;
	v3 =	vmul.f32 v4, v3;
	v6 =	vadd.f32 $0.0e+00, v6  }
0x2bd: {  	v27 =	vor.u32 $0x7, v2;
	v26 =	vld.idx.msk [tilespmem:v12+s15+$0x0], $0xffff  }
0x2be: {  	v16 =	vor.u32 $0x7, v1;
	v13 =	vld.idx.msk [tilespmem:v13+s13+$0x0], $0xffff;
	v5 =	vmul.f32 v7, v5;
	v3 =	vadd.f32 v3, v6  }
0x2bf: {  	v30 =	vor.u32 $0x8, v1;
	v28 =	vld.idx.msk [tilespmem:v14+s15+$0x0], $0xffff  }
0x2c0: {  	v29 =	vor.u32 $0x8, v2;
	v10 =	vld.idx.msk [tilespmem:v25+s13+$0x0], $0xffff;
	v31 =	vmul.f32 v24, v9;
	v3 =	vadd.f32 v5, v3  }
0x2c1: {  	v34 =	vor.u32 $0x9, v1;
	v32 =	vld.idx.msk [tilespmem:v15+s15+$0x0], $0xffff  }
0x2c2: {  	v33 =	vor.u32 $0x9, v2;
	v12 =	vld.idx.msk [tilespmem:v27+s13+$0x0], $0xffff;
	v4 =	vmul.f32 v26, v11;
	v3 =	vadd.f32 v31, v3  }
0x2c3: {  	v37 =	vor.u32 $0xA, v1;
	v35 =	vld.idx.msk [tilespmem:v16+s15+$0x0], $0xffff  }
0x2c4: {  	v36 =	vor.u32 $0xA, v2;
	v39 =	vld.idx.msk [tilespmem:v30+s15+$0x0], $0xffff;
	v38 =	vmul.f32 v28, v13;
	v3 =	vadd.f32 v4, v3  }
0x2c5: {  	v41 =	vor.u32 $0xB, v1;
	v7 =	vld.idx.msk [tilespmem:v29+s13+$0x0], $0xffff  }
0x2c6: {  	v40 =	vor.u32 $0xB, v2;
	v43 =	vld.idx.msk [tilespmem:v34+s15+$0x0], $0xffff;
	v42 =	vmul.f32 v32, v10;
	v3 =	vadd.f32 v38, v3  }
0x2c7: {  	v45 =	vor.u32 $0xC, v1;
	v9 =	vld.idx.msk [tilespmem:v33+s13+$0x0], $0xffff  }
0x2c8: {  	v44 =	vor.u32 $0xC, v2;
	v47 =	vld.idx.msk [tilespmem:v37+s15+$0x0], $0xffff;
	v46 =	vmul.f32 v35, v12;
	v3 =	vadd.f32 v42, v3  }
0x2c9: {  	v48 =	vor.u32 $0xD, v2;
	v11 =	vld.idx.msk [tilespmem:v36+s13+$0x0], $0xffff  }
0x2ca: {  	v49 =	vor.u32 $0xD, v1;
	v51 =	vld.idx.msk [tilespmem:v41+s15+$0x0], $0xffff;
	v50 =	vmul.f32 v39, v7;
	v3 =	vadd.f32 v46, v3  }
0x2cb: {  	v53 =	vor.u32 $0xE, v1;
	v13 =	vld.idx.msk [tilespmem:v40+s13+$0x0], $0xffff  }
0x2cc: {  	v52 =	vor.u32 $0xE, v2;
	v55 =	vld.idx.msk [tilespmem:v45+s15+$0x0], $0xffff;
	v54 =	vmul.f32 v43, v9;
	v3 =	vadd.f32 v50, v3  }
0x2cd: {  	v2 =	vor.u32 $0xF, v2;
	v10 =	vld.idx.msk [tilespmem:v44+s13+$0x0], $0xffff  }
0x2ce: {  	v56 =	vld.idx.msk [tilespmem:v48+s13+$0x0], $0xffff;
	v1 =	vor.u32 $0xF, v1;
	v57 =	vmul.f32 v47, v11;
	v3 =	vadd.f32 v54, v3  }
0x2cf: {  	v58 =	vld.idx.msk [tilespmem:v49+s15+$0x0], $0xffff  }
0x2d0: {  	v60 =	vld.idx.msk [tilespmem:v53+s15+$0x0], $0xffff;
	v59 =	vmul.f32 v51, v13;
	v3 =	vadd.f32 v57, v3  }
0x2d1: {  	v7 =	vld.idx.msk [tilespmem:v52+s13+$0x0], $0xffff  }
0x2d2: {  	v2 =	vld.idx.msk [tilespmem:v2+s13+$0x0], $0xffff;
	v61 =	vmul.f32 v55, v10;
	v3 =	vadd.f32 v59, v3  }
0x2d3: {  	v1 =	vld.idx.msk [tilespmem:v1+s15+$0x0], $0xffff  }
0x2d4: {  	v62 =	vmul.f32 v58, v56;
	v3 =	vadd.f32 v61, v3;
	_ =	sdelay $0x1  }
0x2d5: {  	v63 =	vmul.f32 v60, v7;
	v3 =	vadd.f32 v62, v3;
	_ =	sdelay $0x1  }
0x2d6: {  	v1 =	vmul.f32 v1, v2;
	v3 =	vadd.f32 v63, v3;
	_ =	sdelay $0x1  }
0x2d7: {  	v1 =	vadd.f32 v1, v3;
	_ =	sdelay $0x1  }
0x2d8: {  	v1 =	vsub.f32 $0.0e+00, v1;
	_ =	sdelay $0x1  }
0x2d9: {  	v1 =	vmul.f32 $1.442695020e+00, v1;
	_ =	sdelay $0x1  }
0x2da: {  	(erf) = vpow2.f32 v1;
	_ =	sdelay $0x8  }
0x2db: {  	v1 =	vpop (erf)  }
0x2dc: {  	v1 =	vadd.f32 $1.000000000e+00, v1;
	_ =	sdelay $0x1  }
0x2dd: {  	(erf) = vrcp.f32 v1;
	_ =	sdelay $0x7  }
0x2de: {  	s25 =	sadd.s32 $0x1, s25  }
0x2df: {  	s26 =	sadd.s32 $0x10, s26;
	p0 =	sne.s32 s25, s8;
	v1 =	vpop (erf)  }
.Ltmp5:
0x2e0: {  	[tilespmem:s26+$0x0] =	vst v1;
	(pc) =	sbr.rel @p0 .LBB2_1-.Ltmp5, $4  }
0x2e1: {  	[hbm4b:s7+s9] =	stream.strided.scatter [tilespmem:s24], [sflag:$0x3], $0x200, s10, s9, $0x38;
	[tilespmem:$0x8A00] =	vst v63  }
0x2e2: {  	_ =	swait.ge [sflag:s11], $0x200  }
0x2e3: {  	[sflag:s11] =	ssyncset.done $0x0  }
0x2e4: {  	[sflag:s11] =	ssyncadd.s32 $0xFFFFFE00  }
0x2e5: {  	_ =	sfence.sel $0x180000  }
0x2e6: {  	[bflag:$0x0] =	sbarrier.arrive $0xFFFF  }
0x2e7: {  	p0 =	sne.s32 s1, $0x0;
	_ =	strace $0x9000004A  }
0x2e8: {  	s0 =	sadd.s32 @!p0 $0x100000, s0;
	[bflag:$0x2] =	sbarrier.arrive $0xFFFF  }
0x2e9: {  	[sflag:s0] =	ssyncadd.tile.s32 @!p0 $0x1;
	_ =	shalt  }
.Lfunc_end2:
_tile_overlayer_lowered:
.L_overlay_start_2:
0x2ea: {  	(tag) =	ssettag $0x2  }
0x2eb: {  	s0 =	rddreg [dreg:$0x0];
	s2 =	stileid.u32  }
0x2ec: {  	s1 =	rddreg [dreg:$0x1];
	p0 =	sne.s32 s2, $0x0  }
0x2ed: {  	s3 =	rddreg [dreg:$0x2];
	[bflag:$0x3] =	sbarrier.arrive $0xFFFF;
	s2 =	simm.s32 @!p0 $0x1C03  }
0x2ee: {  	[timem:s3], [sflag:s2] =	dma.local @!p0 [hbm:s0], s1  }
0x2ef: {  	s0 =	simm.s32 @!p0 $0x3  }
0x2f0: {  	_ =	swait.ge @!p0 [sflag:s0], s1  }
0x2f1: {  	s1 =	ssub.s32 @!p0 $0x0, s1;
	[sflag:s0] =	ssyncset.done @!p0 $0x0  }
0x2f2: {  	[sflag:s0] =	ssyncadd.s32 @!p0 s1  }
0x2f3: {  	[bflag:$0x3] =	sbarrier.arrive $0xFFFF  }
0x2f4: {  	_ =	shalt  }

</sc_bundles>
